<compile_context>
chip_gen: v7x
topology: tpu7x:2x2x1
jax: 0.10.2.dev20260603
libtpu: 0.0.44.dev20260713+nightly
codegen_flags: <defaults>
</compile_context>

<pallas_src>
import functools

import jax
import jax.numpy as jnp
from jax import lax
from jax.experimental import pallas as pl
from jax.experimental.pallas import tpu as pltpu
from jax.experimental.pallas import tpu_sc as plsc

_N_FIELDS = 26
_EMBED_DIM = 64
_BATCH = 4096
_TOTAL = _BATCH * _N_FIELDS
_NC, _NS, _LANES = 2, 16, 16
_NW = _NC * _NS
_PER_W = _TOTAL // _NW
_ROW = 128
_G = _PER_W // _ROW
_PAIRS = _G // 2
_NP = 3

_mesh = plsc.VectorSubcoreMesh(core_axis_name="c", subcore_axis_name="s")


@functools.partial(
    pl.kernel,
    mesh=_mesh,
    out_type=jax.ShapeDtypeStruct((_TOTAL, _EMBED_DIM), jnp.float32),
    scratch_types=[
        pltpu.VMEM((_PER_W,), jnp.int32),
        pltpu.VMEM((_NP, 2 * _ROW, _EMBED_DIM), jnp.float32),
        [pltpu.SemaphoreType.DMA] * (2 * _NP),
        [pltpu.SemaphoreType.DMA] * _NP,
    ],
    compiler_params=pltpu.CompilerParams(use_tc_tiling_on_sc=False),
)
def _emb_lookup(x_hbm, table_hbm, out_hbm, idx_v, rows_v, gsems, wsems):
    wid = lax.axis_index("s") * _NC + lax.axis_index("c")
    base = wid * _PER_W

    lane = lax.iota(jnp.int32, _LANES)
    pats = {
        s: ((s + lane) % _N_FIELDS) * 1000 for s in range(0, _N_FIELDS, 2)
    }

    pltpu.sync_copy(x_hbm.at[pl.ds(base, _PER_W)], idx_v)

    def add_offsets(g):
        for k in range(_ROW // _LANES):
            j = g * (_ROW // _LANES) + k
            s = pl.ds(j * _LANES, _LANES)
            idx_v[s] = idx_v[s] + pats[(j * _LANES) % _N_FIELDS]

    def gather(g, p, h):
        return pltpu.async_copy(
            table_hbm.at[idx_v.at[pl.ds(g * _ROW, _ROW)]],
            rows_v.at[p].at[pl.ds(h * _ROW, _ROW)],
            gsems[2 * p + h])

    def write(q, p):
        return pltpu.async_copy(
            rows_v.at[p], out_hbm.at[pl.ds(base + q * 2 * _ROW, 2 * _ROW)],
            wsems[p])

    hg = [[None, None] for _ in range(_NP)]
    hw = [None] * _NP
    for q in range(_NP):
        add_offsets(2 * q)
        add_offsets(2 * q + 1)
        hg[q] = [gather(2 * q, q, 0), gather(2 * q + 1, q, 1)]
    for g in range(2 * _NP, _G):
        add_offsets(g)
    for q in range(_PAIRS):
        p = q % _NP
        hg[p][0].wait()
        hg[p][1].wait()
        hw[p] = write(q, p)
        nq = q + _NP
        if nq < _PAIRS:
            hw[p].wait()
            hg[p] = [gather(2 * nq, p, 0), gather(2 * nq + 1, p, 1)]
    for q in range(max(0, _PAIRS - _NP), _PAIRS):
        hw[q % _NP].wait()


def kernel(x, table):
    out = _emb_lookup(x.reshape(_TOTAL), table)
    return out.reshape(_BATCH, _N_FIELDS, _EMBED_DIM)

# --- scband reference (transcript-rebuilt; emitter-appended) ---
"""Pipeline reference for scband-features-embedding-42202348651098 (READ-ONLY COPY).

The authoritative reference and input builder live on the scoring server;
editing this copy changes nothing except your own understanding.
"""

import jax, jax.numpy as jnp
import numpy as np

FIELD_DIMS = [1000] * 26
EMBED_DIM = 64
TOTAL_DIM = sum(FIELD_DIMS)
OFFSETS = jnp.asarray(np.array((0, *np.cumsum(FIELD_DIMS)[:-1]), dtype=np.int32))
BATCH = 4096
N_FIELDS = 26


def _glorot_uniform(key, shape):
    fan_in, fan_out = shape[0], shape[1]
    limit = np.sqrt(6.0 / (fan_in + fan_out))
    return jax.random.uniform(key, shape, dtype=jnp.float32, minval=-limit, maxval=limit)


def setup_inputs(seed: int = 0) -> dict:
    key = jax.random.key(seed)
    k_idx, k_tab = jax.random.split(key)
    x = jax.random.randint(k_idx, (BATCH, N_FIELDS), 0, 1000, dtype=jnp.int32)
    table = _glorot_uniform(k_tab, (TOTAL_DIM, EMBED_DIM))
    return {"x": x, "table": table}


def reference(x, table):
    # x = x + offsets (per-field offset into the concatenated table)
    idx = x + OFFSETS[None, :]
    # embedding lookup -> gather rows
    out = jnp.take(table, idx, axis=0)  # [BATCH, N_FIELDS, EMBED_DIM]
    return out

if __name__ == "__main__":
    import jax
    _d = setup_inputs()
    print(jax.jit(kernel)(*tuple(_d.values())))

</pallas_src>

<mosaic_0001>
#map = affine_map<(d0, d1) -> (0)>
#map1 = affine_map<(d0, d1) -> (0, 0)>
module attributes {stable_mosaic.version = 14 : i64} {
  func.func @_emb_lookup(%arg0: i32, %arg1: i32, %arg2: memref<106496xi32, #tpu.memory_space<hbm>>, %arg3: memref<26000x64xf32, #tpu.memory_space<hbm>>, %arg4: memref<106496x64xf32, #tpu.memory_space<hbm>>, %arg5: memref<3328xi32, #tpu.memory_space<vmem>>, %arg6: memref<3x256x64xf32, #tpu.memory_space<vmem>>, %arg7: memref<!tpu.dma_semaphore, #tpu.memory_space<semaphore_mem>>, %arg8: memref<!tpu.dma_semaphore, #tpu.memory_space<semaphore_mem>>, %arg9: memref<!tpu.dma_semaphore, #tpu.memory_space<semaphore_mem>>, %arg10: memref<!tpu.dma_semaphore, #tpu.memory_space<semaphore_mem>>, %arg11: memref<!tpu.dma_semaphore, #tpu.memory_space<semaphore_mem>>, %arg12: memref<!tpu.dma_semaphore, #tpu.memory_space<semaphore_mem>>, %arg13: memref<!tpu.dma_semaphore, #tpu.memory_space<semaphore_mem>>, %arg14: memref<!tpu.dma_semaphore, #tpu.memory_space<semaphore_mem>>, %arg15: memref<!tpu.dma_semaphore, #tpu.memory_space<semaphore_mem>>) attributes {dimension_semantics = [#tpu.dimension_semantics<core_parallel>, #tpu.dimension_semantics<subcore_parallel>], iteration_bounds = array<i64: 2, 16>, scalar_prefetch = 0 : i64, scratch_operands = 11 : i64, tpu.core_type = #tpu.core_type<sc_vector_subcore>, window_params = [{transform_indices = #map}, {transform_indices = #map1}, {transform_indices = #map1}]} {
    %mul3A = arith.constant 2 : i32
    %mul3A_0 = arith.muli %arg1, %mul3A : i32
    %add3A = arith.addi %mul3A_0, %arg0 : i32
    %mul3A_1 = arith.constant 3328 : i32
    %mul3A_2 = arith.muli %add3A, %mul3A_1 : i32
    %iota3A = tpu.iota {dimensions = array<i32: 0>} : vector<16xi32>
    %add3A_3 = arith.constant 0 : i32
    %add3A_4 = vector.broadcast %add3A_3 : i32 to vector<16xi32>
    %add3A_5 = arith.addi %add3A_4, %iota3A : vector<16xi32>
    %jit3A = arith.constant 26 : i32
    %eq3A = arith.constant 0 : i32
    %eq3A_6 = arith.cmpi eq, %jit3A, %eq3A : i32
    %jit3A_7 = arith.constant 1 : i32
    %select_n3A = arith.select %eq3A_6, %jit3A_7, %jit3A : i32
    %rem3A = vector.broadcast %select_n3A : i32 to vector<16xi32>
    %rem3A_8 = arith.remsi %add3A_5, %rem3A : vector<16xi32>
    %ne3A = arith.constant 0 : i32
    %ne3A_9 = vector.broadcast %ne3A : i32 to vector<16xi32>
    %ne3A_10 = arith.cmpi ne, %rem3A_8, %ne3A_9 : vector<16xi32>
    %lt3A = arith.constant 0 : i32
    %lt3A_11 = vector.broadcast %lt3A : i32 to vector<16xi32>
    %lt3A_12 = arith.cmpi slt, %rem3A_8, %lt3A_11 : vector<16xi32>
    %lt3A_13 = arith.constant 0 : i32
    %lt3A_14 = arith.cmpi slt, %select_n3A, %lt3A_13 : i32
    %ne3A_15 = vector.broadcast %lt3A_14 : i1 to vector<16xi1>
    %ne3A_16 = vector.broadcast %ne3A_15 : vector<16xi1> to vector<16xi1>
    %ne3A_17 = arith.xori %lt3A_12, %ne3A_16 : vector<16xi1>
    %and3A = arith.andi %ne3A_17, %ne3A_10 : vector<16xi1>
    %add3A_18 = vector.broadcast %select_n3A : i32 to vector<16xi32>
    %add3A_19 = arith.addi %rem3A_8, %add3A_18 : vector<16xi32>
    %select_n3A_20 = arith.select %and3A, %add3A_19, %rem3A_8 : vector<16xi1>, vector<16xi32>
    %mul3A_21 = arith.constant 1000 : i32
    %mul3A_22 = vector.broadcast %mul3A_21 : i32 to vector<16xi32>
    %mul3A_23 = arith.muli %select_n3A_20, %mul3A_22 : vector<16xi32>
    %add3A_24 = arith.constant 2 : i32
    %add3A_25 = vector.broadcast %add3A_24 : i32 to vector<16xi32>
    %add3A_26 = arith.addi %add3A_25, %iota3A : vector<16xi32>
    %jit3A_27 = arith.constant 26 : i32
    %eq3A_28 = arith.constant 0 : i32
    %eq3A_29 = arith.cmpi eq, %jit3A_27, %eq3A_28 : i32
    %jit3A_30 = arith.constant 1 : i32
    %select_n3A_31 = arith.select %eq3A_29, %jit3A_30, %jit3A_27 : i32
    %rem3A_32 = vector.broadcast %select_n3A_31 : i32 to vector<16xi32>
    %rem3A_33 = arith.remsi %add3A_26, %rem3A_32 : vector<16xi32>
    %ne3A_34 = arith.constant 0 : i32
    %ne3A_35 = vector.broadcast %ne3A_34 : i32 to vector<16xi32>
    %ne3A_36 = arith.cmpi ne, %rem3A_33, %ne3A_35 : vector<16xi32>
    %lt3A_37 = arith.constant 0 : i32
    %lt3A_38 = vector.broadcast %lt3A_37 : i32 to vector<16xi32>
    %lt3A_39 = arith.cmpi slt, %rem3A_33, %lt3A_38 : vector<16xi32>
    %lt3A_40 = arith.constant 0 : i32
    %lt3A_41 = arith.cmpi slt, %select_n3A_31, %lt3A_40 : i32
    %ne3A_42 = vector.broadcast %lt3A_41 : i1 to vector<16xi1>
    %ne3A_43 = vector.broadcast %ne3A_42 : vector<16xi1> to vector<16xi1>
    %ne3A_44 = arith.xori %lt3A_39, %ne3A_43 : vector<16xi1>
    %and3A_45 = arith.andi %ne3A_44, %ne3A_36 : vector<16xi1>
    %add3A_46 = vector.broadcast %select_n3A_31 : i32 to vector<16xi32>
    %add3A_47 = arith.addi %rem3A_33, %add3A_46 : vector<16xi32>
    %select_n3A_48 = arith.select %and3A_45, %add3A_47, %rem3A_33 : vector<16xi1>, vector<16xi32>
    %mul3A_49 = arith.constant 1000 : i32
    %mul3A_50 = vector.broadcast %mul3A_49 : i32 to vector<16xi32>
    %mul3A_51 = arith.muli %select_n3A_48, %mul3A_50 : vector<16xi32>
    %add3A_52 = arith.constant 4 : i32
    %add3A_53 = vector.broadcast %add3A_52 : i32 to vector<16xi32>
    %add3A_54 = arith.addi %add3A_53, %iota3A : vector<16xi32>
    %jit3A_55 = arith.constant 26 : i32
    %eq3A_56 = arith.constant 0 : i32
    %eq3A_57 = arith.cmpi eq, %jit3A_55, %eq3A_56 : i32
    %jit3A_58 = arith.constant 1 : i32
    %select_n3A_59 = arith.select %eq3A_57, %jit3A_58, %jit3A_55 : i32
    %rem3A_60 = vector.broadcast %select_n3A_59 : i32 to vector<16xi32>
    %rem3A_61 = arith.remsi %add3A_54, %rem3A_60 : vector<16xi32>
    %ne3A_62 = arith.constant 0 : i32
    %ne3A_63 = vector.broadcast %ne3A_62 : i32 to vector<16xi32>
    %ne3A_64 = arith.cmpi ne, %rem3A_61, %ne3A_63 : vector<16xi32>
    %lt3A_65 = arith.constant 0 : i32
    %lt3A_66 = vector.broadcast %lt3A_65 : i32 to vector<16xi32>
    %lt3A_67 = arith.cmpi slt, %rem3A_61, %lt3A_66 : vector<16xi32>
    %lt3A_68 = arith.constant 0 : i32
    %lt3A_69 = arith.cmpi slt, %select_n3A_59, %lt3A_68 : i32
    %ne3A_70 = vector.broadcast %lt3A_69 : i1 to vector<16xi1>
    %ne3A_71 = vector.broadcast %ne3A_70 : vector<16xi1> to vector<16xi1>
    %ne3A_72 = arith.xori %lt3A_67, %ne3A_71 : vector<16xi1>
    %and3A_73 = arith.andi %ne3A_72, %ne3A_64 : vector<16xi1>
    %add3A_74 = vector.broadcast %select_n3A_59 : i32 to vector<16xi32>
    %add3A_75 = arith.addi %rem3A_61, %add3A_74 : vector<16xi32>
    %select_n3A_76 = arith.select %and3A_73, %add3A_75, %rem3A_61 : vector<16xi1>, vector<16xi32>
    %mul3A_77 = arith.constant 1000 : i32
    %mul3A_78 = vector.broadcast %mul3A_77 : i32 to vector<16xi32>
    %mul3A_79 = arith.muli %select_n3A_76, %mul3A_78 : vector<16xi32>
    %add3A_80 = arith.constant 6 : i32
    %add3A_81 = vector.broadcast %add3A_80 : i32 to vector<16xi32>
    %add3A_82 = arith.addi %add3A_81, %iota3A : vector<16xi32>
    %jit3A_83 = arith.constant 26 : i32
    %eq3A_84 = arith.constant 0 : i32
    %eq3A_85 = arith.cmpi eq, %jit3A_83, %eq3A_84 : i32
    %jit3A_86 = arith.constant 1 : i32
    %select_n3A_87 = arith.select %eq3A_85, %jit3A_86, %jit3A_83 : i32
    %rem3A_88 = vector.broadcast %select_n3A_87 : i32 to vector<16xi32>
    %rem3A_89 = arith.remsi %add3A_82, %rem3A_88 : vector<16xi32>
    %ne3A_90 = arith.constant 0 : i32
    %ne3A_91 = vector.broadcast %ne3A_90 : i32 to vector<16xi32>
    %ne3A_92 = arith.cmpi ne, %rem3A_89, %ne3A_91 : vector<16xi32>
    %lt3A_93 = arith.constant 0 : i32
    %lt3A_94 = vector.broadcast %lt3A_93 : i32 to vector<16xi32>
    %lt3A_95 = arith.cmpi slt, %rem3A_89, %lt3A_94 : vector<16xi32>
    %lt3A_96 = arith.constant 0 : i32
    %lt3A_97 = arith.cmpi slt, %select_n3A_87, %lt3A_96 : i32
    %ne3A_98 = vector.broadcast %lt3A_97 : i1 to vector<16xi1>
    %ne3A_99 = vector.broadcast %ne3A_98 : vector<16xi1> to vector<16xi1>
    %ne3A_100 = arith.xori %lt3A_95, %ne3A_99 : vector<16xi1>
    %and3A_101 = arith.andi %ne3A_100, %ne3A_92 : vector<16xi1>
    %add3A_102 = vector.broadcast %select_n3A_87 : i32 to vector<16xi32>
    %add3A_103 = arith.addi %rem3A_89, %add3A_102 : vector<16xi32>
    %select_n3A_104 = arith.select %and3A_101, %add3A_103, %rem3A_89 : vector<16xi1>, vector<16xi32>
    %mul3A_105 = arith.constant 1000 : i32
    %mul3A_106 = vector.broadcast %mul3A_105 : i32 to vector<16xi32>
    %mul3A_107 = arith.muli %select_n3A_104, %mul3A_106 : vector<16xi32>
    %add3A_108 = arith.constant 8 : i32
    %add3A_109 = vector.broadcast %add3A_108 : i32 to vector<16xi32>
    %add3A_110 = arith.addi %add3A_109, %iota3A : vector<16xi32>
    %jit3A_111 = arith.constant 26 : i32
    %eq3A_112 = arith.constant 0 : i32
    %eq3A_113 = arith.cmpi eq, %jit3A_111, %eq3A_112 : i32
    %jit3A_114 = arith.constant 1 : i32
    %select_n3A_115 = arith.select %eq3A_113, %jit3A_114, %jit3A_111 : i32
    %rem3A_116 = vector.broadcast %select_n3A_115 : i32 to vector<16xi32>
    %rem3A_117 = arith.remsi %add3A_110, %rem3A_116 : vector<16xi32>
    %ne3A_118 = arith.constant 0 : i32
    %ne3A_119 = vector.broadcast %ne3A_118 : i32 to vector<16xi32>
    %ne3A_120 = arith.cmpi ne, %rem3A_117, %ne3A_119 : vector<16xi32>
    %lt3A_121 = arith.constant 0 : i32
    %lt3A_122 = vector.broadcast %lt3A_121 : i32 to vector<16xi32>
    %lt3A_123 = arith.cmpi slt, %rem3A_117, %lt3A_122 : vector<16xi32>
    %lt3A_124 = arith.constant 0 : i32
    %lt3A_125 = arith.cmpi slt, %select_n3A_115, %lt3A_124 : i32
    %ne3A_126 = vector.broadcast %lt3A_125 : i1 to vector<16xi1>
    %ne3A_127 = vector.broadcast %ne3A_126 : vector<16xi1> to vector<16xi1>
    %ne3A_128 = arith.xori %lt3A_123, %ne3A_127 : vector<16xi1>
    %and3A_129 = arith.andi %ne3A_128, %ne3A_120 : vector<16xi1>
    %add3A_130 = vector.broadcast %select_n3A_115 : i32 to vector<16xi32>
    %add3A_131 = arith.addi %rem3A_117, %add3A_130 : vector<16xi32>
    %select_n3A_132 = arith.select %and3A_129, %add3A_131, %rem3A_117 : vector<16xi1>, vector<16xi32>
    %mul3A_133 = arith.constant 1000 : i32
    %mul3A_134 = vector.broadcast %mul3A_133 : i32 to vector<16xi32>
    %mul3A_135 = arith.muli %select_n3A_132, %mul3A_134 : vector<16xi32>
    %add3A_136 = arith.constant 10 : i32
    %add3A_137 = vector.broadcast %add3A_136 : i32 to vector<16xi32>
    %add3A_138 = arith.addi %add3A_137, %iota3A : vector<16xi32>
    %jit3A_139 = arith.constant 26 : i32
    %eq3A_140 = arith.constant 0 : i32
    %eq3A_141 = arith.cmpi eq, %jit3A_139, %eq3A_140 : i32
    %jit3A_142 = arith.constant 1 : i32
    %select_n3A_143 = arith.select %eq3A_141, %jit3A_142, %jit3A_139 : i32
    %rem3A_144 = vector.broadcast %select_n3A_143 : i32 to vector<16xi32>
    %rem3A_145 = arith.remsi %add3A_138, %rem3A_144 : vector<16xi32>
    %ne3A_146 = arith.constant 0 : i32
    %ne3A_147 = vector.broadcast %ne3A_146 : i32 to vector<16xi32>
    %ne3A_148 = arith.cmpi ne, %rem3A_145, %ne3A_147 : vector<16xi32>
    %lt3A_149 = arith.constant 0 : i32
    %lt3A_150 = vector.broadcast %lt3A_149 : i32 to vector<16xi32>
    %lt3A_151 = arith.cmpi slt, %rem3A_145, %lt3A_150 : vector<16xi32>
    %lt3A_152 = arith.constant 0 : i32
    %lt3A_153 = arith.cmpi slt, %select_n3A_143, %lt3A_152 : i32
    %ne3A_154 = vector.broadcast %lt3A_153 : i1 to vector<16xi1>
    %ne3A_155 = vector.broadcast %ne3A_154 : vector<16xi1> to vector<16xi1>
    %ne3A_156 = arith.xori %lt3A_151, %ne3A_155 : vector<16xi1>
    %and3A_157 = arith.andi %ne3A_156, %ne3A_148 : vector<16xi1>
    %add3A_158 = vector.broadcast %select_n3A_143 : i32 to vector<16xi32>
    %add3A_159 = arith.addi %rem3A_145, %add3A_158 : vector<16xi32>
    %select_n3A_160 = arith.select %and3A_157, %add3A_159, %rem3A_145 : vector<16xi1>, vector<16xi32>
    %mul3A_161 = arith.constant 1000 : i32
    %mul3A_162 = vector.broadcast %mul3A_161 : i32 to vector<16xi32>
    %mul3A_163 = arith.muli %select_n3A_160, %mul3A_162 : vector<16xi32>
    %add3A_164 = arith.constant 12 : i32
    %add3A_165 = vector.broadcast %add3A_164 : i32 to vector<16xi32>
    %add3A_166 = arith.addi %add3A_165, %iota3A : vector<16xi32>
    %jit3A_167 = arith.constant 26 : i32
    %eq3A_168 = arith.constant 0 : i32
    %eq3A_169 = arith.cmpi eq, %jit3A_167, %eq3A_168 : i32
    %jit3A_170 = arith.constant 1 : i32
    %select_n3A_171 = arith.select %eq3A_169, %jit3A_170, %jit3A_167 : i32
    %rem3A_172 = vector.broadcast %select_n3A_171 : i32 to vector<16xi32>
    %rem3A_173 = arith.remsi %add3A_166, %rem3A_172 : vector<16xi32>
    %ne3A_174 = arith.constant 0 : i32
    %ne3A_175 = vector.broadcast %ne3A_174 : i32 to vector<16xi32>
    %ne3A_176 = arith.cmpi ne, %rem3A_173, %ne3A_175 : vector<16xi32>
    %lt3A_177 = arith.constant 0 : i32
    %lt3A_178 = vector.broadcast %lt3A_177 : i32 to vector<16xi32>
    %lt3A_179 = arith.cmpi slt, %rem3A_173, %lt3A_178 : vector<16xi32>
    %lt3A_180 = arith.constant 0 : i32
    %lt3A_181 = arith.cmpi slt, %select_n3A_171, %lt3A_180 : i32
    %ne3A_182 = vector.broadcast %lt3A_181 : i1 to vector<16xi1>
    %ne3A_183 = vector.broadcast %ne3A_182 : vector<16xi1> to vector<16xi1>
    %ne3A_184 = arith.xori %lt3A_179, %ne3A_183 : vector<16xi1>
    %and3A_185 = arith.andi %ne3A_184, %ne3A_176 : vector<16xi1>
    %add3A_186 = vector.broadcast %select_n3A_171 : i32 to vector<16xi32>
    %add3A_187 = arith.addi %rem3A_173, %add3A_186 : vector<16xi32>
    %select_n3A_188 = arith.select %and3A_185, %add3A_187, %rem3A_173 : vector<16xi1>, vector<16xi32>
    %mul3A_189 = arith.constant 1000 : i32
    %mul3A_190 = vector.broadcast %mul3A_189 : i32 to vector<16xi32>
    %mul3A_191 = arith.muli %select_n3A_188, %mul3A_190 : vector<16xi32>
    %add3A_192 = arith.constant 14 : i32
    %add3A_193 = vector.broadcast %add3A_192 : i32 to vector<16xi32>
    %add3A_194 = arith.addi %add3A_193, %iota3A : vector<16xi32>
    %jit3A_195 = arith.constant 26 : i32
    %eq3A_196 = arith.constant 0 : i32
    %eq3A_197 = arith.cmpi eq, %jit3A_195, %eq3A_196 : i32
    %jit3A_198 = arith.constant 1 : i32
    %select_n3A_199 = arith.select %eq3A_197, %jit3A_198, %jit3A_195 : i32
    %rem3A_200 = vector.broadcast %select_n3A_199 : i32 to vector<16xi32>
    %rem3A_201 = arith.remsi %add3A_194, %rem3A_200 : vector<16xi32>
    %ne3A_202 = arith.constant 0 : i32
    %ne3A_203 = vector.broadcast %ne3A_202 : i32 to vector<16xi32>
    %ne3A_204 = arith.cmpi ne, %rem3A_201, %ne3A_203 : vector<16xi32>
    %lt3A_205 = arith.constant 0 : i32
    %lt3A_206 = vector.broadcast %lt3A_205 : i32 to vector<16xi32>
    %lt3A_207 = arith.cmpi slt, %rem3A_201, %lt3A_206 : vector<16xi32>
    %lt3A_208 = arith.constant 0 : i32
    %lt3A_209 = arith.cmpi slt, %select_n3A_199, %lt3A_208 : i32
    %ne3A_210 = vector.broadcast %lt3A_209 : i1 to vector<16xi1>
    %ne3A_211 = vector.broadcast %ne3A_210 : vector<16xi1> to vector<16xi1>
    %ne3A_212 = arith.xori %lt3A_207, %ne3A_211 : vector<16xi1>
    %and3A_213 = arith.andi %ne3A_212, %ne3A_204 : vector<16xi1>
    %add3A_214 = vector.broadcast %select_n3A_199 : i32 to vector<16xi32>
    %add3A_215 = arith.addi %rem3A_201, %add3A_214 : vector<16xi32>
    %select_n3A_216 = arith.select %and3A_213, %add3A_215, %rem3A_201 : vector<16xi1>, vector<16xi32>
    %mul3A_217 = arith.constant 1000 : i32
    %mul3A_218 = vector.broadcast %mul3A_217 : i32 to vector<16xi32>
    %mul3A_219 = arith.muli %select_n3A_216, %mul3A_218 : vector<16xi32>
    %add3A_220 = arith.constant 16 : i32
    %add3A_221 = vector.broadcast %add3A_220 : i32 to vector<16xi32>
    %add3A_222 = arith.addi %add3A_221, %iota3A : vector<16xi32>
    %jit3A_223 = arith.constant 26 : i32
    %eq3A_224 = arith.constant 0 : i32
    %eq3A_225 = arith.cmpi eq, %jit3A_223, %eq3A_224 : i32
    %jit3A_226 = arith.constant 1 : i32
    %select_n3A_227 = arith.select %eq3A_225, %jit3A_226, %jit3A_223 : i32
    %rem3A_228 = vector.broadcast %select_n3A_227 : i32 to vector<16xi32>
    %rem3A_229 = arith.remsi %add3A_222, %rem3A_228 : vector<16xi32>
    %ne3A_230 = arith.constant 0 : i32
    %ne3A_231 = vector.broadcast %ne3A_230 : i32 to vector<16xi32>
    %ne3A_232 = arith.cmpi ne, %rem3A_229, %ne3A_231 : vector<16xi32>
    %lt3A_233 = arith.constant 0 : i32
    %lt3A_234 = vector.broadcast %lt3A_233 : i32 to vector<16xi32>
    %lt3A_235 = arith.cmpi slt, %rem3A_229, %lt3A_234 : vector<16xi32>
    %lt3A_236 = arith.constant 0 : i32
    %lt3A_237 = arith.cmpi slt, %select_n3A_227, %lt3A_236 : i32
    %ne3A_238 = vector.broadcast %lt3A_237 : i1 to vector<16xi1>
    %ne3A_239 = vector.broadcast %ne3A_238 : vector<16xi1> to vector<16xi1>
    %ne3A_240 = arith.xori %lt3A_235, %ne3A_239 : vector<16xi1>
    %and3A_241 = arith.andi %ne3A_240, %ne3A_232 : vector<16xi1>
    %add3A_242 = vector.broadcast %select_n3A_227 : i32 to vector<16xi32>
    %add3A_243 = arith.addi %rem3A_229, %add3A_242 : vector<16xi32>
    %select_n3A_244 = arith.select %and3A_241, %add3A_243, %rem3A_229 : vector<16xi1>, vector<16xi32>
    %mul3A_245 = arith.constant 1000 : i32
    %mul3A_246 = vector.broadcast %mul3A_245 : i32 to vector<16xi32>
    %mul3A_247 = arith.muli %select_n3A_244, %mul3A_246 : vector<16xi32>
    %add3A_248 = arith.constant 18 : i32
    %add3A_249 = vector.broadcast %add3A_248 : i32 to vector<16xi32>
    %add3A_250 = arith.addi %add3A_249, %iota3A : vector<16xi32>
    %jit3A_251 = arith.constant 26 : i32
    %eq3A_252 = arith.constant 0 : i32
    %eq3A_253 = arith.cmpi eq, %jit3A_251, %eq3A_252 : i32
    %jit3A_254 = arith.constant 1 : i32
    %select_n3A_255 = arith.select %eq3A_253, %jit3A_254, %jit3A_251 : i32
    %rem3A_256 = vector.broadcast %select_n3A_255 : i32 to vector<16xi32>
    %rem3A_257 = arith.remsi %add3A_250, %rem3A_256 : vector<16xi32>
    %ne3A_258 = arith.constant 0 : i32
    %ne3A_259 = vector.broadcast %ne3A_258 : i32 to vector<16xi32>
    %ne3A_260 = arith.cmpi ne, %rem3A_257, %ne3A_259 : vector<16xi32>
    %lt3A_261 = arith.constant 0 : i32
    %lt3A_262 = vector.broadcast %lt3A_261 : i32 to vector<16xi32>
    %lt3A_263 = arith.cmpi slt, %rem3A_257, %lt3A_262 : vector<16xi32>
    %lt3A_264 = arith.constant 0 : i32
    %lt3A_265 = arith.cmpi slt, %select_n3A_255, %lt3A_264 : i32
    %ne3A_266 = vector.broadcast %lt3A_265 : i1 to vector<16xi1>
    %ne3A_267 = vector.broadcast %ne3A_266 : vector<16xi1> to vector<16xi1>
    %ne3A_268 = arith.xori %lt3A_263, %ne3A_267 : vector<16xi1>
    %and3A_269 = arith.andi %ne3A_268, %ne3A_260 : vector<16xi1>
    %add3A_270 = vector.broadcast %select_n3A_255 : i32 to vector<16xi32>
    %add3A_271 = arith.addi %rem3A_257, %add3A_270 : vector<16xi32>
    %select_n3A_272 = arith.select %and3A_269, %add3A_271, %rem3A_257 : vector<16xi1>, vector<16xi32>
    %mul3A_273 = arith.constant 1000 : i32
    %mul3A_274 = vector.broadcast %mul3A_273 : i32 to vector<16xi32>
    %mul3A_275 = arith.muli %select_n3A_272, %mul3A_274 : vector<16xi32>
    %add3A_276 = arith.constant 20 : i32
    %add3A_277 = vector.broadcast %add3A_276 : i32 to vector<16xi32>
    %add3A_278 = arith.addi %add3A_277, %iota3A : vector<16xi32>
    %jit3A_279 = arith.constant 26 : i32
    %eq3A_280 = arith.constant 0 : i32
    %eq3A_281 = arith.cmpi eq, %jit3A_279, %eq3A_280 : i32
    %jit3A_282 = arith.constant 1 : i32
    %select_n3A_283 = arith.select %eq3A_281, %jit3A_282, %jit3A_279 : i32
    %rem3A_284 = vector.broadcast %select_n3A_283 : i32 to vector<16xi32>
    %rem3A_285 = arith.remsi %add3A_278, %rem3A_284 : vector<16xi32>
    %ne3A_286 = arith.constant 0 : i32
    %ne3A_287 = vector.broadcast %ne3A_286 : i32 to vector<16xi32>
    %ne3A_288 = arith.cmpi ne, %rem3A_285, %ne3A_287 : vector<16xi32>
    %lt3A_289 = arith.constant 0 : i32
    %lt3A_290 = vector.broadcast %lt3A_289 : i32 to vector<16xi32>
    %lt3A_291 = arith.cmpi slt, %rem3A_285, %lt3A_290 : vector<16xi32>
    %lt3A_292 = arith.constant 0 : i32
    %lt3A_293 = arith.cmpi slt, %select_n3A_283, %lt3A_292 : i32
    %ne3A_294 = vector.broadcast %lt3A_293 : i1 to vector<16xi1>
    %ne3A_295 = vector.broadcast %ne3A_294 : vector<16xi1> to vector<16xi1>
    %ne3A_296 = arith.xori %lt3A_291, %ne3A_295 : vector<16xi1>
    %and3A_297 = arith.andi %ne3A_296, %ne3A_288 : vector<16xi1>
    %add3A_298 = vector.broadcast %select_n3A_283 : i32 to vector<16xi32>
    %add3A_299 = arith.addi %rem3A_285, %add3A_298 : vector<16xi32>
    %select_n3A_300 = arith.select %and3A_297, %add3A_299, %rem3A_285 : vector<16xi1>, vector<16xi32>
    %mul3A_301 = arith.constant 1000 : i32
    %mul3A_302 = vector.broadcast %mul3A_301 : i32 to vector<16xi32>
    %mul3A_303 = arith.muli %select_n3A_300, %mul3A_302 : vector<16xi32>
    %add3A_304 = arith.constant 22 : i32
    %add3A_305 = vector.broadcast %add3A_304 : i32 to vector<16xi32>
    %add3A_306 = arith.addi %add3A_305, %iota3A : vector<16xi32>
    %jit3A_307 = arith.constant 26 : i32
    %eq3A_308 = arith.constant 0 : i32
    %eq3A_309 = arith.cmpi eq, %jit3A_307, %eq3A_308 : i32
    %jit3A_310 = arith.constant 1 : i32
    %select_n3A_311 = arith.select %eq3A_309, %jit3A_310, %jit3A_307 : i32
    %rem3A_312 = vector.broadcast %select_n3A_311 : i32 to vector<16xi32>
    %rem3A_313 = arith.remsi %add3A_306, %rem3A_312 : vector<16xi32>
    %ne3A_314 = arith.constant 0 : i32
    %ne3A_315 = vector.broadcast %ne3A_314 : i32 to vector<16xi32>
    %ne3A_316 = arith.cmpi ne, %rem3A_313, %ne3A_315 : vector<16xi32>
    %lt3A_317 = arith.constant 0 : i32
    %lt3A_318 = vector.broadcast %lt3A_317 : i32 to vector<16xi32>
    %lt3A_319 = arith.cmpi slt, %rem3A_313, %lt3A_318 : vector<16xi32>
    %lt3A_320 = arith.constant 0 : i32
    %lt3A_321 = arith.cmpi slt, %select_n3A_311, %lt3A_320 : i32
    %ne3A_322 = vector.broadcast %lt3A_321 : i1 to vector<16xi1>
    %ne3A_323 = vector.broadcast %ne3A_322 : vector<16xi1> to vector<16xi1>
    %ne3A_324 = arith.xori %lt3A_319, %ne3A_323 : vector<16xi1>
    %and3A_325 = arith.andi %ne3A_324, %ne3A_316 : vector<16xi1>
    %add3A_326 = vector.broadcast %select_n3A_311 : i32 to vector<16xi32>
    %add3A_327 = arith.addi %rem3A_313, %add3A_326 : vector<16xi32>
    %select_n3A_328 = arith.select %and3A_325, %add3A_327, %rem3A_313 : vector<16xi1>, vector<16xi32>
    %mul3A_329 = arith.constant 1000 : i32
    %mul3A_330 = vector.broadcast %mul3A_329 : i32 to vector<16xi32>
    %mul3A_331 = arith.muli %select_n3A_328, %mul3A_330 : vector<16xi32>
    %add3A_332 = arith.constant 24 : i32
    %add3A_333 = vector.broadcast %add3A_332 : i32 to vector<16xi32>
    %add3A_334 = arith.addi %add3A_333, %iota3A : vector<16xi32>
    %jit3A_335 = arith.constant 26 : i32
    %eq3A_336 = arith.constant 0 : i32
    %eq3A_337 = arith.cmpi eq, %jit3A_335, %eq3A_336 : i32
    %jit3A_338 = arith.constant 1 : i32
    %select_n3A_339 = arith.select %eq3A_337, %jit3A_338, %jit3A_335 : i32
    %rem3A_340 = vector.broadcast %select_n3A_339 : i32 to vector<16xi32>
    %rem3A_341 = arith.remsi %add3A_334, %rem3A_340 : vector<16xi32>
    %ne3A_342 = arith.constant 0 : i32
    %ne3A_343 = vector.broadcast %ne3A_342 : i32 to vector<16xi32>
    %ne3A_344 = arith.cmpi ne, %rem3A_341, %ne3A_343 : vector<16xi32>
    %lt3A_345 = arith.constant 0 : i32
    %lt3A_346 = vector.broadcast %lt3A_345 : i32 to vector<16xi32>
    %lt3A_347 = arith.cmpi slt, %rem3A_341, %lt3A_346 : vector<16xi32>
    %lt3A_348 = arith.constant 0 : i32
    %lt3A_349 = arith.cmpi slt, %select_n3A_339, %lt3A_348 : i32
    %ne3A_350 = vector.broadcast %lt3A_349 : i1 to vector<16xi1>
    %ne3A_351 = vector.broadcast %ne3A_350 : vector<16xi1> to vector<16xi1>
    %ne3A_352 = arith.xori %lt3A_347, %ne3A_351 : vector<16xi1>
    %and3A_353 = arith.andi %ne3A_352, %ne3A_344 : vector<16xi1>
    %add3A_354 = vector.broadcast %select_n3A_339 : i32 to vector<16xi32>
    %add3A_355 = arith.addi %rem3A_341, %add3A_354 : vector<16xi32>
    %select_n3A_356 = arith.select %and3A_353, %add3A_355, %rem3A_341 : vector<16xi1>, vector<16xi32>
    %mul3A_357 = arith.constant 1000 : i32
    %mul3A_358 = vector.broadcast %mul3A_357 : i32 to vector<16xi32>
    %mul3A_359 = arith.muli %select_n3A_356, %mul3A_358 : vector<16xi32>
    "tpu.region"() ({
      %run_scoped3A = tpu.sem_alloc : memref<!tpu.dma_semaphore, #tpu.memory_space<semaphore_mem>>
      %dma_start3A_3060 = tpu.memref_slice %arg2[%mul3A_2] : memref<106496xi32, #tpu.memory_space<hbm>> -> memref<3328xi32, #tpu.memory_space<hbm>>
      %dma_start3A_3061 = tpu.memref_slice %arg2[%mul3A_2] : memref<106496xi32, #tpu.memory_space<hbm>> -> memref<3328xi32, #tpu.memory_space<hbm>>
      tpu.enqueue_dma source(%dma_start3A_3061 : memref<3328xi32, #tpu.memory_space<hbm>>) target(%arg5 : memref<3328xi32, #tpu.memory_space<vmem>>) target_semaphore(%run_scoped3A : memref<!tpu.dma_semaphore, #tpu.memory_space<semaphore_mem>>)
      %dma_wait3A_3062 = tpu.memref_slice %arg2[%mul3A_2] : memref<106496xi32, #tpu.memory_space<hbm>> -> memref<3328xi32, #tpu.memory_space<hbm>>
      %dma_wait3A_3063 = tpu.memref_slice %arg2[%mul3A_2] : memref<106496xi32, #tpu.memory_space<hbm>> -> memref<3328xi32, #tpu.memory_space<hbm>>
      tpu.wait_dma2 semaphore(%run_scoped3A : memref<!tpu.dma_semaphore, #tpu.memory_space<semaphore_mem>>) src(%dma_wait3A_3063 : memref<3328xi32, #tpu.memory_space<hbm>>) dst(%arg5 : memref<3328xi32, #tpu.memory_space<vmem>>)
      tpu.yield
    }) : () -> ()
    %get3A = arith.constant 0 : index
    %get3A_360 = tpu.vector_load %arg5[%get3A] {strides = array<i32>} : memref<3328xi32, #tpu.memory_space<vmem>>, vector<16xi32>,
    %get3A_361 = vector.shape_cast %get3A_360 : vector<16xi32> to vector<16xi32>
    %add3A_362 = arith.addi %get3A_361, %mul3A_23 : vector<16xi32>
    %swap3A = arith.constant 0 : index
    %swap3A_363 = tpu.vector_load %arg5[%swap3A] {strides = array<i32>} : memref<3328xi32, #tpu.memory_space<vmem>>, vector<16xi32>,
    %swap3A_364 = vector.shape_cast %swap3A_363 : vector<16xi32> to vector<16xi32>
    %swap3A_365 = vector.shape_cast %add3A_362 : vector<16xi32> to vector<16xi32>
    tpu.vector_store %arg5[%swap3A], %swap3A_365 {strides = array<i32>} : memref<3328xi32, #tpu.memory_space<vmem>>, vector<16xi32>,
    %get3A_366 = arith.constant 16 : index
    %get3A_367 = tpu.vector_load %arg5[%get3A_366] {strides = array<i32>} : memref<3328xi32, #tpu.memory_space<vmem>>, vector<16xi32>,
    %get3A_368 = vector.shape_cast %get3A_367 : vector<16xi32> to vector<16xi32>
    %add3A_369 = arith.addi %get3A_368, %mul3A_247 : vector<16xi32>
    %swap3A_370 = arith.constant 16 : index
    %swap3A_371 = tpu.vector_load %arg5[%swap3A_370] {strides = array<i32>} : memref<3328xi32, #tpu.memory_space<vmem>>, vector<16xi32>,
    %swap3A_372 = vector.shape_cast %swap3A_371 : vector<16xi32> to vector<16xi32>
    %swap3A_373 = vector.shape_cast %add3A_369 : vector<16xi32> to vector<16xi32>
    tpu.vector_store %arg5[%swap3A_370], %swap3A_373 {strides = array<i32>} : memref<3328xi32, #tpu.memory_space<vmem>>, vector<16xi32>,
    %get3A_374 = arith.constant 32 : index
    %get3A_375 = tpu.vector_load %arg5[%get3A_374] {strides = array<i32>} : memref<3328xi32, #tpu.memory_space<vmem>>, vector<16xi32>,
    %get3A_376 = vector.shape_cast %get3A_375 : vector<16xi32> to vector<16xi32>
    %add3A_377 = arith.addi %get3A_376, %mul3A_107 : vector<16xi32>
    %swap3A_378 = arith.constant 32 : index
    %swap3A_379 = tpu.vector_load %arg5[%swap3A_378] {strides = array<i32>} : memref<3328xi32, #tpu.memory_space<vmem>>, vector<16xi32>,
    %swap3A_380 = vector.shape_cast %swap3A_379 : vector<16xi32> to vector<16xi32>
    %swap3A_381 = vector.shape_cast %add3A_377 : vector<16xi32> to vector<16xi32>
    tpu.vector_store %arg5[%swap3A_378], %swap3A_381 {strides = array<i32>} : memref<3328xi32, #tpu.memory_space<vmem>>, vector<16xi32>,
    %get3A_382 = arith.constant 48 : index
    %get3A_383 = tpu.vector_load %arg5[%get3A_382] {strides = array<i32>} : memref<3328xi32, #tpu.memory_space<vmem>>, vector<16xi32>,
    %get3A_384 = vector.shape_cast %get3A_383 : vector<16xi32> to vector<16xi32>
    %add3A_385 = arith.addi %get3A_384, %mul3A_331 : vector<16xi32>
    %swap3A_386 = arith.constant 48 : index
    %swap3A_387 = tpu.vector_load %arg5[%swap3A_386] {strides = array<i32>} : memref<3328xi32, #tpu.memory_space<vmem>>, vector<16xi32>,
    %swap3A_388 = vector.shape_cast %swap3A_387 : vector<16xi32> to vector<16xi32>
    %swap3A_389 = vector.shape_cast %add3A_385 : vector<16xi32> to vector<16xi32>
    tpu.vector_store %arg5[%swap3A_386], %swap3A_389 {strides = array<i32>} : memref<3328xi32, #tpu.memory_space<vmem>>, vector<16xi32>,
    %get3A_390 = arith.constant 64 : index
    %get3A_391 = tpu.vector_load %arg5[%get3A_390] {strides = array<i32>} : memref<3328xi32, #tpu.memory_space<vmem>>, vector<16xi32>,
    %get3A_392 = vector.shape_cast %get3A_391 : vector<16xi32> to vector<16xi32>
    %add3A_393 = arith.addi %get3A_392, %mul3A_191 : vector<16xi32>
    %swap3A_394 = arith.constant 64 : index
    %swap3A_395 = tpu.vector_load %arg5[%swap3A_394] {strides = array<i32>} : memref<3328xi32, #tpu.memory_space<vmem>>, vector<16xi32>,
    %swap3A_396 = vector.shape_cast %swap3A_395 : vector<16xi32> to vector<16xi32>
    %swap3A_397 = vector.shape_cast %add3A_393 : vector<16xi32> to vector<16xi32>
    tpu.vector_store %arg5[%swap3A_394], %swap3A_397 {strides = array<i32>} : memref<3328xi32, #tpu.memory_space<vmem>>, vector<16xi32>,
    %get3A_398 = arith.constant 80 : index
    %get3A_399 = tpu.vector_load %arg5[%get3A_398] {strides = array<i32>} : memref<3328xi32, #tpu.memory_space<vmem>>, vector<16xi32>,
    %get3A_400 = vector.shape_cast %get3A_399 : vector<16xi32> to vector<16xi32>
    %add3A_401 = arith.addi %get3A_400, %mul3A_51 : vector<16xi32>
    %swap3A_402 = arith.constant 80 : index
    %swap3A_403 = tpu.vector_load %arg5[%swap3A_402] {strides = array<i32>} : memref<3328xi32, #tpu.memory_space<vmem>>, vector<16xi32>,
    %swap3A_404 = vector.shape_cast %swap3A_403 : vector<16xi32> to vector<16xi32>
    %swap3A_405 = vector.shape_cast %add3A_401 : vector<16xi32> to vector<16xi32>
    tpu.vector_store %arg5[%swap3A_402], %swap3A_405 {strides = array<i32>} : memref<3328xi32, #tpu.memory_space<vmem>>, vector<16xi32>,
    %get3A_406 = arith.constant 96 : index
    %get3A_407 = tpu.vector_load %arg5[%get3A_406] {strides = array<i32>} : memref<3328xi32, #tpu.memory_space<vmem>>, vector<16xi32>,
    %get3A_408 = vector.shape_cast %get3A_407 : vector<16xi32> to vector<16xi32>
    %add3A_409 = arith.addi %get3A_408, %mul3A_275 : vector<16xi32>
    %swap3A_410 = arith.constant 96 : index
    %swap3A_411 = tpu.vector_load %arg5[%swap3A_410] {strides = array<i32>} : memref<3328xi32, #tpu.memory_space<vmem>>, vector<16xi32>,
    %swap3A_412 = vector.shape_cast %swap3A_411 : vector<16xi32> to vector<16xi32>
    %swap3A_413 = vector.shape_cast %add3A_409 : vector<16xi32> to vector<16xi32>
    tpu.vector_store %arg5[%swap3A_410], %swap3A_413 {strides = array<i32>} : memref<3328xi32, #tpu.memory_space<vmem>>, vector<16xi32>,
    %get3A_414 = arith.constant 112 : index
    %get3A_415 = tpu.vector_load %arg5[%get3A_414] {strides = array<i32>} : memref<3328xi32, #tpu.memory_space<vmem>>, vector<16xi32>,
    %get3A_416 = vector.shape_cast %get3A_415 : vector<16xi32> to vector<16xi32>
    %add3A_417 = arith.addi %get3A_416, %mul3A_135 : vector<16xi32>
    %swap3A_418 = arith.constant 112 : index
    %swap3A_419 = tpu.vector_load %arg5[%swap3A_418] {strides = array<i32>} : memref<3328xi32, #tpu.memory_space<vmem>>, vector<16xi32>,
    %swap3A_420 = vector.shape_cast %swap3A_419 : vector<16xi32> to vector<16xi32>
    %swap3A_421 = vector.shape_cast %add3A_417 : vector<16xi32> to vector<16xi32>
    tpu.vector_store %arg5[%swap3A_418], %swap3A_421 {strides = array<i32>} : memref<3328xi32, #tpu.memory_space<vmem>>, vector<16xi32>,
    %get3A_422 = arith.constant 128 : index
    %get3A_423 = tpu.vector_load %arg5[%get3A_422] {strides = array<i32>} : memref<3328xi32, #tpu.memory_space<vmem>>, vector<16xi32>,
    %get3A_424 = vector.shape_cast %get3A_423 : vector<16xi32> to vector<16xi32>
    %add3A_425 = arith.addi %get3A_424, %mul3A_359 : vector<16xi32>
    %swap3A_426 = arith.constant 128 : index
    %swap3A_427 = tpu.vector_load %arg5[%swap3A_426] {strides = array<i32>} : memref<3328xi32, #tpu.memory_space<vmem>>, vector<16xi32>,
    %swap3A_428 = vector.shape_cast %swap3A_427 : vector<16xi32> to vector<16xi32>
    %swap3A_429 = vector.shape_cast %add3A_425 : vector<16xi32> to vector<16xi32>
    tpu.vector_store %arg5[%swap3A_426], %swap3A_429 {strides = array<i32>} : memref<3328xi32, #tpu.memory_space<vmem>>, vector<16xi32>,
    %get3A_430 = arith.constant 144 : index
    %get3A_431 = tpu.vector_load %arg5[%get3A_430] {strides = array<i32>} : memref<3328xi32, #tpu.memory_space<vmem>>, vector<16xi32>,
    %get3A_432 = vector.shape_cast %get3A_431 : vector<16xi32> to vector<16xi32>
    %add3A_433 = arith.addi %get3A_432, %mul3A_219 : vector<16xi32>
    %swap3A_434 = arith.constant 144 : index
    %swap3A_435 = tpu.vector_load %arg5[%swap3A_434] {strides = array<i32>} : memref<3328xi32, #tpu.memory_space<vmem>>, vector<16xi32>,
    %swap3A_436 = vector.shape_cast %swap3A_435 : vector<16xi32> to vector<16xi32>
    %swap3A_437 = vector.shape_cast %add3A_433 : vector<16xi32> to vector<16xi32>
    tpu.vector_store %arg5[%swap3A_434], %swap3A_437 {strides = array<i32>} : memref<3328xi32, #tpu.memory_space<vmem>>, vector<16xi32>,
    %get3A_438 = arith.constant 160 : index
    %get3A_439 = tpu.vector_load %arg5[%get3A_438] {strides = array<i32>} : memref<3328xi32, #tpu.memory_space<vmem>>, vector<16xi32>,
    %get3A_440 = vector.shape_cast %get3A_439 : vector<16xi32> to vector<16xi32>
    %add3A_441 = arith.addi %get3A_440, %mul3A_79 : vector<16xi32>
    %swap3A_442 = arith.constant 160 : index
    %swap3A_443 = tpu.vector_load %arg5[%swap3A_442] {strides = array<i32>} : memref<3328xi32, #tpu.memory_space<vmem>>, vector<16xi32>,
    %swap3A_444 = vector.shape_cast %swap3A_443 : vector<16xi32> to vector<16xi32>
    %swap3A_445 = vector.shape_cast %add3A_441 : vector<16xi32> to vector<16xi32>
    tpu.vector_store %arg5[%swap3A_442], %swap3A_445 {strides = array<i32>} : memref<3328xi32, #tpu.memory_space<vmem>>, vector<16xi32>,
    %get3A_446 = arith.constant 176 : index
    %get3A_447 = tpu.vector_load %arg5[%get3A_446] {strides = array<i32>} : memref<3328xi32, #tpu.memory_space<vmem>>, vector<16xi32>,
    %get3A_448 = vector.shape_cast %get3A_447 : vector<16xi32> to vector<16xi32>
    %add3A_449 = arith.addi %get3A_448, %mul3A_303 : vector<16xi32>
    %swap3A_450 = arith.constant 176 : index
    %swap3A_451 = tpu.vector_load %arg5[%swap3A_450] {strides = array<i32>} : memref<3328xi32, #tpu.memory_space<vmem>>, vector<16xi32>,
    %swap3A_452 = vector.shape_cast %swap3A_451 : vector<16xi32> to vector<16xi32>
    %swap3A_453 = vector.shape_cast %add3A_449 : vector<16xi32> to vector<16xi32>
    tpu.vector_store %arg5[%swap3A_450], %swap3A_453 {strides = array<i32>} : memref<3328xi32, #tpu.memory_space<vmem>>, vector<16xi32>,
    %get3A_454 = arith.constant 192 : index
    %get3A_455 = tpu.vector_load %arg5[%get3A_454] {strides = array<i32>} : memref<3328xi32, #tpu.memory_space<vmem>>, vector<16xi32>,
    %get3A_456 = vector.shape_cast %get3A_455 : vector<16xi32> to vector<16xi32>
    %add3A_457 = arith.addi %get3A_456, %mul3A_163 : vector<16xi32>
    %swap3A_458 = arith.constant 192 : index
    %swap3A_459 = tpu.vector_load %arg5[%swap3A_458] {strides = array<i32>} : memref<3328xi32, #tpu.memory_space<vmem>>, vector<16xi32>,
    %swap3A_460 = vector.shape_cast %swap3A_459 : vector<16xi32> to vector<16xi32>
    %swap3A_461 = vector.shape_cast %add3A_457 : vector<16xi32> to vector<16xi32>
    tpu.vector_store %arg5[%swap3A_458], %swap3A_461 {strides = array<i32>} : memref<3328xi32, #tpu.memory_space<vmem>>, vector<16xi32>,
    %get3A_462 = arith.constant 208 : index
    %get3A_463 = tpu.vector_load %arg5[%get3A_462] {strides = array<i32>} : memref<3328xi32, #tpu.memory_space<vmem>>, vector<16xi32>,
    %get3A_464 = vector.shape_cast %get3A_463 : vector<16xi32> to vector<16xi32>
    %add3A_465 = arith.addi %get3A_464, %mul3A_23 : vector<16xi32>
    %swap3A_466 = arith.constant 208 : index
    %swap3A_467 = tpu.vector_load %arg5[%swap3A_466] {strides = array<i32>} : memref<3328xi32, #tpu.memory_space<vmem>>, vector<16xi32>,
    %swap3A_468 = vector.shape_cast %swap3A_467 : vector<16xi32> to vector<16xi32>
    %swap3A_469 = vector.shape_cast %add3A_465 : vector<16xi32> to vector<16xi32>
    tpu.vector_store %arg5[%swap3A_466], %swap3A_469 {strides = array<i32>} : memref<3328xi32, #tpu.memory_space<vmem>>, vector<16xi32>,
    %get3A_470 = arith.constant 224 : index
    %get3A_471 = tpu.vector_load %arg5[%get3A_470] {strides = array<i32>} : memref<3328xi32, #tpu.memory_space<vmem>>, vector<16xi32>,
    %get3A_472 = vector.shape_cast %get3A_471 : vector<16xi32> to vector<16xi32>
    %add3A_473 = arith.addi %get3A_472, %mul3A_247 : vector<16xi32>
    %swap3A_474 = arith.constant 224 : index
    %swap3A_475 = tpu.vector_load %arg5[%swap3A_474] {strides = array<i32>} : memref<3328xi32, #tpu.memory_space<vmem>>, vector<16xi32>,
    %swap3A_476 = vector.shape_cast %swap3A_475 : vector<16xi32> to vector<16xi32>
    %swap3A_477 = vector.shape_cast %add3A_473 : vector<16xi32> to vector<16xi32>
    tpu.vector_store %arg5[%swap3A_474], %swap3A_477 {strides = array<i32>} : memref<3328xi32, #tpu.memory_space<vmem>>, vector<16xi32>,
    %get3A_478 = arith.constant 240 : index
    %get3A_479 = tpu.vector_load %arg5[%get3A_478] {strides = array<i32>} : memref<3328xi32, #tpu.memory_space<vmem>>, vector<16xi32>,
    %get3A_480 = vector.shape_cast %get3A_479 : vector<16xi32> to vector<16xi32>
    %add3A_481 = arith.addi %get3A_480, %mul3A_107 : vector<16xi32>
    %swap3A_482 = arith.constant 240 : index
    %swap3A_483 = tpu.vector_load %arg5[%swap3A_482] {strides = array<i32>} : memref<3328xi32, #tpu.memory_space<vmem>>, vector<16xi32>,
    %swap3A_484 = vector.shape_cast %swap3A_483 : vector<16xi32> to vector<16xi32>
    %swap3A_485 = vector.shape_cast %add3A_481 : vector<16xi32> to vector<16xi32>
    tpu.vector_store %arg5[%swap3A_482], %swap3A_485 {strides = array<i32>} : memref<3328xi32, #tpu.memory_space<vmem>>, vector<16xi32>,
    %dma_start3A = arith.constant 0 : i32
    %dma_start3A_486 = arith.constant 0 : i32
    %dma_start3A_487 = arith.constant 0 : i32
    %dma_start3A_488 = tpu.memref_slice %arg6[%dma_start3A, %dma_start3A_486, %dma_start3A_487] : memref<3x256x64xf32, #tpu.memory_space<vmem>> -> memref<1x256x64xf32, #tpu.memory_space<vmem>>
    %dma_start3A_489 = tpu.memref_squeeze %dma_start3A_488 : memref<1x256x64xf32, #tpu.memory_space<vmem>> -> memref<256x64xf32, #tpu.memory_space<vmem>>
    %dma_start3A_490 = arith.constant 0 : i32
    %dma_start3A_491 = arith.constant 0 : i32
    %dma_start3A_492 = tpu.memref_slice %dma_start3A_489[%dma_start3A_490, %dma_start3A_491] : memref<256x64xf32, #tpu.memory_space<vmem>> -> memref<128x64xf32, #tpu.memory_space<vmem>>
    %dma_start3A_493 = arith.constant 0 : i32
    %dma_start3A_494 = tpu.memref_slice %arg5[%dma_start3A_493] : memref<3328xi32, #tpu.memory_space<vmem>> -> memref<128xi32, #tpu.memory_space<vmem>>
    %dma_start3A_495 = arith.constant 0 : i32
    %dma_start3A_496 = arith.constant 0 : i32
    %dma_start3A_497 = tpu.memref_slice %arg3[%dma_start3A_495, %dma_start3A_496] : memref<26000x64xf32, #tpu.memory_space<hbm>> -> memref<26000x64xf32, #tpu.memory_space<hbm>>
    tpu.enqueue_indirect_dma source(%dma_start3A_497 : memref<26000x64xf32, #tpu.memory_space<hbm>>) target(%dma_start3A_492 : memref<128x64xf32, #tpu.memory_space<vmem>>) offsets(%dma_start3A_494 : memref<128xi32, #tpu.memory_space<vmem>>) semaphore(%arg7 : memref<!tpu.dma_semaphore, #tpu.memory_space<semaphore_mem>>)
    %dma_start3A_498 = arith.constant 0 : i32
    %dma_start3A_499 = arith.constant 0 : i32
    %dma_start3A_500 = arith.constant 0 : i32
    %dma_start3A_501 = tpu.memref_slice %arg6[%dma_start3A_498, %dma_start3A_499, %dma_start3A_500] : memref<3x256x64xf32, #tpu.memory_space<vmem>> -> memref<1x256x64xf32, #tpu.memory_space<vmem>>
    %dma_start3A_502 = tpu.memref_squeeze %dma_start3A_501 : memref<1x256x64xf32, #tpu.memory_space<vmem>> -> memref<256x64xf32, #tpu.memory_space<vmem>>
    %dma_start3A_503 = arith.constant 128 : i32
    %dma_start3A_504 = arith.constant 0 : i32
    %dma_start3A_505 = tpu.memref_slice %dma_start3A_502[%dma_start3A_503, %dma_start3A_504] : memref<256x64xf32, #tpu.memory_space<vmem>> -> memref<128x64xf32, #tpu.memory_space<vmem>>
    %dma_start3A_506 = arith.constant 128 : i32
    %dma_start3A_507 = tpu.memref_slice %arg5[%dma_start3A_506] : memref<3328xi32, #tpu.memory_space<vmem>> -> memref<128xi32, #tpu.memory_space<vmem>>
    %dma_start3A_508 = arith.constant 0 : i32
    %dma_start3A_509 = arith.constant 0 : i32
    %dma_start3A_510 = tpu.memref_slice %arg3[%dma_start3A_508, %dma_start3A_509] : memref<26000x64xf32, #tpu.memory_space<hbm>> -> memref<26000x64xf32, #tpu.memory_space<hbm>>
    tpu.enqueue_indirect_dma source(%dma_start3A_510 : memref<26000x64xf32, #tpu.memory_space<hbm>>) target(%dma_start3A_505 : memref<128x64xf32, #tpu.memory_space<vmem>>) offsets(%dma_start3A_507 : memref<128xi32, #tpu.memory_space<vmem>>) semaphore(%arg8 : memref<!tpu.dma_semaphore, #tpu.memory_space<semaphore_mem>>)
    %get3A_511 = arith.constant 256 : index
    %get3A_512 = tpu.vector_load %arg5[%get3A_511] {strides = array<i32>} : memref<3328xi32, #tpu.memory_space<vmem>>, vector<16xi32>,
    %get3A_513 = vector.shape_cast %get3A_512 : vector<16xi32> to vector<16xi32>
    %add3A_514 = arith.addi %get3A_513, %mul3A_331 : vector<16xi32>
    %swap3A_515 = arith.constant 256 : index
    %swap3A_516 = tpu.vector_load %arg5[%swap3A_515] {strides = array<i32>} : memref<3328xi32, #tpu.memory_space<vmem>>, vector<16xi32>,
    %swap3A_517 = vector.shape_cast %swap3A_516 : vector<16xi32> to vector<16xi32>
    %swap3A_518 = vector.shape_cast %add3A_514 : vector<16xi32> to vector<16xi32>
    tpu.vector_store %arg5[%swap3A_515], %swap3A_518 {strides = array<i32>} : memref<3328xi32, #tpu.memory_space<vmem>>, vector<16xi32>,
    %get3A_519 = arith.constant 272 : index
    %get3A_520 = tpu.vector_load %arg5[%get3A_519] {strides = array<i32>} : memref<3328xi32, #tpu.memory_space<vmem>>, vector<16xi32>,
    %get3A_521 = vector.shape_cast %get3A_520 : vector<16xi32> to vector<16xi32>
    %add3A_522 = arith.addi %get3A_521, %mul3A_191 : vector<16xi32>
    %swap3A_523 = arith.constant 272 : index
    %swap3A_524 = tpu.vector_load %arg5[%swap3A_523] {strides = array<i32>} : memref<3328xi32, #tpu.memory_space<vmem>>, vector<16xi32>,
    %swap3A_525 = vector.shape_cast %swap3A_524 : vector<16xi32> to vector<16xi32>
    %swap3A_526 = vector.shape_cast %add3A_522 : vector<16xi32> to vector<16xi32>
    tpu.vector_store %arg5[%swap3A_523], %swap3A_526 {strides = array<i32>} : memref<3328xi32, #tpu.memory_space<vmem>>, vector<16xi32>,
    %get3A_527 = arith.constant 288 : index
    %get3A_528 = tpu.vector_load %arg5[%get3A_527] {strides = array<i32>} : memref<3328xi32, #tpu.memory_space<vmem>>, vector<16xi32>,
    %get3A_529 = vector.shape_cast %get3A_528 : vector<16xi32> to vector<16xi32>
    %add3A_530 = arith.addi %get3A_529, %mul3A_51 : vector<16xi32>
    %swap3A_531 = arith.constant 288 : index
    %swap3A_532 = tpu.vector_load %arg5[%swap3A_531] {strides = array<i32>} : memref<3328xi32, #tpu.memory_space<vmem>>, vector<16xi32>,
    %swap3A_533 = vector.shape_cast %swap3A_532 : vector<16xi32> to vector<16xi32>
    %swap3A_534 = vector.shape_cast %add3A_530 : vector<16xi32> to vector<16xi32>
    tpu.vector_store %arg5[%swap3A_531], %swap3A_534 {strides = array<i32>} : memref<3328xi32, #tpu.memory_space<vmem>>, vector<16xi32>,
    %get3A_535 = arith.constant 304 : index
    %get3A_536 = tpu.vector_load %arg5[%get3A_535] {strides = array<i32>} : memref<3328xi32, #tpu.memory_space<vmem>>, vector<16xi32>,
    %get3A_537 = vector.shape_cast %get3A_536 : vector<16xi32> to vector<16xi32>
    %add3A_538 = arith.addi %get3A_537, %mul3A_275 : vector<16xi32>
    %swap3A_539 = arith.constant 304 : index
    %swap3A_540 = tpu.vector_load %arg5[%swap3A_539] {strides = array<i32>} : memref<3328xi32, #tpu.memory_space<vmem>>, vector<16xi32>,
    %swap3A_541 = vector.shape_cast %swap3A_540 : vector<16xi32> to vector<16xi32>
    %swap3A_542 = vector.shape_cast %add3A_538 : vector<16xi32> to vector<16xi32>
    tpu.vector_store %arg5[%swap3A_539], %swap3A_542 {strides = array<i32>} : memref<3328xi32, #tpu.memory_space<vmem>>, vector<16xi32>,
    %get3A_543 = arith.constant 320 : index
    %get3A_544 = tpu.vector_load %arg5[%get3A_543] {strides = array<i32>} : memref<3328xi32, #tpu.memory_space<vmem>>, vector<16xi32>,
    %get3A_545 = vector.shape_cast %get3A_544 : vector<16xi32> to vector<16xi32>
    %add3A_546 = arith.addi %get3A_545, %mul3A_135 : vector<16xi32>
    %swap3A_547 = arith.constant 320 : index
    %swap3A_548 = tpu.vector_load %arg5[%swap3A_547] {strides = array<i32>} : memref<3328xi32, #tpu.memory_space<vmem>>, vector<16xi32>,
    %swap3A_549 = vector.shape_cast %swap3A_548 : vector<16xi32> to vector<16xi32>
    %swap3A_550 = vector.shape_cast %add3A_546 : vector<16xi32> to vector<16xi32>
    tpu.vector_store %arg5[%swap3A_547], %swap3A_550 {strides = array<i32>} : memref<3328xi32, #tpu.memory_space<vmem>>, vector<16xi32>,
    %get3A_551 = arith.constant 336 : index
    %get3A_552 = tpu.vector_load %arg5[%get3A_551] {strides = array<i32>} : memref<3328xi32, #tpu.memory_space<vmem>>, vector<16xi32>,
    %get3A_553 = vector.shape_cast %get3A_552 : vector<16xi32> to vector<16xi32>
    %add3A_554 = arith.addi %get3A_553, %mul3A_359 : vector<16xi32>
    %swap3A_555 = arith.constant 336 : index
    %swap3A_556 = tpu.vector_load %arg5[%swap3A_555] {strides = array<i32>} : memref<3328xi32, #tpu.memory_space<vmem>>, vector<16xi32>,
    %swap3A_557 = vector.shape_cast %swap3A_556 : vector<16xi32> to vector<16xi32>
    %swap3A_558 = vector.shape_cast %add3A_554 : vector<16xi32> to vector<16xi32>
    tpu.vector_store %arg5[%swap3A_555], %swap3A_558 {strides = array<i32>} : memref<3328xi32, #tpu.memory_space<vmem>>, vector<16xi32>,
    %get3A_559 = arith.constant 352 : index
    %get3A_560 = tpu.vector_load %arg5[%get3A_559] {strides = array<i32>} : memref<3328xi32, #tpu.memory_space<vmem>>, vector<16xi32>,
    %get3A_561 = vector.shape_cast %get3A_560 : vector<16xi32> to vector<16xi32>
    %add3A_562 = arith.addi %get3A_561, %mul3A_219 : vector<16xi32>
    %swap3A_563 = arith.constant 352 : index
    %swap3A_564 = tpu.vector_load %arg5[%swap3A_563] {strides = array<i32>} : memref<3328xi32, #tpu.memory_space<vmem>>, vector<16xi32>,
    %swap3A_565 = vector.shape_cast %swap3A_564 : vector<16xi32> to vector<16xi32>
    %swap3A_566 = vector.shape_cast %add3A_562 : vector<16xi32> to vector<16xi32>
    tpu.vector_store %arg5[%swap3A_563], %swap3A_566 {strides = array<i32>} : memref<3328xi32, #tpu.memory_space<vmem>>, vector<16xi32>,
    %get3A_567 = arith.constant 368 : index
    %get3A_568 = tpu.vector_load %arg5[%get3A_567] {strides = array<i32>} : memref<3328xi32, #tpu.memory_space<vmem>>, vector<16xi32>,
    %get3A_569 = vector.shape_cast %get3A_568 : vector<16xi32> to vector<16xi32>
    %add3A_570 = arith.addi %get3A_569, %mul3A_79 : vector<16xi32>
    %swap3A_571 = arith.constant 368 : index
    %swap3A_572 = tpu.vector_load %arg5[%swap3A_571] {strides = array<i32>} : memref<3328xi32, #tpu.memory_space<vmem>>, vector<16xi32>,
    %swap3A_573 = vector.shape_cast %swap3A_572 : vector<16xi32> to vector<16xi32>
    %swap3A_574 = vector.shape_cast %add3A_570 : vector<16xi32> to vector<16xi32>
    tpu.vector_store %arg5[%swap3A_571], %swap3A_574 {strides = array<i32>} : memref<3328xi32, #tpu.memory_space<vmem>>, vector<16xi32>,
    %get3A_575 = arith.constant 384 : index
    %get3A_576 = tpu.vector_load %arg5[%get3A_575] {strides = array<i32>} : memref<3328xi32, #tpu.memory_space<vmem>>, vector<16xi32>,
    %get3A_577 = vector.shape_cast %get3A_576 : vector<16xi32> to vector<16xi32>
    %add3A_578 = arith.addi %get3A_577, %mul3A_303 : vector<16xi32>
    %swap3A_579 = arith.constant 384 : index
    %swap3A_580 = tpu.vector_load %arg5[%swap3A_579] {strides = array<i32>} : memref<3328xi32, #tpu.memory_space<vmem>>, vector<16xi32>,
    %swap3A_581 = vector.shape_cast %swap3A_580 : vector<16xi32> to vector<16xi32>
    %swap3A_582 = vector.shape_cast %add3A_578 : vector<16xi32> to vector<16xi32>
    tpu.vector_store %arg5[%swap3A_579], %swap3A_582 {strides = array<i32>} : memref<3328xi32, #tpu.memory_space<vmem>>, vector<16xi32>,
    %get3A_583 = arith.constant 400 : index
    %get3A_584 = tpu.vector_load %arg5[%get3A_583] {strides = array<i32>} : memref<3328xi32, #tpu.memory_space<vmem>>, vector<16xi32>,
    %get3A_585 = vector.shape_cast %get3A_584 : vector<16xi32> to vector<16xi32>
    %add3A_586 = arith.addi %get3A_585, %mul3A_163 : vector<16xi32>
    %swap3A_587 = arith.constant 400 : index
    %swap3A_588 = tpu.vector_load %arg5[%swap3A_587] {strides = array<i32>} : memref<3328xi32, #tpu.memory_space<vmem>>, vector<16xi32>,
    %swap3A_589 = vector.shape_cast %swap3A_588 : vector<16xi32> to vector<16xi32>
    %swap3A_590 = vector.shape_cast %add3A_586 : vector<16xi32> to vector<16xi32>
    tpu.vector_store %arg5[%swap3A_587], %swap3A_590 {strides = array<i32>} : memref<3328xi32, #tpu.memory_space<vmem>>, vector<16xi32>,
    %get3A_591 = arith.constant 416 : index
    %get3A_592 = tpu.vector_load %arg5[%get3A_591] {strides = array<i32>} : memref<3328xi32, #tpu.memory_space<vmem>>, vector<16xi32>,
    %get3A_593 = vector.shape_cast %get3A_592 : vector<16xi32> to vector<16xi32>
    %add3A_594 = arith.addi %get3A_593, %mul3A_23 : vector<16xi32>
    %swap3A_595 = arith.constant 416 : index
    %swap3A_596 = tpu.vector_load %arg5[%swap3A_595] {strides = array<i32>} : memref<3328xi32, #tpu.memory_space<vmem>>, vector<16xi32>,
    %swap3A_597 = vector.shape_cast %swap3A_596 : vector<16xi32> to vector<16xi32>
    %swap3A_598 = vector.shape_cast %add3A_594 : vector<16xi32> to vector<16xi32>
    tpu.vector_store %arg5[%swap3A_595], %swap3A_598 {strides = array<i32>} : memref<3328xi32, #tpu.memory_space<vmem>>, vector<16xi32>,
    %get3A_599 = arith.constant 432 : index
    %get3A_600 = tpu.vector_load %arg5[%get3A_599] {strides = array<i32>} : memref<3328xi32, #tpu.memory_space<vmem>>, vector<16xi32>,
    %get3A_601 = vector.shape_cast %get3A_600 : vector<16xi32> to vector<16xi32>
    %add3A_602 = arith.addi %get3A_601, %mul3A_247 : vector<16xi32>
    %swap3A_603 = arith.constant 432 : index
    %swap3A_604 = tpu.vector_load %arg5[%swap3A_603] {strides = array<i32>} : memref<3328xi32, #tpu.memory_space<vmem>>, vector<16xi32>,
    %swap3A_605 = vector.shape_cast %swap3A_604 : vector<16xi32> to vector<16xi32>
    %swap3A_606 = vector.shape_cast %add3A_602 : vector<16xi32> to vector<16xi32>
    tpu.vector_store %arg5[%swap3A_603], %swap3A_606 {strides = array<i32>} : memref<3328xi32, #tpu.memory_space<vmem>>, vector<16xi32>,
    %get3A_607 = arith.constant 448 : index
    %get3A_608 = tpu.vector_load %arg5[%get3A_607] {strides = array<i32>} : memref<3328xi32, #tpu.memory_space<vmem>>, vector<16xi32>,
    %get3A_609 = vector.shape_cast %get3A_608 : vector<16xi32> to vector<16xi32>
    %add3A_610 = arith.addi %get3A_609, %mul3A_107 : vector<16xi32>
    %swap3A_611 = arith.constant 448 : index
    %swap3A_612 = tpu.vector_load %arg5[%swap3A_611] {strides = array<i32>} : memref<3328xi32, #tpu.memory_space<vmem>>, vector<16xi32>,
    %swap3A_613 = vector.shape_cast %swap3A_612 : vector<16xi32> to vector<16xi32>
    %swap3A_614 = vector.shape_cast %add3A_610 : vector<16xi32> to vector<16xi32>
    tpu.vector_store %arg5[%swap3A_611], %swap3A_614 {strides = array<i32>} : memref<3328xi32, #tpu.memory_space<vmem>>, vector<16xi32>,
    %get3A_615 = arith.constant 464 : index
    %get3A_616 = tpu.vector_load %arg5[%get3A_615] {strides = array<i32>} : memref<3328xi32, #tpu.memory_space<vmem>>, vector<16xi32>,
    %get3A_617 = vector.shape_cast %get3A_616 : vector<16xi32> to vector<16xi32>
    %add3A_618 = arith.addi %get3A_617, %mul3A_331 : vector<16xi32>
    %swap3A_619 = arith.constant 464 : index
    %swap3A_620 = tpu.vector_load %arg5[%swap3A_619] {strides = array<i32>} : memref<3328xi32, #tpu.memory_space<vmem>>, vector<16xi32>,
    %swap3A_621 = vector.shape_cast %swap3A_620 : vector<16xi32> to vector<16xi32>
    %swap3A_622 = vector.shape_cast %add3A_618 : vector<16xi32> to vector<16xi32>
    tpu.vector_store %arg5[%swap3A_619], %swap3A_622 {strides = array<i32>} : memref<3328xi32, #tpu.memory_space<vmem>>, vector<16xi32>,
    %get3A_623 = arith.constant 480 : index
    %get3A_624 = tpu.vector_load %arg5[%get3A_623] {strides = array<i32>} : memref<3328xi32, #tpu.memory_space<vmem>>, vector<16xi32>,
    %get3A_625 = vector.shape_cast %get3A_624 : vector<16xi32> to vector<16xi32>
    %add3A_626 = arith.addi %get3A_625, %mul3A_191 : vector<16xi32>
    %swap3A_627 = arith.constant 480 : index
    %swap3A_628 = tpu.vector_load %arg5[%swap3A_627] {strides = array<i32>} : memref<3328xi32, #tpu.memory_space<vmem>>, vector<16xi32>,
    %swap3A_629 = vector.shape_cast %swap3A_628 : vector<16xi32> to vector<16xi32>
    %swap3A_630 = vector.shape_cast %add3A_626 : vector<16xi32> to vector<16xi32>
    tpu.vector_store %arg5[%swap3A_627], %swap3A_630 {strides = array<i32>} : memref<3328xi32, #tpu.memory_space<vmem>>, vector<16xi32>,
    %get3A_631 = arith.constant 496 : index
    %get3A_632 = tpu.vector_load %arg5[%get3A_631] {strides = array<i32>} : memref<3328xi32, #tpu.memory_space<vmem>>, vector<16xi32>,
    %get3A_633 = vector.shape_cast %get3A_632 : vector<16xi32> to vector<16xi32>
    %add3A_634 = arith.addi %get3A_633, %mul3A_51 : vector<16xi32>
    %swap3A_635 = arith.constant 496 : index
    %swap3A_636 = tpu.vector_load %arg5[%swap3A_635] {strides = array<i32>} : memref<3328xi32, #tpu.memory_space<vmem>>, vector<16xi32>,
    %swap3A_637 = vector.shape_cast %swap3A_636 : vector<16xi32> to vector<16xi32>
    %swap3A_638 = vector.shape_cast %add3A_634 : vector<16xi32> to vector<16xi32>
    tpu.vector_store %arg5[%swap3A_635], %swap3A_638 {strides = array<i32>} : memref<3328xi32, #tpu.memory_space<vmem>>, vector<16xi32>,
    %dma_start3A_639 = arith.constant 1 : i32
    %dma_start3A_640 = arith.constant 0 : i32
    %dma_start3A_641 = arith.constant 0 : i32
    %dma_start3A_642 = tpu.memref_slice %arg6[%dma_start3A_639, %dma_start3A_640, %dma_start3A_641] : memref<3x256x64xf32, #tpu.memory_space<vmem>> -> memref<1x256x64xf32, #tpu.memory_space<vmem>>
    %dma_start3A_643 = tpu.memref_squeeze %dma_start3A_642 : memref<1x256x64xf32, #tpu.memory_space<vmem>> -> memref<256x64xf32, #tpu.memory_space<vmem>>
    %dma_start3A_644 = arith.constant 0 : i32
    %dma_start3A_645 = arith.constant 0 : i32
    %dma_start3A_646 = tpu.memref_slice %dma_start3A_643[%dma_start3A_644, %dma_start3A_645] : memref<256x64xf32, #tpu.memory_space<vmem>> -> memref<128x64xf32, #tpu.memory_space<vmem>>
    %dma_start3A_647 = arith.constant 256 : i32
    %dma_start3A_648 = tpu.memref_slice %arg5[%dma_start3A_647] : memref<3328xi32, #tpu.memory_space<vmem>> -> memref<128xi32, #tpu.memory_space<vmem>>
    %dma_start3A_649 = arith.constant 0 : i32
    %dma_start3A_650 = arith.constant 0 : i32
    %dma_start3A_651 = tpu.memref_slice %arg3[%dma_start3A_649, %dma_start3A_650] : memref<26000x64xf32, #tpu.memory_space<hbm>> -> memref<26000x64xf32, #tpu.memory_space<hbm>>
    tpu.enqueue_indirect_dma source(%dma_start3A_651 : memref<26000x64xf32, #tpu.memory_space<hbm>>) target(%dma_start3A_646 : memref<128x64xf32, #tpu.memory_space<vmem>>) offsets(%dma_start3A_648 : memref<128xi32, #tpu.memory_space<vmem>>) semaphore(%arg9 : memref<!tpu.dma_semaphore, #tpu.memory_space<semaphore_mem>>)
    %dma_start3A_652 = arith.constant 1 : i32
    %dma_start3A_653 = arith.constant 0 : i32
    %dma_start3A_654 = arith.constant 0 : i32
    %dma_start3A_655 = tpu.memref_slice %arg6[%dma_start3A_652, %dma_start3A_653, %dma_start3A_654] : memref<3x256x64xf32, #tpu.memory_space<vmem>> -> memref<1x256x64xf32, #tpu.memory_space<vmem>>
    %dma_start3A_656 = tpu.memref_squeeze %dma_start3A_655 : memref<1x256x64xf32, #tpu.memory_space<vmem>> -> memref<256x64xf32, #tpu.memory_space<vmem>>
    %dma_start3A_657 = arith.constant 128 : i32
    %dma_start3A_658 = arith.constant 0 : i32
    %dma_start3A_659 = tpu.memref_slice %dma_start3A_656[%dma_start3A_657, %dma_start3A_658] : memref<256x64xf32, #tpu.memory_space<vmem>> -> memref<128x64xf32, #tpu.memory_space<vmem>>
    %dma_start3A_660 = arith.constant 384 : i32
    %dma_start3A_661 = tpu.memref_slice %arg5[%dma_start3A_660] : memref<3328xi32, #tpu.memory_space<vmem>> -> memref<128xi32, #tpu.memory_space<vmem>>
    %dma_start3A_662 = arith.constant 0 : i32
    %dma_start3A_663 = arith.constant 0 : i32
    %dma_start3A_664 = tpu.memref_slice %arg3[%dma_start3A_662, %dma_start3A_663] : memref<26000x64xf32, #tpu.memory_space<hbm>> -> memref<26000x64xf32, #tpu.memory_space<hbm>>
    tpu.enqueue_indirect_dma source(%dma_start3A_664 : memref<26000x64xf32, #tpu.memory_space<hbm>>) target(%dma_start3A_659 : memref<128x64xf32, #tpu.memory_space<vmem>>) offsets(%dma_start3A_661 : memref<128xi32, #tpu.memory_space<vmem>>) semaphore(%arg10 : memref<!tpu.dma_semaphore, #tpu.memory_space<semaphore_mem>>)
    %get3A_665 = arith.constant 512 : index
    %get3A_666 = tpu.vector_load %arg5[%get3A_665] {strides = array<i32>} : memref<3328xi32, #tpu.memory_space<vmem>>, vector<16xi32>,
    %get3A_667 = vector.shape_cast %get3A_666 : vector<16xi32> to vector<16xi32>
    %add3A_668 = arith.addi %get3A_667, %mul3A_275 : vector<16xi32>
    %swap3A_669 = arith.constant 512 : index
    %swap3A_670 = tpu.vector_load %arg5[%swap3A_669] {strides = array<i32>} : memref<3328xi32, #tpu.memory_space<vmem>>, vector<16xi32>,
    %swap3A_671 = vector.shape_cast %swap3A_670 : vector<16xi32> to vector<16xi32>
    %swap3A_672 = vector.shape_cast %add3A_668 : vector<16xi32> to vector<16xi32>
    tpu.vector_store %arg5[%swap3A_669], %swap3A_672 {strides = array<i32>} : memref<3328xi32, #tpu.memory_space<vmem>>, vector<16xi32>,
    %get3A_673 = arith.constant 528 : index
    %get3A_674 = tpu.vector_load %arg5[%get3A_673] {strides = array<i32>} : memref<3328xi32, #tpu.memory_space<vmem>>, vector<16xi32>,
    %get3A_675 = vector.shape_cast %get3A_674 : vector<16xi32> to vector<16xi32>
    %add3A_676 = arith.addi %get3A_675, %mul3A_135 : vector<16xi32>
    %swap3A_677 = arith.constant 528 : index
    %swap3A_678 = tpu.vector_load %arg5[%swap3A_677] {strides = array<i32>} : memref<3328xi32, #tpu.memory_space<vmem>>, vector<16xi32>,
    %swap3A_679 = vector.shape_cast %swap3A_678 : vector<16xi32> to vector<16xi32>
    %swap3A_680 = vector.shape_cast %add3A_676 : vector<16xi32> to vector<16xi32>
    tpu.vector_store %arg5[%swap3A_677], %swap3A_680 {strides = array<i32>} : memref<3328xi32, #tpu.memory_space<vmem>>, vector<16xi32>,
    %get3A_681 = arith.constant 544 : index
    %get3A_682 = tpu.vector_load %arg5[%get3A_681] {strides = array<i32>} : memref<3328xi32, #tpu.memory_space<vmem>>, vector<16xi32>,
    %get3A_683 = vector.shape_cast %get3A_682 : vector<16xi32> to vector<16xi32>
    %add3A_684 = arith.addi %get3A_683, %mul3A_359 : vector<16xi32>
    %swap3A_685 = arith.constant 544 : index
    %swap3A_686 = tpu.vector_load %arg5[%swap3A_685] {strides = array<i32>} : memref<3328xi32, #tpu.memory_space<vmem>>, vector<16xi32>,
    %swap3A_687 = vector.shape_cast %swap3A_686 : vector<16xi32> to vector<16xi32>
    %swap3A_688 = vector.shape_cast %add3A_684 : vector<16xi32> to vector<16xi32>
    tpu.vector_store %arg5[%swap3A_685], %swap3A_688 {strides = array<i32>} : memref<3328xi32, #tpu.memory_space<vmem>>, vector<16xi32>,
    %get3A_689 = arith.constant 560 : index
    %get3A_690 = tpu.vector_load %arg5[%get3A_689] {strides = array<i32>} : memref<3328xi32, #tpu.memory_space<vmem>>, vector<16xi32>,
    %get3A_691 = vector.shape_cast %get3A_690 : vector<16xi32> to vector<16xi32>
    %add3A_692 = arith.addi %get3A_691, %mul3A_219 : vector<16xi32>
    %swap3A_693 = arith.constant 560 : index
    %swap3A_694 = tpu.vector_load %arg5[%swap3A_693] {strides = array<i32>} : memref<3328xi32, #tpu.memory_space<vmem>>, vector<16xi32>,
    %swap3A_695 = vector.shape_cast %swap3A_694 : vector<16xi32> to vector<16xi32>
    %swap3A_696 = vector.shape_cast %add3A_692 : vector<16xi32> to vector<16xi32>
    tpu.vector_store %arg5[%swap3A_693], %swap3A_696 {strides = array<i32>} : memref<3328xi32, #tpu.memory_space<vmem>>, vector<16xi32>,
    %get3A_697 = arith.constant 576 : index
    %get3A_698 = tpu.vector_load %arg5[%get3A_697] {strides = array<i32>} : memref<3328xi32, #tpu.memory_space<vmem>>, vector<16xi32>,
    %get3A_699 = vector.shape_cast %get3A_698 : vector<16xi32> to vector<16xi32>
    %add3A_700 = arith.addi %get3A_699, %mul3A_79 : vector<16xi32>
    %swap3A_701 = arith.constant 576 : index
    %swap3A_702 = tpu.vector_load %arg5[%swap3A_701] {strides = array<i32>} : memref<3328xi32, #tpu.memory_space<vmem>>, vector<16xi32>,
    %swap3A_703 = vector.shape_cast %swap3A_702 : vector<16xi32> to vector<16xi32>
    %swap3A_704 = vector.shape_cast %add3A_700 : vector<16xi32> to vector<16xi32>
    tpu.vector_store %arg5[%swap3A_701], %swap3A_704 {strides = array<i32>} : memref<3328xi32, #tpu.memory_space<vmem>>, vector<16xi32>,
    %get3A_705 = arith.constant 592 : index
    %get3A_706 = tpu.vector_load %arg5[%get3A_705] {strides = array<i32>} : memref<3328xi32, #tpu.memory_space<vmem>>, vector<16xi32>,
    %get3A_707 = vector.shape_cast %get3A_706 : vector<16xi32> to vector<16xi32>
    %add3A_708 = arith.addi %get3A_707, %mul3A_303 : vector<16xi32>
    %swap3A_709 = arith.constant 592 : index
    %swap3A_710 = tpu.vector_load %arg5[%swap3A_709] {strides = array<i32>} : memref<3328xi32, #tpu.memory_space<vmem>>, vector<16xi32>,
    %swap3A_711 = vector.shape_cast %swap3A_710 : vector<16xi32> to vector<16xi32>
    %swap3A_712 = vector.shape_cast %add3A_708 : vector<16xi32> to vector<16xi32>
    tpu.vector_store %arg5[%swap3A_709], %swap3A_712 {strides = array<i32>} : memref<3328xi32, #tpu.memory_space<vmem>>, vector<16xi32>,
    %get3A_713 = arith.constant 608 : index
    %get3A_714 = tpu.vector_load %arg5[%get3A_713] {strides = array<i32>} : memref<3328xi32, #tpu.memory_space<vmem>>, vector<16xi32>,
    %get3A_715 = vector.shape_cast %get3A_714 : vector<16xi32> to vector<16xi32>
    %add3A_716 = arith.addi %get3A_715, %mul3A_163 : vector<16xi32>
    %swap3A_717 = arith.constant 608 : index
    %swap3A_718 = tpu.vector_load %arg5[%swap3A_717] {strides = array<i32>} : memref<3328xi32, #tpu.memory_space<vmem>>, vector<16xi32>,
    %swap3A_719 = vector.shape_cast %swap3A_718 : vector<16xi32> to vector<16xi32>
    %swap3A_720 = vector.shape_cast %add3A_716 : vector<16xi32> to vector<16xi32>
    tpu.vector_store %arg5[%swap3A_717], %swap3A_720 {strides = array<i32>} : memref<3328xi32, #tpu.memory_space<vmem>>, vector<16xi32>,
    %get3A_721 = arith.constant 624 : index
    %get3A_722 = tpu.vector_load %arg5[%get3A_721] {strides = array<i32>} : memref<3328xi32, #tpu.memory_space<vmem>>, vector<16xi32>,
    %get3A_723 = vector.shape_cast %get3A_722 : vector<16xi32> to vector<16xi32>
    %add3A_724 = arith.addi %get3A_723, %mul3A_23 : vector<16xi32>
    %swap3A_725 = arith.constant 624 : index
    %swap3A_726 = tpu.vector_load %arg5[%swap3A_725] {strides = array<i32>} : memref<3328xi32, #tpu.memory_space<vmem>>, vector<16xi32>,
    %swap3A_727 = vector.shape_cast %swap3A_726 : vector<16xi32> to vector<16xi32>
    %swap3A_728 = vector.shape_cast %add3A_724 : vector<16xi32> to vector<16xi32>
    tpu.vector_store %arg5[%swap3A_725], %swap3A_728 {strides = array<i32>} : memref<3328xi32, #tpu.memory_space<vmem>>, vector<16xi32>,
    %get3A_729 = arith.constant 640 : index
    %get3A_730 = tpu.vector_load %arg5[%get3A_729] {strides = array<i32>} : memref<3328xi32, #tpu.memory_space<vmem>>, vector<16xi32>,
    %get3A_731 = vector.shape_cast %get3A_730 : vector<16xi32> to vector<16xi32>
    %add3A_732 = arith.addi %get3A_731, %mul3A_247 : vector<16xi32>
    %swap3A_733 = arith.constant 640 : index
    %swap3A_734 = tpu.vector_load %arg5[%swap3A_733] {strides = array<i32>} : memref<3328xi32, #tpu.memory_space<vmem>>, vector<16xi32>,
    %swap3A_735 = vector.shape_cast %swap3A_734 : vector<16xi32> to vector<16xi32>
    %swap3A_736 = vector.shape_cast %add3A_732 : vector<16xi32> to vector<16xi32>
    tpu.vector_store %arg5[%swap3A_733], %swap3A_736 {strides = array<i32>} : memref<3328xi32, #tpu.memory_space<vmem>>, vector<16xi32>,
    %get3A_737 = arith.constant 656 : index
    %get3A_738 = tpu.vector_load %arg5[%get3A_737] {strides = array<i32>} : memref<3328xi32, #tpu.memory_space<vmem>>, vector<16xi32>,
    %get3A_739 = vector.shape_cast %get3A_738 : vector<16xi32> to vector<16xi32>
    %add3A_740 = arith.addi %get3A_739, %mul3A_107 : vector<16xi32>
    %swap3A_741 = arith.constant 656 : index
    %swap3A_742 = tpu.vector_load %arg5[%swap3A_741] {strides = array<i32>} : memref<3328xi32, #tpu.memory_space<vmem>>, vector<16xi32>,
    %swap3A_743 = vector.shape_cast %swap3A_742 : vector<16xi32> to vector<16xi32>
    %swap3A_744 = vector.shape_cast %add3A_740 : vector<16xi32> to vector<16xi32>
    tpu.vector_store %arg5[%swap3A_741], %swap3A_744 {strides = array<i32>} : memref<3328xi32, #tpu.memory_space<vmem>>, vector<16xi32>,
    %get3A_745 = arith.constant 672 : index
    %get3A_746 = tpu.vector_load %arg5[%get3A_745] {strides = array<i32>} : memref<3328xi32, #tpu.memory_space<vmem>>, vector<16xi32>,
    %get3A_747 = vector.shape_cast %get3A_746 : vector<16xi32> to vector<16xi32>
    %add3A_748 = arith.addi %get3A_747, %mul3A_331 : vector<16xi32>
    %swap3A_749 = arith.constant 672 : index
    %swap3A_750 = tpu.vector_load %arg5[%swap3A_749] {strides = array<i32>} : memref<3328xi32, #tpu.memory_space<vmem>>, vector<16xi32>,
    %swap3A_751 = vector.shape_cast %swap3A_750 : vector<16xi32> to vector<16xi32>
    %swap3A_752 = vector.shape_cast %add3A_748 : vector<16xi32> to vector<16xi32>
    tpu.vector_store %arg5[%swap3A_749], %swap3A_752 {strides = array<i32>} : memref<3328xi32, #tpu.memory_space<vmem>>, vector<16xi32>,
    %get3A_753 = arith.constant 688 : index
    %get3A_754 = tpu.vector_load %arg5[%get3A_753] {strides = array<i32>} : memref<3328xi32, #tpu.memory_space<vmem>>, vector<16xi32>,
    %get3A_755 = vector.shape_cast %get3A_754 : vector<16xi32> to vector<16xi32>
    %add3A_756 = arith.addi %get3A_755, %mul3A_191 : vector<16xi32>
    %swap3A_757 = arith.constant 688 : index
    %swap3A_758 = tpu.vector_load %arg5[%swap3A_757] {strides = array<i32>} : memref<3328xi32, #tpu.memory_space<vmem>>, vector<16xi32>,
    %swap3A_759 = vector.shape_cast %swap3A_758 : vector<16xi32> to vector<16xi32>
    %swap3A_760 = vector.shape_cast %add3A_756 : vector<16xi32> to vector<16xi32>
    tpu.vector_store %arg5[%swap3A_757], %swap3A_760 {strides = array<i32>} : memref<3328xi32, #tpu.memory_space<vmem>>, vector<16xi32>,
    %get3A_761 = arith.constant 704 : index
    %get3A_762 = tpu.vector_load %arg5[%get3A_761] {strides = array<i32>} : memref<3328xi32, #tpu.memory_space<vmem>>, vector<16xi32>,
    %get3A_763 = vector.shape_cast %get3A_762 : vector<16xi32> to vector<16xi32>
    %add3A_764 = arith.addi %get3A_763, %mul3A_51 : vector<16xi32>
    %swap3A_765 = arith.constant 704 : index
    %swap3A_766 = tpu.vector_load %arg5[%swap3A_765] {strides = array<i32>} : memref<3328xi32, #tpu.memory_space<vmem>>, vector<16xi32>,
    %swap3A_767 = vector.shape_cast %swap3A_766 : vector<16xi32> to vector<16xi32>
    %swap3A_768 = vector.shape_cast %add3A_764 : vector<16xi32> to vector<16xi32>
    tpu.vector_store %arg5[%swap3A_765], %swap3A_768 {strides = array<i32>} : memref<3328xi32, #tpu.memory_space<vmem>>, vector<16xi32>,
    %get3A_769 = arith.constant 720 : index
    %get3A_770 = tpu.vector_load %arg5[%get3A_769] {strides = array<i32>} : memref<3328xi32, #tpu.memory_space<vmem>>, vector<16xi32>,
    %get3A_771 = vector.shape_cast %get3A_770 : vector<16xi32> to vector<16xi32>
    %add3A_772 = arith.addi %get3A_771, %mul3A_275 : vector<16xi32>
    %swap3A_773 = arith.constant 720 : index
    %swap3A_774 = tpu.vector_load %arg5[%swap3A_773] {strides = array<i32>} : memref<3328xi32, #tpu.memory_space<vmem>>, vector<16xi32>,
    %swap3A_775 = vector.shape_cast %swap3A_774 : vector<16xi32> to vector<16xi32>
    %swap3A_776 = vector.shape_cast %add3A_772 : vector<16xi32> to vector<16xi32>
    tpu.vector_store %arg5[%swap3A_773], %swap3A_776 {strides = array<i32>} : memref<3328xi32, #tpu.memory_space<vmem>>, vector<16xi32>,
    %get3A_777 = arith.constant 736 : index
    %get3A_778 = tpu.vector_load %arg5[%get3A_777] {strides = array<i32>} : memref<3328xi32, #tpu.memory_space<vmem>>, vector<16xi32>,
    %get3A_779 = vector.shape_cast %get3A_778 : vector<16xi32> to vector<16xi32>
    %add3A_780 = arith.addi %get3A_779, %mul3A_135 : vector<16xi32>
    %swap3A_781 = arith.constant 736 : index
    %swap3A_782 = tpu.vector_load %arg5[%swap3A_781] {strides = array<i32>} : memref<3328xi32, #tpu.memory_space<vmem>>, vector<16xi32>,
    %swap3A_783 = vector.shape_cast %swap3A_782 : vector<16xi32> to vector<16xi32>
    %swap3A_784 = vector.shape_cast %add3A_780 : vector<16xi32> to vector<16xi32>
    tpu.vector_store %arg5[%swap3A_781], %swap3A_784 {strides = array<i32>} : memref<3328xi32, #tpu.memory_space<vmem>>, vector<16xi32>,
    %get3A_785 = arith.constant 752 : index
    %get3A_786 = tpu.vector_load %arg5[%get3A_785] {strides = array<i32>} : memref<3328xi32, #tpu.memory_space<vmem>>, vector<16xi32>,
    %get3A_787 = vector.shape_cast %get3A_786 : vector<16xi32> to vector<16xi32>
    %add3A_788 = arith.addi %get3A_787, %mul3A_359 : vector<16xi32>
    %swap3A_789 = arith.constant 752 : index
    %swap3A_790 = tpu.vector_load %arg5[%swap3A_789] {strides = array<i32>} : memref<3328xi32, #tpu.memory_space<vmem>>, vector<16xi32>,
    %swap3A_791 = vector.shape_cast %swap3A_790 : vector<16xi32> to vector<16xi32>
    %swap3A_792 = vector.shape_cast %add3A_788 : vector<16xi32> to vector<16xi32>
    tpu.vector_store %arg5[%swap3A_789], %swap3A_792 {strides = array<i32>} : memref<3328xi32, #tpu.memory_space<vmem>>, vector<16xi32>,
    %dma_start3A_793 = arith.constant 2 : i32
    %dma_start3A_794 = arith.constant 0 : i32
    %dma_start3A_795 = arith.constant 0 : i32
    %dma_start3A_796 = tpu.memref_slice %arg6[%dma_start3A_793, %dma_start3A_794, %dma_start3A_795] : memref<3x256x64xf32, #tpu.memory_space<vmem>> -> memref<1x256x64xf32, #tpu.memory_space<vmem>>
    %dma_start3A_797 = tpu.memref_squeeze %dma_start3A_796 : memref<1x256x64xf32, #tpu.memory_space<vmem>> -> memref<256x64xf32, #tpu.memory_space<vmem>>
    %dma_start3A_798 = arith.constant 0 : i32
    %dma_start3A_799 = arith.constant 0 : i32
    %dma_start3A_800 = tpu.memref_slice %dma_start3A_797[%dma_start3A_798, %dma_start3A_799] : memref<256x64xf32, #tpu.memory_space<vmem>> -> memref<128x64xf32, #tpu.memory_space<vmem>>
    %dma_start3A_801 = arith.constant 512 : i32
    %dma_start3A_802 = tpu.memref_slice %arg5[%dma_start3A_801] : memref<3328xi32, #tpu.memory_space<vmem>> -> memref<128xi32, #tpu.memory_space<vmem>>
    %dma_start3A_803 = arith.constant 0 : i32
    %dma_start3A_804 = arith.constant 0 : i32
    %dma_start3A_805 = tpu.memref_slice %arg3[%dma_start3A_803, %dma_start3A_804] : memref<26000x64xf32, #tpu.memory_space<hbm>> -> memref<26000x64xf32, #tpu.memory_space<hbm>>
    tpu.enqueue_indirect_dma source(%dma_start3A_805 : memref<26000x64xf32, #tpu.memory_space<hbm>>) target(%dma_start3A_800 : memref<128x64xf32, #tpu.memory_space<vmem>>) offsets(%dma_start3A_802 : memref<128xi32, #tpu.memory_space<vmem>>) semaphore(%arg11 : memref<!tpu.dma_semaphore, #tpu.memory_space<semaphore_mem>>)
    %dma_start3A_806 = arith.constant 2 : i32
    %dma_start3A_807 = arith.constant 0 : i32
    %dma_start3A_808 = arith.constant 0 : i32
    %dma_start3A_809 = tpu.memref_slice %arg6[%dma_start3A_806, %dma_start3A_807, %dma_start3A_808] : memref<3x256x64xf32, #tpu.memory_space<vmem>> -> memref<1x256x64xf32, #tpu.memory_space<vmem>>
    %dma_start3A_810 = tpu.memref_squeeze %dma_start3A_809 : memref<1x256x64xf32, #tpu.memory_space<vmem>> -> memref<256x64xf32, #tpu.memory_space<vmem>>
    %dma_start3A_811 = arith.constant 128 : i32
    %dma_start3A_812 = arith.constant 0 : i32
    %dma_start3A_813 = tpu.memref_slice %dma_start3A_810[%dma_start3A_811, %dma_start3A_812] : memref<256x64xf32, #tpu.memory_space<vmem>> -> memref<128x64xf32, #tpu.memory_space<vmem>>
    %dma_start3A_814 = arith.constant 640 : i32
    %dma_start3A_815 = tpu.memref_slice %arg5[%dma_start3A_814] : memref<3328xi32, #tpu.memory_space<vmem>> -> memref<128xi32, #tpu.memory_space<vmem>>
    %dma_start3A_816 = arith.constant 0 : i32
    %dma_start3A_817 = arith.constant 0 : i32
    %dma_start3A_818 = tpu.memref_slice %arg3[%dma_start3A_816, %dma_start3A_817] : memref<26000x64xf32, #tpu.memory_space<hbm>> -> memref<26000x64xf32, #tpu.memory_space<hbm>>
    tpu.enqueue_indirect_dma source(%dma_start3A_818 : memref<26000x64xf32, #tpu.memory_space<hbm>>) target(%dma_start3A_813 : memref<128x64xf32, #tpu.memory_space<vmem>>) offsets(%dma_start3A_815 : memref<128xi32, #tpu.memory_space<vmem>>) semaphore(%arg12 : memref<!tpu.dma_semaphore, #tpu.memory_space<semaphore_mem>>)
    %get3A_819 = arith.constant 768 : index
    %get3A_820 = tpu.vector_load %arg5[%get3A_819] {strides = array<i32>} : memref<3328xi32, #tpu.memory_space<vmem>>, vector<16xi32>,
    %get3A_821 = vector.shape_cast %get3A_820 : vector<16xi32> to vector<16xi32>
    %add3A_822 = arith.addi %get3A_821, %mul3A_219 : vector<16xi32>
    %swap3A_823 = arith.constant 768 : index
    %swap3A_824 = tpu.vector_load %arg5[%swap3A_823] {strides = array<i32>} : memref<3328xi32, #tpu.memory_space<vmem>>, vector<16xi32>,
    %swap3A_825 = vector.shape_cast %swap3A_824 : vector<16xi32> to vector<16xi32>
    %swap3A_826 = vector.shape_cast %add3A_822 : vector<16xi32> to vector<16xi32>
    tpu.vector_store %arg5[%swap3A_823], %swap3A_826 {strides = array<i32>} : memref<3328xi32, #tpu.memory_space<vmem>>, vector<16xi32>,
    %get3A_827 = arith.constant 784 : index
    %get3A_828 = tpu.vector_load %arg5[%get3A_827] {strides = array<i32>} : memref<3328xi32, #tpu.memory_space<vmem>>, vector<16xi32>,
    %get3A_829 = vector.shape_cast %get3A_828 : vector<16xi32> to vector<16xi32>
    %add3A_830 = arith.addi %get3A_829, %mul3A_79 : vector<16xi32>
    %swap3A_831 = arith.constant 784 : index
    %swap3A_832 = tpu.vector_load %arg5[%swap3A_831] {strides = array<i32>} : memref<3328xi32, #tpu.memory_space<vmem>>, vector<16xi32>,
    %swap3A_833 = vector.shape_cast %swap3A_832 : vector<16xi32> to vector<16xi32>
    %swap3A_834 = vector.shape_cast %add3A_830 : vector<16xi32> to vector<16xi32>
    tpu.vector_store %arg5[%swap3A_831], %swap3A_834 {strides = array<i32>} : memref<3328xi32, #tpu.memory_space<vmem>>, vector<16xi32>,
    %get3A_835 = arith.constant 800 : index
    %get3A_836 = tpu.vector_load %arg5[%get3A_835] {strides = array<i32>} : memref<3328xi32, #tpu.memory_space<vmem>>, vector<16xi32>,
    %get3A_837 = vector.shape_cast %get3A_836 : vector<16xi32> to vector<16xi32>
    %add3A_838 = arith.addi %get3A_837, %mul3A_303 : vector<16xi32>
    %swap3A_839 = arith.constant 800 : index
    %swap3A_840 = tpu.vector_load %arg5[%swap3A_839] {strides = array<i32>} : memref<3328xi32, #tpu.memory_space<vmem>>, vector<16xi32>,
    %swap3A_841 = vector.shape_cast %swap3A_840 : vector<16xi32> to vector<16xi32>
    %swap3A_842 = vector.shape_cast %add3A_838 : vector<16xi32> to vector<16xi32>
    tpu.vector_store %arg5[%swap3A_839], %swap3A_842 {strides = array<i32>} : memref<3328xi32, #tpu.memory_space<vmem>>, vector<16xi32>,
    %get3A_843 = arith.constant 816 : index
    %get3A_844 = tpu.vector_load %arg5[%get3A_843] {strides = array<i32>} : memref<3328xi32, #tpu.memory_space<vmem>>, vector<16xi32>,
    %get3A_845 = vector.shape_cast %get3A_844 : vector<16xi32> to vector<16xi32>
    %add3A_846 = arith.addi %get3A_845, %mul3A_163 : vector<16xi32>
    %swap3A_847 = arith.constant 816 : index
    %swap3A_848 = tpu.vector_load %arg5[%swap3A_847] {strides = array<i32>} : memref<3328xi32, #tpu.memory_space<vmem>>, vector<16xi32>,
    %swap3A_849 = vector.shape_cast %swap3A_848 : vector<16xi32> to vector<16xi32>
    %swap3A_850 = vector.shape_cast %add3A_846 : vector<16xi32> to vector<16xi32>
    tpu.vector_store %arg5[%swap3A_847], %swap3A_850 {strides = array<i32>} : memref<3328xi32, #tpu.memory_space<vmem>>, vector<16xi32>,
    %get3A_851 = arith.constant 832 : index
    %get3A_852 = tpu.vector_load %arg5[%get3A_851] {strides = array<i32>} : memref<3328xi32, #tpu.memory_space<vmem>>, vector<16xi32>,
    %get3A_853 = vector.shape_cast %get3A_852 : vector<16xi32> to vector<16xi32>
    %add3A_854 = arith.addi %get3A_853, %mul3A_23 : vector<16xi32>
    %swap3A_855 = arith.constant 832 : index
    %swap3A_856 = tpu.vector_load %arg5[%swap3A_855] {strides = array<i32>} : memref<3328xi32, #tpu.memory_space<vmem>>, vector<16xi32>,
    %swap3A_857 = vector.shape_cast %swap3A_856 : vector<16xi32> to vector<16xi32>
    %swap3A_858 = vector.shape_cast %add3A_854 : vector<16xi32> to vector<16xi32>
    tpu.vector_store %arg5[%swap3A_855], %swap3A_858 {strides = array<i32>} : memref<3328xi32, #tpu.memory_space<vmem>>, vector<16xi32>,
    %get3A_859 = arith.constant 848 : index
    %get3A_860 = tpu.vector_load %arg5[%get3A_859] {strides = array<i32>} : memref<3328xi32, #tpu.memory_space<vmem>>, vector<16xi32>,
    %get3A_861 = vector.shape_cast %get3A_860 : vector<16xi32> to vector<16xi32>
    %add3A_862 = arith.addi %get3A_861, %mul3A_247 : vector<16xi32>
    %swap3A_863 = arith.constant 848 : index
    %swap3A_864 = tpu.vector_load %arg5[%swap3A_863] {strides = array<i32>} : memref<3328xi32, #tpu.memory_space<vmem>>, vector<16xi32>,
    %swap3A_865 = vector.shape_cast %swap3A_864 : vector<16xi32> to vector<16xi32>
    %swap3A_866 = vector.shape_cast %add3A_862 : vector<16xi32> to vector<16xi32>
    tpu.vector_store %arg5[%swap3A_863], %swap3A_866 {strides = array<i32>} : memref<3328xi32, #tpu.memory_space<vmem>>, vector<16xi32>,
    %get3A_867 = arith.constant 864 : index
    %get3A_868 = tpu.vector_load %arg5[%get3A_867] {strides = array<i32>} : memref<3328xi32, #tpu.memory_space<vmem>>, vector<16xi32>,
    %get3A_869 = vector.shape_cast %get3A_868 : vector<16xi32> to vector<16xi32>
    %add3A_870 = arith.addi %get3A_869, %mul3A_107 : vector<16xi32>
    %swap3A_871 = arith.constant 864 : index
    %swap3A_872 = tpu.vector_load %arg5[%swap3A_871] {strides = array<i32>} : memref<3328xi32, #tpu.memory_space<vmem>>, vector<16xi32>,
    %swap3A_873 = vector.shape_cast %swap3A_872 : vector<16xi32> to vector<16xi32>
    %swap3A_874 = vector.shape_cast %add3A_870 : vector<16xi32> to vector<16xi32>
    tpu.vector_store %arg5[%swap3A_871], %swap3A_874 {strides = array<i32>} : memref<3328xi32, #tpu.memory_space<vmem>>, vector<16xi32>,
    %get3A_875 = arith.constant 880 : index
    %get3A_876 = tpu.vector_load %arg5[%get3A_875] {strides = array<i32>} : memref<3328xi32, #tpu.memory_space<vmem>>, vector<16xi32>,
    %get3A_877 = vector.shape_cast %get3A_876 : vector<16xi32> to vector<16xi32>
    %add3A_878 = arith.addi %get3A_877, %mul3A_331 : vector<16xi32>
    %swap3A_879 = arith.constant 880 : index
    %swap3A_880 = tpu.vector_load %arg5[%swap3A_879] {strides = array<i32>} : memref<3328xi32, #tpu.memory_space<vmem>>, vector<16xi32>,
    %swap3A_881 = vector.shape_cast %swap3A_880 : vector<16xi32> to vector<16xi32>
    %swap3A_882 = vector.shape_cast %add3A_878 : vector<16xi32> to vector<16xi32>
    tpu.vector_store %arg5[%swap3A_879], %swap3A_882 {strides = array<i32>} : memref<3328xi32, #tpu.memory_space<vmem>>, vector<16xi32>,
    %get3A_883 = arith.constant 896 : index
    %get3A_884 = tpu.vector_load %arg5[%get3A_883] {strides = array<i32>} : memref<3328xi32, #tpu.memory_space<vmem>>, vector<16xi32>,
    %get3A_885 = vector.shape_cast %get3A_884 : vector<16xi32> to vector<16xi32>
    %add3A_886 = arith.addi %get3A_885, %mul3A_191 : vector<16xi32>
    %swap3A_887 = arith.constant 896 : index
    %swap3A_888 = tpu.vector_load %arg5[%swap3A_887] {strides = array<i32>} : memref<3328xi32, #tpu.memory_space<vmem>>, vector<16xi32>,
    %swap3A_889 = vector.shape_cast %swap3A_888 : vector<16xi32> to vector<16xi32>
    %swap3A_890 = vector.shape_cast %add3A_886 : vector<16xi32> to vector<16xi32>
    tpu.vector_store %arg5[%swap3A_887], %swap3A_890 {strides = array<i32>} : memref<3328xi32, #tpu.memory_space<vmem>>, vector<16xi32>,
    %get3A_891 = arith.constant 912 : index
    %get3A_892 = tpu.vector_load %arg5[%get3A_891] {strides = array<i32>} : memref<3328xi32, #tpu.memory_space<vmem>>, vector<16xi32>,
    %get3A_893 = vector.shape_cast %get3A_892 : vector<16xi32> to vector<16xi32>
    %add3A_894 = arith.addi %get3A_893, %mul3A_51 : vector<16xi32>
    %swap3A_895 = arith.constant 912 : index
    %swap3A_896 = tpu.vector_load %arg5[%swap3A_895] {strides = array<i32>} : memref<3328xi32, #tpu.memory_space<vmem>>, vector<16xi32>,
    %swap3A_897 = vector.shape_cast %swap3A_896 : vector<16xi32> to vector<16xi32>
    %swap3A_898 = vector.shape_cast %add3A_894 : vector<16xi32> to vector<16xi32>
    tpu.vector_store %arg5[%swap3A_895], %swap3A_898 {strides = array<i32>} : memref<3328xi32, #tpu.memory_space<vmem>>, vector<16xi32>,
    %get3A_899 = arith.constant 928 : index
    %get3A_900 = tpu.vector_load %arg5[%get3A_899] {strides = array<i32>} : memref<3328xi32, #tpu.memory_space<vmem>>, vector<16xi32>,
    %get3A_901 = vector.shape_cast %get3A_900 : vector<16xi32> to vector<16xi32>
    %add3A_902 = arith.addi %get3A_901, %mul3A_275 : vector<16xi32>
    %swap3A_903 = arith.constant 928 : index
    %swap3A_904 = tpu.vector_load %arg5[%swap3A_903] {strides = array<i32>} : memref<3328xi32, #tpu.memory_space<vmem>>, vector<16xi32>,
    %swap3A_905 = vector.shape_cast %swap3A_904 : vector<16xi32> to vector<16xi32>
    %swap3A_906 = vector.shape_cast %add3A_902 : vector<16xi32> to vector<16xi32>
    tpu.vector_store %arg5[%swap3A_903], %swap3A_906 {strides = array<i32>} : memref<3328xi32, #tpu.memory_space<vmem>>, vector<16xi32>,
    %get3A_907 = arith.constant 944 : index
    %get3A_908 = tpu.vector_load %arg5[%get3A_907] {strides = array<i32>} : memref<3328xi32, #tpu.memory_space<vmem>>, vector<16xi32>,
    %get3A_909 = vector.shape_cast %get3A_908 : vector<16xi32> to vector<16xi32>
    %add3A_910 = arith.addi %get3A_909, %mul3A_135 : vector<16xi32>
    %swap3A_911 = arith.constant 944 : index
    %swap3A_912 = tpu.vector_load %arg5[%swap3A_911] {strides = array<i32>} : memref<3328xi32, #tpu.memory_space<vmem>>, vector<16xi32>,
    %swap3A_913 = vector.shape_cast %swap3A_912 : vector<16xi32> to vector<16xi32>
    %swap3A_914 = vector.shape_cast %add3A_910 : vector<16xi32> to vector<16xi32>
    tpu.vector_store %arg5[%swap3A_911], %swap3A_914 {strides = array<i32>} : memref<3328xi32, #tpu.memory_space<vmem>>, vector<16xi32>,
    %get3A_915 = arith.constant 960 : index
    %get3A_916 = tpu.vector_load %arg5[%get3A_915] {strides = array<i32>} : memref<3328xi32, #tpu.memory_space<vmem>>, vector<16xi32>,
    %get3A_917 = vector.shape_cast %get3A_916 : vector<16xi32> to vector<16xi32>
    %add3A_918 = arith.addi %get3A_917, %mul3A_359 : vector<16xi32>
    %swap3A_919 = arith.constant 960 : index
    %swap3A_920 = tpu.vector_load %arg5[%swap3A_919] {strides = array<i32>} : memref<3328xi32, #tpu.memory_space<vmem>>, vector<16xi32>,
    %swap3A_921 = vector.shape_cast %swap3A_920 : vector<16xi32> to vector<16xi32>
    %swap3A_922 = vector.shape_cast %add3A_918 : vector<16xi32> to vector<16xi32>
    tpu.vector_store %arg5[%swap3A_919], %swap3A_922 {strides = array<i32>} : memref<3328xi32, #tpu.memory_space<vmem>>, vector<16xi32>,
    %get3A_923 = arith.constant 976 : index
    %get3A_924 = tpu.vector_load %arg5[%get3A_923] {strides = array<i32>} : memref<3328xi32, #tpu.memory_space<vmem>>, vector<16xi32>,
    %get3A_925 = vector.shape_cast %get3A_924 : vector<16xi32> to vector<16xi32>
    %add3A_926 = arith.addi %get3A_925, %mul3A_219 : vector<16xi32>
    %swap3A_927 = arith.constant 976 : index
    %swap3A_928 = tpu.vector_load %arg5[%swap3A_927] {strides = array<i32>} : memref<3328xi32, #tpu.memory_space<vmem>>, vector<16xi32>,
    %swap3A_929 = vector.shape_cast %swap3A_928 : vector<16xi32> to vector<16xi32>
    %swap3A_930 = vector.shape_cast %add3A_926 : vector<16xi32> to vector<16xi32>
    tpu.vector_store %arg5[%swap3A_927], %swap3A_930 {strides = array<i32>} : memref<3328xi32, #tpu.memory_space<vmem>>, vector<16xi32>,
    %get3A_931 = arith.constant 992 : index
    %get3A_932 = tpu.vector_load %arg5[%get3A_931] {strides = array<i32>} : memref<3328xi32, #tpu.memory_space<vmem>>, vector<16xi32>,
    %get3A_933 = vector.shape_cast %get3A_932 : vector<16xi32> to vector<16xi32>
    %add3A_934 = arith.addi %get3A_933, %mul3A_79 : vector<16xi32>
    %swap3A_935 = arith.constant 992 : index
    %swap3A_936 = tpu.vector_load %arg5[%swap3A_935] {strides = array<i32>} : memref<3328xi32, #tpu.memory_space<vmem>>, vector<16xi32>,
    %swap3A_937 = vector.shape_cast %swap3A_936 : vector<16xi32> to vector<16xi32>
    %swap3A_938 = vector.shape_cast %add3A_934 : vector<16xi32> to vector<16xi32>
    tpu.vector_store %arg5[%swap3A_935], %swap3A_938 {strides = array<i32>} : memref<3328xi32, #tpu.memory_space<vmem>>, vector<16xi32>,
    %get3A_939 = arith.constant 1008 : index
    %get3A_940 = tpu.vector_load %arg5[%get3A_939] {strides = array<i32>} : memref<3328xi32, #tpu.memory_space<vmem>>, vector<16xi32>,
    %get3A_941 = vector.shape_cast %get3A_940 : vector<16xi32> to vector<16xi32>
    %add3A_942 = arith.addi %get3A_941, %mul3A_303 : vector<16xi32>
    %swap3A_943 = arith.constant 1008 : index
    %swap3A_944 = tpu.vector_load %arg5[%swap3A_943] {strides = array<i32>} : memref<3328xi32, #tpu.memory_space<vmem>>, vector<16xi32>,
    %swap3A_945 = vector.shape_cast %swap3A_944 : vector<16xi32> to vector<16xi32>
    %swap3A_946 = vector.shape_cast %add3A_942 : vector<16xi32> to vector<16xi32>
    tpu.vector_store %arg5[%swap3A_943], %swap3A_946 {strides = array<i32>} : memref<3328xi32, #tpu.memory_space<vmem>>, vector<16xi32>,
    %get3A_947 = arith.constant 1024 : index
    %get3A_948 = tpu.vector_load %arg5[%get3A_947] {strides = array<i32>} : memref<3328xi32, #tpu.memory_space<vmem>>, vector<16xi32>,
    %get3A_949 = vector.shape_cast %get3A_948 : vector<16xi32> to vector<16xi32>
    %add3A_950 = arith.addi %get3A_949, %mul3A_163 : vector<16xi32>
    %swap3A_951 = arith.constant 1024 : index
    %swap3A_952 = tpu.vector_load %arg5[%swap3A_951] {strides = array<i32>} : memref<3328xi32, #tpu.memory_space<vmem>>, vector<16xi32>,
    %swap3A_953 = vector.shape_cast %swap3A_952 : vector<16xi32> to vector<16xi32>
    %swap3A_954 = vector.shape_cast %add3A_950 : vector<16xi32> to vector<16xi32>
    tpu.vector_store %arg5[%swap3A_951], %swap3A_954 {strides = array<i32>} : memref<3328xi32, #tpu.memory_space<vmem>>, vector<16xi32>,
    %get3A_955 = arith.constant 1040 : index
    %get3A_956 = tpu.vector_load %arg5[%get3A_955] {strides = array<i32>} : memref<3328xi32, #tpu.memory_space<vmem>>, vector<16xi32>,
    %get3A_957 = vector.shape_cast %get3A_956 : vector<16xi32> to vector<16xi32>
    %add3A_958 = arith.addi %get3A_957, %mul3A_23 : vector<16xi32>
    %swap3A_959 = arith.constant 1040 : index
    %swap3A_960 = tpu.vector_load %arg5[%swap3A_959] {strides = array<i32>} : memref<3328xi32, #tpu.memory_space<vmem>>, vector<16xi32>,
    %swap3A_961 = vector.shape_cast %swap3A_960 : vector<16xi32> to vector<16xi32>
    %swap3A_962 = vector.shape_cast %add3A_958 : vector<16xi32> to vector<16xi32>
    tpu.vector_store %arg5[%swap3A_959], %swap3A_962 {strides = array<i32>} : memref<3328xi32, #tpu.memory_space<vmem>>, vector<16xi32>,
    %get3A_963 = arith.constant 1056 : index
    %get3A_964 = tpu.vector_load %arg5[%get3A_963] {strides = array<i32>} : memref<3328xi32, #tpu.memory_space<vmem>>, vector<16xi32>,
    %get3A_965 = vector.shape_cast %get3A_964 : vector<16xi32> to vector<16xi32>
    %add3A_966 = arith.addi %get3A_965, %mul3A_247 : vector<16xi32>
    %swap3A_967 = arith.constant 1056 : index
    %swap3A_968 = tpu.vector_load %arg5[%swap3A_967] {strides = array<i32>} : memref<3328xi32, #tpu.memory_space<vmem>>, vector<16xi32>,
    %swap3A_969 = vector.shape_cast %swap3A_968 : vector<16xi32> to vector<16xi32>
    %swap3A_970 = vector.shape_cast %add3A_966 : vector<16xi32> to vector<16xi32>
    tpu.vector_store %arg5[%swap3A_967], %swap3A_970 {strides = array<i32>} : memref<3328xi32, #tpu.memory_space<vmem>>, vector<16xi32>,
    %get3A_971 = arith.constant 1072 : index
    %get3A_972 = tpu.vector_load %arg5[%get3A_971] {strides = array<i32>} : memref<3328xi32, #tpu.memory_space<vmem>>, vector<16xi32>,
    %get3A_973 = vector.shape_cast %get3A_972 : vector<16xi32> to vector<16xi32>
    %add3A_974 = arith.addi %get3A_973, %mul3A_107 : vector<16xi32>
    %swap3A_975 = arith.constant 1072 : index
    %swap3A_976 = tpu.vector_load %arg5[%swap3A_975] {strides = array<i32>} : memref<3328xi32, #tpu.memory_space<vmem>>, vector<16xi32>,
    %swap3A_977 = vector.shape_cast %swap3A_976 : vector<16xi32> to vector<16xi32>
    %swap3A_978 = vector.shape_cast %add3A_974 : vector<16xi32> to vector<16xi32>
    tpu.vector_store %arg5[%swap3A_975], %swap3A_978 {strides = array<i32>} : memref<3328xi32, #tpu.memory_space<vmem>>, vector<16xi32>,
    %get3A_979 = arith.constant 1088 : index
    %get3A_980 = tpu.vector_load %arg5[%get3A_979] {strides = array<i32>} : memref<3328xi32, #tpu.memory_space<vmem>>, vector<16xi32>,
    %get3A_981 = vector.shape_cast %get3A_980 : vector<16xi32> to vector<16xi32>
    %add3A_982 = arith.addi %get3A_981, %mul3A_331 : vector<16xi32>
    %swap3A_983 = arith.constant 1088 : index
    %swap3A_984 = tpu.vector_load %arg5[%swap3A_983] {strides = array<i32>} : memref<3328xi32, #tpu.memory_space<vmem>>, vector<16xi32>,
    %swap3A_985 = vector.shape_cast %swap3A_984 : vector<16xi32> to vector<16xi32>
    %swap3A_986 = vector.shape_cast %add3A_982 : vector<16xi32> to vector<16xi32>
    tpu.vector_store %arg5[%swap3A_983], %swap3A_986 {strides = array<i32>} : memref<3328xi32, #tpu.memory_space<vmem>>, vector<16xi32>,
    %get3A_987 = arith.constant 1104 : index
    %get3A_988 = tpu.vector_load %arg5[%get3A_987] {strides = array<i32>} : memref<3328xi32, #tpu.memory_space<vmem>>, vector<16xi32>,
    %get3A_989 = vector.shape_cast %get3A_988 : vector<16xi32> to vector<16xi32>
    %add3A_990 = arith.addi %get3A_989, %mul3A_191 : vector<16xi32>
    %swap3A_991 = arith.constant 1104 : index
    %swap3A_992 = tpu.vector_load %arg5[%swap3A_991] {strides = array<i32>} : memref<3328xi32, #tpu.memory_space<vmem>>, vector<16xi32>,
    %swap3A_993 = vector.shape_cast %swap3A_992 : vector<16xi32> to vector<16xi32>
    %swap3A_994 = vector.shape_cast %add3A_990 : vector<16xi32> to vector<16xi32>
    tpu.vector_store %arg5[%swap3A_991], %swap3A_994 {strides = array<i32>} : memref<3328xi32, #tpu.memory_space<vmem>>, vector<16xi32>,
    %get3A_995 = arith.constant 1120 : index
    %get3A_996 = tpu.vector_load %arg5[%get3A_995] {strides = array<i32>} : memref<3328xi32, #tpu.memory_space<vmem>>, vector<16xi32>,
    %get3A_997 = vector.shape_cast %get3A_996 : vector<16xi32> to vector<16xi32>
    %add3A_998 = arith.addi %get3A_997, %mul3A_51 : vector<16xi32>
    %swap3A_999 = arith.constant 1120 : index
    %swap3A_1000 = tpu.vector_load %arg5[%swap3A_999] {strides = array<i32>} : memref<3328xi32, #tpu.memory_space<vmem>>, vector<16xi32>,
    %swap3A_1001 = vector.shape_cast %swap3A_1000 : vector<16xi32> to vector<16xi32>
    %swap3A_1002 = vector.shape_cast %add3A_998 : vector<16xi32> to vector<16xi32>
    tpu.vector_store %arg5[%swap3A_999], %swap3A_1002 {strides = array<i32>} : memref<3328xi32, #tpu.memory_space<vmem>>, vector<16xi32>,
    %get3A_1003 = arith.constant 1136 : index
    %get3A_1004 = tpu.vector_load %arg5[%get3A_1003] {strides = array<i32>} : memref<3328xi32, #tpu.memory_space<vmem>>, vector<16xi32>,
    %get3A_1005 = vector.shape_cast %get3A_1004 : vector<16xi32> to vector<16xi32>
    %add3A_1006 = arith.addi %get3A_1005, %mul3A_275 : vector<16xi32>
    %swap3A_1007 = arith.constant 1136 : index
    %swap3A_1008 = tpu.vector_load %arg5[%swap3A_1007] {strides = array<i32>} : memref<3328xi32, #tpu.memory_space<vmem>>, vector<16xi32>,
    %swap3A_1009 = vector.shape_cast %swap3A_1008 : vector<16xi32> to vector<16xi32>
    %swap3A_1010 = vector.shape_cast %add3A_1006 : vector<16xi32> to vector<16xi32>
    tpu.vector_store %arg5[%swap3A_1007], %swap3A_1010 {strides = array<i32>} : memref<3328xi32, #tpu.memory_space<vmem>>, vector<16xi32>,
    %get3A_1011 = arith.constant 1152 : index
    %get3A_1012 = tpu.vector_load %arg5[%get3A_1011] {strides = array<i32>} : memref<3328xi32, #tpu.memory_space<vmem>>, vector<16xi32>,
    %get3A_1013 = vector.shape_cast %get3A_1012 : vector<16xi32> to vector<16xi32>
    %add3A_1014 = arith.addi %get3A_1013, %mul3A_135 : vector<16xi32>
    %swap3A_1015 = arith.constant 1152 : index
    %swap3A_1016 = tpu.vector_load %arg5[%swap3A_1015] {strides = array<i32>} : memref<3328xi32, #tpu.memory_space<vmem>>, vector<16xi32>,
    %swap3A_1017 = vector.shape_cast %swap3A_1016 : vector<16xi32> to vector<16xi32>
    %swap3A_1018 = vector.shape_cast %add3A_1014 : vector<16xi32> to vector<16xi32>
    tpu.vector_store %arg5[%swap3A_1015], %swap3A_1018 {strides = array<i32>} : memref<3328xi32, #tpu.memory_space<vmem>>, vector<16xi32>,
    %get3A_1019 = arith.constant 1168 : index
    %get3A_1020 = tpu.vector_load %arg5[%get3A_1019] {strides = array<i32>} : memref<3328xi32, #tpu.memory_space<vmem>>, vector<16xi32>,
    %get3A_1021 = vector.shape_cast %get3A_1020 : vector<16xi32> to vector<16xi32>
    %add3A_1022 = arith.addi %get3A_1021, %mul3A_359 : vector<16xi32>
    %swap3A_1023 = arith.constant 1168 : index
    %swap3A_1024 = tpu.vector_load %arg5[%swap3A_1023] {strides = array<i32>} : memref<3328xi32, #tpu.memory_space<vmem>>, vector<16xi32>,
    %swap3A_1025 = vector.shape_cast %swap3A_1024 : vector<16xi32> to vector<16xi32>
    %swap3A_1026 = vector.shape_cast %add3A_1022 : vector<16xi32> to vector<16xi32>
    tpu.vector_store %arg5[%swap3A_1023], %swap3A_1026 {strides = array<i32>} : memref<3328xi32, #tpu.memory_space<vmem>>, vector<16xi32>,
    %get3A_1027 = arith.constant 1184 : index
    %get3A_1028 = tpu.vector_load %arg5[%get3A_1027] {strides = array<i32>} : memref<3328xi32, #tpu.memory_space<vmem>>, vector<16xi32>,
    %get3A_1029 = vector.shape_cast %get3A_1028 : vector<16xi32> to vector<16xi32>
    %add3A_1030 = arith.addi %get3A_1029, %mul3A_219 : vector<16xi32>
    %swap3A_1031 = arith.constant 1184 : index
    %swap3A_1032 = tpu.vector_load %arg5[%swap3A_1031] {strides = array<i32>} : memref<3328xi32, #tpu.memory_space<vmem>>, vector<16xi32>,
    %swap3A_1033 = vector.shape_cast %swap3A_1032 : vector<16xi32> to vector<16xi32>
    %swap3A_1034 = vector.shape_cast %add3A_1030 : vector<16xi32> to vector<16xi32>
    tpu.vector_store %arg5[%swap3A_1031], %swap3A_1034 {strides = array<i32>} : memref<3328xi32, #tpu.memory_space<vmem>>, vector<16xi32>,
    %get3A_1035 = arith.constant 1200 : index
    %get3A_1036 = tpu.vector_load %arg5[%get3A_1035] {strides = array<i32>} : memref<3328xi32, #tpu.memory_space<vmem>>, vector<16xi32>,
    %get3A_1037 = vector.shape_cast %get3A_1036 : vector<16xi32> to vector<16xi32>
    %add3A_1038 = arith.addi %get3A_1037, %mul3A_79 : vector<16xi32>
    %swap3A_1039 = arith.constant 1200 : index
    %swap3A_1040 = tpu.vector_load %arg5[%swap3A_1039] {strides = array<i32>} : memref<3328xi32, #tpu.memory_space<vmem>>, vector<16xi32>,
    %swap3A_1041 = vector.shape_cast %swap3A_1040 : vector<16xi32> to vector<16xi32>
    %swap3A_1042 = vector.shape_cast %add3A_1038 : vector<16xi32> to vector<16xi32>
    tpu.vector_store %arg5[%swap3A_1039], %swap3A_1042 {strides = array<i32>} : memref<3328xi32, #tpu.memory_space<vmem>>, vector<16xi32>,
    %get3A_1043 = arith.constant 1216 : index
    %get3A_1044 = tpu.vector_load %arg5[%get3A_1043] {strides = array<i32>} : memref<3328xi32, #tpu.memory_space<vmem>>, vector<16xi32>,
    %get3A_1045 = vector.shape_cast %get3A_1044 : vector<16xi32> to vector<16xi32>
    %add3A_1046 = arith.addi %get3A_1045, %mul3A_303 : vector<16xi32>
    %swap3A_1047 = arith.constant 1216 : index
    %swap3A_1048 = tpu.vector_load %arg5[%swap3A_1047] {strides = array<i32>} : memref<3328xi32, #tpu.memory_space<vmem>>, vector<16xi32>,
    %swap3A_1049 = vector.shape_cast %swap3A_1048 : vector<16xi32> to vector<16xi32>
    %swap3A_1050 = vector.shape_cast %add3A_1046 : vector<16xi32> to vector<16xi32>
    tpu.vector_store %arg5[%swap3A_1047], %swap3A_1050 {strides = array<i32>} : memref<3328xi32, #tpu.memory_space<vmem>>, vector<16xi32>,
    %get3A_1051 = arith.constant 1232 : index
    %get3A_1052 = tpu.vector_load %arg5[%get3A_1051] {strides = array<i32>} : memref<3328xi32, #tpu.memory_space<vmem>>, vector<16xi32>,
    %get3A_1053 = vector.shape_cast %get3A_1052 : vector<16xi32> to vector<16xi32>
    %add3A_1054 = arith.addi %get3A_1053, %mul3A_163 : vector<16xi32>
    %swap3A_1055 = arith.constant 1232 : index
    %swap3A_1056 = tpu.vector_load %arg5[%swap3A_1055] {strides = array<i32>} : memref<3328xi32, #tpu.memory_space<vmem>>, vector<16xi32>,
    %swap3A_1057 = vector.shape_cast %swap3A_1056 : vector<16xi32> to vector<16xi32>
    %swap3A_1058 = vector.shape_cast %add3A_1054 : vector<16xi32> to vector<16xi32>
    tpu.vector_store %arg5[%swap3A_1055], %swap3A_1058 {strides = array<i32>} : memref<3328xi32, #tpu.memory_space<vmem>>, vector<16xi32>,
    %get3A_1059 = arith.constant 1248 : index
    %get3A_1060 = tpu.vector_load %arg5[%get3A_1059] {strides = array<i32>} : memref<3328xi32, #tpu.memory_space<vmem>>, vector<16xi32>,
    %get3A_1061 = vector.shape_cast %get3A_1060 : vector<16xi32> to vector<16xi32>
    %add3A_1062 = arith.addi %get3A_1061, %mul3A_23 : vector<16xi32>
    %swap3A_1063 = arith.constant 1248 : index
    %swap3A_1064 = tpu.vector_load %arg5[%swap3A_1063] {strides = array<i32>} : memref<3328xi32, #tpu.memory_space<vmem>>, vector<16xi32>,
    %swap3A_1065 = vector.shape_cast %swap3A_1064 : vector<16xi32> to vector<16xi32>
    %swap3A_1066 = vector.shape_cast %add3A_1062 : vector<16xi32> to vector<16xi32>
    tpu.vector_store %arg5[%swap3A_1063], %swap3A_1066 {strides = array<i32>} : memref<3328xi32, #tpu.memory_space<vmem>>, vector<16xi32>,
    %get3A_1067 = arith.constant 1264 : index
    %get3A_1068 = tpu.vector_load %arg5[%get3A_1067] {strides = array<i32>} : memref<3328xi32, #tpu.memory_space<vmem>>, vector<16xi32>,
    %get3A_1069 = vector.shape_cast %get3A_1068 : vector<16xi32> to vector<16xi32>
    %add3A_1070 = arith.addi %get3A_1069, %mul3A_247 : vector<16xi32>
    %swap3A_1071 = arith.constant 1264 : index
    %swap3A_1072 = tpu.vector_load %arg5[%swap3A_1071] {strides = array<i32>} : memref<3328xi32, #tpu.memory_space<vmem>>, vector<16xi32>,
    %swap3A_1073 = vector.shape_cast %swap3A_1072 : vector<16xi32> to vector<16xi32>
    %swap3A_1074 = vector.shape_cast %add3A_1070 : vector<16xi32> to vector<16xi32>
    tpu.vector_store %arg5[%swap3A_1071], %swap3A_1074 {strides = array<i32>} : memref<3328xi32, #tpu.memory_space<vmem>>, vector<16xi32>,
    %get3A_1075 = arith.constant 1280 : index
    %get3A_1076 = tpu.vector_load %arg5[%get3A_1075] {strides = array<i32>} : memref<3328xi32, #tpu.memory_space<vmem>>, vector<16xi32>,
    %get3A_1077 = vector.shape_cast %get3A_1076 : vector<16xi32> to vector<16xi32>
    %add3A_1078 = arith.addi %get3A_1077, %mul3A_107 : vector<16xi32>
    %swap3A_1079 = arith.constant 1280 : index
    %swap3A_1080 = tpu.vector_load %arg5[%swap3A_1079] {strides = array<i32>} : memref<3328xi32, #tpu.memory_space<vmem>>, vector<16xi32>,
    %swap3A_1081 = vector.shape_cast %swap3A_1080 : vector<16xi32> to vector<16xi32>
    %swap3A_1082 = vector.shape_cast %add3A_1078 : vector<16xi32> to vector<16xi32>
    tpu.vector_store %arg5[%swap3A_1079], %swap3A_1082 {strides = array<i32>} : memref<3328xi32, #tpu.memory_space<vmem>>, vector<16xi32>,
    %get3A_1083 = arith.constant 1296 : index
    %get3A_1084 = tpu.vector_load %arg5[%get3A_1083] {strides = array<i32>} : memref<3328xi32, #tpu.memory_space<vmem>>, vector<16xi32>,
    %get3A_1085 = vector.shape_cast %get3A_1084 : vector<16xi32> to vector<16xi32>
    %add3A_1086 = arith.addi %get3A_1085, %mul3A_331 : vector<16xi32>
    %swap3A_1087 = arith.constant 1296 : index
    %swap3A_1088 = tpu.vector_load %arg5[%swap3A_1087] {strides = array<i32>} : memref<3328xi32, #tpu.memory_space<vmem>>, vector<16xi32>,
    %swap3A_1089 = vector.shape_cast %swap3A_1088 : vector<16xi32> to vector<16xi32>
    %swap3A_1090 = vector.shape_cast %add3A_1086 : vector<16xi32> to vector<16xi32>
    tpu.vector_store %arg5[%swap3A_1087], %swap3A_1090 {strides = array<i32>} : memref<3328xi32, #tpu.memory_space<vmem>>, vector<16xi32>,
    %get3A_1091 = arith.constant 1312 : index
    %get3A_1092 = tpu.vector_load %arg5[%get3A_1091] {strides = array<i32>} : memref<3328xi32, #tpu.memory_space<vmem>>, vector<16xi32>,
    %get3A_1093 = vector.shape_cast %get3A_1092 : vector<16xi32> to vector<16xi32>
    %add3A_1094 = arith.addi %get3A_1093, %mul3A_191 : vector<16xi32>
    %swap3A_1095 = arith.constant 1312 : index
    %swap3A_1096 = tpu.vector_load %arg5[%swap3A_1095] {strides = array<i32>} : memref<3328xi32, #tpu.memory_space<vmem>>, vector<16xi32>,
    %swap3A_1097 = vector.shape_cast %swap3A_1096 : vector<16xi32> to vector<16xi32>
    %swap3A_1098 = vector.shape_cast %add3A_1094 : vector<16xi32> to vector<16xi32>
    tpu.vector_store %arg5[%swap3A_1095], %swap3A_1098 {strides = array<i32>} : memref<3328xi32, #tpu.memory_space<vmem>>, vector<16xi32>,
    %get3A_1099 = arith.constant 1328 : index
    %get3A_1100 = tpu.vector_load %arg5[%get3A_1099] {strides = array<i32>} : memref<3328xi32, #tpu.memory_space<vmem>>, vector<16xi32>,
    %get3A_1101 = vector.shape_cast %get3A_1100 : vector<16xi32> to vector<16xi32>
    %add3A_1102 = arith.addi %get3A_1101, %mul3A_51 : vector<16xi32>
    %swap3A_1103 = arith.constant 1328 : index
    %swap3A_1104 = tpu.vector_load %arg5[%swap3A_1103] {strides = array<i32>} : memref<3328xi32, #tpu.memory_space<vmem>>, vector<16xi32>,
    %swap3A_1105 = vector.shape_cast %swap3A_1104 : vector<16xi32> to vector<16xi32>
    %swap3A_1106 = vector.shape_cast %add3A_1102 : vector<16xi32> to vector<16xi32>
    tpu.vector_store %arg5[%swap3A_1103], %swap3A_1106 {strides = array<i32>} : memref<3328xi32, #tpu.memory_space<vmem>>, vector<16xi32>,
    %get3A_1107 = arith.constant 1344 : index
    %get3A_1108 = tpu.vector_load %arg5[%get3A_1107] {strides = array<i32>} : memref<3328xi32, #tpu.memory_space<vmem>>, vector<16xi32>,
    %get3A_1109 = vector.shape_cast %get3A_1108 : vector<16xi32> to vector<16xi32>
    %add3A_1110 = arith.addi %get3A_1109, %mul3A_275 : vector<16xi32>
    %swap3A_1111 = arith.constant 1344 : index
    %swap3A_1112 = tpu.vector_load %arg5[%swap3A_1111] {strides = array<i32>} : memref<3328xi32, #tpu.memory_space<vmem>>, vector<16xi32>,
    %swap3A_1113 = vector.shape_cast %swap3A_1112 : vector<16xi32> to vector<16xi32>
    %swap3A_1114 = vector.shape_cast %add3A_1110 : vector<16xi32> to vector<16xi32>
    tpu.vector_store %arg5[%swap3A_1111], %swap3A_1114 {strides = array<i32>} : memref<3328xi32, #tpu.memory_space<vmem>>, vector<16xi32>,
    %get3A_1115 = arith.constant 1360 : index
    %get3A_1116 = tpu.vector_load %arg5[%get3A_1115] {strides = array<i32>} : memref<3328xi32, #tpu.memory_space<vmem>>, vector<16xi32>,
    %get3A_1117 = vector.shape_cast %get3A_1116 : vector<16xi32> to vector<16xi32>
    %add3A_1118 = arith.addi %get3A_1117, %mul3A_135 : vector<16xi32>
    %swap3A_1119 = arith.constant 1360 : index
    %swap3A_1120 = tpu.vector_load %arg5[%swap3A_1119] {strides = array<i32>} : memref<3328xi32, #tpu.memory_space<vmem>>, vector<16xi32>,
    %swap3A_1121 = vector.shape_cast %swap3A_1120 : vector<16xi32> to vector<16xi32>
    %swap3A_1122 = vector.shape_cast %add3A_1118 : vector<16xi32> to vector<16xi32>
    tpu.vector_store %arg5[%swap3A_1119], %swap3A_1122 {strides = array<i32>} : memref<3328xi32, #tpu.memory_space<vmem>>, vector<16xi32>,
    %get3A_1123 = arith.constant 1376 : index
    %get3A_1124 = tpu.vector_load %arg5[%get3A_1123] {strides = array<i32>} : memref<3328xi32, #tpu.memory_space<vmem>>, vector<16xi32>,
    %get3A_1125 = vector.shape_cast %get3A_1124 : vector<16xi32> to vector<16xi32>
    %add3A_1126 = arith.addi %get3A_1125, %mul3A_359 : vector<16xi32>
    %swap3A_1127 = arith.constant 1376 : index
    %swap3A_1128 = tpu.vector_load %arg5[%swap3A_1127] {strides = array<i32>} : memref<3328xi32, #tpu.memory_space<vmem>>, vector<16xi32>,
    %swap3A_1129 = vector.shape_cast %swap3A_1128 : vector<16xi32> to vector<16xi32>
    %swap3A_1130 = vector.shape_cast %add3A_1126 : vector<16xi32> to vector<16xi32>
    tpu.vector_store %arg5[%swap3A_1127], %swap3A_1130 {strides = array<i32>} : memref<3328xi32, #tpu.memory_space<vmem>>, vector<16xi32>,
    %get3A_1131 = arith.constant 1392 : index
    %get3A_1132 = tpu.vector_load %arg5[%get3A_1131] {strides = array<i32>} : memref<3328xi32, #tpu.memory_space<vmem>>, vector<16xi32>,
    %get3A_1133 = vector.shape_cast %get3A_1132 : vector<16xi32> to vector<16xi32>
    %add3A_1134 = arith.addi %get3A_1133, %mul3A_219 : vector<16xi32>
    %swap3A_1135 = arith.constant 1392 : index
    %swap3A_1136 = tpu.vector_load %arg5[%swap3A_1135] {strides = array<i32>} : memref<3328xi32, #tpu.memory_space<vmem>>, vector<16xi32>,
    %swap3A_1137 = vector.shape_cast %swap3A_1136 : vector<16xi32> to vector<16xi32>
    %swap3A_1138 = vector.shape_cast %add3A_1134 : vector<16xi32> to vector<16xi32>
    tpu.vector_store %arg5[%swap3A_1135], %swap3A_1138 {strides = array<i32>} : memref<3328xi32, #tpu.memory_space<vmem>>, vector<16xi32>,
    %get3A_1139 = arith.constant 1408 : index
    %get3A_1140 = tpu.vector_load %arg5[%get3A_1139] {strides = array<i32>} : memref<3328xi32, #tpu.memory_space<vmem>>, vector<16xi32>,
    %get3A_1141 = vector.shape_cast %get3A_1140 : vector<16xi32> to vector<16xi32>
    %add3A_1142 = arith.addi %get3A_1141, %mul3A_79 : vector<16xi32>
    %swap3A_1143 = arith.constant 1408 : index
    %swap3A_1144 = tpu.vector_load %arg5[%swap3A_1143] {strides = array<i32>} : memref<3328xi32, #tpu.memory_space<vmem>>, vector<16xi32>,
    %swap3A_1145 = vector.shape_cast %swap3A_1144 : vector<16xi32> to vector<16xi32>
    %swap3A_1146 = vector.shape_cast %add3A_1142 : vector<16xi32> to vector<16xi32>
    tpu.vector_store %arg5[%swap3A_1143], %swap3A_1146 {strides = array<i32>} : memref<3328xi32, #tpu.memory_space<vmem>>, vector<16xi32>,
    %get3A_1147 = arith.constant 1424 : index
    %get3A_1148 = tpu.vector_load %arg5[%get3A_1147] {strides = array<i32>} : memref<3328xi32, #tpu.memory_space<vmem>>, vector<16xi32>,
    %get3A_1149 = vector.shape_cast %get3A_1148 : vector<16xi32> to vector<16xi32>
    %add3A_1150 = arith.addi %get3A_1149, %mul3A_303 : vector<16xi32>
    %swap3A_1151 = arith.constant 1424 : index
    %swap3A_1152 = tpu.vector_load %arg5[%swap3A_1151] {strides = array<i32>} : memref<3328xi32, #tpu.memory_space<vmem>>, vector<16xi32>,
    %swap3A_1153 = vector.shape_cast %swap3A_1152 : vector<16xi32> to vector<16xi32>
    %swap3A_1154 = vector.shape_cast %add3A_1150 : vector<16xi32> to vector<16xi32>
    tpu.vector_store %arg5[%swap3A_1151], %swap3A_1154 {strides = array<i32>} : memref<3328xi32, #tpu.memory_space<vmem>>, vector<16xi32>,
    %get3A_1155 = arith.constant 1440 : index
    %get3A_1156 = tpu.vector_load %arg5[%get3A_1155] {strides = array<i32>} : memref<3328xi32, #tpu.memory_space<vmem>>, vector<16xi32>,
    %get3A_1157 = vector.shape_cast %get3A_1156 : vector<16xi32> to vector<16xi32>
    %add3A_1158 = arith.addi %get3A_1157, %mul3A_163 : vector<16xi32>
    %swap3A_1159 = arith.constant 1440 : index
    %swap3A_1160 = tpu.vector_load %arg5[%swap3A_1159] {strides = array<i32>} : memref<3328xi32, #tpu.memory_space<vmem>>, vector<16xi32>,
    %swap3A_1161 = vector.shape_cast %swap3A_1160 : vector<16xi32> to vector<16xi32>
    %swap3A_1162 = vector.shape_cast %add3A_1158 : vector<16xi32> to vector<16xi32>
    tpu.vector_store %arg5[%swap3A_1159], %swap3A_1162 {strides = array<i32>} : memref<3328xi32, #tpu.memory_space<vmem>>, vector<16xi32>,
    %get3A_1163 = arith.constant 1456 : index
    %get3A_1164 = tpu.vector_load %arg5[%get3A_1163] {strides = array<i32>} : memref<3328xi32, #tpu.memory_space<vmem>>, vector<16xi32>,
    %get3A_1165 = vector.shape_cast %get3A_1164 : vector<16xi32> to vector<16xi32>
    %add3A_1166 = arith.addi %get3A_1165, %mul3A_23 : vector<16xi32>
    %swap3A_1167 = arith.constant 1456 : index
    %swap3A_1168 = tpu.vector_load %arg5[%swap3A_1167] {strides = array<i32>} : memref<3328xi32, #tpu.memory_space<vmem>>, vector<16xi32>,
    %swap3A_1169 = vector.shape_cast %swap3A_1168 : vector<16xi32> to vector<16xi32>
    %swap3A_1170 = vector.shape_cast %add3A_1166 : vector<16xi32> to vector<16xi32>
    tpu.vector_store %arg5[%swap3A_1167], %swap3A_1170 {strides = array<i32>} : memref<3328xi32, #tpu.memory_space<vmem>>, vector<16xi32>,
    %get3A_1171 = arith.constant 1472 : index
    %get3A_1172 = tpu.vector_load %arg5[%get3A_1171] {strides = array<i32>} : memref<3328xi32, #tpu.memory_space<vmem>>, vector<16xi32>,
    %get3A_1173 = vector.shape_cast %get3A_1172 : vector<16xi32> to vector<16xi32>
    %add3A_1174 = arith.addi %get3A_1173, %mul3A_247 : vector<16xi32>
    %swap3A_1175 = arith.constant 1472 : index
    %swap3A_1176 = tpu.vector_load %arg5[%swap3A_1175] {strides = array<i32>} : memref<3328xi32, #tpu.memory_space<vmem>>, vector<16xi32>,
    %swap3A_1177 = vector.shape_cast %swap3A_1176 : vector<16xi32> to vector<16xi32>
    %swap3A_1178 = vector.shape_cast %add3A_1174 : vector<16xi32> to vector<16xi32>
    tpu.vector_store %arg5[%swap3A_1175], %swap3A_1178 {strides = array<i32>} : memref<3328xi32, #tpu.memory_space<vmem>>, vector<16xi32>,
    %get3A_1179 = arith.constant 1488 : index
    %get3A_1180 = tpu.vector_load %arg5[%get3A_1179] {strides = array<i32>} : memref<3328xi32, #tpu.memory_space<vmem>>, vector<16xi32>,
    %get3A_1181 = vector.shape_cast %get3A_1180 : vector<16xi32> to vector<16xi32>
    %add3A_1182 = arith.addi %get3A_1181, %mul3A_107 : vector<16xi32>
    %swap3A_1183 = arith.constant 1488 : index
    %swap3A_1184 = tpu.vector_load %arg5[%swap3A_1183] {strides = array<i32>} : memref<3328xi32, #tpu.memory_space<vmem>>, vector<16xi32>,
    %swap3A_1185 = vector.shape_cast %swap3A_1184 : vector<16xi32> to vector<16xi32>
    %swap3A_1186 = vector.shape_cast %add3A_1182 : vector<16xi32> to vector<16xi32>
    tpu.vector_store %arg5[%swap3A_1183], %swap3A_1186 {strides = array<i32>} : memref<3328xi32, #tpu.memory_space<vmem>>, vector<16xi32>,
    %get3A_1187 = arith.constant 1504 : index
    %get3A_1188 = tpu.vector_load %arg5[%get3A_1187] {strides = array<i32>} : memref<3328xi32, #tpu.memory_space<vmem>>, vector<16xi32>,
    %get3A_1189 = vector.shape_cast %get3A_1188 : vector<16xi32> to vector<16xi32>
    %add3A_1190 = arith.addi %get3A_1189, %mul3A_331 : vector<16xi32>
    %swap3A_1191 = arith.constant 1504 : index
    %swap3A_1192 = tpu.vector_load %arg5[%swap3A_1191] {strides = array<i32>} : memref<3328xi32, #tpu.memory_space<vmem>>, vector<16xi32>,
    %swap3A_1193 = vector.shape_cast %swap3A_1192 : vector<16xi32> to vector<16xi32>
    %swap3A_1194 = vector.shape_cast %add3A_1190 : vector<16xi32> to vector<16xi32>
    tpu.vector_store %arg5[%swap3A_1191], %swap3A_1194 {strides = array<i32>} : memref<3328xi32, #tpu.memory_space<vmem>>, vector<16xi32>,
    %get3A_1195 = arith.constant 1520 : index
    %get3A_1196 = tpu.vector_load %arg5[%get3A_1195] {strides = array<i32>} : memref<3328xi32, #tpu.memory_space<vmem>>, vector<16xi32>,
    %get3A_1197 = vector.shape_cast %get3A_1196 : vector<16xi32> to vector<16xi32>
    %add3A_1198 = arith.addi %get3A_1197, %mul3A_191 : vector<16xi32>
    %swap3A_1199 = arith.constant 1520 : index
    %swap3A_1200 = tpu.vector_load %arg5[%swap3A_1199] {strides = array<i32>} : memref<3328xi32, #tpu.memory_space<vmem>>, vector<16xi32>,
    %swap3A_1201 = vector.shape_cast %swap3A_1200 : vector<16xi32> to vector<16xi32>
    %swap3A_1202 = vector.shape_cast %add3A_1198 : vector<16xi32> to vector<16xi32>
    tpu.vector_store %arg5[%swap3A_1199], %swap3A_1202 {strides = array<i32>} : memref<3328xi32, #tpu.memory_space<vmem>>, vector<16xi32>,
    %get3A_1203 = arith.constant 1536 : index
    %get3A_1204 = tpu.vector_load %arg5[%get3A_1203] {strides = array<i32>} : memref<3328xi32, #tpu.memory_space<vmem>>, vector<16xi32>,
    %get3A_1205 = vector.shape_cast %get3A_1204 : vector<16xi32> to vector<16xi32>
    %add3A_1206 = arith.addi %get3A_1205, %mul3A_51 : vector<16xi32>
    %swap3A_1207 = arith.constant 1536 : index
    %swap3A_1208 = tpu.vector_load %arg5[%swap3A_1207] {strides = array<i32>} : memref<3328xi32, #tpu.memory_space<vmem>>, vector<16xi32>,
    %swap3A_1209 = vector.shape_cast %swap3A_1208 : vector<16xi32> to vector<16xi32>
    %swap3A_1210 = vector.shape_cast %add3A_1206 : vector<16xi32> to vector<16xi32>
    tpu.vector_store %arg5[%swap3A_1207], %swap3A_1210 {strides = array<i32>} : memref<3328xi32, #tpu.memory_space<vmem>>, vector<16xi32>,
    %get3A_1211 = arith.constant 1552 : index
    %get3A_1212 = tpu.vector_load %arg5[%get3A_1211] {strides = array<i32>} : memref<3328xi32, #tpu.memory_space<vmem>>, vector<16xi32>,
    %get3A_1213 = vector.shape_cast %get3A_1212 : vector<16xi32> to vector<16xi32>
    %add3A_1214 = arith.addi %get3A_1213, %mul3A_275 : vector<16xi32>
    %swap3A_1215 = arith.constant 1552 : index
    %swap3A_1216 = tpu.vector_load %arg5[%swap3A_1215] {strides = array<i32>} : memref<3328xi32, #tpu.memory_space<vmem>>, vector<16xi32>,
    %swap3A_1217 = vector.shape_cast %swap3A_1216 : vector<16xi32> to vector<16xi32>
    %swap3A_1218 = vector.shape_cast %add3A_1214 : vector<16xi32> to vector<16xi32>
    tpu.vector_store %arg5[%swap3A_1215], %swap3A_1218 {strides = array<i32>} : memref<3328xi32, #tpu.memory_space<vmem>>, vector<16xi32>,
    %get3A_1219 = arith.constant 1568 : index
    %get3A_1220 = tpu.vector_load %arg5[%get3A_1219] {strides = array<i32>} : memref<3328xi32, #tpu.memory_space<vmem>>, vector<16xi32>,
    %get3A_1221 = vector.shape_cast %get3A_1220 : vector<16xi32> to vector<16xi32>
    %add3A_1222 = arith.addi %get3A_1221, %mul3A_135 : vector<16xi32>
    %swap3A_1223 = arith.constant 1568 : index
    %swap3A_1224 = tpu.vector_load %arg5[%swap3A_1223] {strides = array<i32>} : memref<3328xi32, #tpu.memory_space<vmem>>, vector<16xi32>,
    %swap3A_1225 = vector.shape_cast %swap3A_1224 : vector<16xi32> to vector<16xi32>
    %swap3A_1226 = vector.shape_cast %add3A_1222 : vector<16xi32> to vector<16xi32>
    tpu.vector_store %arg5[%swap3A_1223], %swap3A_1226 {strides = array<i32>} : memref<3328xi32, #tpu.memory_space<vmem>>, vector<16xi32>,
    %get3A_1227 = arith.constant 1584 : index
    %get3A_1228 = tpu.vector_load %arg5[%get3A_1227] {strides = array<i32>} : memref<3328xi32, #tpu.memory_space<vmem>>, vector<16xi32>,
    %get3A_1229 = vector.shape_cast %get3A_1228 : vector<16xi32> to vector<16xi32>
    %add3A_1230 = arith.addi %get3A_1229, %mul3A_359 : vector<16xi32>
    %swap3A_1231 = arith.constant 1584 : index
    %swap3A_1232 = tpu.vector_load %arg5[%swap3A_1231] {strides = array<i32>} : memref<3328xi32, #tpu.memory_space<vmem>>, vector<16xi32>,
    %swap3A_1233 = vector.shape_cast %swap3A_1232 : vector<16xi32> to vector<16xi32>
    %swap3A_1234 = vector.shape_cast %add3A_1230 : vector<16xi32> to vector<16xi32>
    tpu.vector_store %arg5[%swap3A_1231], %swap3A_1234 {strides = array<i32>} : memref<3328xi32, #tpu.memory_space<vmem>>, vector<16xi32>,
    %get3A_1235 = arith.constant 1600 : index
    %get3A_1236 = tpu.vector_load %arg5[%get3A_1235] {strides = array<i32>} : memref<3328xi32, #tpu.memory_space<vmem>>, vector<16xi32>,
    %get3A_1237 = vector.shape_cast %get3A_1236 : vector<16xi32> to vector<16xi32>
    %add3A_1238 = arith.addi %get3A_1237, %mul3A_219 : vector<16xi32>
    %swap3A_1239 = arith.constant 1600 : index
    %swap3A_1240 = tpu.vector_load %arg5[%swap3A_1239] {strides = array<i32>} : memref<3328xi32, #tpu.memory_space<vmem>>, vector<16xi32>,
    %swap3A_1241 = vector.shape_cast %swap3A_1240 : vector<16xi32> to vector<16xi32>
    %swap3A_1242 = vector.shape_cast %add3A_1238 : vector<16xi32> to vector<16xi32>
    tpu.vector_store %arg5[%swap3A_1239], %swap3A_1242 {strides = array<i32>} : memref<3328xi32, #tpu.memory_space<vmem>>, vector<16xi32>,
    %get3A_1243 = arith.constant 1616 : index
    %get3A_1244 = tpu.vector_load %arg5[%get3A_1243] {strides = array<i32>} : memref<3328xi32, #tpu.memory_space<vmem>>, vector<16xi32>,
    %get3A_1245 = vector.shape_cast %get3A_1244 : vector<16xi32> to vector<16xi32>
    %add3A_1246 = arith.addi %get3A_1245, %mul3A_79 : vector<16xi32>
    %swap3A_1247 = arith.constant 1616 : index
    %swap3A_1248 = tpu.vector_load %arg5[%swap3A_1247] {strides = array<i32>} : memref<3328xi32, #tpu.memory_space<vmem>>, vector<16xi32>,
    %swap3A_1249 = vector.shape_cast %swap3A_1248 : vector<16xi32> to vector<16xi32>
    %swap3A_1250 = vector.shape_cast %add3A_1246 : vector<16xi32> to vector<16xi32>
    tpu.vector_store %arg5[%swap3A_1247], %swap3A_1250 {strides = array<i32>} : memref<3328xi32, #tpu.memory_space<vmem>>, vector<16xi32>,
    %get3A_1251 = arith.constant 1632 : index
    %get3A_1252 = tpu.vector_load %arg5[%get3A_1251] {strides = array<i32>} : memref<3328xi32, #tpu.memory_space<vmem>>, vector<16xi32>,
    %get3A_1253 = vector.shape_cast %get3A_1252 : vector<16xi32> to vector<16xi32>
    %add3A_1254 = arith.addi %get3A_1253, %mul3A_303 : vector<16xi32>
    %swap3A_1255 = arith.constant 1632 : index
    %swap3A_1256 = tpu.vector_load %arg5[%swap3A_1255] {strides = array<i32>} : memref<3328xi32, #tpu.memory_space<vmem>>, vector<16xi32>,
    %swap3A_1257 = vector.shape_cast %swap3A_1256 : vector<16xi32> to vector<16xi32>
    %swap3A_1258 = vector.shape_cast %add3A_1254 : vector<16xi32> to vector<16xi32>
    tpu.vector_store %arg5[%swap3A_1255], %swap3A_1258 {strides = array<i32>} : memref<3328xi32, #tpu.memory_space<vmem>>, vector<16xi32>,
    %get3A_1259 = arith.constant 1648 : index
    %get3A_1260 = tpu.vector_load %arg5[%get3A_1259] {strides = array<i32>} : memref<3328xi32, #tpu.memory_space<vmem>>, vector<16xi32>,
    %get3A_1261 = vector.shape_cast %get3A_1260 : vector<16xi32> to vector<16xi32>
    %add3A_1262 = arith.addi %get3A_1261, %mul3A_163 : vector<16xi32>
    %swap3A_1263 = arith.constant 1648 : index
    %swap3A_1264 = tpu.vector_load %arg5[%swap3A_1263] {strides = array<i32>} : memref<3328xi32, #tpu.memory_space<vmem>>, vector<16xi32>,
    %swap3A_1265 = vector.shape_cast %swap3A_1264 : vector<16xi32> to vector<16xi32>
    %swap3A_1266 = vector.shape_cast %add3A_1262 : vector<16xi32> to vector<16xi32>
    tpu.vector_store %arg5[%swap3A_1263], %swap3A_1266 {strides = array<i32>} : memref<3328xi32, #tpu.memory_space<vmem>>, vector<16xi32>,
    %get3A_1267 = arith.constant 1664 : index
    %get3A_1268 = tpu.vector_load %arg5[%get3A_1267] {strides = array<i32>} : memref<3328xi32, #tpu.memory_space<vmem>>, vector<16xi32>,
    %get3A_1269 = vector.shape_cast %get3A_1268 : vector<16xi32> to vector<16xi32>
    %add3A_1270 = arith.addi %get3A_1269, %mul3A_23 : vector<16xi32>
    %swap3A_1271 = arith.constant 1664 : index
    %swap3A_1272 = tpu.vector_load %arg5[%swap3A_1271] {strides = array<i32>} : memref<3328xi32, #tpu.memory_space<vmem>>, vector<16xi32>,
    %swap3A_1273 = vector.shape_cast %swap3A_1272 : vector<16xi32> to vector<16xi32>
    %swap3A_1274 = vector.shape_cast %add3A_1270 : vector<16xi32> to vector<16xi32>
    tpu.vector_store %arg5[%swap3A_1271], %swap3A_1274 {strides = array<i32>} : memref<3328xi32, #tpu.memory_space<vmem>>, vector<16xi32>,
    %get3A_1275 = arith.constant 1680 : index
    %get3A_1276 = tpu.vector_load %arg5[%get3A_1275] {strides = array<i32>} : memref<3328xi32, #tpu.memory_space<vmem>>, vector<16xi32>,
    %get3A_1277 = vector.shape_cast %get3A_1276 : vector<16xi32> to vector<16xi32>
    %add3A_1278 = arith.addi %get3A_1277, %mul3A_247 : vector<16xi32>
    %swap3A_1279 = arith.constant 1680 : index
    %swap3A_1280 = tpu.vector_load %arg5[%swap3A_1279] {strides = array<i32>} : memref<3328xi32, #tpu.memory_space<vmem>>, vector<16xi32>,
    %swap3A_1281 = vector.shape_cast %swap3A_1280 : vector<16xi32> to vector<16xi32>
    %swap3A_1282 = vector.shape_cast %add3A_1278 : vector<16xi32> to vector<16xi32>
    tpu.vector_store %arg5[%swap3A_1279], %swap3A_1282 {strides = array<i32>} : memref<3328xi32, #tpu.memory_space<vmem>>, vector<16xi32>,
    %get3A_1283 = arith.constant 1696 : index
    %get3A_1284 = tpu.vector_load %arg5[%get3A_1283] {strides = array<i32>} : memref<3328xi32, #tpu.memory_space<vmem>>, vector<16xi32>,
    %get3A_1285 = vector.shape_cast %get3A_1284 : vector<16xi32> to vector<16xi32>
    %add3A_1286 = arith.addi %get3A_1285, %mul3A_107 : vector<16xi32>
    %swap3A_1287 = arith.constant 1696 : index
    %swap3A_1288 = tpu.vector_load %arg5[%swap3A_1287] {strides = array<i32>} : memref<3328xi32, #tpu.memory_space<vmem>>, vector<16xi32>,
    %swap3A_1289 = vector.shape_cast %swap3A_1288 : vector<16xi32> to vector<16xi32>
    %swap3A_1290 = vector.shape_cast %add3A_1286 : vector<16xi32> to vector<16xi32>
    tpu.vector_store %arg5[%swap3A_1287], %swap3A_1290 {strides = array<i32>} : memref<3328xi32, #tpu.memory_space<vmem>>, vector<16xi32>,
    %get3A_1291 = arith.constant 1712 : index
    %get3A_1292 = tpu.vector_load %arg5[%get3A_1291] {strides = array<i32>} : memref<3328xi32, #tpu.memory_space<vmem>>, vector<16xi32>,
    %get3A_1293 = vector.shape_cast %get3A_1292 : vector<16xi32> to vector<16xi32>
    %add3A_1294 = arith.addi %get3A_1293, %mul3A_331 : vector<16xi32>
    %swap3A_1295 = arith.constant 1712 : index
    %swap3A_1296 = tpu.vector_load %arg5[%swap3A_1295] {strides = array<i32>} : memref<3328xi32, #tpu.memory_space<vmem>>, vector<16xi32>,
    %swap3A_1297 = vector.shape_cast %swap3A_1296 : vector<16xi32> to vector<16xi32>
    %swap3A_1298 = vector.shape_cast %add3A_1294 : vector<16xi32> to vector<16xi32>
    tpu.vector_store %arg5[%swap3A_1295], %swap3A_1298 {strides = array<i32>} : memref<3328xi32, #tpu.memory_space<vmem>>, vector<16xi32>,
    %get3A_1299 = arith.constant 1728 : index
    %get3A_1300 = tpu.vector_load %arg5[%get3A_1299] {strides = array<i32>} : memref<3328xi32, #tpu.memory_space<vmem>>, vector<16xi32>,
    %get3A_1301 = vector.shape_cast %get3A_1300 : vector<16xi32> to vector<16xi32>
    %add3A_1302 = arith.addi %get3A_1301, %mul3A_191 : vector<16xi32>
    %swap3A_1303 = arith.constant 1728 : index
    %swap3A_1304 = tpu.vector_load %arg5[%swap3A_1303] {strides = array<i32>} : memref<3328xi32, #tpu.memory_space<vmem>>, vector<16xi32>,
    %swap3A_1305 = vector.shape_cast %swap3A_1304 : vector<16xi32> to vector<16xi32>
    %swap3A_1306 = vector.shape_cast %add3A_1302 : vector<16xi32> to vector<16xi32>
    tpu.vector_store %arg5[%swap3A_1303], %swap3A_1306 {strides = array<i32>} : memref<3328xi32, #tpu.memory_space<vmem>>, vector<16xi32>,
    %get3A_1307 = arith.constant 1744 : index
    %get3A_1308 = tpu.vector_load %arg5[%get3A_1307] {strides = array<i32>} : memref<3328xi32, #tpu.memory_space<vmem>>, vector<16xi32>,
    %get3A_1309 = vector.shape_cast %get3A_1308 : vector<16xi32> to vector<16xi32>
    %add3A_1310 = arith.addi %get3A_1309, %mul3A_51 : vector<16xi32>
    %swap3A_1311 = arith.constant 1744 : index
    %swap3A_1312 = tpu.vector_load %arg5[%swap3A_1311] {strides = array<i32>} : memref<3328xi32, #tpu.memory_space<vmem>>, vector<16xi32>,
    %swap3A_1313 = vector.shape_cast %swap3A_1312 : vector<16xi32> to vector<16xi32>
    %swap3A_1314 = vector.shape_cast %add3A_1310 : vector<16xi32> to vector<16xi32>
    tpu.vector_store %arg5[%swap3A_1311], %swap3A_1314 {strides = array<i32>} : memref<3328xi32, #tpu.memory_space<vmem>>, vector<16xi32>,
    %get3A_1315 = arith.constant 1760 : index
    %get3A_1316 = tpu.vector_load %arg5[%get3A_1315] {strides = array<i32>} : memref<3328xi32, #tpu.memory_space<vmem>>, vector<16xi32>,
    %get3A_1317 = vector.shape_cast %get3A_1316 : vector<16xi32> to vector<16xi32>
    %add3A_1318 = arith.addi %get3A_1317, %mul3A_275 : vector<16xi32>
    %swap3A_1319 = arith.constant 1760 : index
    %swap3A_1320 = tpu.vector_load %arg5[%swap3A_1319] {strides = array<i32>} : memref<3328xi32, #tpu.memory_space<vmem>>, vector<16xi32>,
    %swap3A_1321 = vector.shape_cast %swap3A_1320 : vector<16xi32> to vector<16xi32>
    %swap3A_1322 = vector.shape_cast %add3A_1318 : vector<16xi32> to vector<16xi32>
    tpu.vector_store %arg5[%swap3A_1319], %swap3A_1322 {strides = array<i32>} : memref<3328xi32, #tpu.memory_space<vmem>>, vector<16xi32>,
    %get3A_1323 = arith.constant 1776 : index
    %get3A_1324 = tpu.vector_load %arg5[%get3A_1323] {strides = array<i32>} : memref<3328xi32, #tpu.memory_space<vmem>>, vector<16xi32>,
    %get3A_1325 = vector.shape_cast %get3A_1324 : vector<16xi32> to vector<16xi32>
    %add3A_1326 = arith.addi %get3A_1325, %mul3A_135 : vector<16xi32>
    %swap3A_1327 = arith.constant 1776 : index
    %swap3A_1328 = tpu.vector_load %arg5[%swap3A_1327] {strides = array<i32>} : memref<3328xi32, #tpu.memory_space<vmem>>, vector<16xi32>,
    %swap3A_1329 = vector.shape_cast %swap3A_1328 : vector<16xi32> to vector<16xi32>
    %swap3A_1330 = vector.shape_cast %add3A_1326 : vector<16xi32> to vector<16xi32>
    tpu.vector_store %arg5[%swap3A_1327], %swap3A_1330 {strides = array<i32>} : memref<3328xi32, #tpu.memory_space<vmem>>, vector<16xi32>,
    %get3A_1331 = arith.constant 1792 : index
    %get3A_1332 = tpu.vector_load %arg5[%get3A_1331] {strides = array<i32>} : memref<3328xi32, #tpu.memory_space<vmem>>, vector<16xi32>,
    %get3A_1333 = vector.shape_cast %get3A_1332 : vector<16xi32> to vector<16xi32>
    %add3A_1334 = arith.addi %get3A_1333, %mul3A_359 : vector<16xi32>
    %swap3A_1335 = arith.constant 1792 : index
    %swap3A_1336 = tpu.vector_load %arg5[%swap3A_1335] {strides = array<i32>} : memref<3328xi32, #tpu.memory_space<vmem>>, vector<16xi32>,
    %swap3A_1337 = vector.shape_cast %swap3A_1336 : vector<16xi32> to vector<16xi32>
    %swap3A_1338 = vector.shape_cast %add3A_1334 : vector<16xi32> to vector<16xi32>
    tpu.vector_store %arg5[%swap3A_1335], %swap3A_1338 {strides = array<i32>} : memref<3328xi32, #tpu.memory_space<vmem>>, vector<16xi32>,
    %get3A_1339 = arith.constant 1808 : index
    %get3A_1340 = tpu.vector_load %arg5[%get3A_1339] {strides = array<i32>} : memref<3328xi32, #tpu.memory_space<vmem>>, vector<16xi32>,
    %get3A_1341 = vector.shape_cast %get3A_1340 : vector<16xi32> to vector<16xi32>
    %add3A_1342 = arith.addi %get3A_1341, %mul3A_219 : vector<16xi32>
    %swap3A_1343 = arith.constant 1808 : index
    %swap3A_1344 = tpu.vector_load %arg5[%swap3A_1343] {strides = array<i32>} : memref<3328xi32, #tpu.memory_space<vmem>>, vector<16xi32>,
    %swap3A_1345 = vector.shape_cast %swap3A_1344 : vector<16xi32> to vector<16xi32>
    %swap3A_1346 = vector.shape_cast %add3A_1342 : vector<16xi32> to vector<16xi32>
    tpu.vector_store %arg5[%swap3A_1343], %swap3A_1346 {strides = array<i32>} : memref<3328xi32, #tpu.memory_space<vmem>>, vector<16xi32>,
    %get3A_1347 = arith.constant 1824 : index
    %get3A_1348 = tpu.vector_load %arg5[%get3A_1347] {strides = array<i32>} : memref<3328xi32, #tpu.memory_space<vmem>>, vector<16xi32>,
    %get3A_1349 = vector.shape_cast %get3A_1348 : vector<16xi32> to vector<16xi32>
    %add3A_1350 = arith.addi %get3A_1349, %mul3A_79 : vector<16xi32>
    %swap3A_1351 = arith.constant 1824 : index
    %swap3A_1352 = tpu.vector_load %arg5[%swap3A_1351] {strides = array<i32>} : memref<3328xi32, #tpu.memory_space<vmem>>, vector<16xi32>,
    %swap3A_1353 = vector.shape_cast %swap3A_1352 : vector<16xi32> to vector<16xi32>
    %swap3A_1354 = vector.shape_cast %add3A_1350 : vector<16xi32> to vector<16xi32>
    tpu.vector_store %arg5[%swap3A_1351], %swap3A_1354 {strides = array<i32>} : memref<3328xi32, #tpu.memory_space<vmem>>, vector<16xi32>,
    %get3A_1355 = arith.constant 1840 : index
    %get3A_1356 = tpu.vector_load %arg5[%get3A_1355] {strides = array<i32>} : memref<3328xi32, #tpu.memory_space<vmem>>, vector<16xi32>,
    %get3A_1357 = vector.shape_cast %get3A_1356 : vector<16xi32> to vector<16xi32>
    %add3A_1358 = arith.addi %get3A_1357, %mul3A_303 : vector<16xi32>
    %swap3A_1359 = arith.constant 1840 : index
    %swap3A_1360 = tpu.vector_load %arg5[%swap3A_1359] {strides = array<i32>} : memref<3328xi32, #tpu.memory_space<vmem>>, vector<16xi32>,
    %swap3A_1361 = vector.shape_cast %swap3A_1360 : vector<16xi32> to vector<16xi32>
    %swap3A_1362 = vector.shape_cast %add3A_1358 : vector<16xi32> to vector<16xi32>
    tpu.vector_store %arg5[%swap3A_1359], %swap3A_1362 {strides = array<i32>} : memref<3328xi32, #tpu.memory_space<vmem>>, vector<16xi32>,
    %get3A_1363 = arith.constant 1856 : index
    %get3A_1364 = tpu.vector_load %arg5[%get3A_1363] {strides = array<i32>} : memref<3328xi32, #tpu.memory_space<vmem>>, vector<16xi32>,
    %get3A_1365 = vector.shape_cast %get3A_1364 : vector<16xi32> to vector<16xi32>
    %add3A_1366 = arith.addi %get3A_1365, %mul3A_163 : vector<16xi32>
    %swap3A_1367 = arith.constant 1856 : index
    %swap3A_1368 = tpu.vector_load %arg5[%swap3A_1367] {strides = array<i32>} : memref<3328xi32, #tpu.memory_space<vmem>>, vector<16xi32>,
    %swap3A_1369 = vector.shape_cast %swap3A_1368 : vector<16xi32> to vector<16xi32>
    %swap3A_1370 = vector.shape_cast %add3A_1366 : vector<16xi32> to vector<16xi32>
    tpu.vector_store %arg5[%swap3A_1367], %swap3A_1370 {strides = array<i32>} : memref<3328xi32, #tpu.memory_space<vmem>>, vector<16xi32>,
    %get3A_1371 = arith.constant 1872 : index
    %get3A_1372 = tpu.vector_load %arg5[%get3A_1371] {strides = array<i32>} : memref<3328xi32, #tpu.memory_space<vmem>>, vector<16xi32>,
    %get3A_1373 = vector.shape_cast %get3A_1372 : vector<16xi32> to vector<16xi32>
    %add3A_1374 = arith.addi %get3A_1373, %mul3A_23 : vector<16xi32>
    %swap3A_1375 = arith.constant 1872 : index
    %swap3A_1376 = tpu.vector_load %arg5[%swap3A_1375] {strides = array<i32>} : memref<3328xi32, #tpu.memory_space<vmem>>, vector<16xi32>,
    %swap3A_1377 = vector.shape_cast %swap3A_1376 : vector<16xi32> to vector<16xi32>
    %swap3A_1378 = vector.shape_cast %add3A_1374 : vector<16xi32> to vector<16xi32>
    tpu.vector_store %arg5[%swap3A_1375], %swap3A_1378 {strides = array<i32>} : memref<3328xi32, #tpu.memory_space<vmem>>, vector<16xi32>,
    %get3A_1379 = arith.constant 1888 : index
    %get3A_1380 = tpu.vector_load %arg5[%get3A_1379] {strides = array<i32>} : memref<3328xi32, #tpu.memory_space<vmem>>, vector<16xi32>,
    %get3A_1381 = vector.shape_cast %get3A_1380 : vector<16xi32> to vector<16xi32>
    %add3A_1382 = arith.addi %get3A_1381, %mul3A_247 : vector<16xi32>
    %swap3A_1383 = arith.constant 1888 : index
    %swap3A_1384 = tpu.vector_load %arg5[%swap3A_1383] {strides = array<i32>} : memref<3328xi32, #tpu.memory_space<vmem>>, vector<16xi32>,
    %swap3A_1385 = vector.shape_cast %swap3A_1384 : vector<16xi32> to vector<16xi32>
    %swap3A_1386 = vector.shape_cast %add3A_1382 : vector<16xi32> to vector<16xi32>
    tpu.vector_store %arg5[%swap3A_1383], %swap3A_1386 {strides = array<i32>} : memref<3328xi32, #tpu.memory_space<vmem>>, vector<16xi32>,
    %get3A_1387 = arith.constant 1904 : index
    %get3A_1388 = tpu.vector_load %arg5[%get3A_1387] {strides = array<i32>} : memref<3328xi32, #tpu.memory_space<vmem>>, vector<16xi32>,
    %get3A_1389 = vector.shape_cast %get3A_1388 : vector<16xi32> to vector<16xi32>
    %add3A_1390 = arith.addi %get3A_1389, %mul3A_107 : vector<16xi32>
    %swap3A_1391 = arith.constant 1904 : index
    %swap3A_1392 = tpu.vector_load %arg5[%swap3A_1391] {strides = array<i32>} : memref<3328xi32, #tpu.memory_space<vmem>>, vector<16xi32>,
    %swap3A_1393 = vector.shape_cast %swap3A_1392 : vector<16xi32> to vector<16xi32>
    %swap3A_1394 = vector.shape_cast %add3A_1390 : vector<16xi32> to vector<16xi32>
    tpu.vector_store %arg5[%swap3A_1391], %swap3A_1394 {strides = array<i32>} : memref<3328xi32, #tpu.memory_space<vmem>>, vector<16xi32>,
    %get3A_1395 = arith.constant 1920 : index
    %get3A_1396 = tpu.vector_load %arg5[%get3A_1395] {strides = array<i32>} : memref<3328xi32, #tpu.memory_space<vmem>>, vector<16xi32>,
    %get3A_1397 = vector.shape_cast %get3A_1396 : vector<16xi32> to vector<16xi32>
    %add3A_1398 = arith.addi %get3A_1397, %mul3A_331 : vector<16xi32>
    %swap3A_1399 = arith.constant 1920 : index
    %swap3A_1400 = tpu.vector_load %arg5[%swap3A_1399] {strides = array<i32>} : memref<3328xi32, #tpu.memory_space<vmem>>, vector<16xi32>,
    %swap3A_1401 = vector.shape_cast %swap3A_1400 : vector<16xi32> to vector<16xi32>
    %swap3A_1402 = vector.shape_cast %add3A_1398 : vector<16xi32> to vector<16xi32>
    tpu.vector_store %arg5[%swap3A_1399], %swap3A_1402 {strides = array<i32>} : memref<3328xi32, #tpu.memory_space<vmem>>, vector<16xi32>,
    %get3A_1403 = arith.constant 1936 : index
    %get3A_1404 = tpu.vector_load %arg5[%get3A_1403] {strides = array<i32>} : memref<3328xi32, #tpu.memory_space<vmem>>, vector<16xi32>,
    %get3A_1405 = vector.shape_cast %get3A_1404 : vector<16xi32> to vector<16xi32>
    %add3A_1406 = arith.addi %get3A_1405, %mul3A_191 : vector<16xi32>
    %swap3A_1407 = arith.constant 1936 : index
    %swap3A_1408 = tpu.vector_load %arg5[%swap3A_1407] {strides = array<i32>} : memref<3328xi32, #tpu.memory_space<vmem>>, vector<16xi32>,
    %swap3A_1409 = vector.shape_cast %swap3A_1408 : vector<16xi32> to vector<16xi32>
    %swap3A_1410 = vector.shape_cast %add3A_1406 : vector<16xi32> to vector<16xi32>
    tpu.vector_store %arg5[%swap3A_1407], %swap3A_1410 {strides = array<i32>} : memref<3328xi32, #tpu.memory_space<vmem>>, vector<16xi32>,
    %get3A_1411 = arith.constant 1952 : index
    %get3A_1412 = tpu.vector_load %arg5[%get3A_1411] {strides = array<i32>} : memref<3328xi32, #tpu.memory_space<vmem>>, vector<16xi32>,
    %get3A_1413 = vector.shape_cast %get3A_1412 : vector<16xi32> to vector<16xi32>
    %add3A_1414 = arith.addi %get3A_1413, %mul3A_51 : vector<16xi32>
    %swap3A_1415 = arith.constant 1952 : index
    %swap3A_1416 = tpu.vector_load %arg5[%swap3A_1415] {strides = array<i32>} : memref<3328xi32, #tpu.memory_space<vmem>>, vector<16xi32>,
    %swap3A_1417 = vector.shape_cast %swap3A_1416 : vector<16xi32> to vector<16xi32>
    %swap3A_1418 = vector.shape_cast %add3A_1414 : vector<16xi32> to vector<16xi32>
    tpu.vector_store %arg5[%swap3A_1415], %swap3A_1418 {strides = array<i32>} : memref<3328xi32, #tpu.memory_space<vmem>>, vector<16xi32>,
    %get3A_1419 = arith.constant 1968 : index
    %get3A_1420 = tpu.vector_load %arg5[%get3A_1419] {strides = array<i32>} : memref<3328xi32, #tpu.memory_space<vmem>>, vector<16xi32>,
    %get3A_1421 = vector.shape_cast %get3A_1420 : vector<16xi32> to vector<16xi32>
    %add3A_1422 = arith.addi %get3A_1421, %mul3A_275 : vector<16xi32>
    %swap3A_1423 = arith.constant 1968 : index
    %swap3A_1424 = tpu.vector_load %arg5[%swap3A_1423] {strides = array<i32>} : memref<3328xi32, #tpu.memory_space<vmem>>, vector<16xi32>,
    %swap3A_1425 = vector.shape_cast %swap3A_1424 : vector<16xi32> to vector<16xi32>
    %swap3A_1426 = vector.shape_cast %add3A_1422 : vector<16xi32> to vector<16xi32>
    tpu.vector_store %arg5[%swap3A_1423], %swap3A_1426 {strides = array<i32>} : memref<3328xi32, #tpu.memory_space<vmem>>, vector<16xi32>,
    %get3A_1427 = arith.constant 1984 : index
    %get3A_1428 = tpu.vector_load %arg5[%get3A_1427] {strides = array<i32>} : memref<3328xi32, #tpu.memory_space<vmem>>, vector<16xi32>,
    %get3A_1429 = vector.shape_cast %get3A_1428 : vector<16xi32> to vector<16xi32>
    %add3A_1430 = arith.addi %get3A_1429, %mul3A_135 : vector<16xi32>
    %swap3A_1431 = arith.constant 1984 : index
    %swap3A_1432 = tpu.vector_load %arg5[%swap3A_1431] {strides = array<i32>} : memref<3328xi32, #tpu.memory_space<vmem>>, vector<16xi32>,
    %swap3A_1433 = vector.shape_cast %swap3A_1432 : vector<16xi32> to vector<16xi32>
    %swap3A_1434 = vector.shape_cast %add3A_1430 : vector<16xi32> to vector<16xi32>
    tpu.vector_store %arg5[%swap3A_1431], %swap3A_1434 {strides = array<i32>} : memref<3328xi32, #tpu.memory_space<vmem>>, vector<16xi32>,
    %get3A_1435 = arith.constant 2000 : index
    %get3A_1436 = tpu.vector_load %arg5[%get3A_1435] {strides = array<i32>} : memref<3328xi32, #tpu.memory_space<vmem>>, vector<16xi32>,
    %get3A_1437 = vector.shape_cast %get3A_1436 : vector<16xi32> to vector<16xi32>
    %add3A_1438 = arith.addi %get3A_1437, %mul3A_359 : vector<16xi32>
    %swap3A_1439 = arith.constant 2000 : index
    %swap3A_1440 = tpu.vector_load %arg5[%swap3A_1439] {strides = array<i32>} : memref<3328xi32, #tpu.memory_space<vmem>>, vector<16xi32>,
    %swap3A_1441 = vector.shape_cast %swap3A_1440 : vector<16xi32> to vector<16xi32>
    %swap3A_1442 = vector.shape_cast %add3A_1438 : vector<16xi32> to vector<16xi32>
    tpu.vector_store %arg5[%swap3A_1439], %swap3A_1442 {strides = array<i32>} : memref<3328xi32, #tpu.memory_space<vmem>>, vector<16xi32>,
    %get3A_1443 = arith.constant 2016 : index
    %get3A_1444 = tpu.vector_load %arg5[%get3A_1443] {strides = array<i32>} : memref<3328xi32, #tpu.memory_space<vmem>>, vector<16xi32>,
    %get3A_1445 = vector.shape_cast %get3A_1444 : vector<16xi32> to vector<16xi32>
    %add3A_1446 = arith.addi %get3A_1445, %mul3A_219 : vector<16xi32>
    %swap3A_1447 = arith.constant 2016 : index
    %swap3A_1448 = tpu.vector_load %arg5[%swap3A_1447] {strides = array<i32>} : memref<3328xi32, #tpu.memory_space<vmem>>, vector<16xi32>,
    %swap3A_1449 = vector.shape_cast %swap3A_1448 : vector<16xi32> to vector<16xi32>
    %swap3A_1450 = vector.shape_cast %add3A_1446 : vector<16xi32> to vector<16xi32>
    tpu.vector_store %arg5[%swap3A_1447], %swap3A_1450 {strides = array<i32>} : memref<3328xi32, #tpu.memory_space<vmem>>, vector<16xi32>,
    %get3A_1451 = arith.constant 2032 : index
    %get3A_1452 = tpu.vector_load %arg5[%get3A_1451] {strides = array<i32>} : memref<3328xi32, #tpu.memory_space<vmem>>, vector<16xi32>,
    %get3A_1453 = vector.shape_cast %get3A_1452 : vector<16xi32> to vector<16xi32>
    %add3A_1454 = arith.addi %get3A_1453, %mul3A_79 : vector<16xi32>
    %swap3A_1455 = arith.constant 2032 : index
    %swap3A_1456 = tpu.vector_load %arg5[%swap3A_1455] {strides = array<i32>} : memref<3328xi32, #tpu.memory_space<vmem>>, vector<16xi32>,
    %swap3A_1457 = vector.shape_cast %swap3A_1456 : vector<16xi32> to vector<16xi32>
    %swap3A_1458 = vector.shape_cast %add3A_1454 : vector<16xi32> to vector<16xi32>
    tpu.vector_store %arg5[%swap3A_1455], %swap3A_1458 {strides = array<i32>} : memref<3328xi32, #tpu.memory_space<vmem>>, vector<16xi32>,
    %get3A_1459 = arith.constant 2048 : index
    %get3A_1460 = tpu.vector_load %arg5[%get3A_1459] {strides = array<i32>} : memref<3328xi32, #tpu.memory_space<vmem>>, vector<16xi32>,
    %get3A_1461 = vector.shape_cast %get3A_1460 : vector<16xi32> to vector<16xi32>
    %add3A_1462 = arith.addi %get3A_1461, %mul3A_303 : vector<16xi32>
    %swap3A_1463 = arith.constant 2048 : index
    %swap3A_1464 = tpu.vector_load %arg5[%swap3A_1463] {strides = array<i32>} : memref<3328xi32, #tpu.memory_space<vmem>>, vector<16xi32>,
    %swap3A_1465 = vector.shape_cast %swap3A_1464 : vector<16xi32> to vector<16xi32>
    %swap3A_1466 = vector.shape_cast %add3A_1462 : vector<16xi32> to vector<16xi32>
    tpu.vector_store %arg5[%swap3A_1463], %swap3A_1466 {strides = array<i32>} : memref<3328xi32, #tpu.memory_space<vmem>>, vector<16xi32>,
    %get3A_1467 = arith.constant 2064 : index
    %get3A_1468 = tpu.vector_load %arg5[%get3A_1467] {strides = array<i32>} : memref<3328xi32, #tpu.memory_space<vmem>>, vector<16xi32>,
    %get3A_1469 = vector.shape_cast %get3A_1468 : vector<16xi32> to vector<16xi32>
    %add3A_1470 = arith.addi %get3A_1469, %mul3A_163 : vector<16xi32>
    %swap3A_1471 = arith.constant 2064 : index
    %swap3A_1472 = tpu.vector_load %arg5[%swap3A_1471] {strides = array<i32>} : memref<3328xi32, #tpu.memory_space<vmem>>, vector<16xi32>,
    %swap3A_1473 = vector.shape_cast %swap3A_1472 : vector<16xi32> to vector<16xi32>
    %swap3A_1474 = vector.shape_cast %add3A_1470 : vector<16xi32> to vector<16xi32>
    tpu.vector_store %arg5[%swap3A_1471], %swap3A_1474 {strides = array<i32>} : memref<3328xi32, #tpu.memory_space<vmem>>, vector<16xi32>,
    %get3A_1475 = arith.constant 2080 : index
    %get3A_1476 = tpu.vector_load %arg5[%get3A_1475] {strides = array<i32>} : memref<3328xi32, #tpu.memory_space<vmem>>, vector<16xi32>,
    %get3A_1477 = vector.shape_cast %get3A_1476 : vector<16xi32> to vector<16xi32>
    %add3A_1478 = arith.addi %get3A_1477, %mul3A_23 : vector<16xi32>
    %swap3A_1479 = arith.constant 2080 : index
    %swap3A_1480 = tpu.vector_load %arg5[%swap3A_1479] {strides = array<i32>} : memref<3328xi32, #tpu.memory_space<vmem>>, vector<16xi32>,
    %swap3A_1481 = vector.shape_cast %swap3A_1480 : vector<16xi32> to vector<16xi32>
    %swap3A_1482 = vector.shape_cast %add3A_1478 : vector<16xi32> to vector<16xi32>
    tpu.vector_store %arg5[%swap3A_1479], %swap3A_1482 {strides = array<i32>} : memref<3328xi32, #tpu.memory_space<vmem>>, vector<16xi32>,
    %get3A_1483 = arith.constant 2096 : index
    %get3A_1484 = tpu.vector_load %arg5[%get3A_1483] {strides = array<i32>} : memref<3328xi32, #tpu.memory_space<vmem>>, vector<16xi32>,
    %get3A_1485 = vector.shape_cast %get3A_1484 : vector<16xi32> to vector<16xi32>
    %add3A_1486 = arith.addi %get3A_1485, %mul3A_247 : vector<16xi32>
    %swap3A_1487 = arith.constant 2096 : index
    %swap3A_1488 = tpu.vector_load %arg5[%swap3A_1487] {strides = array<i32>} : memref<3328xi32, #tpu.memory_space<vmem>>, vector<16xi32>,
    %swap3A_1489 = vector.shape_cast %swap3A_1488 : vector<16xi32> to vector<16xi32>
    %swap3A_1490 = vector.shape_cast %add3A_1486 : vector<16xi32> to vector<16xi32>
    tpu.vector_store %arg5[%swap3A_1487], %swap3A_1490 {strides = array<i32>} : memref<3328xi32, #tpu.memory_space<vmem>>, vector<16xi32>,
    %get3A_1491 = arith.constant 2112 : index
    %get3A_1492 = tpu.vector_load %arg5[%get3A_1491] {strides = array<i32>} : memref<3328xi32, #tpu.memory_space<vmem>>, vector<16xi32>,
    %get3A_1493 = vector.shape_cast %get3A_1492 : vector<16xi32> to vector<16xi32>
    %add3A_1494 = arith.addi %get3A_1493, %mul3A_107 : vector<16xi32>
    %swap3A_1495 = arith.constant 2112 : index
    %swap3A_1496 = tpu.vector_load %arg5[%swap3A_1495] {strides = array<i32>} : memref<3328xi32, #tpu.memory_space<vmem>>, vector<16xi32>,
    %swap3A_1497 = vector.shape_cast %swap3A_1496 : vector<16xi32> to vector<16xi32>
    %swap3A_1498 = vector.shape_cast %add3A_1494 : vector<16xi32> to vector<16xi32>
    tpu.vector_store %arg5[%swap3A_1495], %swap3A_1498 {strides = array<i32>} : memref<3328xi32, #tpu.memory_space<vmem>>, vector<16xi32>,
    %get3A_1499 = arith.constant 2128 : index
    %get3A_1500 = tpu.vector_load %arg5[%get3A_1499] {strides = array<i32>} : memref<3328xi32, #tpu.memory_space<vmem>>, vector<16xi32>,
    %get3A_1501 = vector.shape_cast %get3A_1500 : vector<16xi32> to vector<16xi32>
    %add3A_1502 = arith.addi %get3A_1501, %mul3A_331 : vector<16xi32>
    %swap3A_1503 = arith.constant 2128 : index
    %swap3A_1504 = tpu.vector_load %arg5[%swap3A_1503] {strides = array<i32>} : memref<3328xi32, #tpu.memory_space<vmem>>, vector<16xi32>,
    %swap3A_1505 = vector.shape_cast %swap3A_1504 : vector<16xi32> to vector<16xi32>
    %swap3A_1506 = vector.shape_cast %add3A_1502 : vector<16xi32> to vector<16xi32>
    tpu.vector_store %arg5[%swap3A_1503], %swap3A_1506 {strides = array<i32>} : memref<3328xi32, #tpu.memory_space<vmem>>, vector<16xi32>,
    %get3A_1507 = arith.constant 2144 : index
    %get3A_1508 = tpu.vector_load %arg5[%get3A_1507] {strides = array<i32>} : memref<3328xi32, #tpu.memory_space<vmem>>, vector<16xi32>,
    %get3A_1509 = vector.shape_cast %get3A_1508 : vector<16xi32> to vector<16xi32>
    %add3A_1510 = arith.addi %get3A_1509, %mul3A_191 : vector<16xi32>
    %swap3A_1511 = arith.constant 2144 : index
    %swap3A_1512 = tpu.vector_load %arg5[%swap3A_1511] {strides = array<i32>} : memref<3328xi32, #tpu.memory_space<vmem>>, vector<16xi32>,
    %swap3A_1513 = vector.shape_cast %swap3A_1512 : vector<16xi32> to vector<16xi32>
    %swap3A_1514 = vector.shape_cast %add3A_1510 : vector<16xi32> to vector<16xi32>
    tpu.vector_store %arg5[%swap3A_1511], %swap3A_1514 {strides = array<i32>} : memref<3328xi32, #tpu.memory_space<vmem>>, vector<16xi32>,
    %get3A_1515 = arith.constant 2160 : index
    %get3A_1516 = tpu.vector_load %arg5[%get3A_1515] {strides = array<i32>} : memref<3328xi32, #tpu.memory_space<vmem>>, vector<16xi32>,
    %get3A_1517 = vector.shape_cast %get3A_1516 : vector<16xi32> to vector<16xi32>
    %add3A_1518 = arith.addi %get3A_1517, %mul3A_51 : vector<16xi32>
    %swap3A_1519 = arith.constant 2160 : index
    %swap3A_1520 = tpu.vector_load %arg5[%swap3A_1519] {strides = array<i32>} : memref<3328xi32, #tpu.memory_space<vmem>>, vector<16xi32>,
    %swap3A_1521 = vector.shape_cast %swap3A_1520 : vector<16xi32> to vector<16xi32>
    %swap3A_1522 = vector.shape_cast %add3A_1518 : vector<16xi32> to vector<16xi32>
    tpu.vector_store %arg5[%swap3A_1519], %swap3A_1522 {strides = array<i32>} : memref<3328xi32, #tpu.memory_space<vmem>>, vector<16xi32>,
    %get3A_1523 = arith.constant 2176 : index
    %get3A_1524 = tpu.vector_load %arg5[%get3A_1523] {strides = array<i32>} : memref<3328xi32, #tpu.memory_space<vmem>>, vector<16xi32>,
    %get3A_1525 = vector.shape_cast %get3A_1524 : vector<16xi32> to vector<16xi32>
    %add3A_1526 = arith.addi %get3A_1525, %mul3A_275 : vector<16xi32>
    %swap3A_1527 = arith.constant 2176 : index
    %swap3A_1528 = tpu.vector_load %arg5[%swap3A_1527] {strides = array<i32>} : memref<3328xi32, #tpu.memory_space<vmem>>, vector<16xi32>,
    %swap3A_1529 = vector.shape_cast %swap3A_1528 : vector<16xi32> to vector<16xi32>
    %swap3A_1530 = vector.shape_cast %add3A_1526 : vector<16xi32> to vector<16xi32>
    tpu.vector_store %arg5[%swap3A_1527], %swap3A_1530 {strides = array<i32>} : memref<3328xi32, #tpu.memory_space<vmem>>, vector<16xi32>,
    %get3A_1531 = arith.constant 2192 : index
    %get3A_1532 = tpu.vector_load %arg5[%get3A_1531] {strides = array<i32>} : memref<3328xi32, #tpu.memory_space<vmem>>, vector<16xi32>,
    %get3A_1533 = vector.shape_cast %get3A_1532 : vector<16xi32> to vector<16xi32>
    %add3A_1534 = arith.addi %get3A_1533, %mul3A_135 : vector<16xi32>
    %swap3A_1535 = arith.constant 2192 : index
    %swap3A_1536 = tpu.vector_load %arg5[%swap3A_1535] {strides = array<i32>} : memref<3328xi32, #tpu.memory_space<vmem>>, vector<16xi32>,
    %swap3A_1537 = vector.shape_cast %swap3A_1536 : vector<16xi32> to vector<16xi32>
    %swap3A_1538 = vector.shape_cast %add3A_1534 : vector<16xi32> to vector<16xi32>
    tpu.vector_store %arg5[%swap3A_1535], %swap3A_1538 {strides = array<i32>} : memref<3328xi32, #tpu.memory_space<vmem>>, vector<16xi32>,
    %get3A_1539 = arith.constant 2208 : index
    %get3A_1540 = tpu.vector_load %arg5[%get3A_1539] {strides = array<i32>} : memref<3328xi32, #tpu.memory_space<vmem>>, vector<16xi32>,
    %get3A_1541 = vector.shape_cast %get3A_1540 : vector<16xi32> to vector<16xi32>
    %add3A_1542 = arith.addi %get3A_1541, %mul3A_359 : vector<16xi32>
    %swap3A_1543 = arith.constant 2208 : index
    %swap3A_1544 = tpu.vector_load %arg5[%swap3A_1543] {strides = array<i32>} : memref<3328xi32, #tpu.memory_space<vmem>>, vector<16xi32>,
    %swap3A_1545 = vector.shape_cast %swap3A_1544 : vector<16xi32> to vector<16xi32>
    %swap3A_1546 = vector.shape_cast %add3A_1542 : vector<16xi32> to vector<16xi32>
    tpu.vector_store %arg5[%swap3A_1543], %swap3A_1546 {strides = array<i32>} : memref<3328xi32, #tpu.memory_space<vmem>>, vector<16xi32>,
    %get3A_1547 = arith.constant 2224 : index
    %get3A_1548 = tpu.vector_load %arg5[%get3A_1547] {strides = array<i32>} : memref<3328xi32, #tpu.memory_space<vmem>>, vector<16xi32>,
    %get3A_1549 = vector.shape_cast %get3A_1548 : vector<16xi32> to vector<16xi32>
    %add3A_1550 = arith.addi %get3A_1549, %mul3A_219 : vector<16xi32>
    %swap3A_1551 = arith.constant 2224 : index
    %swap3A_1552 = tpu.vector_load %arg5[%swap3A_1551] {strides = array<i32>} : memref<3328xi32, #tpu.memory_space<vmem>>, vector<16xi32>,
    %swap3A_1553 = vector.shape_cast %swap3A_1552 : vector<16xi32> to vector<16xi32>
    %swap3A_1554 = vector.shape_cast %add3A_1550 : vector<16xi32> to vector<16xi32>
    tpu.vector_store %arg5[%swap3A_1551], %swap3A_1554 {strides = array<i32>} : memref<3328xi32, #tpu.memory_space<vmem>>, vector<16xi32>,
    %get3A_1555 = arith.constant 2240 : index
    %get3A_1556 = tpu.vector_load %arg5[%get3A_1555] {strides = array<i32>} : memref<3328xi32, #tpu.memory_space<vmem>>, vector<16xi32>,
    %get3A_1557 = vector.shape_cast %get3A_1556 : vector<16xi32> to vector<16xi32>
    %add3A_1558 = arith.addi %get3A_1557, %mul3A_79 : vector<16xi32>
    %swap3A_1559 = arith.constant 2240 : index
    %swap3A_1560 = tpu.vector_load %arg5[%swap3A_1559] {strides = array<i32>} : memref<3328xi32, #tpu.memory_space<vmem>>, vector<16xi32>,
    %swap3A_1561 = vector.shape_cast %swap3A_1560 : vector<16xi32> to vector<16xi32>
    %swap3A_1562 = vector.shape_cast %add3A_1558 : vector<16xi32> to vector<16xi32>
    tpu.vector_store %arg5[%swap3A_1559], %swap3A_1562 {strides = array<i32>} : memref<3328xi32, #tpu.memory_space<vmem>>, vector<16xi32>,
    %get3A_1563 = arith.constant 2256 : index
    %get3A_1564 = tpu.vector_load %arg5[%get3A_1563] {strides = array<i32>} : memref<3328xi32, #tpu.memory_space<vmem>>, vector<16xi32>,
    %get3A_1565 = vector.shape_cast %get3A_1564 : vector<16xi32> to vector<16xi32>
    %add3A_1566 = arith.addi %get3A_1565, %mul3A_303 : vector<16xi32>
    %swap3A_1567 = arith.constant 2256 : index
    %swap3A_1568 = tpu.vector_load %arg5[%swap3A_1567] {strides = array<i32>} : memref<3328xi32, #tpu.memory_space<vmem>>, vector<16xi32>,
    %swap3A_1569 = vector.shape_cast %swap3A_1568 : vector<16xi32> to vector<16xi32>
    %swap3A_1570 = vector.shape_cast %add3A_1566 : vector<16xi32> to vector<16xi32>
    tpu.vector_store %arg5[%swap3A_1567], %swap3A_1570 {strides = array<i32>} : memref<3328xi32, #tpu.memory_space<vmem>>, vector<16xi32>,
    %get3A_1571 = arith.constant 2272 : index
    %get3A_1572 = tpu.vector_load %arg5[%get3A_1571] {strides = array<i32>} : memref<3328xi32, #tpu.memory_space<vmem>>, vector<16xi32>,
    %get3A_1573 = vector.shape_cast %get3A_1572 : vector<16xi32> to vector<16xi32>
    %add3A_1574 = arith.addi %get3A_1573, %mul3A_163 : vector<16xi32>
    %swap3A_1575 = arith.constant 2272 : index
    %swap3A_1576 = tpu.vector_load %arg5[%swap3A_1575] {strides = array<i32>} : memref<3328xi32, #tpu.memory_space<vmem>>, vector<16xi32>,
    %swap3A_1577 = vector.shape_cast %swap3A_1576 : vector<16xi32> to vector<16xi32>
    %swap3A_1578 = vector.shape_cast %add3A_1574 : vector<16xi32> to vector<16xi32>
    tpu.vector_store %arg5[%swap3A_1575], %swap3A_1578 {strides = array<i32>} : memref<3328xi32, #tpu.memory_space<vmem>>, vector<16xi32>,
    %get3A_1579 = arith.constant 2288 : index
    %get3A_1580 = tpu.vector_load %arg5[%get3A_1579] {strides = array<i32>} : memref<3328xi32, #tpu.memory_space<vmem>>, vector<16xi32>,
    %get3A_1581 = vector.shape_cast %get3A_1580 : vector<16xi32> to vector<16xi32>
    %add3A_1582 = arith.addi %get3A_1581, %mul3A_23 : vector<16xi32>
    %swap3A_1583 = arith.constant 2288 : index
    %swap3A_1584 = tpu.vector_load %arg5[%swap3A_1583] {strides = array<i32>} : memref<3328xi32, #tpu.memory_space<vmem>>, vector<16xi32>,
    %swap3A_1585 = vector.shape_cast %swap3A_1584 : vector<16xi32> to vector<16xi32>
    %swap3A_1586 = vector.shape_cast %add3A_1582 : vector<16xi32> to vector<16xi32>
    tpu.vector_store %arg5[%swap3A_1583], %swap3A_1586 {strides = array<i32>} : memref<3328xi32, #tpu.memory_space<vmem>>, vector<16xi32>,
    %get3A_1587 = arith.constant 2304 : index
    %get3A_1588 = tpu.vector_load %arg5[%get3A_1587] {strides = array<i32>} : memref<3328xi32, #tpu.memory_space<vmem>>, vector<16xi32>,
    %get3A_1589 = vector.shape_cast %get3A_1588 : vector<16xi32> to vector<16xi32>
    %add3A_1590 = arith.addi %get3A_1589, %mul3A_247 : vector<16xi32>
    %swap3A_1591 = arith.constant 2304 : index
    %swap3A_1592 = tpu.vector_load %arg5[%swap3A_1591] {strides = array<i32>} : memref<3328xi32, #tpu.memory_space<vmem>>, vector<16xi32>,
    %swap3A_1593 = vector.shape_cast %swap3A_1592 : vector<16xi32> to vector<16xi32>
    %swap3A_1594 = vector.shape_cast %add3A_1590 : vector<16xi32> to vector<16xi32>
    tpu.vector_store %arg5[%swap3A_1591], %swap3A_1594 {strides = array<i32>} : memref<3328xi32, #tpu.memory_space<vmem>>, vector<16xi32>,
    %get3A_1595 = arith.constant 2320 : index
    %get3A_1596 = tpu.vector_load %arg5[%get3A_1595] {strides = array<i32>} : memref<3328xi32, #tpu.memory_space<vmem>>, vector<16xi32>,
    %get3A_1597 = vector.shape_cast %get3A_1596 : vector<16xi32> to vector<16xi32>
    %add3A_1598 = arith.addi %get3A_1597, %mul3A_107 : vector<16xi32>
    %swap3A_1599 = arith.constant 2320 : index
    %swap3A_1600 = tpu.vector_load %arg5[%swap3A_1599] {strides = array<i32>} : memref<3328xi32, #tpu.memory_space<vmem>>, vector<16xi32>,
    %swap3A_1601 = vector.shape_cast %swap3A_1600 : vector<16xi32> to vector<16xi32>
    %swap3A_1602 = vector.shape_cast %add3A_1598 : vector<16xi32> to vector<16xi32>
    tpu.vector_store %arg5[%swap3A_1599], %swap3A_1602 {strides = array<i32>} : memref<3328xi32, #tpu.memory_space<vmem>>, vector<16xi32>,
    %get3A_1603 = arith.constant 2336 : index
    %get3A_1604 = tpu.vector_load %arg5[%get3A_1603] {strides = array<i32>} : memref<3328xi32, #tpu.memory_space<vmem>>, vector<16xi32>,
    %get3A_1605 = vector.shape_cast %get3A_1604 : vector<16xi32> to vector<16xi32>
    %add3A_1606 = arith.addi %get3A_1605, %mul3A_331 : vector<16xi32>
    %swap3A_1607 = arith.constant 2336 : index
    %swap3A_1608 = tpu.vector_load %arg5[%swap3A_1607] {strides = array<i32>} : memref<3328xi32, #tpu.memory_space<vmem>>, vector<16xi32>,
    %swap3A_1609 = vector.shape_cast %swap3A_1608 : vector<16xi32> to vector<16xi32>
    %swap3A_1610 = vector.shape_cast %add3A_1606 : vector<16xi32> to vector<16xi32>
    tpu.vector_store %arg5[%swap3A_1607], %swap3A_1610 {strides = array<i32>} : memref<3328xi32, #tpu.memory_space<vmem>>, vector<16xi32>,
    %get3A_1611 = arith.constant 2352 : index
    %get3A_1612 = tpu.vector_load %arg5[%get3A_1611] {strides = array<i32>} : memref<3328xi32, #tpu.memory_space<vmem>>, vector<16xi32>,
    %get3A_1613 = vector.shape_cast %get3A_1612 : vector<16xi32> to vector<16xi32>
    %add3A_1614 = arith.addi %get3A_1613, %mul3A_191 : vector<16xi32>
    %swap3A_1615 = arith.constant 2352 : index
    %swap3A_1616 = tpu.vector_load %arg5[%swap3A_1615] {strides = array<i32>} : memref<3328xi32, #tpu.memory_space<vmem>>, vector<16xi32>,
    %swap3A_1617 = vector.shape_cast %swap3A_1616 : vector<16xi32> to vector<16xi32>
    %swap3A_1618 = vector.shape_cast %add3A_1614 : vector<16xi32> to vector<16xi32>
    tpu.vector_store %arg5[%swap3A_1615], %swap3A_1618 {strides = array<i32>} : memref<3328xi32, #tpu.memory_space<vmem>>, vector<16xi32>,
    %get3A_1619 = arith.constant 2368 : index
    %get3A_1620 = tpu.vector_load %arg5[%get3A_1619] {strides = array<i32>} : memref<3328xi32, #tpu.memory_space<vmem>>, vector<16xi32>,
    %get3A_1621 = vector.shape_cast %get3A_1620 : vector<16xi32> to vector<16xi32>
    %add3A_1622 = arith.addi %get3A_1621, %mul3A_51 : vector<16xi32>
    %swap3A_1623 = arith.constant 2368 : index
    %swap3A_1624 = tpu.vector_load %arg5[%swap3A_1623] {strides = array<i32>} : memref<3328xi32, #tpu.memory_space<vmem>>, vector<16xi32>,
    %swap3A_1625 = vector.shape_cast %swap3A_1624 : vector<16xi32> to vector<16xi32>
    %swap3A_1626 = vector.shape_cast %add3A_1622 : vector<16xi32> to vector<16xi32>
    tpu.vector_store %arg5[%swap3A_1623], %swap3A_1626 {strides = array<i32>} : memref<3328xi32, #tpu.memory_space<vmem>>, vector<16xi32>,
    %get3A_1627 = arith.constant 2384 : index
    %get3A_1628 = tpu.vector_load %arg5[%get3A_1627] {strides = array<i32>} : memref<3328xi32, #tpu.memory_space<vmem>>, vector<16xi32>,
    %get3A_1629 = vector.shape_cast %get3A_1628 : vector<16xi32> to vector<16xi32>
    %add3A_1630 = arith.addi %get3A_1629, %mul3A_275 : vector<16xi32>
    %swap3A_1631 = arith.constant 2384 : index
    %swap3A_1632 = tpu.vector_load %arg5[%swap3A_1631] {strides = array<i32>} : memref<3328xi32, #tpu.memory_space<vmem>>, vector<16xi32>,
    %swap3A_1633 = vector.shape_cast %swap3A_1632 : vector<16xi32> to vector<16xi32>
    %swap3A_1634 = vector.shape_cast %add3A_1630 : vector<16xi32> to vector<16xi32>
    tpu.vector_store %arg5[%swap3A_1631], %swap3A_1634 {strides = array<i32>} : memref<3328xi32, #tpu.memory_space<vmem>>, vector<16xi32>,
    %get3A_1635 = arith.constant 2400 : index
    %get3A_1636 = tpu.vector_load %arg5[%get3A_1635] {strides = array<i32>} : memref<3328xi32, #tpu.memory_space<vmem>>, vector<16xi32>,
    %get3A_1637 = vector.shape_cast %get3A_1636 : vector<16xi32> to vector<16xi32>
    %add3A_1638 = arith.addi %get3A_1637, %mul3A_135 : vector<16xi32>
    %swap3A_1639 = arith.constant 2400 : index
    %swap3A_1640 = tpu.vector_load %arg5[%swap3A_1639] {strides = array<i32>} : memref<3328xi32, #tpu.memory_space<vmem>>, vector<16xi32>,
    %swap3A_1641 = vector.shape_cast %swap3A_1640 : vector<16xi32> to vector<16xi32>
    %swap3A_1642 = vector.shape_cast %add3A_1638 : vector<16xi32> to vector<16xi32>
    tpu.vector_store %arg5[%swap3A_1639], %swap3A_1642 {strides = array<i32>} : memref<3328xi32, #tpu.memory_space<vmem>>, vector<16xi32>,
    %get3A_1643 = arith.constant 2416 : index
    %get3A_1644 = tpu.vector_load %arg5[%get3A_1643] {strides = array<i32>} : memref<3328xi32, #tpu.memory_space<vmem>>, vector<16xi32>,
    %get3A_1645 = vector.shape_cast %get3A_1644 : vector<16xi32> to vector<16xi32>
    %add3A_1646 = arith.addi %get3A_1645, %mul3A_359 : vector<16xi32>
    %swap3A_1647 = arith.constant 2416 : index
    %swap3A_1648 = tpu.vector_load %arg5[%swap3A_1647] {strides = array<i32>} : memref<3328xi32, #tpu.memory_space<vmem>>, vector<16xi32>,
    %swap3A_1649 = vector.shape_cast %swap3A_1648 : vector<16xi32> to vector<16xi32>
    %swap3A_1650 = vector.shape_cast %add3A_1646 : vector<16xi32> to vector<16xi32>
    tpu.vector_store %arg5[%swap3A_1647], %swap3A_1650 {strides = array<i32>} : memref<3328xi32, #tpu.memory_space<vmem>>, vector<16xi32>,
    %get3A_1651 = arith.constant 2432 : index
    %get3A_1652 = tpu.vector_load %arg5[%get3A_1651] {strides = array<i32>} : memref<3328xi32, #tpu.memory_space<vmem>>, vector<16xi32>,
    %get3A_1653 = vector.shape_cast %get3A_1652 : vector<16xi32> to vector<16xi32>
    %add3A_1654 = arith.addi %get3A_1653, %mul3A_219 : vector<16xi32>
    %swap3A_1655 = arith.constant 2432 : index
    %swap3A_1656 = tpu.vector_load %arg5[%swap3A_1655] {strides = array<i32>} : memref<3328xi32, #tpu.memory_space<vmem>>, vector<16xi32>,
    %swap3A_1657 = vector.shape_cast %swap3A_1656 : vector<16xi32> to vector<16xi32>
    %swap3A_1658 = vector.shape_cast %add3A_1654 : vector<16xi32> to vector<16xi32>
    tpu.vector_store %arg5[%swap3A_1655], %swap3A_1658 {strides = array<i32>} : memref<3328xi32, #tpu.memory_space<vmem>>, vector<16xi32>,
    %get3A_1659 = arith.constant 2448 : index
    %get3A_1660 = tpu.vector_load %arg5[%get3A_1659] {strides = array<i32>} : memref<3328xi32, #tpu.memory_space<vmem>>, vector<16xi32>,
    %get3A_1661 = vector.shape_cast %get3A_1660 : vector<16xi32> to vector<16xi32>
    %add3A_1662 = arith.addi %get3A_1661, %mul3A_79 : vector<16xi32>
    %swap3A_1663 = arith.constant 2448 : index
    %swap3A_1664 = tpu.vector_load %arg5[%swap3A_1663] {strides = array<i32>} : memref<3328xi32, #tpu.memory_space<vmem>>, vector<16xi32>,
    %swap3A_1665 = vector.shape_cast %swap3A_1664 : vector<16xi32> to vector<16xi32>
    %swap3A_1666 = vector.shape_cast %add3A_1662 : vector<16xi32> to vector<16xi32>
    tpu.vector_store %arg5[%swap3A_1663], %swap3A_1666 {strides = array<i32>} : memref<3328xi32, #tpu.memory_space<vmem>>, vector<16xi32>,
    %get3A_1667 = arith.constant 2464 : index
    %get3A_1668 = tpu.vector_load %arg5[%get3A_1667] {strides = array<i32>} : memref<3328xi32, #tpu.memory_space<vmem>>, vector<16xi32>,
    %get3A_1669 = vector.shape_cast %get3A_1668 : vector<16xi32> to vector<16xi32>
    %add3A_1670 = arith.addi %get3A_1669, %mul3A_303 : vector<16xi32>
    %swap3A_1671 = arith.constant 2464 : index
    %swap3A_1672 = tpu.vector_load %arg5[%swap3A_1671] {strides = array<i32>} : memref<3328xi32, #tpu.memory_space<vmem>>, vector<16xi32>,
    %swap3A_1673 = vector.shape_cast %swap3A_1672 : vector<16xi32> to vector<16xi32>
    %swap3A_1674 = vector.shape_cast %add3A_1670 : vector<16xi32> to vector<16xi32>
    tpu.vector_store %arg5[%swap3A_1671], %swap3A_1674 {strides = array<i32>} : memref<3328xi32, #tpu.memory_space<vmem>>, vector<16xi32>,
    %get3A_1675 = arith.constant 2480 : index
    %get3A_1676 = tpu.vector_load %arg5[%get3A_1675] {strides = array<i32>} : memref<3328xi32, #tpu.memory_space<vmem>>, vector<16xi32>,
    %get3A_1677 = vector.shape_cast %get3A_1676 : vector<16xi32> to vector<16xi32>
    %add3A_1678 = arith.addi %get3A_1677, %mul3A_163 : vector<16xi32>
    %swap3A_1679 = arith.constant 2480 : index
    %swap3A_1680 = tpu.vector_load %arg5[%swap3A_1679] {strides = array<i32>} : memref<3328xi32, #tpu.memory_space<vmem>>, vector<16xi32>,
    %swap3A_1681 = vector.shape_cast %swap3A_1680 : vector<16xi32> to vector<16xi32>
    %swap3A_1682 = vector.shape_cast %add3A_1678 : vector<16xi32> to vector<16xi32>
    tpu.vector_store %arg5[%swap3A_1679], %swap3A_1682 {strides = array<i32>} : memref<3328xi32, #tpu.memory_space<vmem>>, vector<16xi32>,
    %get3A_1683 = arith.constant 2496 : index
    %get3A_1684 = tpu.vector_load %arg5[%get3A_1683] {strides = array<i32>} : memref<3328xi32, #tpu.memory_space<vmem>>, vector<16xi32>,
    %get3A_1685 = vector.shape_cast %get3A_1684 : vector<16xi32> to vector<16xi32>
    %add3A_1686 = arith.addi %get3A_1685, %mul3A_23 : vector<16xi32>
    %swap3A_1687 = arith.constant 2496 : index
    %swap3A_1688 = tpu.vector_load %arg5[%swap3A_1687] {strides = array<i32>} : memref<3328xi32, #tpu.memory_space<vmem>>, vector<16xi32>,
    %swap3A_1689 = vector.shape_cast %swap3A_1688 : vector<16xi32> to vector<16xi32>
    %swap3A_1690 = vector.shape_cast %add3A_1686 : vector<16xi32> to vector<16xi32>
    tpu.vector_store %arg5[%swap3A_1687], %swap3A_1690 {strides = array<i32>} : memref<3328xi32, #tpu.memory_space<vmem>>, vector<16xi32>,
    %get3A_1691 = arith.constant 2512 : index
    %get3A_1692 = tpu.vector_load %arg5[%get3A_1691] {strides = array<i32>} : memref<3328xi32, #tpu.memory_space<vmem>>, vector<16xi32>,
    %get3A_1693 = vector.shape_cast %get3A_1692 : vector<16xi32> to vector<16xi32>
    %add3A_1694 = arith.addi %get3A_1693, %mul3A_247 : vector<16xi32>
    %swap3A_1695 = arith.constant 2512 : index
    %swap3A_1696 = tpu.vector_load %arg5[%swap3A_1695] {strides = array<i32>} : memref<3328xi32, #tpu.memory_space<vmem>>, vector<16xi32>,
    %swap3A_1697 = vector.shape_cast %swap3A_1696 : vector<16xi32> to vector<16xi32>
    %swap3A_1698 = vector.shape_cast %add3A_1694 : vector<16xi32> to vector<16xi32>
    tpu.vector_store %arg5[%swap3A_1695], %swap3A_1698 {strides = array<i32>} : memref<3328xi32, #tpu.memory_space<vmem>>, vector<16xi32>,
    %get3A_1699 = arith.constant 2528 : index
    %get3A_1700 = tpu.vector_load %arg5[%get3A_1699] {strides = array<i32>} : memref<3328xi32, #tpu.memory_space<vmem>>, vector<16xi32>,
    %get3A_1701 = vector.shape_cast %get3A_1700 : vector<16xi32> to vector<16xi32>
    %add3A_1702 = arith.addi %get3A_1701, %mul3A_107 : vector<16xi32>
    %swap3A_1703 = arith.constant 2528 : index
    %swap3A_1704 = tpu.vector_load %arg5[%swap3A_1703] {strides = array<i32>} : memref<3328xi32, #tpu.memory_space<vmem>>, vector<16xi32>,
    %swap3A_1705 = vector.shape_cast %swap3A_1704 : vector<16xi32> to vector<16xi32>
    %swap3A_1706 = vector.shape_cast %add3A_1702 : vector<16xi32> to vector<16xi32>
    tpu.vector_store %arg5[%swap3A_1703], %swap3A_1706 {strides = array<i32>} : memref<3328xi32, #tpu.memory_space<vmem>>, vector<16xi32>,
    %get3A_1707 = arith.constant 2544 : index
    %get3A_1708 = tpu.vector_load %arg5[%get3A_1707] {strides = array<i32>} : memref<3328xi32, #tpu.memory_space<vmem>>, vector<16xi32>,
    %get3A_1709 = vector.shape_cast %get3A_1708 : vector<16xi32> to vector<16xi32>
    %add3A_1710 = arith.addi %get3A_1709, %mul3A_331 : vector<16xi32>
    %swap3A_1711 = arith.constant 2544 : index
    %swap3A_1712 = tpu.vector_load %arg5[%swap3A_1711] {strides = array<i32>} : memref<3328xi32, #tpu.memory_space<vmem>>, vector<16xi32>,
    %swap3A_1713 = vector.shape_cast %swap3A_1712 : vector<16xi32> to vector<16xi32>
    %swap3A_1714 = vector.shape_cast %add3A_1710 : vector<16xi32> to vector<16xi32>
    tpu.vector_store %arg5[%swap3A_1711], %swap3A_1714 {strides = array<i32>} : memref<3328xi32, #tpu.memory_space<vmem>>, vector<16xi32>,
    %get3A_1715 = arith.constant 2560 : index
    %get3A_1716 = tpu.vector_load %arg5[%get3A_1715] {strides = array<i32>} : memref<3328xi32, #tpu.memory_space<vmem>>, vector<16xi32>,
    %get3A_1717 = vector.shape_cast %get3A_1716 : vector<16xi32> to vector<16xi32>
    %add3A_1718 = arith.addi %get3A_1717, %mul3A_191 : vector<16xi32>
    %swap3A_1719 = arith.constant 2560 : index
    %swap3A_1720 = tpu.vector_load %arg5[%swap3A_1719] {strides = array<i32>} : memref<3328xi32, #tpu.memory_space<vmem>>, vector<16xi32>,
    %swap3A_1721 = vector.shape_cast %swap3A_1720 : vector<16xi32> to vector<16xi32>
    %swap3A_1722 = vector.shape_cast %add3A_1718 : vector<16xi32> to vector<16xi32>
    tpu.vector_store %arg5[%swap3A_1719], %swap3A_1722 {strides = array<i32>} : memref<3328xi32, #tpu.memory_space<vmem>>, vector<16xi32>,
    %get3A_1723 = arith.constant 2576 : index
    %get3A_1724 = tpu.vector_load %arg5[%get3A_1723] {strides = array<i32>} : memref<3328xi32, #tpu.memory_space<vmem>>, vector<16xi32>,
    %get3A_1725 = vector.shape_cast %get3A_1724 : vector<16xi32> to vector<16xi32>
    %add3A_1726 = arith.addi %get3A_1725, %mul3A_51 : vector<16xi32>
    %swap3A_1727 = arith.constant 2576 : index
    %swap3A_1728 = tpu.vector_load %arg5[%swap3A_1727] {strides = array<i32>} : memref<3328xi32, #tpu.memory_space<vmem>>, vector<16xi32>,
    %swap3A_1729 = vector.shape_cast %swap3A_1728 : vector<16xi32> to vector<16xi32>
    %swap3A_1730 = vector.shape_cast %add3A_1726 : vector<16xi32> to vector<16xi32>
    tpu.vector_store %arg5[%swap3A_1727], %swap3A_1730 {strides = array<i32>} : memref<3328xi32, #tpu.memory_space<vmem>>, vector<16xi32>,
    %get3A_1731 = arith.constant 2592 : index
    %get3A_1732 = tpu.vector_load %arg5[%get3A_1731] {strides = array<i32>} : memref<3328xi32, #tpu.memory_space<vmem>>, vector<16xi32>,
    %get3A_1733 = vector.shape_cast %get3A_1732 : vector<16xi32> to vector<16xi32>
    %add3A_1734 = arith.addi %get3A_1733, %mul3A_275 : vector<16xi32>
    %swap3A_1735 = arith.constant 2592 : index
    %swap3A_1736 = tpu.vector_load %arg5[%swap3A_1735] {strides = array<i32>} : memref<3328xi32, #tpu.memory_space<vmem>>, vector<16xi32>,
    %swap3A_1737 = vector.shape_cast %swap3A_1736 : vector<16xi32> to vector<16xi32>
    %swap3A_1738 = vector.shape_cast %add3A_1734 : vector<16xi32> to vector<16xi32>
    tpu.vector_store %arg5[%swap3A_1735], %swap3A_1738 {strides = array<i32>} : memref<3328xi32, #tpu.memory_space<vmem>>, vector<16xi32>,
    %get3A_1739 = arith.constant 2608 : index
    %get3A_1740 = tpu.vector_load %arg5[%get3A_1739] {strides = array<i32>} : memref<3328xi32, #tpu.memory_space<vmem>>, vector<16xi32>,
    %get3A_1741 = vector.shape_cast %get3A_1740 : vector<16xi32> to vector<16xi32>
    %add3A_1742 = arith.addi %get3A_1741, %mul3A_135 : vector<16xi32>
    %swap3A_1743 = arith.constant 2608 : index
    %swap3A_1744 = tpu.vector_load %arg5[%swap3A_1743] {strides = array<i32>} : memref<3328xi32, #tpu.memory_space<vmem>>, vector<16xi32>,
    %swap3A_1745 = vector.shape_cast %swap3A_1744 : vector<16xi32> to vector<16xi32>
    %swap3A_1746 = vector.shape_cast %add3A_1742 : vector<16xi32> to vector<16xi32>
    tpu.vector_store %arg5[%swap3A_1743], %swap3A_1746 {strides = array<i32>} : memref<3328xi32, #tpu.memory_space<vmem>>, vector<16xi32>,
    %get3A_1747 = arith.constant 2624 : index
    %get3A_1748 = tpu.vector_load %arg5[%get3A_1747] {strides = array<i32>} : memref<3328xi32, #tpu.memory_space<vmem>>, vector<16xi32>,
    %get3A_1749 = vector.shape_cast %get3A_1748 : vector<16xi32> to vector<16xi32>
    %add3A_1750 = arith.addi %get3A_1749, %mul3A_359 : vector<16xi32>
    %swap3A_1751 = arith.constant 2624 : index
    %swap3A_1752 = tpu.vector_load %arg5[%swap3A_1751] {strides = array<i32>} : memref<3328xi32, #tpu.memory_space<vmem>>, vector<16xi32>,
    %swap3A_1753 = vector.shape_cast %swap3A_1752 : vector<16xi32> to vector<16xi32>
    %swap3A_1754 = vector.shape_cast %add3A_1750 : vector<16xi32> to vector<16xi32>
    tpu.vector_store %arg5[%swap3A_1751], %swap3A_1754 {strides = array<i32>} : memref<3328xi32, #tpu.memory_space<vmem>>, vector<16xi32>,
    %get3A_1755 = arith.constant 2640 : index
    %get3A_1756 = tpu.vector_load %arg5[%get3A_1755] {strides = array<i32>} : memref<3328xi32, #tpu.memory_space<vmem>>, vector<16xi32>,
    %get3A_1757 = vector.shape_cast %get3A_1756 : vector<16xi32> to vector<16xi32>
    %add3A_1758 = arith.addi %get3A_1757, %mul3A_219 : vector<16xi32>
    %swap3A_1759 = arith.constant 2640 : index
    %swap3A_1760 = tpu.vector_load %arg5[%swap3A_1759] {strides = array<i32>} : memref<3328xi32, #tpu.memory_space<vmem>>, vector<16xi32>,
    %swap3A_1761 = vector.shape_cast %swap3A_1760 : vector<16xi32> to vector<16xi32>
    %swap3A_1762 = vector.shape_cast %add3A_1758 : vector<16xi32> to vector<16xi32>
    tpu.vector_store %arg5[%swap3A_1759], %swap3A_1762 {strides = array<i32>} : memref<3328xi32, #tpu.memory_space<vmem>>, vector<16xi32>,
    %get3A_1763 = arith.constant 2656 : index
    %get3A_1764 = tpu.vector_load %arg5[%get3A_1763] {strides = array<i32>} : memref<3328xi32, #tpu.memory_space<vmem>>, vector<16xi32>,
    %get3A_1765 = vector.shape_cast %get3A_1764 : vector<16xi32> to vector<16xi32>
    %add3A_1766 = arith.addi %get3A_1765, %mul3A_79 : vector<16xi32>
    %swap3A_1767 = arith.constant 2656 : index
    %swap3A_1768 = tpu.vector_load %arg5[%swap3A_1767] {strides = array<i32>} : memref<3328xi32, #tpu.memory_space<vmem>>, vector<16xi32>,
    %swap3A_1769 = vector.shape_cast %swap3A_1768 : vector<16xi32> to vector<16xi32>
    %swap3A_1770 = vector.shape_cast %add3A_1766 : vector<16xi32> to vector<16xi32>
    tpu.vector_store %arg5[%swap3A_1767], %swap3A_1770 {strides = array<i32>} : memref<3328xi32, #tpu.memory_space<vmem>>, vector<16xi32>,
    %get3A_1771 = arith.constant 2672 : index
    %get3A_1772 = tpu.vector_load %arg5[%get3A_1771] {strides = array<i32>} : memref<3328xi32, #tpu.memory_space<vmem>>, vector<16xi32>,
    %get3A_1773 = vector.shape_cast %get3A_1772 : vector<16xi32> to vector<16xi32>
    %add3A_1774 = arith.addi %get3A_1773, %mul3A_303 : vector<16xi32>
    %swap3A_1775 = arith.constant 2672 : index
    %swap3A_1776 = tpu.vector_load %arg5[%swap3A_1775] {strides = array<i32>} : memref<3328xi32, #tpu.memory_space<vmem>>, vector<16xi32>,
    %swap3A_1777 = vector.shape_cast %swap3A_1776 : vector<16xi32> to vector<16xi32>
    %swap3A_1778 = vector.shape_cast %add3A_1774 : vector<16xi32> to vector<16xi32>
    tpu.vector_store %arg5[%swap3A_1775], %swap3A_1778 {strides = array<i32>} : memref<3328xi32, #tpu.memory_space<vmem>>, vector<16xi32>,
    %get3A_1779 = arith.constant 2688 : index
    %get3A_1780 = tpu.vector_load %arg5[%get3A_1779] {strides = array<i32>} : memref<3328xi32, #tpu.memory_space<vmem>>, vector<16xi32>,
    %get3A_1781 = vector.shape_cast %get3A_1780 : vector<16xi32> to vector<16xi32>
    %add3A_1782 = arith.addi %get3A_1781, %mul3A_163 : vector<16xi32>
    %swap3A_1783 = arith.constant 2688 : index
    %swap3A_1784 = tpu.vector_load %arg5[%swap3A_1783] {strides = array<i32>} : memref<3328xi32, #tpu.memory_space<vmem>>, vector<16xi32>,
    %swap3A_1785 = vector.shape_cast %swap3A_1784 : vector<16xi32> to vector<16xi32>
    %swap3A_1786 = vector.shape_cast %add3A_1782 : vector<16xi32> to vector<16xi32>
    tpu.vector_store %arg5[%swap3A_1783], %swap3A_1786 {strides = array<i32>} : memref<3328xi32, #tpu.memory_space<vmem>>, vector<16xi32>,
    %get3A_1787 = arith.constant 2704 : index
    %get3A_1788 = tpu.vector_load %arg5[%get3A_1787] {strides = array<i32>} : memref<3328xi32, #tpu.memory_space<vmem>>, vector<16xi32>,
    %get3A_1789 = vector.shape_cast %get3A_1788 : vector<16xi32> to vector<16xi32>
    %add3A_1790 = arith.addi %get3A_1789, %mul3A_23 : vector<16xi32>
    %swap3A_1791 = arith.constant 2704 : index
    %swap3A_1792 = tpu.vector_load %arg5[%swap3A_1791] {strides = array<i32>} : memref<3328xi32, #tpu.memory_space<vmem>>, vector<16xi32>,
    %swap3A_1793 = vector.shape_cast %swap3A_1792 : vector<16xi32> to vector<16xi32>
    %swap3A_1794 = vector.shape_cast %add3A_1790 : vector<16xi32> to vector<16xi32>
    tpu.vector_store %arg5[%swap3A_1791], %swap3A_1794 {strides = array<i32>} : memref<3328xi32, #tpu.memory_space<vmem>>, vector<16xi32>,
    %get3A_1795 = arith.constant 2720 : index
    %get3A_1796 = tpu.vector_load %arg5[%get3A_1795] {strides = array<i32>} : memref<3328xi32, #tpu.memory_space<vmem>>, vector<16xi32>,
    %get3A_1797 = vector.shape_cast %get3A_1796 : vector<16xi32> to vector<16xi32>
    %add3A_1798 = arith.addi %get3A_1797, %mul3A_247 : vector<16xi32>
    %swap3A_1799 = arith.constant 2720 : index
    %swap3A_1800 = tpu.vector_load %arg5[%swap3A_1799] {strides = array<i32>} : memref<3328xi32, #tpu.memory_space<vmem>>, vector<16xi32>,
    %swap3A_1801 = vector.shape_cast %swap3A_1800 : vector<16xi32> to vector<16xi32>
    %swap3A_1802 = vector.shape_cast %add3A_1798 : vector<16xi32> to vector<16xi32>
    tpu.vector_store %arg5[%swap3A_1799], %swap3A_1802 {strides = array<i32>} : memref<3328xi32, #tpu.memory_space<vmem>>, vector<16xi32>,
    %get3A_1803 = arith.constant 2736 : index
    %get3A_1804 = tpu.vector_load %arg5[%get3A_1803] {strides = array<i32>} : memref<3328xi32, #tpu.memory_space<vmem>>, vector<16xi32>,
    %get3A_1805 = vector.shape_cast %get3A_1804 : vector<16xi32> to vector<16xi32>
    %add3A_1806 = arith.addi %get3A_1805, %mul3A_107 : vector<16xi32>
    %swap3A_1807 = arith.constant 2736 : index
    %swap3A_1808 = tpu.vector_load %arg5[%swap3A_1807] {strides = array<i32>} : memref<3328xi32, #tpu.memory_space<vmem>>, vector<16xi32>,
    %swap3A_1809 = vector.shape_cast %swap3A_1808 : vector<16xi32> to vector<16xi32>
    %swap3A_1810 = vector.shape_cast %add3A_1806 : vector<16xi32> to vector<16xi32>
    tpu.vector_store %arg5[%swap3A_1807], %swap3A_1810 {strides = array<i32>} : memref<3328xi32, #tpu.memory_space<vmem>>, vector<16xi32>,
    %get3A_1811 = arith.constant 2752 : index
    %get3A_1812 = tpu.vector_load %arg5[%get3A_1811] {strides = array<i32>} : memref<3328xi32, #tpu.memory_space<vmem>>, vector<16xi32>,
    %get3A_1813 = vector.shape_cast %get3A_1812 : vector<16xi32> to vector<16xi32>
    %add3A_1814 = arith.addi %get3A_1813, %mul3A_331 : vector<16xi32>
    %swap3A_1815 = arith.constant 2752 : index
    %swap3A_1816 = tpu.vector_load %arg5[%swap3A_1815] {strides = array<i32>} : memref<3328xi32, #tpu.memory_space<vmem>>, vector<16xi32>,
    %swap3A_1817 = vector.shape_cast %swap3A_1816 : vector<16xi32> to vector<16xi32>
    %swap3A_1818 = vector.shape_cast %add3A_1814 : vector<16xi32> to vector<16xi32>
    tpu.vector_store %arg5[%swap3A_1815], %swap3A_1818 {strides = array<i32>} : memref<3328xi32, #tpu.memory_space<vmem>>, vector<16xi32>,
    %get3A_1819 = arith.constant 2768 : index
    %get3A_1820 = tpu.vector_load %arg5[%get3A_1819] {strides = array<i32>} : memref<3328xi32, #tpu.memory_space<vmem>>, vector<16xi32>,
    %get3A_1821 = vector.shape_cast %get3A_1820 : vector<16xi32> to vector<16xi32>
    %add3A_1822 = arith.addi %get3A_1821, %mul3A_191 : vector<16xi32>
    %swap3A_1823 = arith.constant 2768 : index
    %swap3A_1824 = tpu.vector_load %arg5[%swap3A_1823] {strides = array<i32>} : memref<3328xi32, #tpu.memory_space<vmem>>, vector<16xi32>,
    %swap3A_1825 = vector.shape_cast %swap3A_1824 : vector<16xi32> to vector<16xi32>
    %swap3A_1826 = vector.shape_cast %add3A_1822 : vector<16xi32> to vector<16xi32>
    tpu.vector_store %arg5[%swap3A_1823], %swap3A_1826 {strides = array<i32>} : memref<3328xi32, #tpu.memory_space<vmem>>, vector<16xi32>,
    %get3A_1827 = arith.constant 2784 : index
    %get3A_1828 = tpu.vector_load %arg5[%get3A_1827] {strides = array<i32>} : memref<3328xi32, #tpu.memory_space<vmem>>, vector<16xi32>,
    %get3A_1829 = vector.shape_cast %get3A_1828 : vector<16xi32> to vector<16xi32>
    %add3A_1830 = arith.addi %get3A_1829, %mul3A_51 : vector<16xi32>
    %swap3A_1831 = arith.constant 2784 : index
    %swap3A_1832 = tpu.vector_load %arg5[%swap3A_1831] {strides = array<i32>} : memref<3328xi32, #tpu.memory_space<vmem>>, vector<16xi32>,
    %swap3A_1833 = vector.shape_cast %swap3A_1832 : vector<16xi32> to vector<16xi32>
    %swap3A_1834 = vector.shape_cast %add3A_1830 : vector<16xi32> to vector<16xi32>
    tpu.vector_store %arg5[%swap3A_1831], %swap3A_1834 {strides = array<i32>} : memref<3328xi32, #tpu.memory_space<vmem>>, vector<16xi32>,
    %get3A_1835 = arith.constant 2800 : index
    %get3A_1836 = tpu.vector_load %arg5[%get3A_1835] {strides = array<i32>} : memref<3328xi32, #tpu.memory_space<vmem>>, vector<16xi32>,
    %get3A_1837 = vector.shape_cast %get3A_1836 : vector<16xi32> to vector<16xi32>
    %add3A_1838 = arith.addi %get3A_1837, %mul3A_275 : vector<16xi32>
    %swap3A_1839 = arith.constant 2800 : index
    %swap3A_1840 = tpu.vector_load %arg5[%swap3A_1839] {strides = array<i32>} : memref<3328xi32, #tpu.memory_space<vmem>>, vector<16xi32>,
    %swap3A_1841 = vector.shape_cast %swap3A_1840 : vector<16xi32> to vector<16xi32>
    %swap3A_1842 = vector.shape_cast %add3A_1838 : vector<16xi32> to vector<16xi32>
    tpu.vector_store %arg5[%swap3A_1839], %swap3A_1842 {strides = array<i32>} : memref<3328xi32, #tpu.memory_space<vmem>>, vector<16xi32>,
    %get3A_1843 = arith.constant 2816 : index
    %get3A_1844 = tpu.vector_load %arg5[%get3A_1843] {strides = array<i32>} : memref<3328xi32, #tpu.memory_space<vmem>>, vector<16xi32>,
    %get3A_1845 = vector.shape_cast %get3A_1844 : vector<16xi32> to vector<16xi32>
    %add3A_1846 = arith.addi %get3A_1845, %mul3A_135 : vector<16xi32>
    %swap3A_1847 = arith.constant 2816 : index
    %swap3A_1848 = tpu.vector_load %arg5[%swap3A_1847] {strides = array<i32>} : memref<3328xi32, #tpu.memory_space<vmem>>, vector<16xi32>,
    %swap3A_1849 = vector.shape_cast %swap3A_1848 : vector<16xi32> to vector<16xi32>
    %swap3A_1850 = vector.shape_cast %add3A_1846 : vector<16xi32> to vector<16xi32>
    tpu.vector_store %arg5[%swap3A_1847], %swap3A_1850 {strides = array<i32>} : memref<3328xi32, #tpu.memory_space<vmem>>, vector<16xi32>,
    %get3A_1851 = arith.constant 2832 : index
    %get3A_1852 = tpu.vector_load %arg5[%get3A_1851] {strides = array<i32>} : memref<3328xi32, #tpu.memory_space<vmem>>, vector<16xi32>,
    %get3A_1853 = vector.shape_cast %get3A_1852 : vector<16xi32> to vector<16xi32>
    %add3A_1854 = arith.addi %get3A_1853, %mul3A_359 : vector<16xi32>
    %swap3A_1855 = arith.constant 2832 : index
    %swap3A_1856 = tpu.vector_load %arg5[%swap3A_1855] {strides = array<i32>} : memref<3328xi32, #tpu.memory_space<vmem>>, vector<16xi32>,
    %swap3A_1857 = vector.shape_cast %swap3A_1856 : vector<16xi32> to vector<16xi32>
    %swap3A_1858 = vector.shape_cast %add3A_1854 : vector<16xi32> to vector<16xi32>
    tpu.vector_store %arg5[%swap3A_1855], %swap3A_1858 {strides = array<i32>} : memref<3328xi32, #tpu.memory_space<vmem>>, vector<16xi32>,
    %get3A_1859 = arith.constant 2848 : index
    %get3A_1860 = tpu.vector_load %arg5[%get3A_1859] {strides = array<i32>} : memref<3328xi32, #tpu.memory_space<vmem>>, vector<16xi32>,
    %get3A_1861 = vector.shape_cast %get3A_1860 : vector<16xi32> to vector<16xi32>
    %add3A_1862 = arith.addi %get3A_1861, %mul3A_219 : vector<16xi32>
    %swap3A_1863 = arith.constant 2848 : index
    %swap3A_1864 = tpu.vector_load %arg5[%swap3A_1863] {strides = array<i32>} : memref<3328xi32, #tpu.memory_space<vmem>>, vector<16xi32>,
    %swap3A_1865 = vector.shape_cast %swap3A_1864 : vector<16xi32> to vector<16xi32>
    %swap3A_1866 = vector.shape_cast %add3A_1862 : vector<16xi32> to vector<16xi32>
    tpu.vector_store %arg5[%swap3A_1863], %swap3A_1866 {strides = array<i32>} : memref<3328xi32, #tpu.memory_space<vmem>>, vector<16xi32>,
    %get3A_1867 = arith.constant 2864 : index
    %get3A_1868 = tpu.vector_load %arg5[%get3A_1867] {strides = array<i32>} : memref<3328xi32, #tpu.memory_space<vmem>>, vector<16xi32>,
    %get3A_1869 = vector.shape_cast %get3A_1868 : vector<16xi32> to vector<16xi32>
    %add3A_1870 = arith.addi %get3A_1869, %mul3A_79 : vector<16xi32>
    %swap3A_1871 = arith.constant 2864 : index
    %swap3A_1872 = tpu.vector_load %arg5[%swap3A_1871] {strides = array<i32>} : memref<3328xi32, #tpu.memory_space<vmem>>, vector<16xi32>,
    %swap3A_1873 = vector.shape_cast %swap3A_1872 : vector<16xi32> to vector<16xi32>
    %swap3A_1874 = vector.shape_cast %add3A_1870 : vector<16xi32> to vector<16xi32>
    tpu.vector_store %arg5[%swap3A_1871], %swap3A_1874 {strides = array<i32>} : memref<3328xi32, #tpu.memory_space<vmem>>, vector<16xi32>,
    %get3A_1875 = arith.constant 2880 : index
    %get3A_1876 = tpu.vector_load %arg5[%get3A_1875] {strides = array<i32>} : memref<3328xi32, #tpu.memory_space<vmem>>, vector<16xi32>,
    %get3A_1877 = vector.shape_cast %get3A_1876 : vector<16xi32> to vector<16xi32>
    %add3A_1878 = arith.addi %get3A_1877, %mul3A_303 : vector<16xi32>
    %swap3A_1879 = arith.constant 2880 : index
    %swap3A_1880 = tpu.vector_load %arg5[%swap3A_1879] {strides = array<i32>} : memref<3328xi32, #tpu.memory_space<vmem>>, vector<16xi32>,
    %swap3A_1881 = vector.shape_cast %swap3A_1880 : vector<16xi32> to vector<16xi32>
    %swap3A_1882 = vector.shape_cast %add3A_1878 : vector<16xi32> to vector<16xi32>
    tpu.vector_store %arg5[%swap3A_1879], %swap3A_1882 {strides = array<i32>} : memref<3328xi32, #tpu.memory_space<vmem>>, vector<16xi32>,
    %get3A_1883 = arith.constant 2896 : index
    %get3A_1884 = tpu.vector_load %arg5[%get3A_1883] {strides = array<i32>} : memref<3328xi32, #tpu.memory_space<vmem>>, vector<16xi32>,
    %get3A_1885 = vector.shape_cast %get3A_1884 : vector<16xi32> to vector<16xi32>
    %add3A_1886 = arith.addi %get3A_1885, %mul3A_163 : vector<16xi32>
    %swap3A_1887 = arith.constant 2896 : index
    %swap3A_1888 = tpu.vector_load %arg5[%swap3A_1887] {strides = array<i32>} : memref<3328xi32, #tpu.memory_space<vmem>>, vector<16xi32>,
    %swap3A_1889 = vector.shape_cast %swap3A_1888 : vector<16xi32> to vector<16xi32>
    %swap3A_1890 = vector.shape_cast %add3A_1886 : vector<16xi32> to vector<16xi32>
    tpu.vector_store %arg5[%swap3A_1887], %swap3A_1890 {strides = array<i32>} : memref<3328xi32, #tpu.memory_space<vmem>>, vector<16xi32>,
    %get3A_1891 = arith.constant 2912 : index
    %get3A_1892 = tpu.vector_load %arg5[%get3A_1891] {strides = array<i32>} : memref<3328xi32, #tpu.memory_space<vmem>>, vector<16xi32>,
    %get3A_1893 = vector.shape_cast %get3A_1892 : vector<16xi32> to vector<16xi32>
    %add3A_1894 = arith.addi %get3A_1893, %mul3A_23 : vector<16xi32>
    %swap3A_1895 = arith.constant 2912 : index
    %swap3A_1896 = tpu.vector_load %arg5[%swap3A_1895] {strides = array<i32>} : memref<3328xi32, #tpu.memory_space<vmem>>, vector<16xi32>,
    %swap3A_1897 = vector.shape_cast %swap3A_1896 : vector<16xi32> to vector<16xi32>
    %swap3A_1898 = vector.shape_cast %add3A_1894 : vector<16xi32> to vector<16xi32>
    tpu.vector_store %arg5[%swap3A_1895], %swap3A_1898 {strides = array<i32>} : memref<3328xi32, #tpu.memory_space<vmem>>, vector<16xi32>,
    %get3A_1899 = arith.constant 2928 : index
    %get3A_1900 = tpu.vector_load %arg5[%get3A_1899] {strides = array<i32>} : memref<3328xi32, #tpu.memory_space<vmem>>, vector<16xi32>,
    %get3A_1901 = vector.shape_cast %get3A_1900 : vector<16xi32> to vector<16xi32>
    %add3A_1902 = arith.addi %get3A_1901, %mul3A_247 : vector<16xi32>
    %swap3A_1903 = arith.constant 2928 : index
    %swap3A_1904 = tpu.vector_load %arg5[%swap3A_1903] {strides = array<i32>} : memref<3328xi32, #tpu.memory_space<vmem>>, vector<16xi32>,
    %swap3A_1905 = vector.shape_cast %swap3A_1904 : vector<16xi32> to vector<16xi32>
    %swap3A_1906 = vector.shape_cast %add3A_1902 : vector<16xi32> to vector<16xi32>
    tpu.vector_store %arg5[%swap3A_1903], %swap3A_1906 {strides = array<i32>} : memref<3328xi32, #tpu.memory_space<vmem>>, vector<16xi32>,
    %get3A_1907 = arith.constant 2944 : index
    %get3A_1908 = tpu.vector_load %arg5[%get3A_1907] {strides = array<i32>} : memref<3328xi32, #tpu.memory_space<vmem>>, vector<16xi32>,
    %get3A_1909 = vector.shape_cast %get3A_1908 : vector<16xi32> to vector<16xi32>
    %add3A_1910 = arith.addi %get3A_1909, %mul3A_107 : vector<16xi32>
    %swap3A_1911 = arith.constant 2944 : index
    %swap3A_1912 = tpu.vector_load %arg5[%swap3A_1911] {strides = array<i32>} : memref<3328xi32, #tpu.memory_space<vmem>>, vector<16xi32>,
    %swap3A_1913 = vector.shape_cast %swap3A_1912 : vector<16xi32> to vector<16xi32>
    %swap3A_1914 = vector.shape_cast %add3A_1910 : vector<16xi32> to vector<16xi32>
    tpu.vector_store %arg5[%swap3A_1911], %swap3A_1914 {strides = array<i32>} : memref<3328xi32, #tpu.memory_space<vmem>>, vector<16xi32>,
    %get3A_1915 = arith.constant 2960 : index
    %get3A_1916 = tpu.vector_load %arg5[%get3A_1915] {strides = array<i32>} : memref<3328xi32, #tpu.memory_space<vmem>>, vector<16xi32>,
    %get3A_1917 = vector.shape_cast %get3A_1916 : vector<16xi32> to vector<16xi32>
    %add3A_1918 = arith.addi %get3A_1917, %mul3A_331 : vector<16xi32>
    %swap3A_1919 = arith.constant 2960 : index
    %swap3A_1920 = tpu.vector_load %arg5[%swap3A_1919] {strides = array<i32>} : memref<3328xi32, #tpu.memory_space<vmem>>, vector<16xi32>,
    %swap3A_1921 = vector.shape_cast %swap3A_1920 : vector<16xi32> to vector<16xi32>
    %swap3A_1922 = vector.shape_cast %add3A_1918 : vector<16xi32> to vector<16xi32>
    tpu.vector_store %arg5[%swap3A_1919], %swap3A_1922 {strides = array<i32>} : memref<3328xi32, #tpu.memory_space<vmem>>, vector<16xi32>,
    %get3A_1923 = arith.constant 2976 : index
    %get3A_1924 = tpu.vector_load %arg5[%get3A_1923] {strides = array<i32>} : memref<3328xi32, #tpu.memory_space<vmem>>, vector<16xi32>,
    %get3A_1925 = vector.shape_cast %get3A_1924 : vector<16xi32> to vector<16xi32>
    %add3A_1926 = arith.addi %get3A_1925, %mul3A_191 : vector<16xi32>
    %swap3A_1927 = arith.constant 2976 : index
    %swap3A_1928 = tpu.vector_load %arg5[%swap3A_1927] {strides = array<i32>} : memref<3328xi32, #tpu.memory_space<vmem>>, vector<16xi32>,
    %swap3A_1929 = vector.shape_cast %swap3A_1928 : vector<16xi32> to vector<16xi32>
    %swap3A_1930 = vector.shape_cast %add3A_1926 : vector<16xi32> to vector<16xi32>
    tpu.vector_store %arg5[%swap3A_1927], %swap3A_1930 {strides = array<i32>} : memref<3328xi32, #tpu.memory_space<vmem>>, vector<16xi32>,
    %get3A_1931 = arith.constant 2992 : index
    %get3A_1932 = tpu.vector_load %arg5[%get3A_1931] {strides = array<i32>} : memref<3328xi32, #tpu.memory_space<vmem>>, vector<16xi32>,
    %get3A_1933 = vector.shape_cast %get3A_1932 : vector<16xi32> to vector<16xi32>
    %add3A_1934 = arith.addi %get3A_1933, %mul3A_51 : vector<16xi32>
    %swap3A_1935 = arith.constant 2992 : index
    %swap3A_1936 = tpu.vector_load %arg5[%swap3A_1935] {strides = array<i32>} : memref<3328xi32, #tpu.memory_space<vmem>>, vector<16xi32>,
    %swap3A_1937 = vector.shape_cast %swap3A_1936 : vector<16xi32> to vector<16xi32>
    %swap3A_1938 = vector.shape_cast %add3A_1934 : vector<16xi32> to vector<16xi32>
    tpu.vector_store %arg5[%swap3A_1935], %swap3A_1938 {strides = array<i32>} : memref<3328xi32, #tpu.memory_space<vmem>>, vector<16xi32>,
    %get3A_1939 = arith.constant 3008 : index
    %get3A_1940 = tpu.vector_load %arg5[%get3A_1939] {strides = array<i32>} : memref<3328xi32, #tpu.memory_space<vmem>>, vector<16xi32>,
    %get3A_1941 = vector.shape_cast %get3A_1940 : vector<16xi32> to vector<16xi32>
    %add3A_1942 = arith.addi %get3A_1941, %mul3A_275 : vector<16xi32>
    %swap3A_1943 = arith.constant 3008 : index
    %swap3A_1944 = tpu.vector_load %arg5[%swap3A_1943] {strides = array<i32>} : memref<3328xi32, #tpu.memory_space<vmem>>, vector<16xi32>,
    %swap3A_1945 = vector.shape_cast %swap3A_1944 : vector<16xi32> to vector<16xi32>
    %swap3A_1946 = vector.shape_cast %add3A_1942 : vector<16xi32> to vector<16xi32>
    tpu.vector_store %arg5[%swap3A_1943], %swap3A_1946 {strides = array<i32>} : memref<3328xi32, #tpu.memory_space<vmem>>, vector<16xi32>,
    %get3A_1947 = arith.constant 3024 : index
    %get3A_1948 = tpu.vector_load %arg5[%get3A_1947] {strides = array<i32>} : memref<3328xi32, #tpu.memory_space<vmem>>, vector<16xi32>,
    %get3A_1949 = vector.shape_cast %get3A_1948 : vector<16xi32> to vector<16xi32>
    %add3A_1950 = arith.addi %get3A_1949, %mul3A_135 : vector<16xi32>
    %swap3A_1951 = arith.constant 3024 : index
    %swap3A_1952 = tpu.vector_load %arg5[%swap3A_1951] {strides = array<i32>} : memref<3328xi32, #tpu.memory_space<vmem>>, vector<16xi32>,
    %swap3A_1953 = vector.shape_cast %swap3A_1952 : vector<16xi32> to vector<16xi32>
    %swap3A_1954 = vector.shape_cast %add3A_1950 : vector<16xi32> to vector<16xi32>
    tpu.vector_store %arg5[%swap3A_1951], %swap3A_1954 {strides = array<i32>} : memref<3328xi32, #tpu.memory_space<vmem>>, vector<16xi32>,
    %get3A_1955 = arith.constant 3040 : index
    %get3A_1956 = tpu.vector_load %arg5[%get3A_1955] {strides = array<i32>} : memref<3328xi32, #tpu.memory_space<vmem>>, vector<16xi32>,
    %get3A_1957 = vector.shape_cast %get3A_1956 : vector<16xi32> to vector<16xi32>
    %add3A_1958 = arith.addi %get3A_1957, %mul3A_359 : vector<16xi32>
    %swap3A_1959 = arith.constant 3040 : index
    %swap3A_1960 = tpu.vector_load %arg5[%swap3A_1959] {strides = array<i32>} : memref<3328xi32, #tpu.memory_space<vmem>>, vector<16xi32>,
    %swap3A_1961 = vector.shape_cast %swap3A_1960 : vector<16xi32> to vector<16xi32>
    %swap3A_1962 = vector.shape_cast %add3A_1958 : vector<16xi32> to vector<16xi32>
    tpu.vector_store %arg5[%swap3A_1959], %swap3A_1962 {strides = array<i32>} : memref<3328xi32, #tpu.memory_space<vmem>>, vector<16xi32>,
    %get3A_1963 = arith.constant 3056 : index
    %get3A_1964 = tpu.vector_load %arg5[%get3A_1963] {strides = array<i32>} : memref<3328xi32, #tpu.memory_space<vmem>>, vector<16xi32>,
    %get3A_1965 = vector.shape_cast %get3A_1964 : vector<16xi32> to vector<16xi32>
    %add3A_1966 = arith.addi %get3A_1965, %mul3A_219 : vector<16xi32>
    %swap3A_1967 = arith.constant 3056 : index
    %swap3A_1968 = tpu.vector_load %arg5[%swap3A_1967] {strides = array<i32>} : memref<3328xi32, #tpu.memory_space<vmem>>, vector<16xi32>,
    %swap3A_1969 = vector.shape_cast %swap3A_1968 : vector<16xi32> to vector<16xi32>
    %swap3A_1970 = vector.shape_cast %add3A_1966 : vector<16xi32> to vector<16xi32>
    tpu.vector_store %arg5[%swap3A_1967], %swap3A_1970 {strides = array<i32>} : memref<3328xi32, #tpu.memory_space<vmem>>, vector<16xi32>,
    %get3A_1971 = arith.constant 3072 : index
    %get3A_1972 = tpu.vector_load %arg5[%get3A_1971] {strides = array<i32>} : memref<3328xi32, #tpu.memory_space<vmem>>, vector<16xi32>,
    %get3A_1973 = vector.shape_cast %get3A_1972 : vector<16xi32> to vector<16xi32>
    %add3A_1974 = arith.addi %get3A_1973, %mul3A_79 : vector<16xi32>
    %swap3A_1975 = arith.constant 3072 : index
    %swap3A_1976 = tpu.vector_load %arg5[%swap3A_1975] {strides = array<i32>} : memref<3328xi32, #tpu.memory_space<vmem>>, vector<16xi32>,
    %swap3A_1977 = vector.shape_cast %swap3A_1976 : vector<16xi32> to vector<16xi32>
    %swap3A_1978 = vector.shape_cast %add3A_1974 : vector<16xi32> to vector<16xi32>
    tpu.vector_store %arg5[%swap3A_1975], %swap3A_1978 {strides = array<i32>} : memref<3328xi32, #tpu.memory_space<vmem>>, vector<16xi32>,
    %get3A_1979 = arith.constant 3088 : index
    %get3A_1980 = tpu.vector_load %arg5[%get3A_1979] {strides = array<i32>} : memref<3328xi32, #tpu.memory_space<vmem>>, vector<16xi32>,
    %get3A_1981 = vector.shape_cast %get3A_1980 : vector<16xi32> to vector<16xi32>
    %add3A_1982 = arith.addi %get3A_1981, %mul3A_303 : vector<16xi32>
    %swap3A_1983 = arith.constant 3088 : index
    %swap3A_1984 = tpu.vector_load %arg5[%swap3A_1983] {strides = array<i32>} : memref<3328xi32, #tpu.memory_space<vmem>>, vector<16xi32>,
    %swap3A_1985 = vector.shape_cast %swap3A_1984 : vector<16xi32> to vector<16xi32>
    %swap3A_1986 = vector.shape_cast %add3A_1982 : vector<16xi32> to vector<16xi32>
    tpu.vector_store %arg5[%swap3A_1983], %swap3A_1986 {strides = array<i32>} : memref<3328xi32, #tpu.memory_space<vmem>>, vector<16xi32>,
    %get3A_1987 = arith.constant 3104 : index
    %get3A_1988 = tpu.vector_load %arg5[%get3A_1987] {strides = array<i32>} : memref<3328xi32, #tpu.memory_space<vmem>>, vector<16xi32>,
    %get3A_1989 = vector.shape_cast %get3A_1988 : vector<16xi32> to vector<16xi32>
    %add3A_1990 = arith.addi %get3A_1989, %mul3A_163 : vector<16xi32>
    %swap3A_1991 = arith.constant 3104 : index
    %swap3A_1992 = tpu.vector_load %arg5[%swap3A_1991] {strides = array<i32>} : memref<3328xi32, #tpu.memory_space<vmem>>, vector<16xi32>,
    %swap3A_1993 = vector.shape_cast %swap3A_1992 : vector<16xi32> to vector<16xi32>
    %swap3A_1994 = vector.shape_cast %add3A_1990 : vector<16xi32> to vector<16xi32>
    tpu.vector_store %arg5[%swap3A_1991], %swap3A_1994 {strides = array<i32>} : memref<3328xi32, #tpu.memory_space<vmem>>, vector<16xi32>,
    %get3A_1995 = arith.constant 3120 : index
    %get3A_1996 = tpu.vector_load %arg5[%get3A_1995] {strides = array<i32>} : memref<3328xi32, #tpu.memory_space<vmem>>, vector<16xi32>,
    %get3A_1997 = vector.shape_cast %get3A_1996 : vector<16xi32> to vector<16xi32>
    %add3A_1998 = arith.addi %get3A_1997, %mul3A_23 : vector<16xi32>
    %swap3A_1999 = arith.constant 3120 : index
    %swap3A_2000 = tpu.vector_load %arg5[%swap3A_1999] {strides = array<i32>} : memref<3328xi32, #tpu.memory_space<vmem>>, vector<16xi32>,
    %swap3A_2001 = vector.shape_cast %swap3A_2000 : vector<16xi32> to vector<16xi32>
    %swap3A_2002 = vector.shape_cast %add3A_1998 : vector<16xi32> to vector<16xi32>
    tpu.vector_store %arg5[%swap3A_1999], %swap3A_2002 {strides = array<i32>} : memref<3328xi32, #tpu.memory_space<vmem>>, vector<16xi32>,
    %get3A_2003 = arith.constant 3136 : index
    %get3A_2004 = tpu.vector_load %arg5[%get3A_2003] {strides = array<i32>} : memref<3328xi32, #tpu.memory_space<vmem>>, vector<16xi32>,
    %get3A_2005 = vector.shape_cast %get3A_2004 : vector<16xi32> to vector<16xi32>
    %add3A_2006 = arith.addi %get3A_2005, %mul3A_247 : vector<16xi32>
    %swap3A_2007 = arith.constant 3136 : index
    %swap3A_2008 = tpu.vector_load %arg5[%swap3A_2007] {strides = array<i32>} : memref<3328xi32, #tpu.memory_space<vmem>>, vector<16xi32>,
    %swap3A_2009 = vector.shape_cast %swap3A_2008 : vector<16xi32> to vector<16xi32>
    %swap3A_2010 = vector.shape_cast %add3A_2006 : vector<16xi32> to vector<16xi32>
    tpu.vector_store %arg5[%swap3A_2007], %swap3A_2010 {strides = array<i32>} : memref<3328xi32, #tpu.memory_space<vmem>>, vector<16xi32>,
    %get3A_2011 = arith.constant 3152 : index
    %get3A_2012 = tpu.vector_load %arg5[%get3A_2011] {strides = array<i32>} : memref<3328xi32, #tpu.memory_space<vmem>>, vector<16xi32>,
    %get3A_2013 = vector.shape_cast %get3A_2012 : vector<16xi32> to vector<16xi32>
    %add3A_2014 = arith.addi %get3A_2013, %mul3A_107 : vector<16xi32>
    %swap3A_2015 = arith.constant 3152 : index
    %swap3A_2016 = tpu.vector_load %arg5[%swap3A_2015] {strides = array<i32>} : memref<3328xi32, #tpu.memory_space<vmem>>, vector<16xi32>,
    %swap3A_2017 = vector.shape_cast %swap3A_2016 : vector<16xi32> to vector<16xi32>
    %swap3A_2018 = vector.shape_cast %add3A_2014 : vector<16xi32> to vector<16xi32>
    tpu.vector_store %arg5[%swap3A_2015], %swap3A_2018 {strides = array<i32>} : memref<3328xi32, #tpu.memory_space<vmem>>, vector<16xi32>,
    %get3A_2019 = arith.constant 3168 : index
    %get3A_2020 = tpu.vector_load %arg5[%get3A_2019] {strides = array<i32>} : memref<3328xi32, #tpu.memory_space<vmem>>, vector<16xi32>,
    %get3A_2021 = vector.shape_cast %get3A_2020 : vector<16xi32> to vector<16xi32>
    %add3A_2022 = arith.addi %get3A_2021, %mul3A_331 : vector<16xi32>
    %swap3A_2023 = arith.constant 3168 : index
    %swap3A_2024 = tpu.vector_load %arg5[%swap3A_2023] {strides = array<i32>} : memref<3328xi32, #tpu.memory_space<vmem>>, vector<16xi32>,
    %swap3A_2025 = vector.shape_cast %swap3A_2024 : vector<16xi32> to vector<16xi32>
    %swap3A_2026 = vector.shape_cast %add3A_2022 : vector<16xi32> to vector<16xi32>
    tpu.vector_store %arg5[%swap3A_2023], %swap3A_2026 {strides = array<i32>} : memref<3328xi32, #tpu.memory_space<vmem>>, vector<16xi32>,
    %get3A_2027 = arith.constant 3184 : index
    %get3A_2028 = tpu.vector_load %arg5[%get3A_2027] {strides = array<i32>} : memref<3328xi32, #tpu.memory_space<vmem>>, vector<16xi32>,
    %get3A_2029 = vector.shape_cast %get3A_2028 : vector<16xi32> to vector<16xi32>
    %add3A_2030 = arith.addi %get3A_2029, %mul3A_191 : vector<16xi32>
    %swap3A_2031 = arith.constant 3184 : index
    %swap3A_2032 = tpu.vector_load %arg5[%swap3A_2031] {strides = array<i32>} : memref<3328xi32, #tpu.memory_space<vmem>>, vector<16xi32>,
    %swap3A_2033 = vector.shape_cast %swap3A_2032 : vector<16xi32> to vector<16xi32>
    %swap3A_2034 = vector.shape_cast %add3A_2030 : vector<16xi32> to vector<16xi32>
    tpu.vector_store %arg5[%swap3A_2031], %swap3A_2034 {strides = array<i32>} : memref<3328xi32, #tpu.memory_space<vmem>>, vector<16xi32>,
    %get3A_2035 = arith.constant 3200 : index
    %get3A_2036 = tpu.vector_load %arg5[%get3A_2035] {strides = array<i32>} : memref<3328xi32, #tpu.memory_space<vmem>>, vector<16xi32>,
    %get3A_2037 = vector.shape_cast %get3A_2036 : vector<16xi32> to vector<16xi32>
    %add3A_2038 = arith.addi %get3A_2037, %mul3A_51 : vector<16xi32>
    %swap3A_2039 = arith.constant 3200 : index
    %swap3A_2040 = tpu.vector_load %arg5[%swap3A_2039] {strides = array<i32>} : memref<3328xi32, #tpu.memory_space<vmem>>, vector<16xi32>,
    %swap3A_2041 = vector.shape_cast %swap3A_2040 : vector<16xi32> to vector<16xi32>
    %swap3A_2042 = vector.shape_cast %add3A_2038 : vector<16xi32> to vector<16xi32>
    tpu.vector_store %arg5[%swap3A_2039], %swap3A_2042 {strides = array<i32>} : memref<3328xi32, #tpu.memory_space<vmem>>, vector<16xi32>,
    %get3A_2043 = arith.constant 3216 : index
    %get3A_2044 = tpu.vector_load %arg5[%get3A_2043] {strides = array<i32>} : memref<3328xi32, #tpu.memory_space<vmem>>, vector<16xi32>,
    %get3A_2045 = vector.shape_cast %get3A_2044 : vector<16xi32> to vector<16xi32>
    %add3A_2046 = arith.addi %get3A_2045, %mul3A_275 : vector<16xi32>
    %swap3A_2047 = arith.constant 3216 : index
    %swap3A_2048 = tpu.vector_load %arg5[%swap3A_2047] {strides = array<i32>} : memref<3328xi32, #tpu.memory_space<vmem>>, vector<16xi32>,
    %swap3A_2049 = vector.shape_cast %swap3A_2048 : vector<16xi32> to vector<16xi32>
    %swap3A_2050 = vector.shape_cast %add3A_2046 : vector<16xi32> to vector<16xi32>
    tpu.vector_store %arg5[%swap3A_2047], %swap3A_2050 {strides = array<i32>} : memref<3328xi32, #tpu.memory_space<vmem>>, vector<16xi32>,
    %get3A_2051 = arith.constant 3232 : index
    %get3A_2052 = tpu.vector_load %arg5[%get3A_2051] {strides = array<i32>} : memref<3328xi32, #tpu.memory_space<vmem>>, vector<16xi32>,
    %get3A_2053 = vector.shape_cast %get3A_2052 : vector<16xi32> to vector<16xi32>
    %add3A_2054 = arith.addi %get3A_2053, %mul3A_135 : vector<16xi32>
    %swap3A_2055 = arith.constant 3232 : index
    %swap3A_2056 = tpu.vector_load %arg5[%swap3A_2055] {strides = array<i32>} : memref<3328xi32, #tpu.memory_space<vmem>>, vector<16xi32>,
    %swap3A_2057 = vector.shape_cast %swap3A_2056 : vector<16xi32> to vector<16xi32>
    %swap3A_2058 = vector.shape_cast %add3A_2054 : vector<16xi32> to vector<16xi32>
    tpu.vector_store %arg5[%swap3A_2055], %swap3A_2058 {strides = array<i32>} : memref<3328xi32, #tpu.memory_space<vmem>>, vector<16xi32>,
    %get3A_2059 = arith.constant 3248 : index
    %get3A_2060 = tpu.vector_load %arg5[%get3A_2059] {strides = array<i32>} : memref<3328xi32, #tpu.memory_space<vmem>>, vector<16xi32>,
    %get3A_2061 = vector.shape_cast %get3A_2060 : vector<16xi32> to vector<16xi32>
    %add3A_2062 = arith.addi %get3A_2061, %mul3A_359 : vector<16xi32>
    %swap3A_2063 = arith.constant 3248 : index
    %swap3A_2064 = tpu.vector_load %arg5[%swap3A_2063] {strides = array<i32>} : memref<3328xi32, #tpu.memory_space<vmem>>, vector<16xi32>,
    %swap3A_2065 = vector.shape_cast %swap3A_2064 : vector<16xi32> to vector<16xi32>
    %swap3A_2066 = vector.shape_cast %add3A_2062 : vector<16xi32> to vector<16xi32>
    tpu.vector_store %arg5[%swap3A_2063], %swap3A_2066 {strides = array<i32>} : memref<3328xi32, #tpu.memory_space<vmem>>, vector<16xi32>,
    %get3A_2067 = arith.constant 3264 : index
    %get3A_2068 = tpu.vector_load %arg5[%get3A_2067] {strides = array<i32>} : memref<3328xi32, #tpu.memory_space<vmem>>, vector<16xi32>,
    %get3A_2069 = vector.shape_cast %get3A_2068 : vector<16xi32> to vector<16xi32>
    %add3A_2070 = arith.addi %get3A_2069, %mul3A_219 : vector<16xi32>
    %swap3A_2071 = arith.constant 3264 : index
    %swap3A_2072 = tpu.vector_load %arg5[%swap3A_2071] {strides = array<i32>} : memref<3328xi32, #tpu.memory_space<vmem>>, vector<16xi32>,
    %swap3A_2073 = vector.shape_cast %swap3A_2072 : vector<16xi32> to vector<16xi32>
    %swap3A_2074 = vector.shape_cast %add3A_2070 : vector<16xi32> to vector<16xi32>
    tpu.vector_store %arg5[%swap3A_2071], %swap3A_2074 {strides = array<i32>} : memref<3328xi32, #tpu.memory_space<vmem>>, vector<16xi32>,
    %get3A_2075 = arith.constant 3280 : index
    %get3A_2076 = tpu.vector_load %arg5[%get3A_2075] {strides = array<i32>} : memref<3328xi32, #tpu.memory_space<vmem>>, vector<16xi32>,
    %get3A_2077 = vector.shape_cast %get3A_2076 : vector<16xi32> to vector<16xi32>
    %add3A_2078 = arith.addi %get3A_2077, %mul3A_79 : vector<16xi32>
    %swap3A_2079 = arith.constant 3280 : index
    %swap3A_2080 = tpu.vector_load %arg5[%swap3A_2079] {strides = array<i32>} : memref<3328xi32, #tpu.memory_space<vmem>>, vector<16xi32>,
    %swap3A_2081 = vector.shape_cast %swap3A_2080 : vector<16xi32> to vector<16xi32>
    %swap3A_2082 = vector.shape_cast %add3A_2078 : vector<16xi32> to vector<16xi32>
    tpu.vector_store %arg5[%swap3A_2079], %swap3A_2082 {strides = array<i32>} : memref<3328xi32, #tpu.memory_space<vmem>>, vector<16xi32>,
    %get3A_2083 = arith.constant 3296 : index
    %get3A_2084 = tpu.vector_load %arg5[%get3A_2083] {strides = array<i32>} : memref<3328xi32, #tpu.memory_space<vmem>>, vector<16xi32>,
    %get3A_2085 = vector.shape_cast %get3A_2084 : vector<16xi32> to vector<16xi32>
    %add3A_2086 = arith.addi %get3A_2085, %mul3A_303 : vector<16xi32>
    %swap3A_2087 = arith.constant 3296 : index
    %swap3A_2088 = tpu.vector_load %arg5[%swap3A_2087] {strides = array<i32>} : memref<3328xi32, #tpu.memory_space<vmem>>, vector<16xi32>,
    %swap3A_2089 = vector.shape_cast %swap3A_2088 : vector<16xi32> to vector<16xi32>
    %swap3A_2090 = vector.shape_cast %add3A_2086 : vector<16xi32> to vector<16xi32>
    tpu.vector_store %arg5[%swap3A_2087], %swap3A_2090 {strides = array<i32>} : memref<3328xi32, #tpu.memory_space<vmem>>, vector<16xi32>,
    %get3A_2091 = arith.constant 3312 : index
    %get3A_2092 = tpu.vector_load %arg5[%get3A_2091] {strides = array<i32>} : memref<3328xi32, #tpu.memory_space<vmem>>, vector<16xi32>,
    %get3A_2093 = vector.shape_cast %get3A_2092 : vector<16xi32> to vector<16xi32>
    %add3A_2094 = arith.addi %get3A_2093, %mul3A_163 : vector<16xi32>
    %swap3A_2095 = arith.constant 3312 : index
    %swap3A_2096 = tpu.vector_load %arg5[%swap3A_2095] {strides = array<i32>} : memref<3328xi32, #tpu.memory_space<vmem>>, vector<16xi32>,
    %swap3A_2097 = vector.shape_cast %swap3A_2096 : vector<16xi32> to vector<16xi32>
    %swap3A_2098 = vector.shape_cast %add3A_2094 : vector<16xi32> to vector<16xi32>
    tpu.vector_store %arg5[%swap3A_2095], %swap3A_2098 {strides = array<i32>} : memref<3328xi32, #tpu.memory_space<vmem>>, vector<16xi32>,
    %dma_wait3A = arith.constant 0 : i32
    %dma_wait3A_2099 = arith.constant 0 : i32
    %dma_wait3A_2100 = arith.constant 0 : i32
    %dma_wait3A_2101 = tpu.memref_slice %arg6[%dma_wait3A, %dma_wait3A_2099, %dma_wait3A_2100] : memref<3x256x64xf32, #tpu.memory_space<vmem>> -> memref<1x256x64xf32, #tpu.memory_space<vmem>>
    %dma_wait3A_2102 = tpu.memref_squeeze %dma_wait3A_2101 : memref<1x256x64xf32, #tpu.memory_space<vmem>> -> memref<256x64xf32, #tpu.memory_space<vmem>>
    %dma_wait3A_2103 = arith.constant 0 : i32
    %dma_wait3A_2104 = arith.constant 0 : i32
    %dma_wait3A_2105 = tpu.memref_slice %dma_wait3A_2102[%dma_wait3A_2103, %dma_wait3A_2104] : memref<256x64xf32, #tpu.memory_space<vmem>> -> memref<128x64xf32, #tpu.memory_space<vmem>>
    %dma_wait3A_2106 = arith.constant 0 : i32
    %dma_wait3A_2107 = tpu.memref_slice %arg5[%dma_wait3A_2106] : memref<3328xi32, #tpu.memory_space<vmem>> -> memref<128xi32, #tpu.memory_space<vmem>>
    %dma_wait3A_2108 = arith.constant 0 : i32
    %dma_wait3A_2109 = arith.constant 0 : i32
    %dma_wait3A_2110 = tpu.memref_slice %arg3[%dma_wait3A_2108, %dma_wait3A_2109] : memref<26000x64xf32, #tpu.memory_space<hbm>> -> memref<26000x64xf32, #tpu.memory_space<hbm>>
    tpu.wait_indirect_dma semaphore(%arg7 : memref<!tpu.dma_semaphore, #tpu.memory_space<semaphore_mem>>) src(%dma_wait3A_2110 : memref<26000x64xf32, #tpu.memory_space<hbm>>) dst(%dma_wait3A_2105 : memref<128x64xf32, #tpu.memory_space<vmem>>)
    %dma_wait3A_2111 = arith.constant 0 : i32
    %dma_wait3A_2112 = arith.constant 0 : i32
    %dma_wait3A_2113 = arith.constant 0 : i32
    %dma_wait3A_2114 = tpu.memref_slice %arg6[%dma_wait3A_2111, %dma_wait3A_2112, %dma_wait3A_2113] : memref<3x256x64xf32, #tpu.memory_space<vmem>> -> memref<1x256x64xf32, #tpu.memory_space<vmem>>
    %dma_wait3A_2115 = tpu.memref_squeeze %dma_wait3A_2114 : memref<1x256x64xf32, #tpu.memory_space<vmem>> -> memref<256x64xf32, #tpu.memory_space<vmem>>
    %dma_wait3A_2116 = arith.constant 128 : i32
    %dma_wait3A_2117 = arith.constant 0 : i32
    %dma_wait3A_2118 = tpu.memref_slice %dma_wait3A_2115[%dma_wait3A_2116, %dma_wait3A_2117] : memref<256x64xf32, #tpu.memory_space<vmem>> -> memref<128x64xf32, #tpu.memory_space<vmem>>
    %dma_wait3A_2119 = arith.constant 128 : i32
    %dma_wait3A_2120 = tpu.memref_slice %arg5[%dma_wait3A_2119] : memref<3328xi32, #tpu.memory_space<vmem>> -> memref<128xi32, #tpu.memory_space<vmem>>
    %dma_wait3A_2121 = arith.constant 0 : i32
    %dma_wait3A_2122 = arith.constant 0 : i32
    %dma_wait3A_2123 = tpu.memref_slice %arg3[%dma_wait3A_2121, %dma_wait3A_2122] : memref<26000x64xf32, #tpu.memory_space<hbm>> -> memref<26000x64xf32, #tpu.memory_space<hbm>>
    tpu.wait_indirect_dma semaphore(%arg8 : memref<!tpu.dma_semaphore, #tpu.memory_space<semaphore_mem>>) src(%dma_wait3A_2123 : memref<26000x64xf32, #tpu.memory_space<hbm>>) dst(%dma_wait3A_2118 : memref<128x64xf32, #tpu.memory_space<vmem>>)
    %add3A_2124 = arith.constant 0 : i32
    %add3A_2125 = arith.addi %mul3A_2, %add3A_2124 : i32
    %dma_start3A_2126 = arith.constant 0 : i32
    %dma_start3A_2127 = arith.constant 0 : i32
    %dma_start3A_2128 = arith.constant 0 : i32
    %dma_start3A_2129 = tpu.memref_slice %arg6[%dma_start3A_2126, %dma_start3A_2127, %dma_start3A_2128] : memref<3x256x64xf32, #tpu.memory_space<vmem>> -> memref<1x256x64xf32, #tpu.memory_space<vmem>>
    %dma_start3A_2130 = tpu.memref_squeeze %dma_start3A_2129 : memref<1x256x64xf32, #tpu.memory_space<vmem>> -> memref<256x64xf32, #tpu.memory_space<vmem>>
    %dma_start3A_2131 = arith.constant 0 : i32
    %dma_start3A_2132 = tpu.memref_slice %arg4[%add3A_2125, %dma_start3A_2131] : memref<106496x64xf32, #tpu.memory_space<hbm>> -> memref<256x64xf32, #tpu.memory_space<hbm>>
    %dma_start3A_2133 = arith.constant 0 : i32
    %dma_start3A_2134 = tpu.memref_slice %arg4[%add3A_2125, %dma_start3A_2133] : memref<106496x64xf32, #tpu.memory_space<hbm>> -> memref<256x64xf32, #tpu.memory_space<hbm>>
    %dma_start3A_2135 = arith.constant 0 : i32
    %dma_start3A_2136 = arith.constant 0 : i32
    %dma_start3A_2137 = tpu.memref_slice %arg6[%dma_start3A_2126, %dma_start3A_2135, %dma_start3A_2136] : memref<3x256x64xf32, #tpu.memory_space<vmem>> -> memref<1x256x64xf32, #tpu.memory_space<vmem>>
    %dma_start3A_2138 = tpu.memref_squeeze %dma_start3A_2137 : memref<1x256x64xf32, #tpu.memory_space<vmem>> -> memref<256x64xf32, #tpu.memory_space<vmem>>
    tpu.enqueue_dma source(%dma_start3A_2138 : memref<256x64xf32, #tpu.memory_space<vmem>>) target(%dma_start3A_2134 : memref<256x64xf32, #tpu.memory_space<hbm>>) target_semaphore(%arg13 : memref<!tpu.dma_semaphore, #tpu.memory_space<semaphore_mem>>)
    %dma_wait3A_2139 = arith.constant 0 : i32
    %dma_wait3A_2140 = arith.constant 0 : i32
    %dma_wait3A_2141 = arith.constant 0 : i32
    %dma_wait3A_2142 = tpu.memref_slice %arg6[%dma_wait3A_2139, %dma_wait3A_2140, %dma_wait3A_2141] : memref<3x256x64xf32, #tpu.memory_space<vmem>> -> memref<1x256x64xf32, #tpu.memory_space<vmem>>
    %dma_wait3A_2143 = tpu.memref_squeeze %dma_wait3A_2142 : memref<1x256x64xf32, #tpu.memory_space<vmem>> -> memref<256x64xf32, #tpu.memory_space<vmem>>
    %dma_wait3A_2144 = arith.constant 0 : i32
    %dma_wait3A_2145 = tpu.memref_slice %arg4[%add3A_2125, %dma_wait3A_2144] : memref<106496x64xf32, #tpu.memory_space<hbm>> -> memref<256x64xf32, #tpu.memory_space<hbm>>
    %dma_wait3A_2146 = arith.constant 0 : i32
    %dma_wait3A_2147 = tpu.memref_slice %arg4[%add3A_2125, %dma_wait3A_2146] : memref<106496x64xf32, #tpu.memory_space<hbm>> -> memref<256x64xf32, #tpu.memory_space<hbm>>
    %dma_wait3A_2148 = arith.constant 0 : i32
    %dma_wait3A_2149 = arith.constant 0 : i32
    %dma_wait3A_2150 = tpu.memref_slice %arg6[%dma_wait3A_2139, %dma_wait3A_2148, %dma_wait3A_2149] : memref<3x256x64xf32, #tpu.memory_space<vmem>> -> memref<1x256x64xf32, #tpu.memory_space<vmem>>
    %dma_wait3A_2151 = tpu.memref_squeeze %dma_wait3A_2150 : memref<1x256x64xf32, #tpu.memory_space<vmem>> -> memref<256x64xf32, #tpu.memory_space<vmem>>
    tpu.wait_dma2 semaphore(%arg13 : memref<!tpu.dma_semaphore, #tpu.memory_space<semaphore_mem>>) src(%dma_wait3A_2151 : memref<256x64xf32, #tpu.memory_space<vmem>>) dst(%dma_wait3A_2147 : memref<256x64xf32, #tpu.memory_space<hbm>>)
    %dma_start3A_2152 = arith.constant 0 : i32
    %dma_start3A_2153 = arith.constant 0 : i32
    %dma_start3A_2154 = arith.constant 0 : i32
    %dma_start3A_2155 = tpu.memref_slice %arg6[%dma_start3A_2152, %dma_start3A_2153, %dma_start3A_2154] : memref<3x256x64xf32, #tpu.memory_space<vmem>> -> memref<1x256x64xf32, #tpu.memory_space<vmem>>
    %dma_start3A_2156 = tpu.memref_squeeze %dma_start3A_2155 : memref<1x256x64xf32, #tpu.memory_space<vmem>> -> memref<256x64xf32, #tpu.memory_space<vmem>>
    %dma_start3A_2157 = arith.constant 0 : i32
    %dma_start3A_2158 = arith.constant 0 : i32
    %dma_start3A_2159 = tpu.memref_slice %dma_start3A_2156[%dma_start3A_2157, %dma_start3A_2158] : memref<256x64xf32, #tpu.memory_space<vmem>> -> memref<128x64xf32, #tpu.memory_space<vmem>>
    %dma_start3A_2160 = arith.constant 768 : i32
    %dma_start3A_2161 = tpu.memref_slice %arg5[%dma_start3A_2160] : memref<3328xi32, #tpu.memory_space<vmem>> -> memref<128xi32, #tpu.memory_space<vmem>>
    %dma_start3A_2162 = arith.constant 0 : i32
    %dma_start3A_2163 = arith.constant 0 : i32
    %dma_start3A_2164 = tpu.memref_slice %arg3[%dma_start3A_2162, %dma_start3A_2163] : memref<26000x64xf32, #tpu.memory_space<hbm>> -> memref<26000x64xf32, #tpu.memory_space<hbm>>
    tpu.enqueue_indirect_dma source(%dma_start3A_2164 : memref<26000x64xf32, #tpu.memory_space<hbm>>) target(%dma_start3A_2159 : memref<128x64xf32, #tpu.memory_space<vmem>>) offsets(%dma_start3A_2161 : memref<128xi32, #tpu.memory_space<vmem>>) semaphore(%arg7 : memref<!tpu.dma_semaphore, #tpu.memory_space<semaphore_mem>>)
    %dma_start3A_2165 = arith.constant 0 : i32
    %dma_start3A_2166 = arith.constant 0 : i32
    %dma_start3A_2167 = arith.constant 0 : i32
    %dma_start3A_2168 = tpu.memref_slice %arg6[%dma_start3A_2165, %dma_start3A_2166, %dma_start3A_2167] : memref<3x256x64xf32, #tpu.memory_space<vmem>> -> memref<1x256x64xf32, #tpu.memory_space<vmem>>
    %dma_start3A_2169 = tpu.memref_squeeze %dma_start3A_2168 : memref<1x256x64xf32, #tpu.memory_space<vmem>> -> memref<256x64xf32, #tpu.memory_space<vmem>>
    %dma_start3A_2170 = arith.constant 128 : i32
    %dma_start3A_2171 = arith.constant 0 : i32
    %dma_start3A_2172 = tpu.memref_slice %dma_start3A_2169[%dma_start3A_2170, %dma_start3A_2171] : memref<256x64xf32, #tpu.memory_space<vmem>> -> memref<128x64xf32, #tpu.memory_space<vmem>>
    %dma_start3A_2173 = arith.constant 896 : i32
    %dma_start3A_2174 = tpu.memref_slice %arg5[%dma_start3A_2173] : memref<3328xi32, #tpu.memory_space<vmem>> -> memref<128xi32, #tpu.memory_space<vmem>>
    %dma_start3A_2175 = arith.constant 0 : i32
    %dma_start3A_2176 = arith.constant 0 : i32
    %dma_start3A_2177 = tpu.memref_slice %arg3[%dma_start3A_2175, %dma_start3A_2176] : memref<26000x64xf32, #tpu.memory_space<hbm>> -> memref<26000x64xf32, #tpu.memory_space<hbm>>
    tpu.enqueue_indirect_dma source(%dma_start3A_2177 : memref<26000x64xf32, #tpu.memory_space<hbm>>) target(%dma_start3A_2172 : memref<128x64xf32, #tpu.memory_space<vmem>>) offsets(%dma_start3A_2174 : memref<128xi32, #tpu.memory_space<vmem>>) semaphore(%arg8 : memref<!tpu.dma_semaphore, #tpu.memory_space<semaphore_mem>>)
    %dma_wait3A_2178 = arith.constant 1 : i32
    %dma_wait3A_2179 = arith.constant 0 : i32
    %dma_wait3A_2180 = arith.constant 0 : i32
    %dma_wait3A_2181 = tpu.memref_slice %arg6[%dma_wait3A_2178, %dma_wait3A_2179, %dma_wait3A_2180] : memref<3x256x64xf32, #tpu.memory_space<vmem>> -> memref<1x256x64xf32, #tpu.memory_space<vmem>>
    %dma_wait3A_2182 = tpu.memref_squeeze %dma_wait3A_2181 : memref<1x256x64xf32, #tpu.memory_space<vmem>> -> memref<256x64xf32, #tpu.memory_space<vmem>>
    %dma_wait3A_2183 = arith.constant 0 : i32
    %dma_wait3A_2184 = arith.constant 0 : i32
    %dma_wait3A_2185 = tpu.memref_slice %dma_wait3A_2182[%dma_wait3A_2183, %dma_wait3A_2184] : memref<256x64xf32, #tpu.memory_space<vmem>> -> memref<128x64xf32, #tpu.memory_space<vmem>>
    %dma_wait3A_2186 = arith.constant 256 : i32
    %dma_wait3A_2187 = tpu.memref_slice %arg5[%dma_wait3A_2186] : memref<3328xi32, #tpu.memory_space<vmem>> -> memref<128xi32, #tpu.memory_space<vmem>>
    %dma_wait3A_2188 = arith.constant 0 : i32
    %dma_wait3A_2189 = arith.constant 0 : i32
    %dma_wait3A_2190 = tpu.memref_slice %arg3[%dma_wait3A_2188, %dma_wait3A_2189] : memref<26000x64xf32, #tpu.memory_space<hbm>> -> memref<26000x64xf32, #tpu.memory_space<hbm>>
    tpu.wait_indirect_dma semaphore(%arg9 : memref<!tpu.dma_semaphore, #tpu.memory_space<semaphore_mem>>) src(%dma_wait3A_2190 : memref<26000x64xf32, #tpu.memory_space<hbm>>) dst(%dma_wait3A_2185 : memref<128x64xf32, #tpu.memory_space<vmem>>)
    %dma_wait3A_2191 = arith.constant 1 : i32
    %dma_wait3A_2192 = arith.constant 0 : i32
    %dma_wait3A_2193 = arith.constant 0 : i32
    %dma_wait3A_2194 = tpu.memref_slice %arg6[%dma_wait3A_2191, %dma_wait3A_2192, %dma_wait3A_2193] : memref<3x256x64xf32, #tpu.memory_space<vmem>> -> memref<1x256x64xf32, #tpu.memory_space<vmem>>
    %dma_wait3A_2195 = tpu.memref_squeeze %dma_wait3A_2194 : memref<1x256x64xf32, #tpu.memory_space<vmem>> -> memref<256x64xf32, #tpu.memory_space<vmem>>
    %dma_wait3A_2196 = arith.constant 128 : i32
    %dma_wait3A_2197 = arith.constant 0 : i32
    %dma_wait3A_2198 = tpu.memref_slice %dma_wait3A_2195[%dma_wait3A_2196, %dma_wait3A_2197] : memref<256x64xf32, #tpu.memory_space<vmem>> -> memref<128x64xf32, #tpu.memory_space<vmem>>
    %dma_wait3A_2199 = arith.constant 384 : i32
    %dma_wait3A_2200 = tpu.memref_slice %arg5[%dma_wait3A_2199] : memref<3328xi32, #tpu.memory_space<vmem>> -> memref<128xi32, #tpu.memory_space<vmem>>
    %dma_wait3A_2201 = arith.constant 0 : i32
    %dma_wait3A_2202 = arith.constant 0 : i32
    %dma_wait3A_2203 = tpu.memref_slice %arg3[%dma_wait3A_2201, %dma_wait3A_2202] : memref<26000x64xf32, #tpu.memory_space<hbm>> -> memref<26000x64xf32, #tpu.memory_space<hbm>>
    tpu.wait_indirect_dma semaphore(%arg10 : memref<!tpu.dma_semaphore, #tpu.memory_space<semaphore_mem>>) src(%dma_wait3A_2203 : memref<26000x64xf32, #tpu.memory_space<hbm>>) dst(%dma_wait3A_2198 : memref<128x64xf32, #tpu.memory_space<vmem>>)
    %add3A_2204 = arith.constant 256 : i32
    %add3A_2205 = arith.addi %mul3A_2, %add3A_2204 : i32
    %dma_start3A_2206 = arith.constant 1 : i32
    %dma_start3A_2207 = arith.constant 0 : i32
    %dma_start3A_2208 = arith.constant 0 : i32
    %dma_start3A_2209 = tpu.memref_slice %arg6[%dma_start3A_2206, %dma_start3A_2207, %dma_start3A_2208] : memref<3x256x64xf32, #tpu.memory_space<vmem>> -> memref<1x256x64xf32, #tpu.memory_space<vmem>>
    %dma_start3A_2210 = tpu.memref_squeeze %dma_start3A_2209 : memref<1x256x64xf32, #tpu.memory_space<vmem>> -> memref<256x64xf32, #tpu.memory_space<vmem>>
    %dma_start3A_2211 = arith.constant 0 : i32
    %dma_start3A_2212 = tpu.memref_slice %arg4[%add3A_2205, %dma_start3A_2211] : memref<106496x64xf32, #tpu.memory_space<hbm>> -> memref<256x64xf32, #tpu.memory_space<hbm>>
    %dma_start3A_2213 = arith.constant 0 : i32
    %dma_start3A_2214 = tpu.memref_slice %arg4[%add3A_2205, %dma_start3A_2213] : memref<106496x64xf32, #tpu.memory_space<hbm>> -> memref<256x64xf32, #tpu.memory_space<hbm>>
    %dma_start3A_2215 = arith.constant 0 : i32
    %dma_start3A_2216 = arith.constant 0 : i32
    %dma_start3A_2217 = tpu.memref_slice %arg6[%dma_start3A_2206, %dma_start3A_2215, %dma_start3A_2216] : memref<3x256x64xf32, #tpu.memory_space<vmem>> -> memref<1x256x64xf32, #tpu.memory_space<vmem>>
    %dma_start3A_2218 = tpu.memref_squeeze %dma_start3A_2217 : memref<1x256x64xf32, #tpu.memory_space<vmem>> -> memref<256x64xf32, #tpu.memory_space<vmem>>
    tpu.enqueue_dma source(%dma_start3A_2218 : memref<256x64xf32, #tpu.memory_space<vmem>>) target(%dma_start3A_2214 : memref<256x64xf32, #tpu.memory_space<hbm>>) target_semaphore(%arg14 : memref<!tpu.dma_semaphore, #tpu.memory_space<semaphore_mem>>)
    %dma_wait3A_2219 = arith.constant 1 : i32
    %dma_wait3A_2220 = arith.constant 0 : i32
    %dma_wait3A_2221 = arith.constant 0 : i32
    %dma_wait3A_2222 = tpu.memref_slice %arg6[%dma_wait3A_2219, %dma_wait3A_2220, %dma_wait3A_2221] : memref<3x256x64xf32, #tpu.memory_space<vmem>> -> memref<1x256x64xf32, #tpu.memory_space<vmem>>
    %dma_wait3A_2223 = tpu.memref_squeeze %dma_wait3A_2222 : memref<1x256x64xf32, #tpu.memory_space<vmem>> -> memref<256x64xf32, #tpu.memory_space<vmem>>
    %dma_wait3A_2224 = arith.constant 0 : i32
    %dma_wait3A_2225 = tpu.memref_slice %arg4[%add3A_2205, %dma_wait3A_2224] : memref<106496x64xf32, #tpu.memory_space<hbm>> -> memref<256x64xf32, #tpu.memory_space<hbm>>
    %dma_wait3A_2226 = arith.constant 0 : i32
    %dma_wait3A_2227 = tpu.memref_slice %arg4[%add3A_2205, %dma_wait3A_2226] : memref<106496x64xf32, #tpu.memory_space<hbm>> -> memref<256x64xf32, #tpu.memory_space<hbm>>
    %dma_wait3A_2228 = arith.constant 0 : i32
    %dma_wait3A_2229 = arith.constant 0 : i32
    %dma_wait3A_2230 = tpu.memref_slice %arg6[%dma_wait3A_2219, %dma_wait3A_2228, %dma_wait3A_2229] : memref<3x256x64xf32, #tpu.memory_space<vmem>> -> memref<1x256x64xf32, #tpu.memory_space<vmem>>
    %dma_wait3A_2231 = tpu.memref_squeeze %dma_wait3A_2230 : memref<1x256x64xf32, #tpu.memory_space<vmem>> -> memref<256x64xf32, #tpu.memory_space<vmem>>
    tpu.wait_dma2 semaphore(%arg14 : memref<!tpu.dma_semaphore, #tpu.memory_space<semaphore_mem>>) src(%dma_wait3A_2231 : memref<256x64xf32, #tpu.memory_space<vmem>>) dst(%dma_wait3A_2227 : memref<256x64xf32, #tpu.memory_space<hbm>>)
    %dma_start3A_2232 = arith.constant 1 : i32
    %dma_start3A_2233 = arith.constant 0 : i32
    %dma_start3A_2234 = arith.constant 0 : i32
    %dma_start3A_2235 = tpu.memref_slice %arg6[%dma_start3A_2232, %dma_start3A_2233, %dma_start3A_2234] : memref<3x256x64xf32, #tpu.memory_space<vmem>> -> memref<1x256x64xf32, #tpu.memory_space<vmem>>
    %dma_start3A_2236 = tpu.memref_squeeze %dma_start3A_2235 : memref<1x256x64xf32, #tpu.memory_space<vmem>> -> memref<256x64xf32, #tpu.memory_space<vmem>>
    %dma_start3A_2237 = arith.constant 0 : i32
    %dma_start3A_2238 = arith.constant 0 : i32
    %dma_start3A_2239 = tpu.memref_slice %dma_start3A_2236[%dma_start3A_2237, %dma_start3A_2238] : memref<256x64xf32, #tpu.memory_space<vmem>> -> memref<128x64xf32, #tpu.memory_space<vmem>>
    %dma_start3A_2240 = arith.constant 1024 : i32
    %dma_start3A_2241 = tpu.memref_slice %arg5[%dma_start3A_2240] : memref<3328xi32, #tpu.memory_space<vmem>> -> memref<128xi32, #tpu.memory_space<vmem>>
    %dma_start3A_2242 = arith.constant 0 : i32
    %dma_start3A_2243 = arith.constant 0 : i32
    %dma_start3A_2244 = tpu.memref_slice %arg3[%dma_start3A_2242, %dma_start3A_2243] : memref<26000x64xf32, #tpu.memory_space<hbm>> -> memref<26000x64xf32, #tpu.memory_space<hbm>>
    tpu.enqueue_indirect_dma source(%dma_start3A_2244 : memref<26000x64xf32, #tpu.memory_space<hbm>>) target(%dma_start3A_2239 : memref<128x64xf32, #tpu.memory_space<vmem>>) offsets(%dma_start3A_2241 : memref<128xi32, #tpu.memory_space<vmem>>) semaphore(%arg9 : memref<!tpu.dma_semaphore, #tpu.memory_space<semaphore_mem>>)
    %dma_start3A_2245 = arith.constant 1 : i32
    %dma_start3A_2246 = arith.constant 0 : i32
    %dma_start3A_2247 = arith.constant 0 : i32
    %dma_start3A_2248 = tpu.memref_slice %arg6[%dma_start3A_2245, %dma_start3A_2246, %dma_start3A_2247] : memref<3x256x64xf32, #tpu.memory_space<vmem>> -> memref<1x256x64xf32, #tpu.memory_space<vmem>>
    %dma_start3A_2249 = tpu.memref_squeeze %dma_start3A_2248 : memref<1x256x64xf32, #tpu.memory_space<vmem>> -> memref<256x64xf32, #tpu.memory_space<vmem>>
    %dma_start3A_2250 = arith.constant 128 : i32
    %dma_start3A_2251 = arith.constant 0 : i32
    %dma_start3A_2252 = tpu.memref_slice %dma_start3A_2249[%dma_start3A_2250, %dma_start3A_2251] : memref<256x64xf32, #tpu.memory_space<vmem>> -> memref<128x64xf32, #tpu.memory_space<vmem>>
    %dma_start3A_2253 = arith.constant 1152 : i32
    %dma_start3A_2254 = tpu.memref_slice %arg5[%dma_start3A_2253] : memref<3328xi32, #tpu.memory_space<vmem>> -> memref<128xi32, #tpu.memory_space<vmem>>
    %dma_start3A_2255 = arith.constant 0 : i32
    %dma_start3A_2256 = arith.constant 0 : i32
    %dma_start3A_2257 = tpu.memref_slice %arg3[%dma_start3A_2255, %dma_start3A_2256] : memref<26000x64xf32, #tpu.memory_space<hbm>> -> memref<26000x64xf32, #tpu.memory_space<hbm>>
    tpu.enqueue_indirect_dma source(%dma_start3A_2257 : memref<26000x64xf32, #tpu.memory_space<hbm>>) target(%dma_start3A_2252 : memref<128x64xf32, #tpu.memory_space<vmem>>) offsets(%dma_start3A_2254 : memref<128xi32, #tpu.memory_space<vmem>>) semaphore(%arg10 : memref<!tpu.dma_semaphore, #tpu.memory_space<semaphore_mem>>)
    %dma_wait3A_2258 = arith.constant 2 : i32
    %dma_wait3A_2259 = arith.constant 0 : i32
    %dma_wait3A_2260 = arith.constant 0 : i32
    %dma_wait3A_2261 = tpu.memref_slice %arg6[%dma_wait3A_2258, %dma_wait3A_2259, %dma_wait3A_2260] : memref<3x256x64xf32, #tpu.memory_space<vmem>> -> memref<1x256x64xf32, #tpu.memory_space<vmem>>
    %dma_wait3A_2262 = tpu.memref_squeeze %dma_wait3A_2261 : memref<1x256x64xf32, #tpu.memory_space<vmem>> -> memref<256x64xf32, #tpu.memory_space<vmem>>
    %dma_wait3A_2263 = arith.constant 0 : i32
    %dma_wait3A_2264 = arith.constant 0 : i32
    %dma_wait3A_2265 = tpu.memref_slice %dma_wait3A_2262[%dma_wait3A_2263, %dma_wait3A_2264] : memref<256x64xf32, #tpu.memory_space<vmem>> -> memref<128x64xf32, #tpu.memory_space<vmem>>
    %dma_wait3A_2266 = arith.constant 512 : i32
    %dma_wait3A_2267 = tpu.memref_slice %arg5[%dma_wait3A_2266] : memref<3328xi32, #tpu.memory_space<vmem>> -> memref<128xi32, #tpu.memory_space<vmem>>
    %dma_wait3A_2268 = arith.constant 0 : i32
    %dma_wait3A_2269 = arith.constant 0 : i32
    %dma_wait3A_2270 = tpu.memref_slice %arg3[%dma_wait3A_2268, %dma_wait3A_2269] : memref<26000x64xf32, #tpu.memory_space<hbm>> -> memref<26000x64xf32, #tpu.memory_space<hbm>>
    tpu.wait_indirect_dma semaphore(%arg11 : memref<!tpu.dma_semaphore, #tpu.memory_space<semaphore_mem>>) src(%dma_wait3A_2270 : memref<26000x64xf32, #tpu.memory_space<hbm>>) dst(%dma_wait3A_2265 : memref<128x64xf32, #tpu.memory_space<vmem>>)
    %dma_wait3A_2271 = arith.constant 2 : i32
    %dma_wait3A_2272 = arith.constant 0 : i32
    %dma_wait3A_2273 = arith.constant 0 : i32
    %dma_wait3A_2274 = tpu.memref_slice %arg6[%dma_wait3A_2271, %dma_wait3A_2272, %dma_wait3A_2273] : memref<3x256x64xf32, #tpu.memory_space<vmem>> -> memref<1x256x64xf32, #tpu.memory_space<vmem>>
    %dma_wait3A_2275 = tpu.memref_squeeze %dma_wait3A_2274 : memref<1x256x64xf32, #tpu.memory_space<vmem>> -> memref<256x64xf32, #tpu.memory_space<vmem>>
    %dma_wait3A_2276 = arith.constant 128 : i32
    %dma_wait3A_2277 = arith.constant 0 : i32
    %dma_wait3A_2278 = tpu.memref_slice %dma_wait3A_2275[%dma_wait3A_2276, %dma_wait3A_2277] : memref<256x64xf32, #tpu.memory_space<vmem>> -> memref<128x64xf32, #tpu.memory_space<vmem>>
    %dma_wait3A_2279 = arith.constant 640 : i32
    %dma_wait3A_2280 = tpu.memref_slice %arg5[%dma_wait3A_2279] : memref<3328xi32, #tpu.memory_space<vmem>> -> memref<128xi32, #tpu.memory_space<vmem>>
    %dma_wait3A_2281 = arith.constant 0 : i32
    %dma_wait3A_2282 = arith.constant 0 : i32
    %dma_wait3A_2283 = tpu.memref_slice %arg3[%dma_wait3A_2281, %dma_wait3A_2282] : memref<26000x64xf32, #tpu.memory_space<hbm>> -> memref<26000x64xf32, #tpu.memory_space<hbm>>
    tpu.wait_indirect_dma semaphore(%arg12 : memref<!tpu.dma_semaphore, #tpu.memory_space<semaphore_mem>>) src(%dma_wait3A_2283 : memref<26000x64xf32, #tpu.memory_space<hbm>>) dst(%dma_wait3A_2278 : memref<128x64xf32, #tpu.memory_space<vmem>>)
    %add3A_2284 = arith.constant 512 : i32
    %add3A_2285 = arith.addi %mul3A_2, %add3A_2284 : i32
    %dma_start3A_2286 = arith.constant 2 : i32
    %dma_start3A_2287 = arith.constant 0 : i32
    %dma_start3A_2288 = arith.constant 0 : i32
    %dma_start3A_2289 = tpu.memref_slice %arg6[%dma_start3A_2286, %dma_start3A_2287, %dma_start3A_2288] : memref<3x256x64xf32, #tpu.memory_space<vmem>> -> memref<1x256x64xf32, #tpu.memory_space<vmem>>
    %dma_start3A_2290 = tpu.memref_squeeze %dma_start3A_2289 : memref<1x256x64xf32, #tpu.memory_space<vmem>> -> memref<256x64xf32, #tpu.memory_space<vmem>>
    %dma_start3A_2291 = arith.constant 0 : i32
    %dma_start3A_2292 = tpu.memref_slice %arg4[%add3A_2285, %dma_start3A_2291] : memref<106496x64xf32, #tpu.memory_space<hbm>> -> memref<256x64xf32, #tpu.memory_space<hbm>>
    %dma_start3A_2293 = arith.constant 0 : i32
    %dma_start3A_2294 = tpu.memref_slice %arg4[%add3A_2285, %dma_start3A_2293] : memref<106496x64xf32, #tpu.memory_space<hbm>> -> memref<256x64xf32, #tpu.memory_space<hbm>>
    %dma_start3A_2295 = arith.constant 0 : i32
    %dma_start3A_2296 = arith.constant 0 : i32
    %dma_start3A_2297 = tpu.memref_slice %arg6[%dma_start3A_2286, %dma_start3A_2295, %dma_start3A_2296] : memref<3x256x64xf32, #tpu.memory_space<vmem>> -> memref<1x256x64xf32, #tpu.memory_space<vmem>>
    %dma_start3A_2298 = tpu.memref_squeeze %dma_start3A_2297 : memref<1x256x64xf32, #tpu.memory_space<vmem>> -> memref<256x64xf32, #tpu.memory_space<vmem>>
    tpu.enqueue_dma source(%dma_start3A_2298 : memref<256x64xf32, #tpu.memory_space<vmem>>) target(%dma_start3A_2294 : memref<256x64xf32, #tpu.memory_space<hbm>>) target_semaphore(%arg15 : memref<!tpu.dma_semaphore, #tpu.memory_space<semaphore_mem>>)
    %dma_wait3A_2299 = arith.constant 2 : i32
    %dma_wait3A_2300 = arith.constant 0 : i32
    %dma_wait3A_2301 = arith.constant 0 : i32
    %dma_wait3A_2302 = tpu.memref_slice %arg6[%dma_wait3A_2299, %dma_wait3A_2300, %dma_wait3A_2301] : memref<3x256x64xf32, #tpu.memory_space<vmem>> -> memref<1x256x64xf32, #tpu.memory_space<vmem>>
    %dma_wait3A_2303 = tpu.memref_squeeze %dma_wait3A_2302 : memref<1x256x64xf32, #tpu.memory_space<vmem>> -> memref<256x64xf32, #tpu.memory_space<vmem>>
    %dma_wait3A_2304 = arith.constant 0 : i32
    %dma_wait3A_2305 = tpu.memref_slice %arg4[%add3A_2285, %dma_wait3A_2304] : memref<106496x64xf32, #tpu.memory_space<hbm>> -> memref<256x64xf32, #tpu.memory_space<hbm>>
    %dma_wait3A_2306 = arith.constant 0 : i32
    %dma_wait3A_2307 = tpu.memref_slice %arg4[%add3A_2285, %dma_wait3A_2306] : memref<106496x64xf32, #tpu.memory_space<hbm>> -> memref<256x64xf32, #tpu.memory_space<hbm>>
    %dma_wait3A_2308 = arith.constant 0 : i32
    %dma_wait3A_2309 = arith.constant 0 : i32
    %dma_wait3A_2310 = tpu.memref_slice %arg6[%dma_wait3A_2299, %dma_wait3A_2308, %dma_wait3A_2309] : memref<3x256x64xf32, #tpu.memory_space<vmem>> -> memref<1x256x64xf32, #tpu.memory_space<vmem>>
    %dma_wait3A_2311 = tpu.memref_squeeze %dma_wait3A_2310 : memref<1x256x64xf32, #tpu.memory_space<vmem>> -> memref<256x64xf32, #tpu.memory_space<vmem>>
    tpu.wait_dma2 semaphore(%arg15 : memref<!tpu.dma_semaphore, #tpu.memory_space<semaphore_mem>>) src(%dma_wait3A_2311 : memref<256x64xf32, #tpu.memory_space<vmem>>) dst(%dma_wait3A_2307 : memref<256x64xf32, #tpu.memory_space<hbm>>)
    %dma_start3A_2312 = arith.constant 2 : i32
    %dma_start3A_2313 = arith.constant 0 : i32
    %dma_start3A_2314 = arith.constant 0 : i32
    %dma_start3A_2315 = tpu.memref_slice %arg6[%dma_start3A_2312, %dma_start3A_2313, %dma_start3A_2314] : memref<3x256x64xf32, #tpu.memory_space<vmem>> -> memref<1x256x64xf32, #tpu.memory_space<vmem>>
    %dma_start3A_2316 = tpu.memref_squeeze %dma_start3A_2315 : memref<1x256x64xf32, #tpu.memory_space<vmem>> -> memref<256x64xf32, #tpu.memory_space<vmem>>
    %dma_start3A_2317 = arith.constant 0 : i32
    %dma_start3A_2318 = arith.constant 0 : i32
    %dma_start3A_2319 = tpu.memref_slice %dma_start3A_2316[%dma_start3A_2317, %dma_start3A_2318] : memref<256x64xf32, #tpu.memory_space<vmem>> -> memref<128x64xf32, #tpu.memory_space<vmem>>
    %dma_start3A_2320 = arith.constant 1280 : i32
    %dma_start3A_2321 = tpu.memref_slice %arg5[%dma_start3A_2320] : memref<3328xi32, #tpu.memory_space<vmem>> -> memref<128xi32, #tpu.memory_space<vmem>>
    %dma_start3A_2322 = arith.constant 0 : i32
    %dma_start3A_2323 = arith.constant 0 : i32
    %dma_start3A_2324 = tpu.memref_slice %arg3[%dma_start3A_2322, %dma_start3A_2323] : memref<26000x64xf32, #tpu.memory_space<hbm>> -> memref<26000x64xf32, #tpu.memory_space<hbm>>
    tpu.enqueue_indirect_dma source(%dma_start3A_2324 : memref<26000x64xf32, #tpu.memory_space<hbm>>) target(%dma_start3A_2319 : memref<128x64xf32, #tpu.memory_space<vmem>>) offsets(%dma_start3A_2321 : memref<128xi32, #tpu.memory_space<vmem>>) semaphore(%arg11 : memref<!tpu.dma_semaphore, #tpu.memory_space<semaphore_mem>>)
    %dma_start3A_2325 = arith.constant 2 : i32
    %dma_start3A_2326 = arith.constant 0 : i32
    %dma_start3A_2327 = arith.constant 0 : i32
    %dma_start3A_2328 = tpu.memref_slice %arg6[%dma_start3A_2325, %dma_start3A_2326, %dma_start3A_2327] : memref<3x256x64xf32, #tpu.memory_space<vmem>> -> memref<1x256x64xf32, #tpu.memory_space<vmem>>
    %dma_start3A_2329 = tpu.memref_squeeze %dma_start3A_2328 : memref<1x256x64xf32, #tpu.memory_space<vmem>> -> memref<256x64xf32, #tpu.memory_space<vmem>>
    %dma_start3A_2330 = arith.constant 128 : i32
    %dma_start3A_2331 = arith.constant 0 : i32
    %dma_start3A_2332 = tpu.memref_slice %dma_start3A_2329[%dma_start3A_2330, %dma_start3A_2331] : memref<256x64xf32, #tpu.memory_space<vmem>> -> memref<128x64xf32, #tpu.memory_space<vmem>>
    %dma_start3A_2333 = arith.constant 1408 : i32
    %dma_start3A_2334 = tpu.memref_slice %arg5[%dma_start3A_2333] : memref<3328xi32, #tpu.memory_space<vmem>> -> memref<128xi32, #tpu.memory_space<vmem>>
    %dma_start3A_2335 = arith.constant 0 : i32
    %dma_start3A_2336 = arith.constant 0 : i32
    %dma_start3A_2337 = tpu.memref_slice %arg3[%dma_start3A_2335, %dma_start3A_2336] : memref<26000x64xf32, #tpu.memory_space<hbm>> -> memref<26000x64xf32, #tpu.memory_space<hbm>>
    tpu.enqueue_indirect_dma source(%dma_start3A_2337 : memref<26000x64xf32, #tpu.memory_space<hbm>>) target(%dma_start3A_2332 : memref<128x64xf32, #tpu.memory_space<vmem>>) offsets(%dma_start3A_2334 : memref<128xi32, #tpu.memory_space<vmem>>) semaphore(%arg12 : memref<!tpu.dma_semaphore, #tpu.memory_space<semaphore_mem>>)
    %dma_wait3A_2338 = arith.constant 0 : i32
    %dma_wait3A_2339 = arith.constant 0 : i32
    %dma_wait3A_2340 = arith.constant 0 : i32
    %dma_wait3A_2341 = tpu.memref_slice %arg6[%dma_wait3A_2338, %dma_wait3A_2339, %dma_wait3A_2340] : memref<3x256x64xf32, #tpu.memory_space<vmem>> -> memref<1x256x64xf32, #tpu.memory_space<vmem>>
    %dma_wait3A_2342 = tpu.memref_squeeze %dma_wait3A_2341 : memref<1x256x64xf32, #tpu.memory_space<vmem>> -> memref<256x64xf32, #tpu.memory_space<vmem>>
    %dma_wait3A_2343 = arith.constant 0 : i32
    %dma_wait3A_2344 = arith.constant 0 : i32
    %dma_wait3A_2345 = tpu.memref_slice %dma_wait3A_2342[%dma_wait3A_2343, %dma_wait3A_2344] : memref<256x64xf32, #tpu.memory_space<vmem>> -> memref<128x64xf32, #tpu.memory_space<vmem>>
    %dma_wait3A_2346 = arith.constant 768 : i32
    %dma_wait3A_2347 = tpu.memref_slice %arg5[%dma_wait3A_2346] : memref<3328xi32, #tpu.memory_space<vmem>> -> memref<128xi32, #tpu.memory_space<vmem>>
    %dma_wait3A_2348 = arith.constant 0 : i32
    %dma_wait3A_2349 = arith.constant 0 : i32
    %dma_wait3A_2350 = tpu.memref_slice %arg3[%dma_wait3A_2348, %dma_wait3A_2349] : memref<26000x64xf32, #tpu.memory_space<hbm>> -> memref<26000x64xf32, #tpu.memory_space<hbm>>
    tpu.wait_indirect_dma semaphore(%arg7 : memref<!tpu.dma_semaphore, #tpu.memory_space<semaphore_mem>>) src(%dma_wait3A_2350 : memref<26000x64xf32, #tpu.memory_space<hbm>>) dst(%dma_wait3A_2345 : memref<128x64xf32, #tpu.memory_space<vmem>>)
    %dma_wait3A_2351 = arith.constant 0 : i32
    %dma_wait3A_2352 = arith.constant 0 : i32
    %dma_wait3A_2353 = arith.constant 0 : i32
    %dma_wait3A_2354 = tpu.memref_slice %arg6[%dma_wait3A_2351, %dma_wait3A_2352, %dma_wait3A_2353] : memref<3x256x64xf32, #tpu.memory_space<vmem>> -> memref<1x256x64xf32, #tpu.memory_space<vmem>>
    %dma_wait3A_2355 = tpu.memref_squeeze %dma_wait3A_2354 : memref<1x256x64xf32, #tpu.memory_space<vmem>> -> memref<256x64xf32, #tpu.memory_space<vmem>>
    %dma_wait3A_2356 = arith.constant 128 : i32
    %dma_wait3A_2357 = arith.constant 0 : i32
    %dma_wait3A_2358 = tpu.memref_slice %dma_wait3A_2355[%dma_wait3A_2356, %dma_wait3A_2357] : memref<256x64xf32, #tpu.memory_space<vmem>> -> memref<128x64xf32, #tpu.memory_space<vmem>>
    %dma_wait3A_2359 = arith.constant 896 : i32
    %dma_wait3A_2360 = tpu.memref_slice %arg5[%dma_wait3A_2359] : memref<3328xi32, #tpu.memory_space<vmem>> -> memref<128xi32, #tpu.memory_space<vmem>>
    %dma_wait3A_2361 = arith.constant 0 : i32
    %dma_wait3A_2362 = arith.constant 0 : i32
    %dma_wait3A_2363 = tpu.memref_slice %arg3[%dma_wait3A_2361, %dma_wait3A_2362] : memref<26000x64xf32, #tpu.memory_space<hbm>> -> memref<26000x64xf32, #tpu.memory_space<hbm>>
    tpu.wait_indirect_dma semaphore(%arg8 : memref<!tpu.dma_semaphore, #tpu.memory_space<semaphore_mem>>) src(%dma_wait3A_2363 : memref<26000x64xf32, #tpu.memory_space<hbm>>) dst(%dma_wait3A_2358 : memref<128x64xf32, #tpu.memory_space<vmem>>)
    %add3A_2364 = arith.constant 768 : i32
    %add3A_2365 = arith.addi %mul3A_2, %add3A_2364 : i32
    %dma_start3A_2366 = arith.constant 0 : i32
    %dma_start3A_2367 = arith.constant 0 : i32
    %dma_start3A_2368 = arith.constant 0 : i32
    %dma_start3A_2369 = tpu.memref_slice %arg6[%dma_start3A_2366, %dma_start3A_2367, %dma_start3A_2368] : memref<3x256x64xf32, #tpu.memory_space<vmem>> -> memref<1x256x64xf32, #tpu.memory_space<vmem>>
    %dma_start3A_2370 = tpu.memref_squeeze %dma_start3A_2369 : memref<1x256x64xf32, #tpu.memory_space<vmem>> -> memref<256x64xf32, #tpu.memory_space<vmem>>
    %dma_start3A_2371 = arith.constant 0 : i32
    %dma_start3A_2372 = tpu.memref_slice %arg4[%add3A_2365, %dma_start3A_2371] : memref<106496x64xf32, #tpu.memory_space<hbm>> -> memref<256x64xf32, #tpu.memory_space<hbm>>
    %dma_start3A_2373 = arith.constant 0 : i32
    %dma_start3A_2374 = tpu.memref_slice %arg4[%add3A_2365, %dma_start3A_2373] : memref<106496x64xf32, #tpu.memory_space<hbm>> -> memref<256x64xf32, #tpu.memory_space<hbm>>
    %dma_start3A_2375 = arith.constant 0 : i32
    %dma_start3A_2376 = arith.constant 0 : i32
    %dma_start3A_2377 = tpu.memref_slice %arg6[%dma_start3A_2366, %dma_start3A_2375, %dma_start3A_2376] : memref<3x256x64xf32, #tpu.memory_space<vmem>> -> memref<1x256x64xf32, #tpu.memory_space<vmem>>
    %dma_start3A_2378 = tpu.memref_squeeze %dma_start3A_2377 : memref<1x256x64xf32, #tpu.memory_space<vmem>> -> memref<256x64xf32, #tpu.memory_space<vmem>>
    tpu.enqueue_dma source(%dma_start3A_2378 : memref<256x64xf32, #tpu.memory_space<vmem>>) target(%dma_start3A_2374 : memref<256x64xf32, #tpu.memory_space<hbm>>) target_semaphore(%arg13 : memref<!tpu.dma_semaphore, #tpu.memory_space<semaphore_mem>>)
    %dma_wait3A_2379 = arith.constant 0 : i32
    %dma_wait3A_2380 = arith.constant 0 : i32
    %dma_wait3A_2381 = arith.constant 0 : i32
    %dma_wait3A_2382 = tpu.memref_slice %arg6[%dma_wait3A_2379, %dma_wait3A_2380, %dma_wait3A_2381] : memref<3x256x64xf32, #tpu.memory_space<vmem>> -> memref<1x256x64xf32, #tpu.memory_space<vmem>>
    %dma_wait3A_2383 = tpu.memref_squeeze %dma_wait3A_2382 : memref<1x256x64xf32, #tpu.memory_space<vmem>> -> memref<256x64xf32, #tpu.memory_space<vmem>>
    %dma_wait3A_2384 = arith.constant 0 : i32
    %dma_wait3A_2385 = tpu.memref_slice %arg4[%add3A_2365, %dma_wait3A_2384] : memref<106496x64xf32, #tpu.memory_space<hbm>> -> memref<256x64xf32, #tpu.memory_space<hbm>>
    %dma_wait3A_2386 = arith.constant 0 : i32
    %dma_wait3A_2387 = tpu.memref_slice %arg4[%add3A_2365, %dma_wait3A_2386] : memref<106496x64xf32, #tpu.memory_space<hbm>> -> memref<256x64xf32, #tpu.memory_space<hbm>>
    %dma_wait3A_2388 = arith.constant 0 : i32
    %dma_wait3A_2389 = arith.constant 0 : i32
    %dma_wait3A_2390 = tpu.memref_slice %arg6[%dma_wait3A_2379, %dma_wait3A_2388, %dma_wait3A_2389] : memref<3x256x64xf32, #tpu.memory_space<vmem>> -> memref<1x256x64xf32, #tpu.memory_space<vmem>>
    %dma_wait3A_2391 = tpu.memref_squeeze %dma_wait3A_2390 : memref<1x256x64xf32, #tpu.memory_space<vmem>> -> memref<256x64xf32, #tpu.memory_space<vmem>>
    tpu.wait_dma2 semaphore(%arg13 : memref<!tpu.dma_semaphore, #tpu.memory_space<semaphore_mem>>) src(%dma_wait3A_2391 : memref<256x64xf32, #tpu.memory_space<vmem>>) dst(%dma_wait3A_2387 : memref<256x64xf32, #tpu.memory_space<hbm>>)
    %dma_start3A_2392 = arith.constant 0 : i32
    %dma_start3A_2393 = arith.constant 0 : i32
    %dma_start3A_2394 = arith.constant 0 : i32
    %dma_start3A_2395 = tpu.memref_slice %arg6[%dma_start3A_2392, %dma_start3A_2393, %dma_start3A_2394] : memref<3x256x64xf32, #tpu.memory_space<vmem>> -> memref<1x256x64xf32, #tpu.memory_space<vmem>>
    %dma_start3A_2396 = tpu.memref_squeeze %dma_start3A_2395 : memref<1x256x64xf32, #tpu.memory_space<vmem>> -> memref<256x64xf32, #tpu.memory_space<vmem>>
    %dma_start3A_2397 = arith.constant 0 : i32
    %dma_start3A_2398 = arith.constant 0 : i32
    %dma_start3A_2399 = tpu.memref_slice %dma_start3A_2396[%dma_start3A_2397, %dma_start3A_2398] : memref<256x64xf32, #tpu.memory_space<vmem>> -> memref<128x64xf32, #tpu.memory_space<vmem>>
    %dma_start3A_2400 = arith.constant 1536 : i32
    %dma_start3A_2401 = tpu.memref_slice %arg5[%dma_start3A_2400] : memref<3328xi32, #tpu.memory_space<vmem>> -> memref<128xi32, #tpu.memory_space<vmem>>
    %dma_start3A_2402 = arith.constant 0 : i32
    %dma_start3A_2403 = arith.constant 0 : i32
    %dma_start3A_2404 = tpu.memref_slice %arg3[%dma_start3A_2402, %dma_start3A_2403] : memref<26000x64xf32, #tpu.memory_space<hbm>> -> memref<26000x64xf32, #tpu.memory_space<hbm>>
    tpu.enqueue_indirect_dma source(%dma_start3A_2404 : memref<26000x64xf32, #tpu.memory_space<hbm>>) target(%dma_start3A_2399 : memref<128x64xf32, #tpu.memory_space<vmem>>) offsets(%dma_start3A_2401 : memref<128xi32, #tpu.memory_space<vmem>>) semaphore(%arg7 : memref<!tpu.dma_semaphore, #tpu.memory_space<semaphore_mem>>)
    %dma_start3A_2405 = arith.constant 0 : i32
    %dma_start3A_2406 = arith.constant 0 : i32
    %dma_start3A_2407 = arith.constant 0 : i32
    %dma_start3A_2408 = tpu.memref_slice %arg6[%dma_start3A_2405, %dma_start3A_2406, %dma_start3A_2407] : memref<3x256x64xf32, #tpu.memory_space<vmem>> -> memref<1x256x64xf32, #tpu.memory_space<vmem>>
    %dma_start3A_2409 = tpu.memref_squeeze %dma_start3A_2408 : memref<1x256x64xf32, #tpu.memory_space<vmem>> -> memref<256x64xf32, #tpu.memory_space<vmem>>
    %dma_start3A_2410 = arith.constant 128 : i32
    %dma_start3A_2411 = arith.constant 0 : i32
    %dma_start3A_2412 = tpu.memref_slice %dma_start3A_2409[%dma_start3A_2410, %dma_start3A_2411] : memref<256x64xf32, #tpu.memory_space<vmem>> -> memref<128x64xf32, #tpu.memory_space<vmem>>
    %dma_start3A_2413 = arith.constant 1664 : i32
    %dma_start3A_2414 = tpu.memref_slice %arg5[%dma_start3A_2413] : memref<3328xi32, #tpu.memory_space<vmem>> -> memref<128xi32, #tpu.memory_space<vmem>>
    %dma_start3A_2415 = arith.constant 0 : i32
    %dma_start3A_2416 = arith.constant 0 : i32
    %dma_start3A_2417 = tpu.memref_slice %arg3[%dma_start3A_2415, %dma_start3A_2416] : memref<26000x64xf32, #tpu.memory_space<hbm>> -> memref<26000x64xf32, #tpu.memory_space<hbm>>
    tpu.enqueue_indirect_dma source(%dma_start3A_2417 : memref<26000x64xf32, #tpu.memory_space<hbm>>) target(%dma_start3A_2412 : memref<128x64xf32, #tpu.memory_space<vmem>>) offsets(%dma_start3A_2414 : memref<128xi32, #tpu.memory_space<vmem>>) semaphore(%arg8 : memref<!tpu.dma_semaphore, #tpu.memory_space<semaphore_mem>>)
    %dma_wait3A_2418 = arith.constant 1 : i32
    %dma_wait3A_2419 = arith.constant 0 : i32
    %dma_wait3A_2420 = arith.constant 0 : i32
    %dma_wait3A_2421 = tpu.memref_slice %arg6[%dma_wait3A_2418, %dma_wait3A_2419, %dma_wait3A_2420] : memref<3x256x64xf32, #tpu.memory_space<vmem>> -> memref<1x256x64xf32, #tpu.memory_space<vmem>>
    %dma_wait3A_2422 = tpu.memref_squeeze %dma_wait3A_2421 : memref<1x256x64xf32, #tpu.memory_space<vmem>> -> memref<256x64xf32, #tpu.memory_space<vmem>>
    %dma_wait3A_2423 = arith.constant 0 : i32
    %dma_wait3A_2424 = arith.constant 0 : i32
    %dma_wait3A_2425 = tpu.memref_slice %dma_wait3A_2422[%dma_wait3A_2423, %dma_wait3A_2424] : memref<256x64xf32, #tpu.memory_space<vmem>> -> memref<128x64xf32, #tpu.memory_space<vmem>>
    %dma_wait3A_2426 = arith.constant 1024 : i32
    %dma_wait3A_2427 = tpu.memref_slice %arg5[%dma_wait3A_2426] : memref<3328xi32, #tpu.memory_space<vmem>> -> memref<128xi32, #tpu.memory_space<vmem>>
    %dma_wait3A_2428 = arith.constant 0 : i32
    %dma_wait3A_2429 = arith.constant 0 : i32
    %dma_wait3A_2430 = tpu.memref_slice %arg3[%dma_wait3A_2428, %dma_wait3A_2429] : memref<26000x64xf32, #tpu.memory_space<hbm>> -> memref<26000x64xf32, #tpu.memory_space<hbm>>
    tpu.wait_indirect_dma semaphore(%arg9 : memref<!tpu.dma_semaphore, #tpu.memory_space<semaphore_mem>>) src(%dma_wait3A_2430 : memref<26000x64xf32, #tpu.memory_space<hbm>>) dst(%dma_wait3A_2425 : memref<128x64xf32, #tpu.memory_space<vmem>>)
    %dma_wait3A_2431 = arith.constant 1 : i32
    %dma_wait3A_2432 = arith.constant 0 : i32
    %dma_wait3A_2433 = arith.constant 0 : i32
    %dma_wait3A_2434 = tpu.memref_slice %arg6[%dma_wait3A_2431, %dma_wait3A_2432, %dma_wait3A_2433] : memref<3x256x64xf32, #tpu.memory_space<vmem>> -> memref<1x256x64xf32, #tpu.memory_space<vmem>>
    %dma_wait3A_2435 = tpu.memref_squeeze %dma_wait3A_2434 : memref<1x256x64xf32, #tpu.memory_space<vmem>> -> memref<256x64xf32, #tpu.memory_space<vmem>>
    %dma_wait3A_2436 = arith.constant 128 : i32
    %dma_wait3A_2437 = arith.constant 0 : i32
    %dma_wait3A_2438 = tpu.memref_slice %dma_wait3A_2435[%dma_wait3A_2436, %dma_wait3A_2437] : memref<256x64xf32, #tpu.memory_space<vmem>> -> memref<128x64xf32, #tpu.memory_space<vmem>>
    %dma_wait3A_2439 = arith.constant 1152 : i32
    %dma_wait3A_2440 = tpu.memref_slice %arg5[%dma_wait3A_2439] : memref<3328xi32, #tpu.memory_space<vmem>> -> memref<128xi32, #tpu.memory_space<vmem>>
    %dma_wait3A_2441 = arith.constant 0 : i32
    %dma_wait3A_2442 = arith.constant 0 : i32
    %dma_wait3A_2443 = tpu.memref_slice %arg3[%dma_wait3A_2441, %dma_wait3A_2442] : memref<26000x64xf32, #tpu.memory_space<hbm>> -> memref<26000x64xf32, #tpu.memory_space<hbm>>
    tpu.wait_indirect_dma semaphore(%arg10 : memref<!tpu.dma_semaphore, #tpu.memory_space<semaphore_mem>>) src(%dma_wait3A_2443 : memref<26000x64xf32, #tpu.memory_space<hbm>>) dst(%dma_wait3A_2438 : memref<128x64xf32, #tpu.memory_space<vmem>>)
    %add3A_2444 = arith.constant 1024 : i32
    %add3A_2445 = arith.addi %mul3A_2, %add3A_2444 : i32
    %dma_start3A_2446 = arith.constant 1 : i32
    %dma_start3A_2447 = arith.constant 0 : i32
    %dma_start3A_2448 = arith.constant 0 : i32
    %dma_start3A_2449 = tpu.memref_slice %arg6[%dma_start3A_2446, %dma_start3A_2447, %dma_start3A_2448] : memref<3x256x64xf32, #tpu.memory_space<vmem>> -> memref<1x256x64xf32, #tpu.memory_space<vmem>>
    %dma_start3A_2450 = tpu.memref_squeeze %dma_start3A_2449 : memref<1x256x64xf32, #tpu.memory_space<vmem>> -> memref<256x64xf32, #tpu.memory_space<vmem>>
    %dma_start3A_2451 = arith.constant 0 : i32
    %dma_start3A_2452 = tpu.memref_slice %arg4[%add3A_2445, %dma_start3A_2451] : memref<106496x64xf32, #tpu.memory_space<hbm>> -> memref<256x64xf32, #tpu.memory_space<hbm>>
    %dma_start3A_2453 = arith.constant 0 : i32
    %dma_start3A_2454 = tpu.memref_slice %arg4[%add3A_2445, %dma_start3A_2453] : memref<106496x64xf32, #tpu.memory_space<hbm>> -> memref<256x64xf32, #tpu.memory_space<hbm>>
    %dma_start3A_2455 = arith.constant 0 : i32
    %dma_start3A_2456 = arith.constant 0 : i32
    %dma_start3A_2457 = tpu.memref_slice %arg6[%dma_start3A_2446, %dma_start3A_2455, %dma_start3A_2456] : memref<3x256x64xf32, #tpu.memory_space<vmem>> -> memref<1x256x64xf32, #tpu.memory_space<vmem>>
    %dma_start3A_2458 = tpu.memref_squeeze %dma_start3A_2457 : memref<1x256x64xf32, #tpu.memory_space<vmem>> -> memref<256x64xf32, #tpu.memory_space<vmem>>
    tpu.enqueue_dma source(%dma_start3A_2458 : memref<256x64xf32, #tpu.memory_space<vmem>>) target(%dma_start3A_2454 : memref<256x64xf32, #tpu.memory_space<hbm>>) target_semaphore(%arg14 : memref<!tpu.dma_semaphore, #tpu.memory_space<semaphore_mem>>)
    %dma_wait3A_2459 = arith.constant 1 : i32
    %dma_wait3A_2460 = arith.constant 0 : i32
    %dma_wait3A_2461 = arith.constant 0 : i32
    %dma_wait3A_2462 = tpu.memref_slice %arg6[%dma_wait3A_2459, %dma_wait3A_2460, %dma_wait3A_2461] : memref<3x256x64xf32, #tpu.memory_space<vmem>> -> memref<1x256x64xf32, #tpu.memory_space<vmem>>
    %dma_wait3A_2463 = tpu.memref_squeeze %dma_wait3A_2462 : memref<1x256x64xf32, #tpu.memory_space<vmem>> -> memref<256x64xf32, #tpu.memory_space<vmem>>
    %dma_wait3A_2464 = arith.constant 0 : i32
    %dma_wait3A_2465 = tpu.memref_slice %arg4[%add3A_2445, %dma_wait3A_2464] : memref<106496x64xf32, #tpu.memory_space<hbm>> -> memref<256x64xf32, #tpu.memory_space<hbm>>
    %dma_wait3A_2466 = arith.constant 0 : i32
    %dma_wait3A_2467 = tpu.memref_slice %arg4[%add3A_2445, %dma_wait3A_2466] : memref<106496x64xf32, #tpu.memory_space<hbm>> -> memref<256x64xf32, #tpu.memory_space<hbm>>
    %dma_wait3A_2468 = arith.constant 0 : i32
    %dma_wait3A_2469 = arith.constant 0 : i32
    %dma_wait3A_2470 = tpu.memref_slice %arg6[%dma_wait3A_2459, %dma_wait3A_2468, %dma_wait3A_2469] : memref<3x256x64xf32, #tpu.memory_space<vmem>> -> memref<1x256x64xf32, #tpu.memory_space<vmem>>
    %dma_wait3A_2471 = tpu.memref_squeeze %dma_wait3A_2470 : memref<1x256x64xf32, #tpu.memory_space<vmem>> -> memref<256x64xf32, #tpu.memory_space<vmem>>
    tpu.wait_dma2 semaphore(%arg14 : memref<!tpu.dma_semaphore, #tpu.memory_space<semaphore_mem>>) src(%dma_wait3A_2471 : memref<256x64xf32, #tpu.memory_space<vmem>>) dst(%dma_wait3A_2467 : memref<256x64xf32, #tpu.memory_space<hbm>>)
    %dma_start3A_2472 = arith.constant 1 : i32
    %dma_start3A_2473 = arith.constant 0 : i32
    %dma_start3A_2474 = arith.constant 0 : i32
    %dma_start3A_2475 = tpu.memref_slice %arg6[%dma_start3A_2472, %dma_start3A_2473, %dma_start3A_2474] : memref<3x256x64xf32, #tpu.memory_space<vmem>> -> memref<1x256x64xf32, #tpu.memory_space<vmem>>
    %dma_start3A_2476 = tpu.memref_squeeze %dma_start3A_2475 : memref<1x256x64xf32, #tpu.memory_space<vmem>> -> memref<256x64xf32, #tpu.memory_space<vmem>>
    %dma_start3A_2477 = arith.constant 0 : i32
    %dma_start3A_2478 = arith.constant 0 : i32
    %dma_start3A_2479 = tpu.memref_slice %dma_start3A_2476[%dma_start3A_2477, %dma_start3A_2478] : memref<256x64xf32, #tpu.memory_space<vmem>> -> memref<128x64xf32, #tpu.memory_space<vmem>>
    %dma_start3A_2480 = arith.constant 1792 : i32
    %dma_start3A_2481 = tpu.memref_slice %arg5[%dma_start3A_2480] : memref<3328xi32, #tpu.memory_space<vmem>> -> memref<128xi32, #tpu.memory_space<vmem>>
    %dma_start3A_2482 = arith.constant 0 : i32
    %dma_start3A_2483 = arith.constant 0 : i32
    %dma_start3A_2484 = tpu.memref_slice %arg3[%dma_start3A_2482, %dma_start3A_2483] : memref<26000x64xf32, #tpu.memory_space<hbm>> -> memref<26000x64xf32, #tpu.memory_space<hbm>>
    tpu.enqueue_indirect_dma source(%dma_start3A_2484 : memref<26000x64xf32, #tpu.memory_space<hbm>>) target(%dma_start3A_2479 : memref<128x64xf32, #tpu.memory_space<vmem>>) offsets(%dma_start3A_2481 : memref<128xi32, #tpu.memory_space<vmem>>) semaphore(%arg9 : memref<!tpu.dma_semaphore, #tpu.memory_space<semaphore_mem>>)
    %dma_start3A_2485 = arith.constant 1 : i32
    %dma_start3A_2486 = arith.constant 0 : i32
    %dma_start3A_2487 = arith.constant 0 : i32
    %dma_start3A_2488 = tpu.memref_slice %arg6[%dma_start3A_2485, %dma_start3A_2486, %dma_start3A_2487] : memref<3x256x64xf32, #tpu.memory_space<vmem>> -> memref<1x256x64xf32, #tpu.memory_space<vmem>>
    %dma_start3A_2489 = tpu.memref_squeeze %dma_start3A_2488 : memref<1x256x64xf32, #tpu.memory_space<vmem>> -> memref<256x64xf32, #tpu.memory_space<vmem>>
    %dma_start3A_2490 = arith.constant 128 : i32
    %dma_start3A_2491 = arith.constant 0 : i32
    %dma_start3A_2492 = tpu.memref_slice %dma_start3A_2489[%dma_start3A_2490, %dma_start3A_2491] : memref<256x64xf32, #tpu.memory_space<vmem>> -> memref<128x64xf32, #tpu.memory_space<vmem>>
    %dma_start3A_2493 = arith.constant 1920 : i32
    %dma_start3A_2494 = tpu.memref_slice %arg5[%dma_start3A_2493] : memref<3328xi32, #tpu.memory_space<vmem>> -> memref<128xi32, #tpu.memory_space<vmem>>
    %dma_start3A_2495 = arith.constant 0 : i32
    %dma_start3A_2496 = arith.constant 0 : i32
    %dma_start3A_2497 = tpu.memref_slice %arg3[%dma_start3A_2495, %dma_start3A_2496] : memref<26000x64xf32, #tpu.memory_space<hbm>> -> memref<26000x64xf32, #tpu.memory_space<hbm>>
    tpu.enqueue_indirect_dma source(%dma_start3A_2497 : memref<26000x64xf32, #tpu.memory_space<hbm>>) target(%dma_start3A_2492 : memref<128x64xf32, #tpu.memory_space<vmem>>) offsets(%dma_start3A_2494 : memref<128xi32, #tpu.memory_space<vmem>>) semaphore(%arg10 : memref<!tpu.dma_semaphore, #tpu.memory_space<semaphore_mem>>)
    %dma_wait3A_2498 = arith.constant 2 : i32
    %dma_wait3A_2499 = arith.constant 0 : i32
    %dma_wait3A_2500 = arith.constant 0 : i32
    %dma_wait3A_2501 = tpu.memref_slice %arg6[%dma_wait3A_2498, %dma_wait3A_2499, %dma_wait3A_2500] : memref<3x256x64xf32, #tpu.memory_space<vmem>> -> memref<1x256x64xf32, #tpu.memory_space<vmem>>
    %dma_wait3A_2502 = tpu.memref_squeeze %dma_wait3A_2501 : memref<1x256x64xf32, #tpu.memory_space<vmem>> -> memref<256x64xf32, #tpu.memory_space<vmem>>
    %dma_wait3A_2503 = arith.constant 0 : i32
    %dma_wait3A_2504 = arith.constant 0 : i32
    %dma_wait3A_2505 = tpu.memref_slice %dma_wait3A_2502[%dma_wait3A_2503, %dma_wait3A_2504] : memref<256x64xf32, #tpu.memory_space<vmem>> -> memref<128x64xf32, #tpu.memory_space<vmem>>
    %dma_wait3A_2506 = arith.constant 1280 : i32
    %dma_wait3A_2507 = tpu.memref_slice %arg5[%dma_wait3A_2506] : memref<3328xi32, #tpu.memory_space<vmem>> -> memref<128xi32, #tpu.memory_space<vmem>>
    %dma_wait3A_2508 = arith.constant 0 : i32
    %dma_wait3A_2509 = arith.constant 0 : i32
    %dma_wait3A_2510 = tpu.memref_slice %arg3[%dma_wait3A_2508, %dma_wait3A_2509] : memref<26000x64xf32, #tpu.memory_space<hbm>> -> memref<26000x64xf32, #tpu.memory_space<hbm>>
    tpu.wait_indirect_dma semaphore(%arg11 : memref<!tpu.dma_semaphore, #tpu.memory_space<semaphore_mem>>) src(%dma_wait3A_2510 : memref<26000x64xf32, #tpu.memory_space<hbm>>) dst(%dma_wait3A_2505 : memref<128x64xf32, #tpu.memory_space<vmem>>)
    %dma_wait3A_2511 = arith.constant 2 : i32
    %dma_wait3A_2512 = arith.constant 0 : i32
    %dma_wait3A_2513 = arith.constant 0 : i32
    %dma_wait3A_2514 = tpu.memref_slice %arg6[%dma_wait3A_2511, %dma_wait3A_2512, %dma_wait3A_2513] : memref<3x256x64xf32, #tpu.memory_space<vmem>> -> memref<1x256x64xf32, #tpu.memory_space<vmem>>
    %dma_wait3A_2515 = tpu.memref_squeeze %dma_wait3A_2514 : memref<1x256x64xf32, #tpu.memory_space<vmem>> -> memref<256x64xf32, #tpu.memory_space<vmem>>
    %dma_wait3A_2516 = arith.constant 128 : i32
    %dma_wait3A_2517 = arith.constant 0 : i32
    %dma_wait3A_2518 = tpu.memref_slice %dma_wait3A_2515[%dma_wait3A_2516, %dma_wait3A_2517] : memref<256x64xf32, #tpu.memory_space<vmem>> -> memref<128x64xf32, #tpu.memory_space<vmem>>
    %dma_wait3A_2519 = arith.constant 1408 : i32
    %dma_wait3A_2520 = tpu.memref_slice %arg5[%dma_wait3A_2519] : memref<3328xi32, #tpu.memory_space<vmem>> -> memref<128xi32, #tpu.memory_space<vmem>>
    %dma_wait3A_2521 = arith.constant 0 : i32
    %dma_wait3A_2522 = arith.constant 0 : i32
    %dma_wait3A_2523 = tpu.memref_slice %arg3[%dma_wait3A_2521, %dma_wait3A_2522] : memref<26000x64xf32, #tpu.memory_space<hbm>> -> memref<26000x64xf32, #tpu.memory_space<hbm>>
    tpu.wait_indirect_dma semaphore(%arg12 : memref<!tpu.dma_semaphore, #tpu.memory_space<semaphore_mem>>) src(%dma_wait3A_2523 : memref<26000x64xf32, #tpu.memory_space<hbm>>) dst(%dma_wait3A_2518 : memref<128x64xf32, #tpu.memory_space<vmem>>)
    %add3A_2524 = arith.constant 1280 : i32
    %add3A_2525 = arith.addi %mul3A_2, %add3A_2524 : i32
    %dma_start3A_2526 = arith.constant 2 : i32
    %dma_start3A_2527 = arith.constant 0 : i32
    %dma_start3A_2528 = arith.constant 0 : i32
    %dma_start3A_2529 = tpu.memref_slice %arg6[%dma_start3A_2526, %dma_start3A_2527, %dma_start3A_2528] : memref<3x256x64xf32, #tpu.memory_space<vmem>> -> memref<1x256x64xf32, #tpu.memory_space<vmem>>
    %dma_start3A_2530 = tpu.memref_squeeze %dma_start3A_2529 : memref<1x256x64xf32, #tpu.memory_space<vmem>> -> memref<256x64xf32, #tpu.memory_space<vmem>>
    %dma_start3A_2531 = arith.constant 0 : i32
    %dma_start3A_2532 = tpu.memref_slice %arg4[%add3A_2525, %dma_start3A_2531] : memref<106496x64xf32, #tpu.memory_space<hbm>> -> memref<256x64xf32, #tpu.memory_space<hbm>>
    %dma_start3A_2533 = arith.constant 0 : i32
    %dma_start3A_2534 = tpu.memref_slice %arg4[%add3A_2525, %dma_start3A_2533] : memref<106496x64xf32, #tpu.memory_space<hbm>> -> memref<256x64xf32, #tpu.memory_space<hbm>>
    %dma_start3A_2535 = arith.constant 0 : i32
    %dma_start3A_2536 = arith.constant 0 : i32
    %dma_start3A_2537 = tpu.memref_slice %arg6[%dma_start3A_2526, %dma_start3A_2535, %dma_start3A_2536] : memref<3x256x64xf32, #tpu.memory_space<vmem>> -> memref<1x256x64xf32, #tpu.memory_space<vmem>>
    %dma_start3A_2538 = tpu.memref_squeeze %dma_start3A_2537 : memref<1x256x64xf32, #tpu.memory_space<vmem>> -> memref<256x64xf32, #tpu.memory_space<vmem>>
    tpu.enqueue_dma source(%dma_start3A_2538 : memref<256x64xf32, #tpu.memory_space<vmem>>) target(%dma_start3A_2534 : memref<256x64xf32, #tpu.memory_space<hbm>>) target_semaphore(%arg15 : memref<!tpu.dma_semaphore, #tpu.memory_space<semaphore_mem>>)
    %dma_wait3A_2539 = arith.constant 2 : i32
    %dma_wait3A_2540 = arith.constant 0 : i32
    %dma_wait3A_2541 = arith.constant 0 : i32
    %dma_wait3A_2542 = tpu.memref_slice %arg6[%dma_wait3A_2539, %dma_wait3A_2540, %dma_wait3A_2541] : memref<3x256x64xf32, #tpu.memory_space<vmem>> -> memref<1x256x64xf32, #tpu.memory_space<vmem>>
    %dma_wait3A_2543 = tpu.memref_squeeze %dma_wait3A_2542 : memref<1x256x64xf32, #tpu.memory_space<vmem>> -> memref<256x64xf32, #tpu.memory_space<vmem>>
    %dma_wait3A_2544 = arith.constant 0 : i32
    %dma_wait3A_2545 = tpu.memref_slice %arg4[%add3A_2525, %dma_wait3A_2544] : memref<106496x64xf32, #tpu.memory_space<hbm>> -> memref<256x64xf32, #tpu.memory_space<hbm>>
    %dma_wait3A_2546 = arith.constant 0 : i32
    %dma_wait3A_2547 = tpu.memref_slice %arg4[%add3A_2525, %dma_wait3A_2546] : memref<106496x64xf32, #tpu.memory_space<hbm>> -> memref<256x64xf32, #tpu.memory_space<hbm>>
    %dma_wait3A_2548 = arith.constant 0 : i32
    %dma_wait3A_2549 = arith.constant 0 : i32
    %dma_wait3A_2550 = tpu.memref_slice %arg6[%dma_wait3A_2539, %dma_wait3A_2548, %dma_wait3A_2549] : memref<3x256x64xf32, #tpu.memory_space<vmem>> -> memref<1x256x64xf32, #tpu.memory_space<vmem>>
    %dma_wait3A_2551 = tpu.memref_squeeze %dma_wait3A_2550 : memref<1x256x64xf32, #tpu.memory_space<vmem>> -> memref<256x64xf32, #tpu.memory_space<vmem>>
    tpu.wait_dma2 semaphore(%arg15 : memref<!tpu.dma_semaphore, #tpu.memory_space<semaphore_mem>>) src(%dma_wait3A_2551 : memref<256x64xf32, #tpu.memory_space<vmem>>) dst(%dma_wait3A_2547 : memref<256x64xf32, #tpu.memory_space<hbm>>)
    %dma_start3A_2552 = arith.constant 2 : i32
    %dma_start3A_2553 = arith.constant 0 : i32
    %dma_start3A_2554 = arith.constant 0 : i32
    %dma_start3A_2555 = tpu.memref_slice %arg6[%dma_start3A_2552, %dma_start3A_2553, %dma_start3A_2554] : memref<3x256x64xf32, #tpu.memory_space<vmem>> -> memref<1x256x64xf32, #tpu.memory_space<vmem>>
    %dma_start3A_2556 = tpu.memref_squeeze %dma_start3A_2555 : memref<1x256x64xf32, #tpu.memory_space<vmem>> -> memref<256x64xf32, #tpu.memory_space<vmem>>
    %dma_start3A_2557 = arith.constant 0 : i32
    %dma_start3A_2558 = arith.constant 0 : i32
    %dma_start3A_2559 = tpu.memref_slice %dma_start3A_2556[%dma_start3A_2557, %dma_start3A_2558] : memref<256x64xf32, #tpu.memory_space<vmem>> -> memref<128x64xf32, #tpu.memory_space<vmem>>
    %dma_start3A_2560 = arith.constant 2048 : i32
    %dma_start3A_2561 = tpu.memref_slice %arg5[%dma_start3A_2560] : memref<3328xi32, #tpu.memory_space<vmem>> -> memref<128xi32, #tpu.memory_space<vmem>>
    %dma_start3A_2562 = arith.constant 0 : i32
    %dma_start3A_2563 = arith.constant 0 : i32
    %dma_start3A_2564 = tpu.memref_slice %arg3[%dma_start3A_2562, %dma_start3A_2563] : memref<26000x64xf32, #tpu.memory_space<hbm>> -> memref<26000x64xf32, #tpu.memory_space<hbm>>
    tpu.enqueue_indirect_dma source(%dma_start3A_2564 : memref<26000x64xf32, #tpu.memory_space<hbm>>) target(%dma_start3A_2559 : memref<128x64xf32, #tpu.memory_space<vmem>>) offsets(%dma_start3A_2561 : memref<128xi32, #tpu.memory_space<vmem>>) semaphore(%arg11 : memref<!tpu.dma_semaphore, #tpu.memory_space<semaphore_mem>>)
    %dma_start3A_2565 = arith.constant 2 : i32
    %dma_start3A_2566 = arith.constant 0 : i32
    %dma_start3A_2567 = arith.constant 0 : i32
    %dma_start3A_2568 = tpu.memref_slice %arg6[%dma_start3A_2565, %dma_start3A_2566, %dma_start3A_2567] : memref<3x256x64xf32, #tpu.memory_space<vmem>> -> memref<1x256x64xf32, #tpu.memory_space<vmem>>
    %dma_start3A_2569 = tpu.memref_squeeze %dma_start3A_2568 : memref<1x256x64xf32, #tpu.memory_space<vmem>> -> memref<256x64xf32, #tpu.memory_space<vmem>>
    %dma_start3A_2570 = arith.constant 128 : i32
    %dma_start3A_2571 = arith.constant 0 : i32
    %dma_start3A_2572 = tpu.memref_slice %dma_start3A_2569[%dma_start3A_2570, %dma_start3A_2571] : memref<256x64xf32, #tpu.memory_space<vmem>> -> memref<128x64xf32, #tpu.memory_space<vmem>>
    %dma_start3A_2573 = arith.constant 2176 : i32
    %dma_start3A_2574 = tpu.memref_slice %arg5[%dma_start3A_2573] : memref<3328xi32, #tpu.memory_space<vmem>> -> memref<128xi32, #tpu.memory_space<vmem>>
    %dma_start3A_2575 = arith.constant 0 : i32
    %dma_start3A_2576 = arith.constant 0 : i32
    %dma_start3A_2577 = tpu.memref_slice %arg3[%dma_start3A_2575, %dma_start3A_2576] : memref<26000x64xf32, #tpu.memory_space<hbm>> -> memref<26000x64xf32, #tpu.memory_space<hbm>>
    tpu.enqueue_indirect_dma source(%dma_start3A_2577 : memref<26000x64xf32, #tpu.memory_space<hbm>>) target(%dma_start3A_2572 : memref<128x64xf32, #tpu.memory_space<vmem>>) offsets(%dma_start3A_2574 : memref<128xi32, #tpu.memory_space<vmem>>) semaphore(%arg12 : memref<!tpu.dma_semaphore, #tpu.memory_space<semaphore_mem>>)
    %dma_wait3A_2578 = arith.constant 0 : i32
    %dma_wait3A_2579 = arith.constant 0 : i32
    %dma_wait3A_2580 = arith.constant 0 : i32
    %dma_wait3A_2581 = tpu.memref_slice %arg6[%dma_wait3A_2578, %dma_wait3A_2579, %dma_wait3A_2580] : memref<3x256x64xf32, #tpu.memory_space<vmem>> -> memref<1x256x64xf32, #tpu.memory_space<vmem>>
    %dma_wait3A_2582 = tpu.memref_squeeze %dma_wait3A_2581 : memref<1x256x64xf32, #tpu.memory_space<vmem>> -> memref<256x64xf32, #tpu.memory_space<vmem>>
    %dma_wait3A_2583 = arith.constant 0 : i32
    %dma_wait3A_2584 = arith.constant 0 : i32
    %dma_wait3A_2585 = tpu.memref_slice %dma_wait3A_2582[%dma_wait3A_2583, %dma_wait3A_2584] : memref<256x64xf32, #tpu.memory_space<vmem>> -> memref<128x64xf32, #tpu.memory_space<vmem>>
    %dma_wait3A_2586 = arith.constant 1536 : i32
    %dma_wait3A_2587 = tpu.memref_slice %arg5[%dma_wait3A_2586] : memref<3328xi32, #tpu.memory_space<vmem>> -> memref<128xi32, #tpu.memory_space<vmem>>
    %dma_wait3A_2588 = arith.constant 0 : i32
    %dma_wait3A_2589 = arith.constant 0 : i32
    %dma_wait3A_2590 = tpu.memref_slice %arg3[%dma_wait3A_2588, %dma_wait3A_2589] : memref<26000x64xf32, #tpu.memory_space<hbm>> -> memref<26000x64xf32, #tpu.memory_space<hbm>>
    tpu.wait_indirect_dma semaphore(%arg7 : memref<!tpu.dma_semaphore, #tpu.memory_space<semaphore_mem>>) src(%dma_wait3A_2590 : memref<26000x64xf32, #tpu.memory_space<hbm>>) dst(%dma_wait3A_2585 : memref<128x64xf32, #tpu.memory_space<vmem>>)
    %dma_wait3A_2591 = arith.constant 0 : i32
    %dma_wait3A_2592 = arith.constant 0 : i32
    %dma_wait3A_2593 = arith.constant 0 : i32
    %dma_wait3A_2594 = tpu.memref_slice %arg6[%dma_wait3A_2591, %dma_wait3A_2592, %dma_wait3A_2593] : memref<3x256x64xf32, #tpu.memory_space<vmem>> -> memref<1x256x64xf32, #tpu.memory_space<vmem>>
    %dma_wait3A_2595 = tpu.memref_squeeze %dma_wait3A_2594 : memref<1x256x64xf32, #tpu.memory_space<vmem>> -> memref<256x64xf32, #tpu.memory_space<vmem>>
    %dma_wait3A_2596 = arith.constant 128 : i32
    %dma_wait3A_2597 = arith.constant 0 : i32
    %dma_wait3A_2598 = tpu.memref_slice %dma_wait3A_2595[%dma_wait3A_2596, %dma_wait3A_2597] : memref<256x64xf32, #tpu.memory_space<vmem>> -> memref<128x64xf32, #tpu.memory_space<vmem>>
    %dma_wait3A_2599 = arith.constant 1664 : i32
    %dma_wait3A_2600 = tpu.memref_slice %arg5[%dma_wait3A_2599] : memref<3328xi32, #tpu.memory_space<vmem>> -> memref<128xi32, #tpu.memory_space<vmem>>
    %dma_wait3A_2601 = arith.constant 0 : i32
    %dma_wait3A_2602 = arith.constant 0 : i32
    %dma_wait3A_2603 = tpu.memref_slice %arg3[%dma_wait3A_2601, %dma_wait3A_2602] : memref<26000x64xf32, #tpu.memory_space<hbm>> -> memref<26000x64xf32, #tpu.memory_space<hbm>>
    tpu.wait_indirect_dma semaphore(%arg8 : memref<!tpu.dma_semaphore, #tpu.memory_space<semaphore_mem>>) src(%dma_wait3A_2603 : memref<26000x64xf32, #tpu.memory_space<hbm>>) dst(%dma_wait3A_2598 : memref<128x64xf32, #tpu.memory_space<vmem>>)
    %add3A_2604 = arith.constant 1536 : i32
    %add3A_2605 = arith.addi %mul3A_2, %add3A_2604 : i32
    %dma_start3A_2606 = arith.constant 0 : i32
    %dma_start3A_2607 = arith.constant 0 : i32
    %dma_start3A_2608 = arith.constant 0 : i32
    %dma_start3A_2609 = tpu.memref_slice %arg6[%dma_start3A_2606, %dma_start3A_2607, %dma_start3A_2608] : memref<3x256x64xf32, #tpu.memory_space<vmem>> -> memref<1x256x64xf32, #tpu.memory_space<vmem>>
    %dma_start3A_2610 = tpu.memref_squeeze %dma_start3A_2609 : memref<1x256x64xf32, #tpu.memory_space<vmem>> -> memref<256x64xf32, #tpu.memory_space<vmem>>
    %dma_start3A_2611 = arith.constant 0 : i32
    %dma_start3A_2612 = tpu.memref_slice %arg4[%add3A_2605, %dma_start3A_2611] : memref<106496x64xf32, #tpu.memory_space<hbm>> -> memref<256x64xf32, #tpu.memory_space<hbm>>
    %dma_start3A_2613 = arith.constant 0 : i32
    %dma_start3A_2614 = tpu.memref_slice %arg4[%add3A_2605, %dma_start3A_2613] : memref<106496x64xf32, #tpu.memory_space<hbm>> -> memref<256x64xf32, #tpu.memory_space<hbm>>
    %dma_start3A_2615 = arith.constant 0 : i32
    %dma_start3A_2616 = arith.constant 0 : i32
    %dma_start3A_2617 = tpu.memref_slice %arg6[%dma_start3A_2606, %dma_start3A_2615, %dma_start3A_2616] : memref<3x256x64xf32, #tpu.memory_space<vmem>> -> memref<1x256x64xf32, #tpu.memory_space<vmem>>
    %dma_start3A_2618 = tpu.memref_squeeze %dma_start3A_2617 : memref<1x256x64xf32, #tpu.memory_space<vmem>> -> memref<256x64xf32, #tpu.memory_space<vmem>>
    tpu.enqueue_dma source(%dma_start3A_2618 : memref<256x64xf32, #tpu.memory_space<vmem>>) target(%dma_start3A_2614 : memref<256x64xf32, #tpu.memory_space<hbm>>) target_semaphore(%arg13 : memref<!tpu.dma_semaphore, #tpu.memory_space<semaphore_mem>>)
    %dma_wait3A_2619 = arith.constant 0 : i32
    %dma_wait3A_2620 = arith.constant 0 : i32
    %dma_wait3A_2621 = arith.constant 0 : i32
    %dma_wait3A_2622 = tpu.memref_slice %arg6[%dma_wait3A_2619, %dma_wait3A_2620, %dma_wait3A_2621] : memref<3x256x64xf32, #tpu.memory_space<vmem>> -> memref<1x256x64xf32, #tpu.memory_space<vmem>>
    %dma_wait3A_2623 = tpu.memref_squeeze %dma_wait3A_2622 : memref<1x256x64xf32, #tpu.memory_space<vmem>> -> memref<256x64xf32, #tpu.memory_space<vmem>>
    %dma_wait3A_2624 = arith.constant 0 : i32
    %dma_wait3A_2625 = tpu.memref_slice %arg4[%add3A_2605, %dma_wait3A_2624] : memref<106496x64xf32, #tpu.memory_space<hbm>> -> memref<256x64xf32, #tpu.memory_space<hbm>>
    %dma_wait3A_2626 = arith.constant 0 : i32
    %dma_wait3A_2627 = tpu.memref_slice %arg4[%add3A_2605, %dma_wait3A_2626] : memref<106496x64xf32, #tpu.memory_space<hbm>> -> memref<256x64xf32, #tpu.memory_space<hbm>>
    %dma_wait3A_2628 = arith.constant 0 : i32
    %dma_wait3A_2629 = arith.constant 0 : i32
    %dma_wait3A_2630 = tpu.memref_slice %arg6[%dma_wait3A_2619, %dma_wait3A_2628, %dma_wait3A_2629] : memref<3x256x64xf32, #tpu.memory_space<vmem>> -> memref<1x256x64xf32, #tpu.memory_space<vmem>>
    %dma_wait3A_2631 = tpu.memref_squeeze %dma_wait3A_2630 : memref<1x256x64xf32, #tpu.memory_space<vmem>> -> memref<256x64xf32, #tpu.memory_space<vmem>>
    tpu.wait_dma2 semaphore(%arg13 : memref<!tpu.dma_semaphore, #tpu.memory_space<semaphore_mem>>) src(%dma_wait3A_2631 : memref<256x64xf32, #tpu.memory_space<vmem>>) dst(%dma_wait3A_2627 : memref<256x64xf32, #tpu.memory_space<hbm>>)
    %dma_start3A_2632 = arith.constant 0 : i32
    %dma_start3A_2633 = arith.constant 0 : i32
    %dma_start3A_2634 = arith.constant 0 : i32
    %dma_start3A_2635 = tpu.memref_slice %arg6[%dma_start3A_2632, %dma_start3A_2633, %dma_start3A_2634] : memref<3x256x64xf32, #tpu.memory_space<vmem>> -> memref<1x256x64xf32, #tpu.memory_space<vmem>>
    %dma_start3A_2636 = tpu.memref_squeeze %dma_start3A_2635 : memref<1x256x64xf32, #tpu.memory_space<vmem>> -> memref<256x64xf32, #tpu.memory_space<vmem>>
    %dma_start3A_2637 = arith.constant 0 : i32
    %dma_start3A_2638 = arith.constant 0 : i32
    %dma_start3A_2639 = tpu.memref_slice %dma_start3A_2636[%dma_start3A_2637, %dma_start3A_2638] : memref<256x64xf32, #tpu.memory_space<vmem>> -> memref<128x64xf32, #tpu.memory_space<vmem>>
    %dma_start3A_2640 = arith.constant 2304 : i32
    %dma_start3A_2641 = tpu.memref_slice %arg5[%dma_start3A_2640] : memref<3328xi32, #tpu.memory_space<vmem>> -> memref<128xi32, #tpu.memory_space<vmem>>
    %dma_start3A_2642 = arith.constant 0 : i32
    %dma_start3A_2643 = arith.constant 0 : i32
    %dma_start3A_2644 = tpu.memref_slice %arg3[%dma_start3A_2642, %dma_start3A_2643] : memref<26000x64xf32, #tpu.memory_space<hbm>> -> memref<26000x64xf32, #tpu.memory_space<hbm>>
    tpu.enqueue_indirect_dma source(%dma_start3A_2644 : memref<26000x64xf32, #tpu.memory_space<hbm>>) target(%dma_start3A_2639 : memref<128x64xf32, #tpu.memory_space<vmem>>) offsets(%dma_start3A_2641 : memref<128xi32, #tpu.memory_space<vmem>>) semaphore(%arg7 : memref<!tpu.dma_semaphore, #tpu.memory_space<semaphore_mem>>)
    %dma_start3A_2645 = arith.constant 0 : i32
    %dma_start3A_2646 = arith.constant 0 : i32
    %dma_start3A_2647 = arith.constant 0 : i32
    %dma_start3A_2648 = tpu.memref_slice %arg6[%dma_start3A_2645, %dma_start3A_2646, %dma_start3A_2647] : memref<3x256x64xf32, #tpu.memory_space<vmem>> -> memref<1x256x64xf32, #tpu.memory_space<vmem>>
    %dma_start3A_2649 = tpu.memref_squeeze %dma_start3A_2648 : memref<1x256x64xf32, #tpu.memory_space<vmem>> -> memref<256x64xf32, #tpu.memory_space<vmem>>
    %dma_start3A_2650 = arith.constant 128 : i32
    %dma_start3A_2651 = arith.constant 0 : i32
    %dma_start3A_2652 = tpu.memref_slice %dma_start3A_2649[%dma_start3A_2650, %dma_start3A_2651] : memref<256x64xf32, #tpu.memory_space<vmem>> -> memref<128x64xf32, #tpu.memory_space<vmem>>
    %dma_start3A_2653 = arith.constant 2432 : i32
    %dma_start3A_2654 = tpu.memref_slice %arg5[%dma_start3A_2653] : memref<3328xi32, #tpu.memory_space<vmem>> -> memref<128xi32, #tpu.memory_space<vmem>>
    %dma_start3A_2655 = arith.constant 0 : i32
    %dma_start3A_2656 = arith.constant 0 : i32
    %dma_start3A_2657 = tpu.memref_slice %arg3[%dma_start3A_2655, %dma_start3A_2656] : memref<26000x64xf32, #tpu.memory_space<hbm>> -> memref<26000x64xf32, #tpu.memory_space<hbm>>
    tpu.enqueue_indirect_dma source(%dma_start3A_2657 : memref<26000x64xf32, #tpu.memory_space<hbm>>) target(%dma_start3A_2652 : memref<128x64xf32, #tpu.memory_space<vmem>>) offsets(%dma_start3A_2654 : memref<128xi32, #tpu.memory_space<vmem>>) semaphore(%arg8 : memref<!tpu.dma_semaphore, #tpu.memory_space<semaphore_mem>>)
    %dma_wait3A_2658 = arith.constant 1 : i32
    %dma_wait3A_2659 = arith.constant 0 : i32
    %dma_wait3A_2660 = arith.constant 0 : i32
    %dma_wait3A_2661 = tpu.memref_slice %arg6[%dma_wait3A_2658, %dma_wait3A_2659, %dma_wait3A_2660] : memref<3x256x64xf32, #tpu.memory_space<vmem>> -> memref<1x256x64xf32, #tpu.memory_space<vmem>>
    %dma_wait3A_2662 = tpu.memref_squeeze %dma_wait3A_2661 : memref<1x256x64xf32, #tpu.memory_space<vmem>> -> memref<256x64xf32, #tpu.memory_space<vmem>>
    %dma_wait3A_2663 = arith.constant 0 : i32
    %dma_wait3A_2664 = arith.constant 0 : i32
    %dma_wait3A_2665 = tpu.memref_slice %dma_wait3A_2662[%dma_wait3A_2663, %dma_wait3A_2664] : memref<256x64xf32, #tpu.memory_space<vmem>> -> memref<128x64xf32, #tpu.memory_space<vmem>>
    %dma_wait3A_2666 = arith.constant 1792 : i32
    %dma_wait3A_2667 = tpu.memref_slice %arg5[%dma_wait3A_2666] : memref<3328xi32, #tpu.memory_space<vmem>> -> memref<128xi32, #tpu.memory_space<vmem>>
    %dma_wait3A_2668 = arith.constant 0 : i32
    %dma_wait3A_2669 = arith.constant 0 : i32
    %dma_wait3A_2670 = tpu.memref_slice %arg3[%dma_wait3A_2668, %dma_wait3A_2669] : memref<26000x64xf32, #tpu.memory_space<hbm>> -> memref<26000x64xf32, #tpu.memory_space<hbm>>
    tpu.wait_indirect_dma semaphore(%arg9 : memref<!tpu.dma_semaphore, #tpu.memory_space<semaphore_mem>>) src(%dma_wait3A_2670 : memref<26000x64xf32, #tpu.memory_space<hbm>>) dst(%dma_wait3A_2665 : memref<128x64xf32, #tpu.memory_space<vmem>>)
    %dma_wait3A_2671 = arith.constant 1 : i32
    %dma_wait3A_2672 = arith.constant 0 : i32
    %dma_wait3A_2673 = arith.constant 0 : i32
    %dma_wait3A_2674 = tpu.memref_slice %arg6[%dma_wait3A_2671, %dma_wait3A_2672, %dma_wait3A_2673] : memref<3x256x64xf32, #tpu.memory_space<vmem>> -> memref<1x256x64xf32, #tpu.memory_space<vmem>>
    %dma_wait3A_2675 = tpu.memref_squeeze %dma_wait3A_2674 : memref<1x256x64xf32, #tpu.memory_space<vmem>> -> memref<256x64xf32, #tpu.memory_space<vmem>>
    %dma_wait3A_2676 = arith.constant 128 : i32
    %dma_wait3A_2677 = arith.constant 0 : i32
    %dma_wait3A_2678 = tpu.memref_slice %dma_wait3A_2675[%dma_wait3A_2676, %dma_wait3A_2677] : memref<256x64xf32, #tpu.memory_space<vmem>> -> memref<128x64xf32, #tpu.memory_space<vmem>>
    %dma_wait3A_2679 = arith.constant 1920 : i32
    %dma_wait3A_2680 = tpu.memref_slice %arg5[%dma_wait3A_2679] : memref<3328xi32, #tpu.memory_space<vmem>> -> memref<128xi32, #tpu.memory_space<vmem>>
    %dma_wait3A_2681 = arith.constant 0 : i32
    %dma_wait3A_2682 = arith.constant 0 : i32
    %dma_wait3A_2683 = tpu.memref_slice %arg3[%dma_wait3A_2681, %dma_wait3A_2682] : memref<26000x64xf32, #tpu.memory_space<hbm>> -> memref<26000x64xf32, #tpu.memory_space<hbm>>
    tpu.wait_indirect_dma semaphore(%arg10 : memref<!tpu.dma_semaphore, #tpu.memory_space<semaphore_mem>>) src(%dma_wait3A_2683 : memref<26000x64xf32, #tpu.memory_space<hbm>>) dst(%dma_wait3A_2678 : memref<128x64xf32, #tpu.memory_space<vmem>>)
    %add3A_2684 = arith.constant 1792 : i32
    %add3A_2685 = arith.addi %mul3A_2, %add3A_2684 : i32
    %dma_start3A_2686 = arith.constant 1 : i32
    %dma_start3A_2687 = arith.constant 0 : i32
    %dma_start3A_2688 = arith.constant 0 : i32
    %dma_start3A_2689 = tpu.memref_slice %arg6[%dma_start3A_2686, %dma_start3A_2687, %dma_start3A_2688] : memref<3x256x64xf32, #tpu.memory_space<vmem>> -> memref<1x256x64xf32, #tpu.memory_space<vmem>>
    %dma_start3A_2690 = tpu.memref_squeeze %dma_start3A_2689 : memref<1x256x64xf32, #tpu.memory_space<vmem>> -> memref<256x64xf32, #tpu.memory_space<vmem>>
    %dma_start3A_2691 = arith.constant 0 : i32
    %dma_start3A_2692 = tpu.memref_slice %arg4[%add3A_2685, %dma_start3A_2691] : memref<106496x64xf32, #tpu.memory_space<hbm>> -> memref<256x64xf32, #tpu.memory_space<hbm>>
    %dma_start3A_2693 = arith.constant 0 : i32
    %dma_start3A_2694 = tpu.memref_slice %arg4[%add3A_2685, %dma_start3A_2693] : memref<106496x64xf32, #tpu.memory_space<hbm>> -> memref<256x64xf32, #tpu.memory_space<hbm>>
    %dma_start3A_2695 = arith.constant 0 : i32
    %dma_start3A_2696 = arith.constant 0 : i32
    %dma_start3A_2697 = tpu.memref_slice %arg6[%dma_start3A_2686, %dma_start3A_2695, %dma_start3A_2696] : memref<3x256x64xf32, #tpu.memory_space<vmem>> -> memref<1x256x64xf32, #tpu.memory_space<vmem>>
    %dma_start3A_2698 = tpu.memref_squeeze %dma_start3A_2697 : memref<1x256x64xf32, #tpu.memory_space<vmem>> -> memref<256x64xf32, #tpu.memory_space<vmem>>
    tpu.enqueue_dma source(%dma_start3A_2698 : memref<256x64xf32, #tpu.memory_space<vmem>>) target(%dma_start3A_2694 : memref<256x64xf32, #tpu.memory_space<hbm>>) target_semaphore(%arg14 : memref<!tpu.dma_semaphore, #tpu.memory_space<semaphore_mem>>)
    %dma_wait3A_2699 = arith.constant 1 : i32
    %dma_wait3A_2700 = arith.constant 0 : i32
    %dma_wait3A_2701 = arith.constant 0 : i32
    %dma_wait3A_2702 = tpu.memref_slice %arg6[%dma_wait3A_2699, %dma_wait3A_2700, %dma_wait3A_2701] : memref<3x256x64xf32, #tpu.memory_space<vmem>> -> memref<1x256x64xf32, #tpu.memory_space<vmem>>
    %dma_wait3A_2703 = tpu.memref_squeeze %dma_wait3A_2702 : memref<1x256x64xf32, #tpu.memory_space<vmem>> -> memref<256x64xf32, #tpu.memory_space<vmem>>
    %dma_wait3A_2704 = arith.constant 0 : i32
    %dma_wait3A_2705 = tpu.memref_slice %arg4[%add3A_2685, %dma_wait3A_2704] : memref<106496x64xf32, #tpu.memory_space<hbm>> -> memref<256x64xf32, #tpu.memory_space<hbm>>
    %dma_wait3A_2706 = arith.constant 0 : i32
    %dma_wait3A_2707 = tpu.memref_slice %arg4[%add3A_2685, %dma_wait3A_2706] : memref<106496x64xf32, #tpu.memory_space<hbm>> -> memref<256x64xf32, #tpu.memory_space<hbm>>
    %dma_wait3A_2708 = arith.constant 0 : i32
    %dma_wait3A_2709 = arith.constant 0 : i32
    %dma_wait3A_2710 = tpu.memref_slice %arg6[%dma_wait3A_2699, %dma_wait3A_2708, %dma_wait3A_2709] : memref<3x256x64xf32, #tpu.memory_space<vmem>> -> memref<1x256x64xf32, #tpu.memory_space<vmem>>
    %dma_wait3A_2711 = tpu.memref_squeeze %dma_wait3A_2710 : memref<1x256x64xf32, #tpu.memory_space<vmem>> -> memref<256x64xf32, #tpu.memory_space<vmem>>
    tpu.wait_dma2 semaphore(%arg14 : memref<!tpu.dma_semaphore, #tpu.memory_space<semaphore_mem>>) src(%dma_wait3A_2711 : memref<256x64xf32, #tpu.memory_space<vmem>>) dst(%dma_wait3A_2707 : memref<256x64xf32, #tpu.memory_space<hbm>>)
    %dma_start3A_2712 = arith.constant 1 : i32
    %dma_start3A_2713 = arith.constant 0 : i32
    %dma_start3A_2714 = arith.constant 0 : i32
    %dma_start3A_2715 = tpu.memref_slice %arg6[%dma_start3A_2712, %dma_start3A_2713, %dma_start3A_2714] : memref<3x256x64xf32, #tpu.memory_space<vmem>> -> memref<1x256x64xf32, #tpu.memory_space<vmem>>
    %dma_start3A_2716 = tpu.memref_squeeze %dma_start3A_2715 : memref<1x256x64xf32, #tpu.memory_space<vmem>> -> memref<256x64xf32, #tpu.memory_space<vmem>>
    %dma_start3A_2717 = arith.constant 0 : i32
    %dma_start3A_2718 = arith.constant 0 : i32
    %dma_start3A_2719 = tpu.memref_slice %dma_start3A_2716[%dma_start3A_2717, %dma_start3A_2718] : memref<256x64xf32, #tpu.memory_space<vmem>> -> memref<128x64xf32, #tpu.memory_space<vmem>>
    %dma_start3A_2720 = arith.constant 2560 : i32
    %dma_start3A_2721 = tpu.memref_slice %arg5[%dma_start3A_2720] : memref<3328xi32, #tpu.memory_space<vmem>> -> memref<128xi32, #tpu.memory_space<vmem>>
    %dma_start3A_2722 = arith.constant 0 : i32
    %dma_start3A_2723 = arith.constant 0 : i32
    %dma_start3A_2724 = tpu.memref_slice %arg3[%dma_start3A_2722, %dma_start3A_2723] : memref<26000x64xf32, #tpu.memory_space<hbm>> -> memref<26000x64xf32, #tpu.memory_space<hbm>>
    tpu.enqueue_indirect_dma source(%dma_start3A_2724 : memref<26000x64xf32, #tpu.memory_space<hbm>>) target(%dma_start3A_2719 : memref<128x64xf32, #tpu.memory_space<vmem>>) offsets(%dma_start3A_2721 : memref<128xi32, #tpu.memory_space<vmem>>) semaphore(%arg9 : memref<!tpu.dma_semaphore, #tpu.memory_space<semaphore_mem>>)
    %dma_start3A_2725 = arith.constant 1 : i32
    %dma_start3A_2726 = arith.constant 0 : i32
    %dma_start3A_2727 = arith.constant 0 : i32
    %dma_start3A_2728 = tpu.memref_slice %arg6[%dma_start3A_2725, %dma_start3A_2726, %dma_start3A_2727] : memref<3x256x64xf32, #tpu.memory_space<vmem>> -> memref<1x256x64xf32, #tpu.memory_space<vmem>>
    %dma_start3A_2729 = tpu.memref_squeeze %dma_start3A_2728 : memref<1x256x64xf32, #tpu.memory_space<vmem>> -> memref<256x64xf32, #tpu.memory_space<vmem>>
    %dma_start3A_2730 = arith.constant 128 : i32
    %dma_start3A_2731 = arith.constant 0 : i32
    %dma_start3A_2732 = tpu.memref_slice %dma_start3A_2729[%dma_start3A_2730, %dma_start3A_2731] : memref<256x64xf32, #tpu.memory_space<vmem>> -> memref<128x64xf32, #tpu.memory_space<vmem>>
    %dma_start3A_2733 = arith.constant 2688 : i32
    %dma_start3A_2734 = tpu.memref_slice %arg5[%dma_start3A_2733] : memref<3328xi32, #tpu.memory_space<vmem>> -> memref<128xi32, #tpu.memory_space<vmem>>
    %dma_start3A_2735 = arith.constant 0 : i32
    %dma_start3A_2736 = arith.constant 0 : i32
    %dma_start3A_2737 = tpu.memref_slice %arg3[%dma_start3A_2735, %dma_start3A_2736] : memref<26000x64xf32, #tpu.memory_space<hbm>> -> memref<26000x64xf32, #tpu.memory_space<hbm>>
    tpu.enqueue_indirect_dma source(%dma_start3A_2737 : memref<26000x64xf32, #tpu.memory_space<hbm>>) target(%dma_start3A_2732 : memref<128x64xf32, #tpu.memory_space<vmem>>) offsets(%dma_start3A_2734 : memref<128xi32, #tpu.memory_space<vmem>>) semaphore(%arg10 : memref<!tpu.dma_semaphore, #tpu.memory_space<semaphore_mem>>)
    %dma_wait3A_2738 = arith.constant 2 : i32
    %dma_wait3A_2739 = arith.constant 0 : i32
    %dma_wait3A_2740 = arith.constant 0 : i32
    %dma_wait3A_2741 = tpu.memref_slice %arg6[%dma_wait3A_2738, %dma_wait3A_2739, %dma_wait3A_2740] : memref<3x256x64xf32, #tpu.memory_space<vmem>> -> memref<1x256x64xf32, #tpu.memory_space<vmem>>
    %dma_wait3A_2742 = tpu.memref_squeeze %dma_wait3A_2741 : memref<1x256x64xf32, #tpu.memory_space<vmem>> -> memref<256x64xf32, #tpu.memory_space<vmem>>
    %dma_wait3A_2743 = arith.constant 0 : i32
    %dma_wait3A_2744 = arith.constant 0 : i32
    %dma_wait3A_2745 = tpu.memref_slice %dma_wait3A_2742[%dma_wait3A_2743, %dma_wait3A_2744] : memref<256x64xf32, #tpu.memory_space<vmem>> -> memref<128x64xf32, #tpu.memory_space<vmem>>
    %dma_wait3A_2746 = arith.constant 2048 : i32
    %dma_wait3A_2747 = tpu.memref_slice %arg5[%dma_wait3A_2746] : memref<3328xi32, #tpu.memory_space<vmem>> -> memref<128xi32, #tpu.memory_space<vmem>>
    %dma_wait3A_2748 = arith.constant 0 : i32
    %dma_wait3A_2749 = arith.constant 0 : i32
    %dma_wait3A_2750 = tpu.memref_slice %arg3[%dma_wait3A_2748, %dma_wait3A_2749] : memref<26000x64xf32, #tpu.memory_space<hbm>> -> memref<26000x64xf32, #tpu.memory_space<hbm>>
    tpu.wait_indirect_dma semaphore(%arg11 : memref<!tpu.dma_semaphore, #tpu.memory_space<semaphore_mem>>) src(%dma_wait3A_2750 : memref<26000x64xf32, #tpu.memory_space<hbm>>) dst(%dma_wait3A_2745 : memref<128x64xf32, #tpu.memory_space<vmem>>)
    %dma_wait3A_2751 = arith.constant 2 : i32
    %dma_wait3A_2752 = arith.constant 0 : i32
    %dma_wait3A_2753 = arith.constant 0 : i32
    %dma_wait3A_2754 = tpu.memref_slice %arg6[%dma_wait3A_2751, %dma_wait3A_2752, %dma_wait3A_2753] : memref<3x256x64xf32, #tpu.memory_space<vmem>> -> memref<1x256x64xf32, #tpu.memory_space<vmem>>
    %dma_wait3A_2755 = tpu.memref_squeeze %dma_wait3A_2754 : memref<1x256x64xf32, #tpu.memory_space<vmem>> -> memref<256x64xf32, #tpu.memory_space<vmem>>
    %dma_wait3A_2756 = arith.constant 128 : i32
    %dma_wait3A_2757 = arith.constant 0 : i32
    %dma_wait3A_2758 = tpu.memref_slice %dma_wait3A_2755[%dma_wait3A_2756, %dma_wait3A_2757] : memref<256x64xf32, #tpu.memory_space<vmem>> -> memref<128x64xf32, #tpu.memory_space<vmem>>
    %dma_wait3A_2759 = arith.constant 2176 : i32
    %dma_wait3A_2760 = tpu.memref_slice %arg5[%dma_wait3A_2759] : memref<3328xi32, #tpu.memory_space<vmem>> -> memref<128xi32, #tpu.memory_space<vmem>>
    %dma_wait3A_2761 = arith.constant 0 : i32
    %dma_wait3A_2762 = arith.constant 0 : i32
    %dma_wait3A_2763 = tpu.memref_slice %arg3[%dma_wait3A_2761, %dma_wait3A_2762] : memref<26000x64xf32, #tpu.memory_space<hbm>> -> memref<26000x64xf32, #tpu.memory_space<hbm>>
    tpu.wait_indirect_dma semaphore(%arg12 : memref<!tpu.dma_semaphore, #tpu.memory_space<semaphore_mem>>) src(%dma_wait3A_2763 : memref<26000x64xf32, #tpu.memory_space<hbm>>) dst(%dma_wait3A_2758 : memref<128x64xf32, #tpu.memory_space<vmem>>)
    %add3A_2764 = arith.constant 2048 : i32
    %add3A_2765 = arith.addi %mul3A_2, %add3A_2764 : i32
    %dma_start3A_2766 = arith.constant 2 : i32
    %dma_start3A_2767 = arith.constant 0 : i32
    %dma_start3A_2768 = arith.constant 0 : i32
    %dma_start3A_2769 = tpu.memref_slice %arg6[%dma_start3A_2766, %dma_start3A_2767, %dma_start3A_2768] : memref<3x256x64xf32, #tpu.memory_space<vmem>> -> memref<1x256x64xf32, #tpu.memory_space<vmem>>
    %dma_start3A_2770 = tpu.memref_squeeze %dma_start3A_2769 : memref<1x256x64xf32, #tpu.memory_space<vmem>> -> memref<256x64xf32, #tpu.memory_space<vmem>>
    %dma_start3A_2771 = arith.constant 0 : i32
    %dma_start3A_2772 = tpu.memref_slice %arg4[%add3A_2765, %dma_start3A_2771] : memref<106496x64xf32, #tpu.memory_space<hbm>> -> memref<256x64xf32, #tpu.memory_space<hbm>>
    %dma_start3A_2773 = arith.constant 0 : i32
    %dma_start3A_2774 = tpu.memref_slice %arg4[%add3A_2765, %dma_start3A_2773] : memref<106496x64xf32, #tpu.memory_space<hbm>> -> memref<256x64xf32, #tpu.memory_space<hbm>>
    %dma_start3A_2775 = arith.constant 0 : i32
    %dma_start3A_2776 = arith.constant 0 : i32
    %dma_start3A_2777 = tpu.memref_slice %arg6[%dma_start3A_2766, %dma_start3A_2775, %dma_start3A_2776] : memref<3x256x64xf32, #tpu.memory_space<vmem>> -> memref<1x256x64xf32, #tpu.memory_space<vmem>>
    %dma_start3A_2778 = tpu.memref_squeeze %dma_start3A_2777 : memref<1x256x64xf32, #tpu.memory_space<vmem>> -> memref<256x64xf32, #tpu.memory_space<vmem>>
    tpu.enqueue_dma source(%dma_start3A_2778 : memref<256x64xf32, #tpu.memory_space<vmem>>) target(%dma_start3A_2774 : memref<256x64xf32, #tpu.memory_space<hbm>>) target_semaphore(%arg15 : memref<!tpu.dma_semaphore, #tpu.memory_space<semaphore_mem>>)
    %dma_wait3A_2779 = arith.constant 2 : i32
    %dma_wait3A_2780 = arith.constant 0 : i32
    %dma_wait3A_2781 = arith.constant 0 : i32
    %dma_wait3A_2782 = tpu.memref_slice %arg6[%dma_wait3A_2779, %dma_wait3A_2780, %dma_wait3A_2781] : memref<3x256x64xf32, #tpu.memory_space<vmem>> -> memref<1x256x64xf32, #tpu.memory_space<vmem>>
    %dma_wait3A_2783 = tpu.memref_squeeze %dma_wait3A_2782 : memref<1x256x64xf32, #tpu.memory_space<vmem>> -> memref<256x64xf32, #tpu.memory_space<vmem>>
    %dma_wait3A_2784 = arith.constant 0 : i32
    %dma_wait3A_2785 = tpu.memref_slice %arg4[%add3A_2765, %dma_wait3A_2784] : memref<106496x64xf32, #tpu.memory_space<hbm>> -> memref<256x64xf32, #tpu.memory_space<hbm>>
    %dma_wait3A_2786 = arith.constant 0 : i32
    %dma_wait3A_2787 = tpu.memref_slice %arg4[%add3A_2765, %dma_wait3A_2786] : memref<106496x64xf32, #tpu.memory_space<hbm>> -> memref<256x64xf32, #tpu.memory_space<hbm>>
    %dma_wait3A_2788 = arith.constant 0 : i32
    %dma_wait3A_2789 = arith.constant 0 : i32
    %dma_wait3A_2790 = tpu.memref_slice %arg6[%dma_wait3A_2779, %dma_wait3A_2788, %dma_wait3A_2789] : memref<3x256x64xf32, #tpu.memory_space<vmem>> -> memref<1x256x64xf32, #tpu.memory_space<vmem>>
    %dma_wait3A_2791 = tpu.memref_squeeze %dma_wait3A_2790 : memref<1x256x64xf32, #tpu.memory_space<vmem>> -> memref<256x64xf32, #tpu.memory_space<vmem>>
    tpu.wait_dma2 semaphore(%arg15 : memref<!tpu.dma_semaphore, #tpu.memory_space<semaphore_mem>>) src(%dma_wait3A_2791 : memref<256x64xf32, #tpu.memory_space<vmem>>) dst(%dma_wait3A_2787 : memref<256x64xf32, #tpu.memory_space<hbm>>)
    %dma_start3A_2792 = arith.constant 2 : i32
    %dma_start3A_2793 = arith.constant 0 : i32
    %dma_start3A_2794 = arith.constant 0 : i32
    %dma_start3A_2795 = tpu.memref_slice %arg6[%dma_start3A_2792, %dma_start3A_2793, %dma_start3A_2794] : memref<3x256x64xf32, #tpu.memory_space<vmem>> -> memref<1x256x64xf32, #tpu.memory_space<vmem>>
    %dma_start3A_2796 = tpu.memref_squeeze %dma_start3A_2795 : memref<1x256x64xf32, #tpu.memory_space<vmem>> -> memref<256x64xf32, #tpu.memory_space<vmem>>
    %dma_start3A_2797 = arith.constant 0 : i32
    %dma_start3A_2798 = arith.constant 0 : i32
    %dma_start3A_2799 = tpu.memref_slice %dma_start3A_2796[%dma_start3A_2797, %dma_start3A_2798] : memref<256x64xf32, #tpu.memory_space<vmem>> -> memref<128x64xf32, #tpu.memory_space<vmem>>
    %dma_start3A_2800 = arith.constant 2816 : i32
    %dma_start3A_2801 = tpu.memref_slice %arg5[%dma_start3A_2800] : memref<3328xi32, #tpu.memory_space<vmem>> -> memref<128xi32, #tpu.memory_space<vmem>>
    %dma_start3A_2802 = arith.constant 0 : i32
    %dma_start3A_2803 = arith.constant 0 : i32
    %dma_start3A_2804 = tpu.memref_slice %arg3[%dma_start3A_2802, %dma_start3A_2803] : memref<26000x64xf32, #tpu.memory_space<hbm>> -> memref<26000x64xf32, #tpu.memory_space<hbm>>
    tpu.enqueue_indirect_dma source(%dma_start3A_2804 : memref<26000x64xf32, #tpu.memory_space<hbm>>) target(%dma_start3A_2799 : memref<128x64xf32, #tpu.memory_space<vmem>>) offsets(%dma_start3A_2801 : memref<128xi32, #tpu.memory_space<vmem>>) semaphore(%arg11 : memref<!tpu.dma_semaphore, #tpu.memory_space<semaphore_mem>>)
    %dma_start3A_2805 = arith.constant 2 : i32
    %dma_start3A_2806 = arith.constant 0 : i32
    %dma_start3A_2807 = arith.constant 0 : i32
    %dma_start3A_2808 = tpu.memref_slice %arg6[%dma_start3A_2805, %dma_start3A_2806, %dma_start3A_2807] : memref<3x256x64xf32, #tpu.memory_space<vmem>> -> memref<1x256x64xf32, #tpu.memory_space<vmem>>
    %dma_start3A_2809 = tpu.memref_squeeze %dma_start3A_2808 : memref<1x256x64xf32, #tpu.memory_space<vmem>> -> memref<256x64xf32, #tpu.memory_space<vmem>>
    %dma_start3A_2810 = arith.constant 128 : i32
    %dma_start3A_2811 = arith.constant 0 : i32
    %dma_start3A_2812 = tpu.memref_slice %dma_start3A_2809[%dma_start3A_2810, %dma_start3A_2811] : memref<256x64xf32, #tpu.memory_space<vmem>> -> memref<128x64xf32, #tpu.memory_space<vmem>>
    %dma_start3A_2813 = arith.constant 2944 : i32
    %dma_start3A_2814 = tpu.memref_slice %arg5[%dma_start3A_2813] : memref<3328xi32, #tpu.memory_space<vmem>> -> memref<128xi32, #tpu.memory_space<vmem>>
    %dma_start3A_2815 = arith.constant 0 : i32
    %dma_start3A_2816 = arith.constant 0 : i32
    %dma_start3A_2817 = tpu.memref_slice %arg3[%dma_start3A_2815, %dma_start3A_2816] : memref<26000x64xf32, #tpu.memory_space<hbm>> -> memref<26000x64xf32, #tpu.memory_space<hbm>>
    tpu.enqueue_indirect_dma source(%dma_start3A_2817 : memref<26000x64xf32, #tpu.memory_space<hbm>>) target(%dma_start3A_2812 : memref<128x64xf32, #tpu.memory_space<vmem>>) offsets(%dma_start3A_2814 : memref<128xi32, #tpu.memory_space<vmem>>) semaphore(%arg12 : memref<!tpu.dma_semaphore, #tpu.memory_space<semaphore_mem>>)
    %dma_wait3A_2818 = arith.constant 0 : i32
    %dma_wait3A_2819 = arith.constant 0 : i32
    %dma_wait3A_2820 = arith.constant 0 : i32
    %dma_wait3A_2821 = tpu.memref_slice %arg6[%dma_wait3A_2818, %dma_wait3A_2819, %dma_wait3A_2820] : memref<3x256x64xf32, #tpu.memory_space<vmem>> -> memref<1x256x64xf32, #tpu.memory_space<vmem>>
    %dma_wait3A_2822 = tpu.memref_squeeze %dma_wait3A_2821 : memref<1x256x64xf32, #tpu.memory_space<vmem>> -> memref<256x64xf32, #tpu.memory_space<vmem>>
    %dma_wait3A_2823 = arith.constant 0 : i32
    %dma_wait3A_2824 = arith.constant 0 : i32
    %dma_wait3A_2825 = tpu.memref_slice %dma_wait3A_2822[%dma_wait3A_2823, %dma_wait3A_2824] : memref<256x64xf32, #tpu.memory_space<vmem>> -> memref<128x64xf32, #tpu.memory_space<vmem>>
    %dma_wait3A_2826 = arith.constant 2304 : i32
    %dma_wait3A_2827 = tpu.memref_slice %arg5[%dma_wait3A_2826] : memref<3328xi32, #tpu.memory_space<vmem>> -> memref<128xi32, #tpu.memory_space<vmem>>
    %dma_wait3A_2828 = arith.constant 0 : i32
    %dma_wait3A_2829 = arith.constant 0 : i32
    %dma_wait3A_2830 = tpu.memref_slice %arg3[%dma_wait3A_2828, %dma_wait3A_2829] : memref<26000x64xf32, #tpu.memory_space<hbm>> -> memref<26000x64xf32, #tpu.memory_space<hbm>>
    tpu.wait_indirect_dma semaphore(%arg7 : memref<!tpu.dma_semaphore, #tpu.memory_space<semaphore_mem>>) src(%dma_wait3A_2830 : memref<26000x64xf32, #tpu.memory_space<hbm>>) dst(%dma_wait3A_2825 : memref<128x64xf32, #tpu.memory_space<vmem>>)
    %dma_wait3A_2831 = arith.constant 0 : i32
    %dma_wait3A_2832 = arith.constant 0 : i32
    %dma_wait3A_2833 = arith.constant 0 : i32
    %dma_wait3A_2834 = tpu.memref_slice %arg6[%dma_wait3A_2831, %dma_wait3A_2832, %dma_wait3A_2833] : memref<3x256x64xf32, #tpu.memory_space<vmem>> -> memref<1x256x64xf32, #tpu.memory_space<vmem>>
    %dma_wait3A_2835 = tpu.memref_squeeze %dma_wait3A_2834 : memref<1x256x64xf32, #tpu.memory_space<vmem>> -> memref<256x64xf32, #tpu.memory_space<vmem>>
    %dma_wait3A_2836 = arith.constant 128 : i32
    %dma_wait3A_2837 = arith.constant 0 : i32
    %dma_wait3A_2838 = tpu.memref_slice %dma_wait3A_2835[%dma_wait3A_2836, %dma_wait3A_2837] : memref<256x64xf32, #tpu.memory_space<vmem>> -> memref<128x64xf32, #tpu.memory_space<vmem>>
    %dma_wait3A_2839 = arith.constant 2432 : i32
    %dma_wait3A_2840 = tpu.memref_slice %arg5[%dma_wait3A_2839] : memref<3328xi32, #tpu.memory_space<vmem>> -> memref<128xi32, #tpu.memory_space<vmem>>
    %dma_wait3A_2841 = arith.constant 0 : i32
    %dma_wait3A_2842 = arith.constant 0 : i32
    %dma_wait3A_2843 = tpu.memref_slice %arg3[%dma_wait3A_2841, %dma_wait3A_2842] : memref<26000x64xf32, #tpu.memory_space<hbm>> -> memref<26000x64xf32, #tpu.memory_space<hbm>>
    tpu.wait_indirect_dma semaphore(%arg8 : memref<!tpu.dma_semaphore, #tpu.memory_space<semaphore_mem>>) src(%dma_wait3A_2843 : memref<26000x64xf32, #tpu.memory_space<hbm>>) dst(%dma_wait3A_2838 : memref<128x64xf32, #tpu.memory_space<vmem>>)
    %add3A_2844 = arith.constant 2304 : i32
    %add3A_2845 = arith.addi %mul3A_2, %add3A_2844 : i32
    %dma_start3A_2846 = arith.constant 0 : i32
    %dma_start3A_2847 = arith.constant 0 : i32
    %dma_start3A_2848 = arith.constant 0 : i32
    %dma_start3A_2849 = tpu.memref_slice %arg6[%dma_start3A_2846, %dma_start3A_2847, %dma_start3A_2848] : memref<3x256x64xf32, #tpu.memory_space<vmem>> -> memref<1x256x64xf32, #tpu.memory_space<vmem>>
    %dma_start3A_2850 = tpu.memref_squeeze %dma_start3A_2849 : memref<1x256x64xf32, #tpu.memory_space<vmem>> -> memref<256x64xf32, #tpu.memory_space<vmem>>
    %dma_start3A_2851 = arith.constant 0 : i32
    %dma_start3A_2852 = tpu.memref_slice %arg4[%add3A_2845, %dma_start3A_2851] : memref<106496x64xf32, #tpu.memory_space<hbm>> -> memref<256x64xf32, #tpu.memory_space<hbm>>
    %dma_start3A_2853 = arith.constant 0 : i32
    %dma_start3A_2854 = tpu.memref_slice %arg4[%add3A_2845, %dma_start3A_2853] : memref<106496x64xf32, #tpu.memory_space<hbm>> -> memref<256x64xf32, #tpu.memory_space<hbm>>
    %dma_start3A_2855 = arith.constant 0 : i32
    %dma_start3A_2856 = arith.constant 0 : i32
    %dma_start3A_2857 = tpu.memref_slice %arg6[%dma_start3A_2846, %dma_start3A_2855, %dma_start3A_2856] : memref<3x256x64xf32, #tpu.memory_space<vmem>> -> memref<1x256x64xf32, #tpu.memory_space<vmem>>
    %dma_start3A_2858 = tpu.memref_squeeze %dma_start3A_2857 : memref<1x256x64xf32, #tpu.memory_space<vmem>> -> memref<256x64xf32, #tpu.memory_space<vmem>>
    tpu.enqueue_dma source(%dma_start3A_2858 : memref<256x64xf32, #tpu.memory_space<vmem>>) target(%dma_start3A_2854 : memref<256x64xf32, #tpu.memory_space<hbm>>) target_semaphore(%arg13 : memref<!tpu.dma_semaphore, #tpu.memory_space<semaphore_mem>>)
    %dma_wait3A_2859 = arith.constant 0 : i32
    %dma_wait3A_2860 = arith.constant 0 : i32
    %dma_wait3A_2861 = arith.constant 0 : i32
    %dma_wait3A_2862 = tpu.memref_slice %arg6[%dma_wait3A_2859, %dma_wait3A_2860, %dma_wait3A_2861] : memref<3x256x64xf32, #tpu.memory_space<vmem>> -> memref<1x256x64xf32, #tpu.memory_space<vmem>>
    %dma_wait3A_2863 = tpu.memref_squeeze %dma_wait3A_2862 : memref<1x256x64xf32, #tpu.memory_space<vmem>> -> memref<256x64xf32, #tpu.memory_space<vmem>>
    %dma_wait3A_2864 = arith.constant 0 : i32
    %dma_wait3A_2865 = tpu.memref_slice %arg4[%add3A_2845, %dma_wait3A_2864] : memref<106496x64xf32, #tpu.memory_space<hbm>> -> memref<256x64xf32, #tpu.memory_space<hbm>>
    %dma_wait3A_2866 = arith.constant 0 : i32
    %dma_wait3A_2867 = tpu.memref_slice %arg4[%add3A_2845, %dma_wait3A_2866] : memref<106496x64xf32, #tpu.memory_space<hbm>> -> memref<256x64xf32, #tpu.memory_space<hbm>>
    %dma_wait3A_2868 = arith.constant 0 : i32
    %dma_wait3A_2869 = arith.constant 0 : i32
    %dma_wait3A_2870 = tpu.memref_slice %arg6[%dma_wait3A_2859, %dma_wait3A_2868, %dma_wait3A_2869] : memref<3x256x64xf32, #tpu.memory_space<vmem>> -> memref<1x256x64xf32, #tpu.memory_space<vmem>>
    %dma_wait3A_2871 = tpu.memref_squeeze %dma_wait3A_2870 : memref<1x256x64xf32, #tpu.memory_space<vmem>> -> memref<256x64xf32, #tpu.memory_space<vmem>>
    tpu.wait_dma2 semaphore(%arg13 : memref<!tpu.dma_semaphore, #tpu.memory_space<semaphore_mem>>) src(%dma_wait3A_2871 : memref<256x64xf32, #tpu.memory_space<vmem>>) dst(%dma_wait3A_2867 : memref<256x64xf32, #tpu.memory_space<hbm>>)
    %dma_start3A_2872 = arith.constant 0 : i32
    %dma_start3A_2873 = arith.constant 0 : i32
    %dma_start3A_2874 = arith.constant 0 : i32
    %dma_start3A_2875 = tpu.memref_slice %arg6[%dma_start3A_2872, %dma_start3A_2873, %dma_start3A_2874] : memref<3x256x64xf32, #tpu.memory_space<vmem>> -> memref<1x256x64xf32, #tpu.memory_space<vmem>>
    %dma_start3A_2876 = tpu.memref_squeeze %dma_start3A_2875 : memref<1x256x64xf32, #tpu.memory_space<vmem>> -> memref<256x64xf32, #tpu.memory_space<vmem>>
    %dma_start3A_2877 = arith.constant 0 : i32
    %dma_start3A_2878 = arith.constant 0 : i32
    %dma_start3A_2879 = tpu.memref_slice %dma_start3A_2876[%dma_start3A_2877, %dma_start3A_2878] : memref<256x64xf32, #tpu.memory_space<vmem>> -> memref<128x64xf32, #tpu.memory_space<vmem>>
    %dma_start3A_2880 = arith.constant 3072 : i32
    %dma_start3A_2881 = tpu.memref_slice %arg5[%dma_start3A_2880] : memref<3328xi32, #tpu.memory_space<vmem>> -> memref<128xi32, #tpu.memory_space<vmem>>
    %dma_start3A_2882 = arith.constant 0 : i32
    %dma_start3A_2883 = arith.constant 0 : i32
    %dma_start3A_2884 = tpu.memref_slice %arg3[%dma_start3A_2882, %dma_start3A_2883] : memref<26000x64xf32, #tpu.memory_space<hbm>> -> memref<26000x64xf32, #tpu.memory_space<hbm>>
    tpu.enqueue_indirect_dma source(%dma_start3A_2884 : memref<26000x64xf32, #tpu.memory_space<hbm>>) target(%dma_start3A_2879 : memref<128x64xf32, #tpu.memory_space<vmem>>) offsets(%dma_start3A_2881 : memref<128xi32, #tpu.memory_space<vmem>>) semaphore(%arg7 : memref<!tpu.dma_semaphore, #tpu.memory_space<semaphore_mem>>)
    %dma_start3A_2885 = arith.constant 0 : i32
    %dma_start3A_2886 = arith.constant 0 : i32
    %dma_start3A_2887 = arith.constant 0 : i32
    %dma_start3A_2888 = tpu.memref_slice %arg6[%dma_start3A_2885, %dma_start3A_2886, %dma_start3A_2887] : memref<3x256x64xf32, #tpu.memory_space<vmem>> -> memref<1x256x64xf32, #tpu.memory_space<vmem>>
    %dma_start3A_2889 = tpu.memref_squeeze %dma_start3A_2888 : memref<1x256x64xf32, #tpu.memory_space<vmem>> -> memref<256x64xf32, #tpu.memory_space<vmem>>
    %dma_start3A_2890 = arith.constant 128 : i32
    %dma_start3A_2891 = arith.constant 0 : i32
    %dma_start3A_2892 = tpu.memref_slice %dma_start3A_2889[%dma_start3A_2890, %dma_start3A_2891] : memref<256x64xf32, #tpu.memory_space<vmem>> -> memref<128x64xf32, #tpu.memory_space<vmem>>
    %dma_start3A_2893 = arith.constant 3200 : i32
    %dma_start3A_2894 = tpu.memref_slice %arg5[%dma_start3A_2893] : memref<3328xi32, #tpu.memory_space<vmem>> -> memref<128xi32, #tpu.memory_space<vmem>>
    %dma_start3A_2895 = arith.constant 0 : i32
    %dma_start3A_2896 = arith.constant 0 : i32
    %dma_start3A_2897 = tpu.memref_slice %arg3[%dma_start3A_2895, %dma_start3A_2896] : memref<26000x64xf32, #tpu.memory_space<hbm>> -> memref<26000x64xf32, #tpu.memory_space<hbm>>
    tpu.enqueue_indirect_dma source(%dma_start3A_2897 : memref<26000x64xf32, #tpu.memory_space<hbm>>) target(%dma_start3A_2892 : memref<128x64xf32, #tpu.memory_space<vmem>>) offsets(%dma_start3A_2894 : memref<128xi32, #tpu.memory_space<vmem>>) semaphore(%arg8 : memref<!tpu.dma_semaphore, #tpu.memory_space<semaphore_mem>>)
    %dma_wait3A_2898 = arith.constant 1 : i32
    %dma_wait3A_2899 = arith.constant 0 : i32
    %dma_wait3A_2900 = arith.constant 0 : i32
    %dma_wait3A_2901 = tpu.memref_slice %arg6[%dma_wait3A_2898, %dma_wait3A_2899, %dma_wait3A_2900] : memref<3x256x64xf32, #tpu.memory_space<vmem>> -> memref<1x256x64xf32, #tpu.memory_space<vmem>>
    %dma_wait3A_2902 = tpu.memref_squeeze %dma_wait3A_2901 : memref<1x256x64xf32, #tpu.memory_space<vmem>> -> memref<256x64xf32, #tpu.memory_space<vmem>>
    %dma_wait3A_2903 = arith.constant 0 : i32
    %dma_wait3A_2904 = arith.constant 0 : i32
    %dma_wait3A_2905 = tpu.memref_slice %dma_wait3A_2902[%dma_wait3A_2903, %dma_wait3A_2904] : memref<256x64xf32, #tpu.memory_space<vmem>> -> memref<128x64xf32, #tpu.memory_space<vmem>>
    %dma_wait3A_2906 = arith.constant 2560 : i32
    %dma_wait3A_2907 = tpu.memref_slice %arg5[%dma_wait3A_2906] : memref<3328xi32, #tpu.memory_space<vmem>> -> memref<128xi32, #tpu.memory_space<vmem>>
    %dma_wait3A_2908 = arith.constant 0 : i32
    %dma_wait3A_2909 = arith.constant 0 : i32
    %dma_wait3A_2910 = tpu.memref_slice %arg3[%dma_wait3A_2908, %dma_wait3A_2909] : memref<26000x64xf32, #tpu.memory_space<hbm>> -> memref<26000x64xf32, #tpu.memory_space<hbm>>
    tpu.wait_indirect_dma semaphore(%arg9 : memref<!tpu.dma_semaphore, #tpu.memory_space<semaphore_mem>>) src(%dma_wait3A_2910 : memref<26000x64xf32, #tpu.memory_space<hbm>>) dst(%dma_wait3A_2905 : memref<128x64xf32, #tpu.memory_space<vmem>>)
    %dma_wait3A_2911 = arith.constant 1 : i32
    %dma_wait3A_2912 = arith.constant 0 : i32
    %dma_wait3A_2913 = arith.constant 0 : i32
    %dma_wait3A_2914 = tpu.memref_slice %arg6[%dma_wait3A_2911, %dma_wait3A_2912, %dma_wait3A_2913] : memref<3x256x64xf32, #tpu.memory_space<vmem>> -> memref<1x256x64xf32, #tpu.memory_space<vmem>>
    %dma_wait3A_2915 = tpu.memref_squeeze %dma_wait3A_2914 : memref<1x256x64xf32, #tpu.memory_space<vmem>> -> memref<256x64xf32, #tpu.memory_space<vmem>>
    %dma_wait3A_2916 = arith.constant 128 : i32
    %dma_wait3A_2917 = arith.constant 0 : i32
    %dma_wait3A_2918 = tpu.memref_slice %dma_wait3A_2915[%dma_wait3A_2916, %dma_wait3A_2917] : memref<256x64xf32, #tpu.memory_space<vmem>> -> memref<128x64xf32, #tpu.memory_space<vmem>>
    %dma_wait3A_2919 = arith.constant 2688 : i32
    %dma_wait3A_2920 = tpu.memref_slice %arg5[%dma_wait3A_2919] : memref<3328xi32, #tpu.memory_space<vmem>> -> memref<128xi32, #tpu.memory_space<vmem>>
    %dma_wait3A_2921 = arith.constant 0 : i32
    %dma_wait3A_2922 = arith.constant 0 : i32
    %dma_wait3A_2923 = tpu.memref_slice %arg3[%dma_wait3A_2921, %dma_wait3A_2922] : memref<26000x64xf32, #tpu.memory_space<hbm>> -> memref<26000x64xf32, #tpu.memory_space<hbm>>
    tpu.wait_indirect_dma semaphore(%arg10 : memref<!tpu.dma_semaphore, #tpu.memory_space<semaphore_mem>>) src(%dma_wait3A_2923 : memref<26000x64xf32, #tpu.memory_space<hbm>>) dst(%dma_wait3A_2918 : memref<128x64xf32, #tpu.memory_space<vmem>>)
    %add3A_2924 = arith.constant 2560 : i32
    %add3A_2925 = arith.addi %mul3A_2, %add3A_2924 : i32
    %dma_start3A_2926 = arith.constant 1 : i32
    %dma_start3A_2927 = arith.constant 0 : i32
    %dma_start3A_2928 = arith.constant 0 : i32
    %dma_start3A_2929 = tpu.memref_slice %arg6[%dma_start3A_2926, %dma_start3A_2927, %dma_start3A_2928] : memref<3x256x64xf32, #tpu.memory_space<vmem>> -> memref<1x256x64xf32, #tpu.memory_space<vmem>>
    %dma_start3A_2930 = tpu.memref_squeeze %dma_start3A_2929 : memref<1x256x64xf32, #tpu.memory_space<vmem>> -> memref<256x64xf32, #tpu.memory_space<vmem>>
    %dma_start3A_2931 = arith.constant 0 : i32
    %dma_start3A_2932 = tpu.memref_slice %arg4[%add3A_2925, %dma_start3A_2931] : memref<106496x64xf32, #tpu.memory_space<hbm>> -> memref<256x64xf32, #tpu.memory_space<hbm>>
    %dma_start3A_2933 = arith.constant 0 : i32
    %dma_start3A_2934 = tpu.memref_slice %arg4[%add3A_2925, %dma_start3A_2933] : memref<106496x64xf32, #tpu.memory_space<hbm>> -> memref<256x64xf32, #tpu.memory_space<hbm>>
    %dma_start3A_2935 = arith.constant 0 : i32
    %dma_start3A_2936 = arith.constant 0 : i32
    %dma_start3A_2937 = tpu.memref_slice %arg6[%dma_start3A_2926, %dma_start3A_2935, %dma_start3A_2936] : memref<3x256x64xf32, #tpu.memory_space<vmem>> -> memref<1x256x64xf32, #tpu.memory_space<vmem>>
    %dma_start3A_2938 = tpu.memref_squeeze %dma_start3A_2937 : memref<1x256x64xf32, #tpu.memory_space<vmem>> -> memref<256x64xf32, #tpu.memory_space<vmem>>
    tpu.enqueue_dma source(%dma_start3A_2938 : memref<256x64xf32, #tpu.memory_space<vmem>>) target(%dma_start3A_2934 : memref<256x64xf32, #tpu.memory_space<hbm>>) target_semaphore(%arg14 : memref<!tpu.dma_semaphore, #tpu.memory_space<semaphore_mem>>)
    %dma_wait3A_2939 = arith.constant 2 : i32
    %dma_wait3A_2940 = arith.constant 0 : i32
    %dma_wait3A_2941 = arith.constant 0 : i32
    %dma_wait3A_2942 = tpu.memref_slice %arg6[%dma_wait3A_2939, %dma_wait3A_2940, %dma_wait3A_2941] : memref<3x256x64xf32, #tpu.memory_space<vmem>> -> memref<1x256x64xf32, #tpu.memory_space<vmem>>
    %dma_wait3A_2943 = tpu.memref_squeeze %dma_wait3A_2942 : memref<1x256x64xf32, #tpu.memory_space<vmem>> -> memref<256x64xf32, #tpu.memory_space<vmem>>
    %dma_wait3A_2944 = arith.constant 0 : i32
    %dma_wait3A_2945 = arith.constant 0 : i32
    %dma_wait3A_2946 = tpu.memref_slice %dma_wait3A_2943[%dma_wait3A_2944, %dma_wait3A_2945] : memref<256x64xf32, #tpu.memory_space<vmem>> -> memref<128x64xf32, #tpu.memory_space<vmem>>
    %dma_wait3A_2947 = arith.constant 2816 : i32
    %dma_wait3A_2948 = tpu.memref_slice %arg5[%dma_wait3A_2947] : memref<3328xi32, #tpu.memory_space<vmem>> -> memref<128xi32, #tpu.memory_space<vmem>>
    %dma_wait3A_2949 = arith.constant 0 : i32
    %dma_wait3A_2950 = arith.constant 0 : i32
    %dma_wait3A_2951 = tpu.memref_slice %arg3[%dma_wait3A_2949, %dma_wait3A_2950] : memref<26000x64xf32, #tpu.memory_space<hbm>> -> memref<26000x64xf32, #tpu.memory_space<hbm>>
    tpu.wait_indirect_dma semaphore(%arg11 : memref<!tpu.dma_semaphore, #tpu.memory_space<semaphore_mem>>) src(%dma_wait3A_2951 : memref<26000x64xf32, #tpu.memory_space<hbm>>) dst(%dma_wait3A_2946 : memref<128x64xf32, #tpu.memory_space<vmem>>)
    %dma_wait3A_2952 = arith.constant 2 : i32
    %dma_wait3A_2953 = arith.constant 0 : i32
    %dma_wait3A_2954 = arith.constant 0 : i32
    %dma_wait3A_2955 = tpu.memref_slice %arg6[%dma_wait3A_2952, %dma_wait3A_2953, %dma_wait3A_2954] : memref<3x256x64xf32, #tpu.memory_space<vmem>> -> memref<1x256x64xf32, #tpu.memory_space<vmem>>
    %dma_wait3A_2956 = tpu.memref_squeeze %dma_wait3A_2955 : memref<1x256x64xf32, #tpu.memory_space<vmem>> -> memref<256x64xf32, #tpu.memory_space<vmem>>
    %dma_wait3A_2957 = arith.constant 128 : i32
    %dma_wait3A_2958 = arith.constant 0 : i32
    %dma_wait3A_2959 = tpu.memref_slice %dma_wait3A_2956[%dma_wait3A_2957, %dma_wait3A_2958] : memref<256x64xf32, #tpu.memory_space<vmem>> -> memref<128x64xf32, #tpu.memory_space<vmem>>
    %dma_wait3A_2960 = arith.constant 2944 : i32
    %dma_wait3A_2961 = tpu.memref_slice %arg5[%dma_wait3A_2960] : memref<3328xi32, #tpu.memory_space<vmem>> -> memref<128xi32, #tpu.memory_space<vmem>>
    %dma_wait3A_2962 = arith.constant 0 : i32
    %dma_wait3A_2963 = arith.constant 0 : i32
    %dma_wait3A_2964 = tpu.memref_slice %arg3[%dma_wait3A_2962, %dma_wait3A_2963] : memref<26000x64xf32, #tpu.memory_space<hbm>> -> memref<26000x64xf32, #tpu.memory_space<hbm>>
    tpu.wait_indirect_dma semaphore(%arg12 : memref<!tpu.dma_semaphore, #tpu.memory_space<semaphore_mem>>) src(%dma_wait3A_2964 : memref<26000x64xf32, #tpu.memory_space<hbm>>) dst(%dma_wait3A_2959 : memref<128x64xf32, #tpu.memory_space<vmem>>)
    %add3A_2965 = arith.constant 2816 : i32
    %add3A_2966 = arith.addi %mul3A_2, %add3A_2965 : i32
    %dma_start3A_2967 = arith.constant 2 : i32
    %dma_start3A_2968 = arith.constant 0 : i32
    %dma_start3A_2969 = arith.constant 0 : i32
    %dma_start3A_2970 = tpu.memref_slice %arg6[%dma_start3A_2967, %dma_start3A_2968, %dma_start3A_2969] : memref<3x256x64xf32, #tpu.memory_space<vmem>> -> memref<1x256x64xf32, #tpu.memory_space<vmem>>
    %dma_start3A_2971 = tpu.memref_squeeze %dma_start3A_2970 : memref<1x256x64xf32, #tpu.memory_space<vmem>> -> memref<256x64xf32, #tpu.memory_space<vmem>>
    %dma_start3A_2972 = arith.constant 0 : i32
    %dma_start3A_2973 = tpu.memref_slice %arg4[%add3A_2966, %dma_start3A_2972] : memref<106496x64xf32, #tpu.memory_space<hbm>> -> memref<256x64xf32, #tpu.memory_space<hbm>>
    %dma_start3A_2974 = arith.constant 0 : i32
    %dma_start3A_2975 = tpu.memref_slice %arg4[%add3A_2966, %dma_start3A_2974] : memref<106496x64xf32, #tpu.memory_space<hbm>> -> memref<256x64xf32, #tpu.memory_space<hbm>>
    %dma_start3A_2976 = arith.constant 0 : i32
    %dma_start3A_2977 = arith.constant 0 : i32
    %dma_start3A_2978 = tpu.memref_slice %arg6[%dma_start3A_2967, %dma_start3A_2976, %dma_start3A_2977] : memref<3x256x64xf32, #tpu.memory_space<vmem>> -> memref<1x256x64xf32, #tpu.memory_space<vmem>>
    %dma_start3A_2979 = tpu.memref_squeeze %dma_start3A_2978 : memref<1x256x64xf32, #tpu.memory_space<vmem>> -> memref<256x64xf32, #tpu.memory_space<vmem>>
    tpu.enqueue_dma source(%dma_start3A_2979 : memref<256x64xf32, #tpu.memory_space<vmem>>) target(%dma_start3A_2975 : memref<256x64xf32, #tpu.memory_space<hbm>>) target_semaphore(%arg15 : memref<!tpu.dma_semaphore, #tpu.memory_space<semaphore_mem>>)
    %dma_wait3A_2980 = arith.constant 0 : i32
    %dma_wait3A_2981 = arith.constant 0 : i32
    %dma_wait3A_2982 = arith.constant 0 : i32
    %dma_wait3A_2983 = tpu.memref_slice %arg6[%dma_wait3A_2980, %dma_wait3A_2981, %dma_wait3A_2982] : memref<3x256x64xf32, #tpu.memory_space<vmem>> -> memref<1x256x64xf32, #tpu.memory_space<vmem>>
    %dma_wait3A_2984 = tpu.memref_squeeze %dma_wait3A_2983 : memref<1x256x64xf32, #tpu.memory_space<vmem>> -> memref<256x64xf32, #tpu.memory_space<vmem>>
    %dma_wait3A_2985 = arith.constant 0 : i32
    %dma_wait3A_2986 = arith.constant 0 : i32
    %dma_wait3A_2987 = tpu.memref_slice %dma_wait3A_2984[%dma_wait3A_2985, %dma_wait3A_2986] : memref<256x64xf32, #tpu.memory_space<vmem>> -> memref<128x64xf32, #tpu.memory_space<vmem>>
    %dma_wait3A_2988 = arith.constant 3072 : i32
    %dma_wait3A_2989 = tpu.memref_slice %arg5[%dma_wait3A_2988] : memref<3328xi32, #tpu.memory_space<vmem>> -> memref<128xi32, #tpu.memory_space<vmem>>
    %dma_wait3A_2990 = arith.constant 0 : i32
    %dma_wait3A_2991 = arith.constant 0 : i32
    %dma_wait3A_2992 = tpu.memref_slice %arg3[%dma_wait3A_2990, %dma_wait3A_2991] : memref<26000x64xf32, #tpu.memory_space<hbm>> -> memref<26000x64xf32, #tpu.memory_space<hbm>>
    tpu.wait_indirect_dma semaphore(%arg7 : memref<!tpu.dma_semaphore, #tpu.memory_space<semaphore_mem>>) src(%dma_wait3A_2992 : memref<26000x64xf32, #tpu.memory_space<hbm>>) dst(%dma_wait3A_2987 : memref<128x64xf32, #tpu.memory_space<vmem>>)
    %dma_wait3A_2993 = arith.constant 0 : i32
    %dma_wait3A_2994 = arith.constant 0 : i32
    %dma_wait3A_2995 = arith.constant 0 : i32
    %dma_wait3A_2996 = tpu.memref_slice %arg6[%dma_wait3A_2993, %dma_wait3A_2994, %dma_wait3A_2995] : memref<3x256x64xf32, #tpu.memory_space<vmem>> -> memref<1x256x64xf32, #tpu.memory_space<vmem>>
    %dma_wait3A_2997 = tpu.memref_squeeze %dma_wait3A_2996 : memref<1x256x64xf32, #tpu.memory_space<vmem>> -> memref<256x64xf32, #tpu.memory_space<vmem>>
    %dma_wait3A_2998 = arith.constant 128 : i32
    %dma_wait3A_2999 = arith.constant 0 : i32
    %dma_wait3A_3000 = tpu.memref_slice %dma_wait3A_2997[%dma_wait3A_2998, %dma_wait3A_2999] : memref<256x64xf32, #tpu.memory_space<vmem>> -> memref<128x64xf32, #tpu.memory_space<vmem>>
    %dma_wait3A_3001 = arith.constant 3200 : i32
    %dma_wait3A_3002 = tpu.memref_slice %arg5[%dma_wait3A_3001] : memref<3328xi32, #tpu.memory_space<vmem>> -> memref<128xi32, #tpu.memory_space<vmem>>
    %dma_wait3A_3003 = arith.constant 0 : i32
    %dma_wait3A_3004 = arith.constant 0 : i32
    %dma_wait3A_3005 = tpu.memref_slice %arg3[%dma_wait3A_3003, %dma_wait3A_3004] : memref<26000x64xf32, #tpu.memory_space<hbm>> -> memref<26000x64xf32, #tpu.memory_space<hbm>>
    tpu.wait_indirect_dma semaphore(%arg8 : memref<!tpu.dma_semaphore, #tpu.memory_space<semaphore_mem>>) src(%dma_wait3A_3005 : memref<26000x64xf32, #tpu.memory_space<hbm>>) dst(%dma_wait3A_3000 : memref<128x64xf32, #tpu.memory_space<vmem>>)
    %add3A_3006 = arith.constant 3072 : i32
    %add3A_3007 = arith.addi %mul3A_2, %add3A_3006 : i32
    %dma_start3A_3008 = arith.constant 0 : i32
    %dma_start3A_3009 = arith.constant 0 : i32
    %dma_start3A_3010 = arith.constant 0 : i32
    %dma_start3A_3011 = tpu.memref_slice %arg6[%dma_start3A_3008, %dma_start3A_3009, %dma_start3A_3010] : memref<3x256x64xf32, #tpu.memory_space<vmem>> -> memref<1x256x64xf32, #tpu.memory_space<vmem>>
    %dma_start3A_3012 = tpu.memref_squeeze %dma_start3A_3011 : memref<1x256x64xf32, #tpu.memory_space<vmem>> -> memref<256x64xf32, #tpu.memory_space<vmem>>
    %dma_start3A_3013 = arith.constant 0 : i32
    %dma_start3A_3014 = tpu.memref_slice %arg4[%add3A_3007, %dma_start3A_3013] : memref<106496x64xf32, #tpu.memory_space<hbm>> -> memref<256x64xf32, #tpu.memory_space<hbm>>
    %dma_start3A_3015 = arith.constant 0 : i32
    %dma_start3A_3016 = tpu.memref_slice %arg4[%add3A_3007, %dma_start3A_3015] : memref<106496x64xf32, #tpu.memory_space<hbm>> -> memref<256x64xf32, #tpu.memory_space<hbm>>
    %dma_start3A_3017 = arith.constant 0 : i32
    %dma_start3A_3018 = arith.constant 0 : i32
    %dma_start3A_3019 = tpu.memref_slice %arg6[%dma_start3A_3008, %dma_start3A_3017, %dma_start3A_3018] : memref<3x256x64xf32, #tpu.memory_space<vmem>> -> memref<1x256x64xf32, #tpu.memory_space<vmem>>
    %dma_start3A_3020 = tpu.memref_squeeze %dma_start3A_3019 : memref<1x256x64xf32, #tpu.memory_space<vmem>> -> memref<256x64xf32, #tpu.memory_space<vmem>>
    tpu.enqueue_dma source(%dma_start3A_3020 : memref<256x64xf32, #tpu.memory_space<vmem>>) target(%dma_start3A_3016 : memref<256x64xf32, #tpu.memory_space<hbm>>) target_semaphore(%arg13 : memref<!tpu.dma_semaphore, #tpu.memory_space<semaphore_mem>>)
    %dma_wait3A_3021 = arith.constant 1 : i32
    %dma_wait3A_3022 = arith.constant 0 : i32
    %dma_wait3A_3023 = arith.constant 0 : i32
    %dma_wait3A_3024 = tpu.memref_slice %arg6[%dma_wait3A_3021, %dma_wait3A_3022, %dma_wait3A_3023] : memref<3x256x64xf32, #tpu.memory_space<vmem>> -> memref<1x256x64xf32, #tpu.memory_space<vmem>>
    %dma_wait3A_3025 = tpu.memref_squeeze %dma_wait3A_3024 : memref<1x256x64xf32, #tpu.memory_space<vmem>> -> memref<256x64xf32, #tpu.memory_space<vmem>>
    %dma_wait3A_3026 = arith.constant 0 : i32
    %dma_wait3A_3027 = tpu.memref_slice %arg4[%add3A_2925, %dma_wait3A_3026] : memref<106496x64xf32, #tpu.memory_space<hbm>> -> memref<256x64xf32, #tpu.memory_space<hbm>>
    %dma_wait3A_3028 = arith.constant 0 : i32
    %dma_wait3A_3029 = tpu.memref_slice %arg4[%add3A_2925, %dma_wait3A_3028] : memref<106496x64xf32, #tpu.memory_space<hbm>> -> memref<256x64xf32, #tpu.memory_space<hbm>>
    %dma_wait3A_3030 = arith.constant 0 : i32
    %dma_wait3A_3031 = arith.constant 0 : i32
    %dma_wait3A_3032 = tpu.memref_slice %arg6[%dma_wait3A_3021, %dma_wait3A_3030, %dma_wait3A_3031] : memref<3x256x64xf32, #tpu.memory_space<vmem>> -> memref<1x256x64xf32, #tpu.memory_space<vmem>>
    %dma_wait3A_3033 = tpu.memref_squeeze %dma_wait3A_3032 : memref<1x256x64xf32, #tpu.memory_space<vmem>> -> memref<256x64xf32, #tpu.memory_space<vmem>>
    tpu.wait_dma2 semaphore(%arg14 : memref<!tpu.dma_semaphore, #tpu.memory_space<semaphore_mem>>) src(%dma_wait3A_3033 : memref<256x64xf32, #tpu.memory_space<vmem>>) dst(%dma_wait3A_3029 : memref<256x64xf32, #tpu.memory_space<hbm>>)
    %dma_wait3A_3034 = arith.constant 2 : i32
    %dma_wait3A_3035 = arith.constant 0 : i32
    %dma_wait3A_3036 = arith.constant 0 : i32
    %dma_wait3A_3037 = tpu.memref_slice %arg6[%dma_wait3A_3034, %dma_wait3A_3035, %dma_wait3A_3036] : memref<3x256x64xf32, #tpu.memory_space<vmem>> -> memref<1x256x64xf32, #tpu.memory_space<vmem>>
    %dma_wait3A_3038 = tpu.memref_squeeze %dma_wait3A_3037 : memref<1x256x64xf32, #tpu.memory_space<vmem>> -> memref<256x64xf32, #tpu.memory_space<vmem>>
    %dma_wait3A_3039 = arith.constant 0 : i32
    %dma_wait3A_3040 = tpu.memref_slice %arg4[%add3A_2966, %dma_wait3A_3039] : memref<106496x64xf32, #tpu.memory_space<hbm>> -> memref<256x64xf32, #tpu.memory_space<hbm>>
    %dma_wait3A_3041 = arith.constant 0 : i32
    %dma_wait3A_3042 = tpu.memref_slice %arg4[%add3A_2966, %dma_wait3A_3041] : memref<106496x64xf32, #tpu.memory_space<hbm>> -> memref<256x64xf32, #tpu.memory_space<hbm>>
    %dma_wait3A_3043 = arith.constant 0 : i32
    %dma_wait3A_3044 = arith.constant 0 : i32
    %dma_wait3A_3045 = tpu.memref_slice %arg6[%dma_wait3A_3034, %dma_wait3A_3043, %dma_wait3A_3044] : memref<3x256x64xf32, #tpu.memory_space<vmem>> -> memref<1x256x64xf32, #tpu.memory_space<vmem>>
    %dma_wait3A_3046 = tpu.memref_squeeze %dma_wait3A_3045 : memref<1x256x64xf32, #tpu.memory_space<vmem>> -> memref<256x64xf32, #tpu.memory_space<vmem>>
    tpu.wait_dma2 semaphore(%arg15 : memref<!tpu.dma_semaphore, #tpu.memory_space<semaphore_mem>>) src(%dma_wait3A_3046 : memref<256x64xf32, #tpu.memory_space<vmem>>) dst(%dma_wait3A_3042 : memref<256x64xf32, #tpu.memory_space<hbm>>)
    %dma_wait3A_3047 = arith.constant 0 : i32
    %dma_wait3A_3048 = arith.constant 0 : i32
    %dma_wait3A_3049 = arith.constant 0 : i32
    %dma_wait3A_3050 = tpu.memref_slice %arg6[%dma_wait3A_3047, %dma_wait3A_3048, %dma_wait3A_3049] : memref<3x256x64xf32, #tpu.memory_space<vmem>> -> memref<1x256x64xf32, #tpu.memory_space<vmem>>
    %dma_wait3A_3051 = tpu.memref_squeeze %dma_wait3A_3050 : memref<1x256x64xf32, #tpu.memory_space<vmem>> -> memref<256x64xf32, #tpu.memory_space<vmem>>
    %dma_wait3A_3052 = arith.constant 0 : i32
    %dma_wait3A_3053 = tpu.memref_slice %arg4[%add3A_3007, %dma_wait3A_3052] : memref<106496x64xf32, #tpu.memory_space<hbm>> -> memref<256x64xf32, #tpu.memory_space<hbm>>
    %dma_wait3A_3054 = arith.constant 0 : i32
    %dma_wait3A_3055 = tpu.memref_slice %arg4[%add3A_3007, %dma_wait3A_3054] : memref<106496x64xf32, #tpu.memory_space<hbm>> -> memref<256x64xf32, #tpu.memory_space<hbm>>
    %dma_wait3A_3056 = arith.constant 0 : i32
    %dma_wait3A_3057 = arith.constant 0 : i32
    %dma_wait3A_3058 = tpu.memref_slice %arg6[%dma_wait3A_3047, %dma_wait3A_3056, %dma_wait3A_3057] : memref<3x256x64xf32, #tpu.memory_space<vmem>> -> memref<1x256x64xf32, #tpu.memory_space<vmem>>
    %dma_wait3A_3059 = tpu.memref_squeeze %dma_wait3A_3058 : memref<1x256x64xf32, #tpu.memory_space<vmem>> -> memref<256x64xf32, #tpu.memory_space<vmem>>
    tpu.wait_dma2 semaphore(%arg13 : memref<!tpu.dma_semaphore, #tpu.memory_space<semaphore_mem>>) src(%dma_wait3A_3059 : memref<256x64xf32, #tpu.memory_space<vmem>>) dst(%dma_wait3A_3055 : memref<256x64xf32, #tpu.memory_space<hbm>>)
    return
  }
}

</mosaic_0001>

<sc_bundles>
// kernel: kernel.3.cloned.1.call-start
scs
__scs_entry_jumppad:
0x0: {  	(pc) =	sbr.rel $0x88, $3  }
0x1: {  	(tag) =	ssettag $0x0;
	lr =	simm.s32 $0x1  }
0x2: {  	[smem:$0x3F9F] =	sst lr;
	_ =	strace $0xD0000000  }
0x3: {  	_ = 	snop  }
0x4: {  	_ = 	snop  }
0x5: {  	_ = 	snop  }
0x6: {  	_ = 	snop  }
0x7: {  	_ = 	snop  }
__scs_overlays_trampoline_lowered:
0x8: {  	[smem:$0x3FAE] =	sst s0  }
0x9: {  	[smem:$0x3FAF] =	sst s1  }
0xa: {  	[smem:$0x3FB0] =	sst s2  }
0xb: {  	[smem:$0x3FB1] =	sst s3  }
0xc: {  	[smem:$0x3FB2] =	sst s4  }
0xd: {  	[smem:$0x3FB3] =	sst s5  }
0xe: {  	[smem:$0x3FB4] =	sst s6  }
0xf: {  	[smem:$0x3FB5] =	sst s7  }
0x10: {  	[smem:$0x3FB6] =	sst s8  }
0x11: {  	[smem:$0x3FB7] =	sst s9;
	s0 =	simm.s32 @!p0 $0x0  }
0x12: {  	s1 =	sld [smem:$0x3F9D];
	s0 =	simm.s32 @p0 $0x1  }
0x13: {  	[smem:$0x3FB8] =	sst s0;
	s0 =	simm.s32 @!p1 $0x0  }
0x14: {  	s2 =	sld [smem:$0x3F9C];
	s0 =	simm.s32 @p1 $0x1  }
0x15: {  	[smem:$0x3FB9] =	sst s0;
	s0 =	simm.s32 @!p2 $0x0  }
0x16: {  	s3 =	sld [smem:$0x3FDB];
	s0 =	simm.s32 @p2 $0x1  }
0x17: {  	s4 =	simm.s32 $0x1BF5;
	[smem:$0x3FBB] =	sst s0  }
0x18: {  	s0 =	sld [smem:$0x3F9E];
	_ =	swait.ge [sflag:s4], $0x0  }
0x19: {  	s7 =	sld [smem:$0x3F9F]  }
0x1a: {  	s8 =	sadd.s32 $0xFFFFE003, lr  }
0x1b: {  	s9 =	sadd.s32 $0xFFFFFEF7, lr;
	s5 =	simm.s32 $0xFFFFFFFF;
	p2 =	slt.u32 s8, $0xFFFFF086  }
0x1c: {  	p1 =	slt.u32 s9, $0xF7A;
	s5 =	simm.s32 @!p2 $0x0  }
0x1d: {  	s5 =	simm.s32 @p1 $0x1;
	p0 =	seq.s32 s7, s2  }
0x1e: {  	s7 =	smul.u32 @!p0 $0xF7A, s2;
	p2 =	seq.s32 @!p0 s5, $0x0  }
0x1f: {  	s9 =	smul.u32 $0xF7A, s1;
	s8 =	simm.s32 @!p0 $0x1BF5;
	p2 =	por !p2, p0  }
0x20: {  	[sflag:s8] =	ssyncset.s32 @!p0 $0xFFFFF086;
	s6 =	sadd.s32 @!p0 s3, s7;
	s7 =	simm.s32 @!p0 $0x108  }
0x21: {  	s3 =	sadd.s32 s3, s9;
	s6 =	sadd.s32 @!p0 $0x88, s6;
	s7 =	simm.s32 @p2 $0x1082  }
0x22: {  	[simem:s7], [sflag:s8] =	dma.local @!p0 [hbm:s6], $0xF7A  }
0x23: {  	s9 =	sor.u32 $0xD0000000, s2;
	s6 =	simm.s32 $0x108;
	_ =	swait.ge @!p0 [sflag:s8], $0x0  }
0x24: {  	s3 =	sadd.s32 $0x88, s3;
	s6 =	simm.s32 @!p1 $0x1082;
	[sflag:s4] =	ssyncset.s32 $0xFFFFF086  }
0x25: {  	[simem:s6], [sflag:s4] =	dma.local [hbm:s3], $0xF7A  }
0x26: {  	[smem:$0x3F9F] =	sst s1;
	(tag) =	ssettag s2;
	_ =	strace s9  }
0x27: {  	s1 =	sld [smem:$0x3FAF]  }
0x28: {  	s2 =	sld [smem:$0x3FB0]  }
0x29: {  	s4 =	sld [smem:$0x3FB2]  }
0x2a: {  	p0 =	seq.s32 s5, $0x0;
	s5 =	sld [smem:$0x3FB3]  }
0x2b: {  	s6 =	sld [smem:$0x3FB4]  }
0x2c: {  	s7 =	sld [smem:$0x3FB5]  }
0x2d: {  	s3 =	simm.s32 $0x108;
	s8 =	sld [smem:$0x3FB6]  }
0x2e: {  	s3 =	simm.s32 @!p0 $0x1082;
	s9 =	sld [smem:$0x3FB7]  }
0x2f: {  	lr =	sadd.s32 s0, s3;
	s0 =	sld [smem:$0x3FAE]  }
0x30: {  	s3 =	sld [smem:$0x3FB1]  }
0x31: {  	[smem:$0x3FBA] =	sst s10  }
0x32: {  	s10 =	sld [smem:$0x3FB8];
	_ =	sdelay $0x3  }
0x33: {  	p0 =	seq.s32 s10, $0x1;
	s10 =	sld [smem:$0x3FBA];
	_ =	sdelay $0x3  }
0x34: {  	[smem:$0x3FBA] =	sst s10  }
0x35: {  	s10 =	sld [smem:$0x3FB9];
	_ =	sdelay $0x3  }
0x36: {  	p1 =	seq.s32 s10, $0x1;
	s10 =	sld [smem:$0x3FBA];
	_ =	sdelay $0x3  }
0x37: {  	[smem:$0x3FBA] =	sst s10  }
0x38: {  	s10 =	sld [smem:$0x3FBB]  }
0x39: {  	_ = 	snop;
	(pc) =	sbr.ind lr, $3  }
0x3a: {  	_ = 	snop  }
0x3b: {  	_ = 	snop  }
0x3c: {  	p2 =	seq.s32 s10, $0x1;
	s10 =	sld [smem:$0x3FBA]  }
0x3d: {  	_ =	shalt  }
0x3e: {  	_ =	shalt  }
0x3f: {  	_ =	shalt  }
0x40: {  	_ =	shalt  }
0x41: {  	_ =	shalt  }
0x42: {  	_ =	shalt  }
0x43: {  	_ =	shalt  }
0x44: {  	_ =	shalt  }
0x45: {  	_ =	shalt  }
0x46: {  	_ =	shalt  }
0x47: {  	_ =	shalt  }
0x48: {  	_ =	shalt  }
0x49: {  	_ =	shalt  }
0x4a: {  	_ =	shalt  }
0x4b: {  	_ =	shalt  }
0x4c: {  	_ =	shalt  }
0x4d: {  	_ =	shalt  }
0x4e: {  	_ =	shalt  }
0x4f: {  	_ =	shalt  }
0x50: {  	_ =	shalt  }
0x51: {  	_ =	shalt  }
0x52: {  	_ =	shalt  }
0x53: {  	_ =	shalt  }
0x54: {  	_ =	shalt  }
0x55: {  	_ =	shalt  }
0x56: {  	_ =	shalt  }
0x57: {  	_ =	shalt  }
0x58: {  	_ =	shalt  }
0x59: {  	_ =	shalt  }
0x5a: {  	_ =	shalt  }
0x5b: {  	_ =	shalt  }
0x5c: {  	_ =	shalt  }
0x5d: {  	_ =	shalt  }
0x5e: {  	_ =	shalt  }
0x5f: {  	_ =	shalt  }
0x60: {  	_ =	shalt  }
0x61: {  	_ =	shalt  }
0x62: {  	_ =	shalt  }
0x63: {  	_ =	shalt  }
0x64: {  	_ =	shalt  }
0x65: {  	_ =	shalt  }
0x66: {  	_ =	shalt  }
0x67: {  	_ =	shalt  }
0x68: {  	_ =	shalt  }
0x69: {  	_ =	shalt  }
0x6a: {  	_ =	shalt  }
0x6b: {  	_ =	shalt  }
0x6c: {  	_ =	shalt  }
0x6d: {  	_ =	shalt  }
0x6e: {  	_ =	shalt  }
0x6f: {  	_ =	shalt  }
0x70: {  	_ =	shalt  }
0x71: {  	_ =	shalt  }
0x72: {  	_ =	shalt  }
0x73: {  	_ =	shalt  }
0x74: {  	_ =	shalt  }
0x75: {  	_ =	shalt  }
0x76: {  	_ =	shalt  }
0x77: {  	_ =	shalt  }
0x78: {  	_ =	shalt  }
0x79: {  	_ =	shalt  }
0x7a: {  	_ =	shalt  }
0x7b: {  	_ =	shalt  }
0x7c: {  	_ =	shalt  }
0x7d: {  	_ =	shalt  }
0x7e: {  	_ =	shalt  }
0x7f: {  	_ =	shalt  }
0x80: {  	_ =	shalt  }
0x81: {  	_ =	shalt  }
0x82: {  	_ =	shalt  }
0x83: {  	_ =	shalt  }
0x84: {  	_ =	shalt  }
0x85: {  	_ =	shalt  }
0x86: {  	_ =	shalt  }
0x87: {  	_ =	shalt  }
.Lfunc_end0:
.L_simem_size_0:
called_computation_lowered:
.L_overlay_start_0:
0x88: {  	s2 =	sld [smem:$0x3FD9]  }
0x89: {  	s3 =	sld [smem:$0x3FFE];
	_ =	sdelay $0x1  }
0x8a: {  	s1 =	srdreg.scid  }
0x8b: {  	s0 =	sand.u32 $0x1, s1  }
0x8c: {  	s17 =	sshll.u32 s0, $0xA;
	s2 =	sadd.s32 s3, s2  }
0x8d: {  	s2 =	sadd.s32 s2, s17  }
0x8e: {  	[smem:$0x3FC6] =	sst s2  }
0x8f: {  	_ = 	snop  }
0x90: {  	s2 =	sld [smem:$0x3FD0];
	(tm) =	ssettm $0x1  }
0x91: {  	s18 =	sld [smem:$0x3FFB];
	_ =	sdelay $0x3  }
0x92: {  	_ =	strace s18  }
0x93: {  	s3 =	sld [smem:$0x3FFC];
	_ =	sdelay $0x3  }
0x94: {  	_ =	strace s3  }
0x95: {  	s3 =	sld [smem:$0x3FFD];
	_ =	sdelay $0x3  }
0x96: {  	_ =	strace s3  }
0x97: {  	_ =	strace $0x8FFFFFFF  }
0x98: {  	s19 =	sld [smem:$0x3FDB];
	_ =	sdelay $0x1  }
0x99: {  	s4 =	simm.s32 $_scs_section_size  }
0x9a: {  	s5 =	simm.s32 $_size__tile_overlayer_lowered;
	s6 =	simm.s32 $_tile_overlayer_lowered  }
0x9b: {  	s22 =	simm.s32 $0x1BFF;
	s21 =	sshll.u32 s6, $0x1;
	s3 =	sadd.s32 s4, s19  }
0x9c: {  	s7 =	simm.s32 $0x0;
	s20 =	sshll.u32 s5, $0x1;
	s5 =	sadd.s32 s21, s3  }
0x9d: {  	[timem:s7], [sflag:s22] =	dma.local [hbm:s5], s20  }
0x9e: {  	_ =	swait.ge [sflag:s22], s20  }
0x9f: {  	s4 =	ssub.s32 $0x0, s20;
	[sflag:s22] =	ssyncset.done $0x0  }
0xa0: {  	[sflag:s22] =	ssyncadd.s32 s4;
	_ =	sdelay $0x1  }
0xa1: {  	s23 =	simm.s32 $0x1B8B  }
0xa2: {  	_ =	swait.ge [sflag:s23], $0x1  }
0xa3: {  	[sflag:s23] =	ssyncset.done $0x0  }
0xa4: {  	s25 =	simm.s32 $0x1B8E;
	s24 =	sld [smem:$0x3FFE];
	[sflag:s23] =	ssyncadd.s32 $0xFFFFFFFF  }
0xa5: {  	s26 =	simm.s32 $execute0_lowered;
	[smem:$0x3FD2] =	sst s25  }
0xa6: {  	s5 =	sshll.u32 s26, $0x1;
	_ =	strace $0x80000046;
	[dreg:$0x1] =	wrdreg $0xFFFFFFFF  }
0xa7: {  	s28 =	simm.s32 $_size_execute0_lowered;
	s3 =	sadd.s32 s3, s5;
	[dreg:$0x0] =	wrdreg $0x0  }
0xa8: {  	s5 =	sshll.u32 s28, $0x1;
	[dreg:$0x2] =	wrdreg s3  }
0xa9: {  	[dreg:$0x3] =	wrdreg s5  }
0xaa: {  	[dreg:$0x4] =	wrdreg $0xC0  }
0xab: {  	_ =	task [dreg:s7], $0x5FFFF  }
0xac: {  	[dreg:$0x1] =	wrdreg $0xFFFFFFFF  }
0xad: {  	[dreg:$0x0] =	wrdreg $0x60  }
0xae: {  	[dreg:$0x2] =	wrdreg s24  }
0xaf: {  	[dreg:$0x3] =	wrdreg s2  }
0xb0: {  	[dreg:$0x4] =	wrdreg $0x9  }
0xb1: {  	_ =	task.clear_ibuf [dreg:s7], $0x5FFFF;
	_ =	strace $0x90000046  }
0xb2: {  	s29 =	simm.s32 $0x9;
	_ =	strace $0x80000048  }
0xb3: {  	_ =	swait.ge [sflag:s29], $0x1  }
0xb4: {  	[sflag:s29] =	ssyncadd.s32 $0xFFFFFFFF  }
0xb5: {  	_ =	strace $0x90000048  }
0xb6: {  	_ =	sfence  }
0xb7: {  	s30 =	sld [smem:$0x0];
	_ =	sdelay $0x2  }
0xb8: {  	s31 =	sshll.u32 s1, $0xD;
	s1 =	sshrl.u32 s1, $0x2  }
0xb9: {  	s3 =	sand.u32 $0x4000, s31;
	s1 =	sadd.s32 s1, s30  }
0xba: {  	s0 =	sor.u32 s3, s0;
	s1 =	sshll.u32 s1, $0x11  }
0xbb: {  	s0 =	sor.u32 s1, s0  }
0xbc: {  	s0 =	sadd.s32 $0x8F2B, s0  }
0xbd: {  	[sflag:s0] =	ssyncadd.remote.s32 $0x1  }
0xbe: {  	_ =	sfence.sel $0xFFFF  }
0xbf: {  	[dreg:$0x0] =	wrdreg $0xFFFFFFFF;
	(pc) =	sbr.abs _section_cstart, $3  }
0xc0: {  	[dreg:$0x1] =	wrdreg $0xFFFFFFFF  }
0xc1: {  	_ =	task.clear_ibuf [dreg:s7], $0x2FFFF;
	_ =	strace $0x9FFFFFFF  }
0xc2: {  	(tm) =	ssettm $0x7FFFFFFF  }
0xc3: {  	_ =	shalt  }
tec
execute0_lowered:
.L_overlay_start_1:
0x0: {  	(tag) =	ssettag $0x1  }
0x1: {  	vm14 =	vcmask $0x300;
	v0 =	vimm.s32 $0x1388  }
0x2: {  	vm13 =	vcmask $0x704;
	vm12 =	vcmask $0xB08;
	vm11 =	vcmask $0xF0C  }
0x3: {  	vm10 =	vcmask $0x1310;
	vm9 =	vcmask $0x1714;
	vm8 =	vcmask $0x1B18  }
0x4: {  	vm7 =	vcmask $0x1F1C;
	vm6 =	vcmask $0x2320;
	vm5 =	vcmask $0x2724  }
0x5: {  	vm4 =	vcmask $0x2B28;
	vm3 =	vcmask $0x2F2C;
	v1 =	vlaneseq.u32  }
0x6: {  	vm2 =	vcmask $0x3330;
	vm0 =	vcmask $0x3734;
	vm1 =	vcmask $0x3B38  }
0x7: {  	v3 =	vimm.s32 $0x2AF8;
	v4 =	vimm.s32 $0x3E8;
	v5 =	vimm.s32 $0x1B58  }
0x8: {  	v8 =	vimm.s32 $0x32C8;
	v9 =	vimm.s32 $0xBB8;
	v10 =	vimm.s32 $0x2328  }
0x9: {  	v0 =	vsel vm14, $0x3E80, v0;
	v3 =	vsel vm14, $0x55F0, v3;
	v4 =	vsel vm14, $0x2EE0, v4  }
0xa: {  	v5 =	vsel vm14, $0x4650, v5;
	v8 =	vsel vm14, $0x5DC0, v8;
	v9 =	vsel vm14, $0x36B0, v9  }
0xb: {  	s1 =	srdreg.scid;
	s3 =	rddreg [dreg:$0x0];
	v10 =	vsel vm14, $0x4E20, v10;
	v0 =	vsel vm13, $0x4268, v0;
	v3 =	vsel vm13, $0x59D8, v3  }
0xc: {  	s0 =	stileid.u32;
	s5 =	rddreg [dreg:$0x1];
	v4 =	vsel vm13, $0x32C8, v4;
	v5 =	vsel vm13, $0x4A38, v5;
	v8 =	vsel vm13, $0x61A8, v8  }
0xd: {  	s13 =	simm.s32 $0x100;
	s1 =	sand.u32 $0x1, s1;
	s2 =	sshll.u32 s0, $0x1;
	v9 =	vsel vm13, $0x3A98, v9;
	v10 =	vsel vm13, $0x5208, v10;
	v0 =	vsel vm12, $0x4650, v0  }
0xe: {  	s14 =	simm.s32 $0x180;
	s4 =	sor.u32 s1, s2;
	s2 =	simm.s32 $0x0;
	v3 =	vsel vm12, $0x5DC0, v3;
	v4 =	vsel vm12, $0x36B0, v4;
	v5 =	vsel vm12, $0x4E20, v5  }
0xf: {  	s15 =	simm.s32 $0x200;
	s16 =	simm.s32 $0x280;
	[smem:$0x7FF] =	sst s2;
	v8 =	vsel vm12, $0x0, v8;
	v9 =	vsel vm12, $0x3E80, v9;
	v10 =	vsel vm12, $0x55F0, v10  }
0x10: {  	s17 =	simm.s32 $0x300;
	v0 =	vsel vm11, $0x4A38, v0;
	_ =	strace $0x80000047;
	v3 =	vsel vm11, $0x61A8, v3;
	v4 =	vsel vm11, $0x3A98, v4;
	[dreg:$0x11] =	wrdreg s13  }
0x11: {  	s18 =	simm.s32 $0x380;
	s19 =	simm.s32 $0x400;
	v5 =	vsel vm11, $0x5208, v5;
	[dreg:$0x12] =	wrdreg s14;
	v8 =	vsel vm11, $0x3E8, v8;
	v9 =	vsel vm11, $0x4268, v9  }
0x12: {  	s20 =	simm.s32 $0x480;
	s21 =	simm.s32 $0x500;
	[dreg:$0x13] =	wrdreg s15;
	v10 =	vsel vm11, $0x59D8, v10;
	v0 =	vsel vm10, $0x4E20, v0;
	v3 =	vsel vm10, $0x0, v3  }
0x13: {  	s28 =	simm.s32 $0xA80;
	s29 =	simm.s32 $0xB00;
	[dreg:$0x14] =	wrdreg s16;
	v4 =	vsel vm10, $0x3E80, v4;
	v5 =	vsel vm10, $0x55F0, v5;
	v8 =	vsel vm10, $0x7D0, v8  }
0x14: {  	s30 =	simm.s32 $0xB80;
	s6 =	smul.u32 $0x1A0, s4;
	[dreg:$0x15] =	wrdreg s17;
	v9 =	vsel vm10, $0x4650, v9;
	v10 =	vsel vm10, $0x5DC0, v10;
	v0 =	vsel vm9, $0x5208, v0  }
0x15: {  	s1 =	ssub.s32 $0x2, s1;
	s7 =	smul.u32 $0x34000, s4;
	[dreg:$0x16] =	wrdreg s18;
	v3 =	vsel vm9, $0x3E8, v3;
	v4 =	vsel vm9, $0x4268, v4;
	v5 =	vsel vm9, $0x59D8, v5  }
0x16: {  	s4 =	smul.u32 $0x6800, s4;
	s11 =	sshrl.u32 s1, $0x1;
	[dreg:$0x17] =	wrdreg s19;
	v8 =	vsel vm9, $0xBB8, v8;
	v9 =	vsel vm9, $0x4A38, v9;
	v10 =	vsel vm9, $0x61A8, v10  }
0x17: {  	s31 =	simm.s32 $0xC00;
	s1 =	ssub.s32 s1, s11;
	[dreg:$0x18] =	wrdreg s20;
	v0 =	vsel vm8, $0x55F0, v0;
	v3 =	vsel vm8, $0x7D0, v3;
	v4 =	vsel vm8, $0x4650, v4  }
0x18: {  	[dreg:$0x19] =	wrdreg s21;
	s6 =	sadd.s32 s6, s3;
	s22 =	sadd.s32 s5, s4;
	v5 =	vsel vm8, $0x5DC0, v5;
	v8 =	vsel vm8, $0xFA0, v8;
	v9 =	vsel vm8, $0x4E20, v9  }
0x19: {  	s7 =	sshrl.u32 s7, $0x3;
	s6 =	sadd.s32 $0x400, s6;
	[dreg:$0x4] =	wrdreg s22;
	v10 =	vsel vm8, $0x0, v10;
	v0 =	vsel vm7, $0x59D8, v0;
	v3 =	vsel vm7, $0xBB8, v3  }
0x1a: {  	s23 =	sadd.s32 s5, s7;
	s22 =	simm.s32 $0x580;
	[dreg:$0x3] =	wrdreg s6;
	v4 =	vsel vm7, $0x4A38, v4;
	v5 =	vsel vm7, $0x61A8, v5;
	v8 =	vsel vm7, $0x1388, v8  }
0x1b: {  	s11 =	simm.s32 $0x8D00;
	s5 =	sadd.s32 $0x800, s23;
	[dreg:$0x1a] =	wrdreg s22;
	v9 =	vsel vm7, $0x5208, v9;
	v10 =	vsel vm7, $0x3E8, v10;
	v0 =	vsel vm6, $0x5DC0, v0  }
0x1c: {  	s13 =	simm.s32 $0x1;
	s24 =	sadd.s32 $0x1000, s23;
	[dreg:$0x5] =	wrdreg s5;
	v3 =	vsel vm6, $0xFA0, v3;
	v4 =	vsel vm6, $0x4E20, v4;
	v5 =	vsel vm6, $0x0, v5  }
0x1d: {  	s14 =	simm.s32 $0x2;
	s25 =	sadd.s32 $0x1800, s23;
	[dreg:$0x6] =	wrdreg s24;
	v8 =	vsel vm6, $0x1770, v8;
	v9 =	vsel vm6, $0x55F0, v9;
	v10 =	vsel vm6, $0x7D0, v10  }
0x1e: {  	s15 =	simm.s32 $0x7;
	s26 =	sadd.s32 $0x2000, s23;
	[dreg:$0x7] =	wrdreg s25;
	v0 =	vsel vm5, $0x61A8, v0;
	v3 =	vsel vm5, $0x1388, v3;
	v4 =	vsel vm5, $0x5208, v4  }
0x1f: {  	s16 =	simm.s32 $0x3;
	s0 =	sadd.s32 $0x2800, s23;
	[dreg:$0x8] =	wrdreg s26;
	v5 =	vsel vm5, $0x3E8, v5;
	v8 =	vsel vm5, $0x1B58, v8;
	v9 =	vsel vm5, $0x59D8, v9  }
0x20: {  	s17 =	simm.s32 $0x4;
	s6 =	sadd.s32 $0x3000, s23;
	[dreg:$0x9] =	wrdreg s0;
	v10 =	vsel vm5, $0xBB8, v10;
	v0 =	vsel vm4, $0x0, v0;
	v3 =	vsel vm4, $0x1770, v3  }
0x21: {  	s18 =	simm.s32 $0x8;
	s7 =	sadd.s32 $0x3800, s23;
	[dreg:$0xa] =	wrdreg s6;
	v4 =	vsel vm4, $0x55F0, v4;
	v5 =	vsel vm4, $0x7D0, v5;
	v8 =	vsel vm4, $0x1F40, v8  }
0x22: {  	s19 =	simm.s32 $0x5;
	s8 =	sadd.s32 $0x4000, s23;
	[dreg:$0xb] =	wrdreg s7;
	v9 =	vsel vm4, $0x5DC0, v9;
	v10 =	vsel vm4, $0xFA0, v10;
	v2 =	vsel vm3, $0x3E8, v0  }
0x23: {  	s20 =	simm.s32 $0x6;
	s9 =	sadd.s32 $0x4800, s23;
	[dreg:$0xc] =	wrdreg s8;
	v0 =	vmul.u32 $0x3E8, v1;
	v3 =	vsel vm3, $0x1B58, v3;
	v4 =	vsel vm3, $0x59D8, v4  }
0x24: {  	s21 =	simm.s32 $0x9;
	s10 =	sadd.s32 $0x5000, s23;
	[dreg:$0xd] =	wrdreg s9;
	v5 =	vsel vm3, $0xBB8, v5;
	v8 =	vsel vm3, $0x2328, v8;
	v9 =	vsel vm3, $0x61A8, v9  }
0x25: {  	s3 =	sadd.s32 $0x3800, s3;
	s12 =	sadd.s32 $0x5800, s23;
	[dreg:$0xe] =	wrdreg s10;
	v10 =	vsel vm3, $0x1388, v10;
	v1 =	vsel vm2, $0x7D0, v2;
	v3 =	vsel vm2, $0x1F40, v3  }
0x26: {  	s4 =	sadd.s32 $0x6000, s23;
	s23 =	simm.s32 $0x600;
	[dreg:$0xf] =	wrdreg s12;
	v4 =	vsel vm2, $0x5DC0, v4;
	v5 =	vsel vm2, $0xFA0, v5;
	v8 =	vsel vm2, $0x2710, v8  }
0x27: {  	[dreg:$0x10] =	wrdreg s4;
	s4 =	smax.u32 s1, $0x1;
	s5 =	simm.s32 $0xA;
	v9 =	vsel vm2, $0x0, v9;
	v10 =	vsel vm2, $0x1770, v10;
	v1 =	vsel vm0, $0xBB8, v1  }
0x28: {  	s6 =	simm.s32 $0x80;
	s7 =	simm.s32 $0xD00;
	s8 =	simm.s32 $0x2D00;
	v2 =	vadd.s32 $0x1770, v0;
	v3 =	vsel vm0, $0x2328, v3;
	v4 =	vsel vm0, $0x61A8, v4  }
0x29: {  	s9 =	simm.s32 $0x4D00;
	[dreg:$0x1b] =	wrdreg s23;
	s24 =	simm.s32 $0x680;
	v6 =	vsel vm0, $0x1388, v5;
	v5 =	vadd.s32 $0x7D0, v0;
	v7 =	vadd.s32 $0x1F40, v0  }
0x2a: {  	s10 =	simm.s32 $0x6D00;
	s25 =	simm.s32 $0x700;
	[dreg:$0x1c] =	wrdreg s24;
	v8 =	vsel vm0, $0x2AF8, v8;
	v9 =	vsel vm0, $0x3E8, v9;
	v11 =	vsel vm0, $0x1B58, v10  }
0x2b: {  	s12 =	simm.s32 $0xAD00;
	s26 =	simm.s32 $0x780;
	[dreg:$0x1d] =	wrdreg s25;
	v10 =	vadd.s32 $0xFA0, v0;
	v12 =	vadd.s32 $0x2710, v0;
	v1 =	vsel vm1, $0xFA0, v1  }
0x2c: {  	s23 =	simm.s32 $0x880;
	s1 =	simm.s32 $0xC80;
	[dreg:$0x1e] =	wrdreg s26;
	v3 =	vsel vm1, $0x2710, v3;
	v4 =	vsel vm1, $0x0, v4;
	v6 =	vsel vm1, $0x1770, v6  }
0x2d: {  	s24 =	simm.s32 $0x900;
	s25 =	simm.s32 $0x980;
	s26 =	simm.s32 $0xA00;
	v8 =	vsel vm1, $0x2EE0, v8;
	v9 =	vsel vm1, $0x7D0, v9;
	v11 =	vsel vm1, $0x1F40, v11  }
.LBB2_1:
0x2e: {  	s0 =	rddreg [dreg:$0x3]  }
0x2f: {  	[tilespmem:s2], [sflag:$0xA] =	stream.linear.gather [hbm4b:s0+s2], $0xD00, $0x38;
	[tilespmem:$0xCD00] =	vst v63  }
0x30: {  	_ =	swait.ge [sflag:s5], $0xD00  }
0x31: {  	[sflag:s5] =	ssyncset.done $0x0  }
0x32: {  	[sflag:s5] =	ssyncadd.s32 $0xFFFFF300  }
0x33: {  	v13 =	vld [tilespmem:$0x0]  }
0x34: {  	v14 =	vld [tilespmem:$0x10]  }
0x35: {  	v15 =	vld [tilespmem:$0x20]  }
0x36: {  	v16 =	vld [tilespmem:$0x30]  }
0x37: {  	v17 =	vld [tilespmem:$0x40]  }
0x38: {  	v18 =	vld [tilespmem:$0x50];
	v13 =	vadd.s32 v0, v13  }
0x39: {  	[tilespmem:$0x0] =	vst v13;
	v13 =	vadd.s32 v1, v14;
	v14 =	vld [tilespmem:$0x60]  }
0x3a: {  	[tilespmem:$0x10] =	vst v13;
	v13 =	vadd.s32 v2, v15;
	v15 =	vld [tilespmem:$0x70]  }
0x3b: {  	v34 =	vld [tilespmem:$0x80];
	[tilespmem:$0x20] =	vst v13;
	v13 =	vadd.s32 v3, v16  }
0x3c: {  	v35 =	vld [tilespmem:$0x90];
	[tilespmem:$0x30] =	vst v13;
	v13 =	vadd.s32 v4, v17  }
0x3d: {  	v36 =	vld [tilespmem:$0xA0];
	[tilespmem:$0x40] =	vst v13;
	v13 =	vadd.s32 v5, v18  }
0x3e: {  	[tilespmem:$0x50] =	vst v13;
	v13 =	vadd.s32 v6, v14;
	v14 =	vld [tilespmem:$0xB0]  }
0x3f: {  	[tilespmem:$0x60] =	vst v13;
	v13 =	vadd.s32 v7, v15;
	v15 =	vld [tilespmem:$0xC0]  }
0x40: {  	v37 =	vld [tilespmem:$0xD0];
	[tilespmem:$0x70] =	vst v13;
	v13 =	vadd.s32 v8, v34  }
0x41: {  	v38 =	vld [tilespmem:$0xE0];
	[tilespmem:$0x80] =	vst v13;
	v13 =	vadd.s32 v9, v35  }
0x42: {  	v39 =	vld [tilespmem:$0xF0];
	[tilespmem:$0x90] =	vst v13;
	v13 =	vadd.s32 v10, v36  }
0x43: {  	[tilespmem:$0xA0] =	vst v13;
	v13 =	vadd.s32 v11, v14  }
0x44: {  	[tilespmem:$0xB0] =	vst v13;
	v13 =	vadd.s32 v12, v15  }
0x45: {  	[tilespmem:$0xC0] =	vst v13;
	v13 =	vadd.s32 v0, v37  }
0x46: {  	[tilespmem:$0xD0] =	vst v13;
	v13 =	vadd.s32 v1, v38  }
0x47: {  	[tilespmem:$0xE0] =	vst v13;
	v13 =	vadd.s32 v2, v39  }
0x48: {  	[tilespmem:$0xF0] =	vst v13  }
0x49: {  	[tilespmem:s7], [sflag:$0x1] =	stream.indirect.gather [hbm4b:s3+s6], $0x40, s2, s6, $0xb8;
	[tilespmem:$0xCD00] =	vst v63  }
0x4a: {  	_ = 	snop  }
0x4b: {  	[tilespmem:s8], [sflag:$0x2] =	stream.indirect.gather [hbm4b:s3+s6], $0x40, s6, s6, $0xb8;
	[tilespmem:$0xCD00] =	vst v63  }
0x4c: {  	v13 =	vld [tilespmem:$0x100]  }
0x4d: {  	v14 =	vld [tilespmem:$0x110]  }
0x4e: {  	v15 =	vld [tilespmem:$0x120]  }
0x4f: {  	v40 =	vld [tilespmem:$0x130]  }
0x50: {  	v41 =	vld [tilespmem:$0x140]  }
0x51: {  	v42 =	vld [tilespmem:$0x150];
	v13 =	vadd.s32 v3, v13  }
0x52: {  	[tilespmem:$0x100] =	vst v13;
	v13 =	vadd.s32 v4, v14;
	v14 =	vld [tilespmem:$0x160]  }
0x53: {  	[tilespmem:$0x110] =	vst v13;
	v13 =	vadd.s32 v5, v15;
	v15 =	vld [tilespmem:$0x170]  }
0x54: {  	v43 =	vld [tilespmem:$0x180];
	[tilespmem:$0x120] =	vst v13;
	v13 =	vadd.s32 v6, v40  }
0x55: {  	v44 =	vld [tilespmem:$0x190];
	[tilespmem:$0x130] =	vst v13;
	v13 =	vadd.s32 v7, v41  }
0x56: {  	v45 =	vld [tilespmem:$0x1A0];
	[tilespmem:$0x140] =	vst v13;
	v13 =	vadd.s32 v8, v42  }
0x57: {  	[tilespmem:$0x150] =	vst v13;
	v13 =	vadd.s32 v9, v14;
	v14 =	vld [tilespmem:$0x1B0]  }
0x58: {  	[tilespmem:$0x160] =	vst v13;
	v13 =	vadd.s32 v10, v15;
	v15 =	vld [tilespmem:$0x1C0]  }
0x59: {  	[tilespmem:$0x170] =	vst v13;
	v13 =	vadd.s32 v11, v43  }
0x5a: {  	[tilespmem:$0x180] =	vst v13;
	v13 =	vadd.s32 v12, v44  }
0x5b: {  	[tilespmem:$0x190] =	vst v13;
	v13 =	vadd.s32 v0, v45  }
0x5c: {  	[tilespmem:$0x1A0] =	vst v13;
	v13 =	vadd.s32 v1, v14  }
0x5d: {  	[tilespmem:$0x1B0] =	vst v13;
	v13 =	vadd.s32 v2, v15  }
0x5e: {  	[tilespmem:$0x1C0] =	vst v13  }
0x5f: {  	v13 =	vld [tilespmem:$0x1D0]  }
0x60: {  	v14 =	vld [tilespmem:$0x1E0]  }
0x61: {  	v15 =	vld [tilespmem:$0x1F0];
	_ =	sdelay $0x2  }
0x62: {  	v13 =	vadd.s32 v3, v13  }
0x63: {  	[tilespmem:$0x1D0] =	vst v13;
	v13 =	vadd.s32 v4, v14  }
0x64: {  	[tilespmem:$0x1E0] =	vst v13;
	v13 =	vadd.s32 v5, v15  }
0x65: {  	s0 =	rddreg [dreg:$0x11];
	[tilespmem:$0x1F0] =	vst v13  }
0x66: {  	[tilespmem:s9], [sflag:$0x3] =	stream.indirect.gather [hbm4b:s3+s6], $0x40, s0, s6, $0xb8;
	[tilespmem:$0xCD00] =	vst v63  }
0x67: {  	s22 =	rddreg [dreg:$0x12]  }
0x68: {  	[tilespmem:s10], [sflag:$0x4] =	stream.indirect.gather [hbm4b:s3+s6], $0x40, s22, s6, $0xb8;
	[tilespmem:$0xCD00] =	vst v63  }
0x69: {  	v13 =	vld [tilespmem:$0x200]  }
0x6a: {  	v14 =	vld [tilespmem:$0x210]  }
0x6b: {  	v15 =	vld [tilespmem:$0x220]  }
0x6c: {  	v46 =	vld [tilespmem:$0x230]  }
0x6d: {  	v47 =	vld [tilespmem:$0x240]  }
0x6e: {  	v48 =	vld [tilespmem:$0x250];
	v13 =	vadd.s32 v6, v13  }
0x6f: {  	[tilespmem:$0x200] =	vst v13;
	v13 =	vadd.s32 v7, v14;
	v14 =	vld [tilespmem:$0x260]  }
0x70: {  	[tilespmem:$0x210] =	vst v13;
	v13 =	vadd.s32 v8, v15;
	v15 =	vld [tilespmem:$0x270]  }
0x71: {  	v49 =	vld [tilespmem:$0x280];
	[tilespmem:$0x220] =	vst v13;
	v13 =	vadd.s32 v9, v46  }
0x72: {  	v50 =	vld [tilespmem:$0x290];
	[tilespmem:$0x230] =	vst v13;
	v13 =	vadd.s32 v10, v47  }
0x73: {  	v51 =	vld [tilespmem:$0x2A0];
	[tilespmem:$0x240] =	vst v13;
	v13 =	vadd.s32 v11, v48  }
0x74: {  	[tilespmem:$0x250] =	vst v13;
	v13 =	vadd.s32 v12, v14;
	v14 =	vld [tilespmem:$0x2B0]  }
0x75: {  	[tilespmem:$0x260] =	vst v13;
	v13 =	vadd.s32 v0, v15;
	v15 =	vld [tilespmem:$0x2C0]  }
0x76: {  	v52 =	vld [tilespmem:$0x2D0];
	[tilespmem:$0x270] =	vst v13;
	v13 =	vadd.s32 v1, v49  }
0x77: {  	v53 =	vld [tilespmem:$0x2E0];
	[tilespmem:$0x280] =	vst v13;
	v13 =	vadd.s32 v2, v50  }
0x78: {  	v54 =	vld [tilespmem:$0x2F0];
	[tilespmem:$0x290] =	vst v13;
	v13 =	vadd.s32 v3, v51  }
0x79: {  	[tilespmem:$0x2A0] =	vst v13;
	v13 =	vadd.s32 v4, v14  }
0x7a: {  	[tilespmem:$0x2B0] =	vst v13;
	v13 =	vadd.s32 v5, v15  }
0x7b: {  	[tilespmem:$0x2C0] =	vst v13;
	v13 =	vadd.s32 v6, v52  }
0x7c: {  	[tilespmem:$0x2D0] =	vst v13;
	v13 =	vadd.s32 v7, v53  }
0x7d: {  	[tilespmem:$0x2E0] =	vst v13;
	v13 =	vadd.s32 v8, v54  }
0x7e: {  	s0 =	rddreg [dreg:$0x13];
	[tilespmem:$0x2F0] =	vst v13  }
0x7f: {  	[tilespmem:s11], [sflag:$0x5] =	stream.indirect.gather [hbm4b:s3+s6], $0x40, s0, s6, $0xb8;
	[tilespmem:$0xCD00] =	vst v63  }
0x80: {  	s22 =	rddreg [dreg:$0x14]  }
0x81: {  	[tilespmem:s12], [sflag:$0x6] =	stream.indirect.gather [hbm4b:s3+s6], $0x40, s22, s6, $0xb8;
	[tilespmem:$0xCD00] =	vst v63  }
0x82: {  	v13 =	vld [tilespmem:$0x300]  }
0x83: {  	v14 =	vld [tilespmem:$0x310]  }
0x84: {  	v15 =	vld [tilespmem:$0x320]  }
0x85: {  	v55 =	vld [tilespmem:$0x330]  }
0x86: {  	v56 =	vld [tilespmem:$0x340]  }
0x87: {  	v57 =	vld [tilespmem:$0x350];
	v13 =	vadd.s32 v9, v13  }
0x88: {  	[tilespmem:$0x300] =	vst v13;
	v13 =	vadd.s32 v10, v14;
	v14 =	vld [tilespmem:$0x360]  }
0x89: {  	[tilespmem:$0x310] =	vst v13;
	v13 =	vadd.s32 v11, v15;
	v15 =	vld [tilespmem:$0x370]  }
0x8a: {  	v58 =	vld [tilespmem:$0x380];
	[tilespmem:$0x320] =	vst v13;
	v13 =	vadd.s32 v12, v55  }
0x8b: {  	v59 =	vld [tilespmem:$0x390];
	[tilespmem:$0x330] =	vst v13;
	v13 =	vadd.s32 v0, v56  }
0x8c: {  	v60 =	vld [tilespmem:$0x3A0];
	[tilespmem:$0x340] =	vst v13;
	v13 =	vadd.s32 v1, v57  }
0x8d: {  	[tilespmem:$0x350] =	vst v13;
	v13 =	vadd.s32 v2, v14;
	v14 =	vld [tilespmem:$0x3B0]  }
0x8e: {  	[tilespmem:$0x360] =	vst v13;
	v13 =	vadd.s32 v3, v15;
	v15 =	vld [tilespmem:$0x3C0]  }
0x8f: {  	v61 =	vld [tilespmem:$0x3D0];
	[tilespmem:$0x370] =	vst v13;
	v13 =	vadd.s32 v4, v58  }
0x90: {  	v62 =	vld [tilespmem:$0x3E0];
	[tilespmem:$0x380] =	vst v13;
	v13 =	vadd.s32 v5, v59  }
0x91: {  	v63 =	vld [tilespmem:$0x3F0];
	[tilespmem:$0x390] =	vst v13;
	v13 =	vadd.s32 v6, v60  }
0x92: {  	[tilespmem:$0x3A0] =	vst v13;
	v13 =	vadd.s32 v7, v14;
	v14 =	vld [tilespmem:$0x400]  }
0x93: {  	[tilespmem:$0x3B0] =	vst v13;
	v13 =	vadd.s32 v8, v15;
	v15 =	vld [tilespmem:$0x410]  }
0x94: {  	v21 =	vld [tilespmem:$0x420];
	[tilespmem:$0x3C0] =	vst v13;
	v13 =	vadd.s32 v9, v61  }
0x95: {  	v22 =	vld [tilespmem:$0x430];
	[tilespmem:$0x3D0] =	vst v13;
	v13 =	vadd.s32 v10, v62  }
0x96: {  	v23 =	vld [tilespmem:$0x440];
	[tilespmem:$0x3E0] =	vst v13;
	v13 =	vadd.s32 v11, v63  }
0x97: {  	[tilespmem:$0x3F0] =	vst v13;
	v13 =	vadd.s32 v12, v14;
	v14 =	vld [tilespmem:$0x450]  }
0x98: {  	[tilespmem:$0x400] =	vst v13;
	v13 =	vadd.s32 v0, v15;
	v15 =	vld [tilespmem:$0x460]  }
0x99: {  	v24 =	vld [tilespmem:$0x470];
	[tilespmem:$0x410] =	vst v13;
	v13 =	vadd.s32 v1, v21  }
0x9a: {  	v25 =	vld [tilespmem:$0x480];
	[tilespmem:$0x420] =	vst v13;
	v13 =	vadd.s32 v2, v22  }
0x9b: {  	v26 =	vld [tilespmem:$0x490];
	[tilespmem:$0x430] =	vst v13;
	v13 =	vadd.s32 v3, v23  }
0x9c: {  	[tilespmem:$0x440] =	vst v13;
	v13 =	vadd.s32 v4, v14;
	v14 =	vld [tilespmem:$0x4A0]  }
0x9d: {  	[tilespmem:$0x450] =	vst v13;
	v13 =	vadd.s32 v5, v15;
	v15 =	vld [tilespmem:$0x4B0]  }
0x9e: {  	v27 =	vld [tilespmem:$0x4C0];
	[tilespmem:$0x460] =	vst v13;
	v13 =	vadd.s32 v6, v24  }
0x9f: {  	v28 =	vld [tilespmem:$0x4D0];
	[tilespmem:$0x470] =	vst v13;
	v13 =	vadd.s32 v7, v25  }
0xa0: {  	v29 =	vld [tilespmem:$0x4E0];
	[tilespmem:$0x480] =	vst v13;
	v13 =	vadd.s32 v8, v26  }
0xa1: {  	[tilespmem:$0x490] =	vst v13;
	v13 =	vadd.s32 v9, v14;
	v14 =	vld [tilespmem:$0x4F0]  }
0xa2: {  	[tilespmem:$0x4A0] =	vst v13;
	v13 =	vadd.s32 v10, v15;
	v15 =	vld [tilespmem:$0x500]  }
0xa3: {  	v30 =	vld [tilespmem:$0x510];
	[tilespmem:$0x4B0] =	vst v13;
	v13 =	vadd.s32 v11, v27  }
0xa4: {  	v31 =	vld [tilespmem:$0x520];
	[tilespmem:$0x4C0] =	vst v13;
	v13 =	vadd.s32 v12, v28  }
0xa5: {  	v32 =	vld [tilespmem:$0x530];
	[tilespmem:$0x4D0] =	vst v13;
	v13 =	vadd.s32 v0, v29  }
0xa6: {  	[tilespmem:$0x4E0] =	vst v13;
	v13 =	vadd.s32 v1, v14;
	v14 =	vld [tilespmem:$0x540]  }
0xa7: {  	[tilespmem:$0x4F0] =	vst v13;
	v13 =	vadd.s32 v2, v15;
	v15 =	vld [tilespmem:$0x550]  }
0xa8: {  	v33 =	vld [tilespmem:$0x560];
	[tilespmem:$0x500] =	vst v13;
	v13 =	vadd.s32 v3, v30  }
0xa9: {  	v34 =	vld [tilespmem:$0x570];
	[tilespmem:$0x510] =	vst v13;
	v13 =	vadd.s32 v4, v31  }
0xaa: {  	v35 =	vld [tilespmem:$0x580];
	[tilespmem:$0x520] =	vst v13;
	v13 =	vadd.s32 v5, v32  }
0xab: {  	[tilespmem:$0x530] =	vst v13;
	v13 =	vadd.s32 v6, v14;
	v14 =	vld [tilespmem:$0x590]  }
0xac: {  	[tilespmem:$0x540] =	vst v13;
	v13 =	vadd.s32 v7, v15;
	v15 =	vld [tilespmem:$0x5A0]  }
0xad: {  	v36 =	vld [tilespmem:$0x5B0];
	[tilespmem:$0x550] =	vst v13;
	v13 =	vadd.s32 v8, v33  }
0xae: {  	v37 =	vld [tilespmem:$0x5C0];
	[tilespmem:$0x560] =	vst v13;
	v13 =	vadd.s32 v9, v34  }
0xaf: {  	v38 =	vld [tilespmem:$0x5D0];
	[tilespmem:$0x570] =	vst v13;
	v13 =	vadd.s32 v10, v35  }
0xb0: {  	[tilespmem:$0x580] =	vst v13;
	v13 =	vadd.s32 v11, v14;
	v14 =	vld [tilespmem:$0x5E0]  }
0xb1: {  	[tilespmem:$0x590] =	vst v13;
	v13 =	vadd.s32 v12, v15;
	v15 =	vld [tilespmem:$0x5F0]  }
0xb2: {  	v39 =	vld [tilespmem:$0x600];
	[tilespmem:$0x5A0] =	vst v13;
	v13 =	vadd.s32 v0, v36  }
0xb3: {  	v40 =	vld [tilespmem:$0x610];
	[tilespmem:$0x5B0] =	vst v13;
	v13 =	vadd.s32 v1, v37  }
0xb4: {  	v41 =	vld [tilespmem:$0x620];
	[tilespmem:$0x5C0] =	vst v13;
	v13 =	vadd.s32 v2, v38  }
0xb5: {  	[tilespmem:$0x5D0] =	vst v13;
	v13 =	vadd.s32 v3, v14;
	v14 =	vld [tilespmem:$0x630]  }
0xb6: {  	[tilespmem:$0x5E0] =	vst v13;
	v13 =	vadd.s32 v4, v15;
	v15 =	vld [tilespmem:$0x640]  }
0xb7: {  	v42 =	vld [tilespmem:$0x650];
	[tilespmem:$0x5F0] =	vst v13;
	v13 =	vadd.s32 v5, v39  }
0xb8: {  	v43 =	vld [tilespmem:$0x660];
	[tilespmem:$0x600] =	vst v13;
	v13 =	vadd.s32 v6, v40  }
0xb9: {  	v44 =	vld [tilespmem:$0x670];
	[tilespmem:$0x610] =	vst v13;
	v13 =	vadd.s32 v7, v41  }
0xba: {  	[tilespmem:$0x620] =	vst v13;
	v13 =	vadd.s32 v8, v14;
	v14 =	vld [tilespmem:$0x680]  }
0xbb: {  	[tilespmem:$0x630] =	vst v13;
	v13 =	vadd.s32 v9, v15;
	v15 =	vld [tilespmem:$0x690]  }
0xbc: {  	v45 =	vld [tilespmem:$0x6A0];
	[tilespmem:$0x640] =	vst v13;
	v13 =	vadd.s32 v10, v42  }
0xbd: {  	v46 =	vld [tilespmem:$0x6B0];
	[tilespmem:$0x650] =	vst v13;
	v13 =	vadd.s32 v11, v43  }
0xbe: {  	v47 =	vld [tilespmem:$0x6C0];
	[tilespmem:$0x660] =	vst v13;
	v13 =	vadd.s32 v12, v44  }
0xbf: {  	[tilespmem:$0x670] =	vst v13;
	v13 =	vadd.s32 v0, v14;
	v14 =	vld [tilespmem:$0x6D0]  }
0xc0: {  	[tilespmem:$0x680] =	vst v13;
	v13 =	vadd.s32 v1, v15;
	v15 =	vld [tilespmem:$0x6E0]  }
0xc1: {  	v48 =	vld [tilespmem:$0x6F0];
	[tilespmem:$0x690] =	vst v13;
	v13 =	vadd.s32 v2, v45  }
0xc2: {  	v49 =	vld [tilespmem:$0x700];
	[tilespmem:$0x6A0] =	vst v13;
	v13 =	vadd.s32 v3, v46  }
0xc3: {  	v50 =	vld [tilespmem:$0x710];
	[tilespmem:$0x6B0] =	vst v13;
	v13 =	vadd.s32 v4, v47  }
0xc4: {  	[tilespmem:$0x6C0] =	vst v13;
	v13 =	vadd.s32 v5, v14;
	v14 =	vld [tilespmem:$0x720]  }
0xc5: {  	[tilespmem:$0x6D0] =	vst v13;
	v13 =	vadd.s32 v6, v15;
	v15 =	vld [tilespmem:$0x730]  }
0xc6: {  	v51 =	vld [tilespmem:$0x740];
	[tilespmem:$0x6E0] =	vst v13;
	v13 =	vadd.s32 v7, v48  }
0xc7: {  	v52 =	vld [tilespmem:$0x750];
	[tilespmem:$0x6F0] =	vst v13;
	v13 =	vadd.s32 v8, v49  }
0xc8: {  	v53 =	vld [tilespmem:$0x760];
	[tilespmem:$0x700] =	vst v13;
	v13 =	vadd.s32 v9, v50  }
0xc9: {  	[tilespmem:$0x710] =	vst v13;
	v13 =	vadd.s32 v10, v14;
	v14 =	vld [tilespmem:$0x770]  }
0xca: {  	[tilespmem:$0x720] =	vst v13;
	v13 =	vadd.s32 v11, v15;
	v15 =	vld [tilespmem:$0x780]  }
0xcb: {  	v54 =	vld [tilespmem:$0x790];
	[tilespmem:$0x730] =	vst v13;
	v13 =	vadd.s32 v12, v51  }
0xcc: {  	v55 =	vld [tilespmem:$0x7A0];
	[tilespmem:$0x740] =	vst v13;
	v13 =	vadd.s32 v0, v52  }
0xcd: {  	v56 =	vld [tilespmem:$0x7B0];
	[tilespmem:$0x750] =	vst v13;
	v13 =	vadd.s32 v1, v53  }
0xce: {  	[tilespmem:$0x760] =	vst v13;
	v13 =	vadd.s32 v2, v14;
	v14 =	vld [tilespmem:$0x7C0]  }
0xcf: {  	[tilespmem:$0x770] =	vst v13;
	v13 =	vadd.s32 v3, v15;
	v15 =	vld [tilespmem:$0x7D0]  }
0xd0: {  	v57 =	vld [tilespmem:$0x7E0];
	[tilespmem:$0x780] =	vst v13;
	v13 =	vadd.s32 v4, v54  }
0xd1: {  	v58 =	vld [tilespmem:$0x7F0];
	[tilespmem:$0x790] =	vst v13;
	v13 =	vadd.s32 v5, v55  }
0xd2: {  	v59 =	vld [tilespmem:$0x800];
	[tilespmem:$0x7A0] =	vst v13;
	v13 =	vadd.s32 v6, v56  }
0xd3: {  	[tilespmem:$0x7B0] =	vst v13;
	v13 =	vadd.s32 v7, v14;
	v14 =	vld [tilespmem:$0x810]  }
0xd4: {  	[tilespmem:$0x7C0] =	vst v13;
	v13 =	vadd.s32 v8, v15;
	v15 =	vld [tilespmem:$0x820]  }
0xd5: {  	v60 =	vld [tilespmem:$0x830];
	[tilespmem:$0x7D0] =	vst v13;
	v13 =	vadd.s32 v9, v57  }
0xd6: {  	v61 =	vld [tilespmem:$0x840];
	[tilespmem:$0x7E0] =	vst v13;
	v13 =	vadd.s32 v10, v58  }
0xd7: {  	v62 =	vld [tilespmem:$0x850];
	[tilespmem:$0x7F0] =	vst v13;
	v13 =	vadd.s32 v11, v59  }
0xd8: {  	[tilespmem:$0x800] =	vst v13;
	v13 =	vadd.s32 v12, v14;
	v14 =	vld [tilespmem:$0x860]  }
0xd9: {  	[tilespmem:$0x810] =	vst v13;
	v13 =	vadd.s32 v0, v15;
	v15 =	vld [tilespmem:$0x870]  }
0xda: {  	v63 =	vld [tilespmem:$0x880];
	[tilespmem:$0x820] =	vst v13;
	v13 =	vadd.s32 v1, v60  }
0xdb: {  	v21 =	vld [tilespmem:$0x890];
	[tilespmem:$0x830] =	vst v13;
	v13 =	vadd.s32 v2, v61  }
0xdc: {  	v22 =	vld [tilespmem:$0x8A0];
	[tilespmem:$0x840] =	vst v13;
	v13 =	vadd.s32 v3, v62  }
0xdd: {  	[tilespmem:$0x850] =	vst v13;
	v13 =	vadd.s32 v4, v14;
	v14 =	vld [tilespmem:$0x8B0]  }
0xde: {  	[tilespmem:$0x860] =	vst v13;
	v13 =	vadd.s32 v5, v15;
	v15 =	vld [tilespmem:$0x8C0]  }
0xdf: {  	v23 =	vld [tilespmem:$0x8D0];
	[tilespmem:$0x870] =	vst v13;
	v13 =	vadd.s32 v6, v63  }
0xe0: {  	v24 =	vld [tilespmem:$0x8E0];
	[tilespmem:$0x880] =	vst v13;
	v13 =	vadd.s32 v7, v21  }
0xe1: {  	v25 =	vld [tilespmem:$0x8F0];
	[tilespmem:$0x890] =	vst v13;
	v13 =	vadd.s32 v8, v22  }
0xe2: {  	[tilespmem:$0x8A0] =	vst v13;
	v13 =	vadd.s32 v9, v14;
	v14 =	vld [tilespmem:$0x900]  }
0xe3: {  	[tilespmem:$0x8B0] =	vst v13;
	v13 =	vadd.s32 v10, v15;
	v15 =	vld [tilespmem:$0x910]  }
0xe4: {  	v26 =	vld [tilespmem:$0x920];
	[tilespmem:$0x8C0] =	vst v13;
	v13 =	vadd.s32 v11, v23  }
0xe5: {  	v27 =	vld [tilespmem:$0x930];
	[tilespmem:$0x8D0] =	vst v13;
	v13 =	vadd.s32 v12, v24  }
0xe6: {  	v28 =	vld [tilespmem:$0x940];
	[tilespmem:$0x8E0] =	vst v13;
	v13 =	vadd.s32 v0, v25  }
0xe7: {  	[tilespmem:$0x8F0] =	vst v13;
	v13 =	vadd.s32 v1, v14;
	v14 =	vld [tilespmem:$0x950]  }
0xe8: {  	[tilespmem:$0x900] =	vst v13;
	v13 =	vadd.s32 v2, v15;
	v15 =	vld [tilespmem:$0x960]  }
0xe9: {  	v29 =	vld [tilespmem:$0x970];
	[tilespmem:$0x910] =	vst v13;
	v13 =	vadd.s32 v3, v26  }
0xea: {  	v30 =	vld [tilespmem:$0x980];
	[tilespmem:$0x920] =	vst v13;
	v13 =	vadd.s32 v4, v27  }
0xeb: {  	v31 =	vld [tilespmem:$0x990];
	[tilespmem:$0x930] =	vst v13;
	v13 =	vadd.s32 v5, v28  }
0xec: {  	[tilespmem:$0x940] =	vst v13;
	v13 =	vadd.s32 v6, v14;
	v14 =	vld [tilespmem:$0x9A0]  }
0xed: {  	[tilespmem:$0x950] =	vst v13;
	v13 =	vadd.s32 v7, v15;
	v15 =	vld [tilespmem:$0x9B0]  }
0xee: {  	v32 =	vld [tilespmem:$0x9C0];
	[tilespmem:$0x960] =	vst v13;
	v13 =	vadd.s32 v8, v29  }
0xef: {  	v33 =	vld [tilespmem:$0x9D0];
	[tilespmem:$0x970] =	vst v13;
	v13 =	vadd.s32 v9, v30  }
0xf0: {  	v34 =	vld [tilespmem:$0x9E0];
	[tilespmem:$0x980] =	vst v13;
	v13 =	vadd.s32 v10, v31  }
0xf1: {  	[tilespmem:$0x990] =	vst v13;
	v13 =	vadd.s32 v11, v14;
	v14 =	vld [tilespmem:$0x9F0]  }
0xf2: {  	[tilespmem:$0x9A0] =	vst v13;
	v13 =	vadd.s32 v12, v15;
	v15 =	vld [tilespmem:$0xA00]  }
0xf3: {  	v35 =	vld [tilespmem:$0xA10];
	[tilespmem:$0x9B0] =	vst v13;
	v13 =	vadd.s32 v0, v32  }
0xf4: {  	v36 =	vld [tilespmem:$0xA20];
	[tilespmem:$0x9C0] =	vst v13;
	v13 =	vadd.s32 v1, v33  }
0xf5: {  	v37 =	vld [tilespmem:$0xA30];
	[tilespmem:$0x9D0] =	vst v13;
	v13 =	vadd.s32 v2, v34  }
0xf6: {  	[tilespmem:$0x9E0] =	vst v13;
	v13 =	vadd.s32 v3, v14;
	v14 =	vld [tilespmem:$0xA40]  }
0xf7: {  	[tilespmem:$0x9F0] =	vst v13;
	v13 =	vadd.s32 v4, v15;
	v15 =	vld [tilespmem:$0xA50]  }
0xf8: {  	v38 =	vld [tilespmem:$0xA60];
	[tilespmem:$0xA00] =	vst v13;
	v13 =	vadd.s32 v5, v35  }
0xf9: {  	v39 =	vld [tilespmem:$0xA70];
	[tilespmem:$0xA10] =	vst v13;
	v13 =	vadd.s32 v6, v36  }
0xfa: {  	v40 =	vld [tilespmem:$0xA80];
	[tilespmem:$0xA20] =	vst v13;
	v13 =	vadd.s32 v7, v37  }
0xfb: {  	[tilespmem:$0xA30] =	vst v13;
	v13 =	vadd.s32 v8, v14;
	v14 =	vld [tilespmem:$0xA90]  }
0xfc: {  	[tilespmem:$0xA40] =	vst v13;
	v13 =	vadd.s32 v9, v15;
	v15 =	vld [tilespmem:$0xAA0]  }
0xfd: {  	v41 =	vld [tilespmem:$0xAB0];
	[tilespmem:$0xA50] =	vst v13;
	v13 =	vadd.s32 v10, v38  }
0xfe: {  	v42 =	vld [tilespmem:$0xAC0];
	[tilespmem:$0xA60] =	vst v13;
	v13 =	vadd.s32 v11, v39  }
0xff: {  	v43 =	vld [tilespmem:$0xAD0];
	[tilespmem:$0xA70] =	vst v13;
	v13 =	vadd.s32 v12, v40  }
0x100: {  	[tilespmem:$0xA80] =	vst v13;
	v13 =	vadd.s32 v0, v14;
	v14 =	vld [tilespmem:$0xAE0]  }
0x101: {  	[tilespmem:$0xA90] =	vst v13;
	v13 =	vadd.s32 v1, v15;
	v15 =	vld [tilespmem:$0xAF0]  }
0x102: {  	v44 =	vld [tilespmem:$0xB00];
	[tilespmem:$0xAA0] =	vst v13;
	v13 =	vadd.s32 v2, v41  }
0x103: {  	v45 =	vld [tilespmem:$0xB10];
	[tilespmem:$0xAB0] =	vst v13;
	v13 =	vadd.s32 v3, v42  }
0x104: {  	v46 =	vld [tilespmem:$0xB20];
	[tilespmem:$0xAC0] =	vst v13;
	v13 =	vadd.s32 v4, v43  }
0x105: {  	[tilespmem:$0xAD0] =	vst v13;
	v13 =	vadd.s32 v5, v14;
	v14 =	vld [tilespmem:$0xB30]  }
0x106: {  	[tilespmem:$0xAE0] =	vst v13;
	v13 =	vadd.s32 v6, v15;
	v15 =	vld [tilespmem:$0xB40]  }
0x107: {  	v47 =	vld [tilespmem:$0xB50];
	[tilespmem:$0xAF0] =	vst v13;
	v13 =	vadd.s32 v7, v44  }
0x108: {  	v48 =	vld [tilespmem:$0xB60];
	[tilespmem:$0xB00] =	vst v13;
	v13 =	vadd.s32 v8, v45  }
0x109: {  	v49 =	vld [tilespmem:$0xB70];
	[tilespmem:$0xB10] =	vst v13;
	v13 =	vadd.s32 v9, v46  }
0x10a: {  	[tilespmem:$0xB20] =	vst v13;
	v13 =	vadd.s32 v10, v14;
	v14 =	vld [tilespmem:$0xB80]  }
0x10b: {  	[tilespmem:$0xB30] =	vst v13;
	v13 =	vadd.s32 v11, v15;
	v15 =	vld [tilespmem:$0xB90]  }
0x10c: {  	v50 =	vld [tilespmem:$0xBA0];
	[tilespmem:$0xB40] =	vst v13;
	v13 =	vadd.s32 v12, v47  }
0x10d: {  	v51 =	vld [tilespmem:$0xBB0];
	[tilespmem:$0xB50] =	vst v13;
	v13 =	vadd.s32 v0, v48  }
0x10e: {  	v52 =	vld [tilespmem:$0xBC0];
	[tilespmem:$0xB60] =	vst v13;
	v13 =	vadd.s32 v1, v49  }
0x10f: {  	[tilespmem:$0xB70] =	vst v13;
	v13 =	vadd.s32 v2, v14;
	v14 =	vld [tilespmem:$0xBD0]  }
0x110: {  	[tilespmem:$0xB80] =	vst v13;
	v13 =	vadd.s32 v3, v15;
	v15 =	vld [tilespmem:$0xBE0]  }
0x111: {  	v53 =	vld [tilespmem:$0xBF0];
	[tilespmem:$0xB90] =	vst v13;
	v13 =	vadd.s32 v4, v50  }
0x112: {  	v54 =	vld [tilespmem:$0xC00];
	[tilespmem:$0xBA0] =	vst v13;
	v13 =	vadd.s32 v5, v51  }
0x113: {  	v55 =	vld [tilespmem:$0xC10];
	[tilespmem:$0xBB0] =	vst v13;
	v13 =	vadd.s32 v6, v52  }
0x114: {  	[tilespmem:$0xBC0] =	vst v13;
	v13 =	vadd.s32 v7, v14;
	v14 =	vld [tilespmem:$0xC20]  }
0x115: {  	[tilespmem:$0xBD0] =	vst v13;
	v13 =	vadd.s32 v8, v15;
	v15 =	vld [tilespmem:$0xC30]  }
0x116: {  	v56 =	vld [tilespmem:$0xC40];
	[tilespmem:$0xBE0] =	vst v13;
	v13 =	vadd.s32 v9, v53  }
0x117: {  	v57 =	vld [tilespmem:$0xC50];
	[tilespmem:$0xBF0] =	vst v13;
	v13 =	vadd.s32 v10, v54  }
0x118: {  	v58 =	vld [tilespmem:$0xC60];
	[tilespmem:$0xC00] =	vst v13;
	v13 =	vadd.s32 v11, v55  }
0x119: {  	[tilespmem:$0xC10] =	vst v13;
	v13 =	vadd.s32 v12, v14;
	v14 =	vld [tilespmem:$0xC70]  }
0x11a: {  	[tilespmem:$0xC20] =	vst v13;
	v13 =	vadd.s32 v0, v15;
	v15 =	vld [tilespmem:$0xC80]  }
0x11b: {  	v59 =	vld [tilespmem:$0xC90];
	[tilespmem:$0xC30] =	vst v13;
	v13 =	vadd.s32 v1, v56  }
0x11c: {  	v60 =	vld [tilespmem:$0xCA0];
	[tilespmem:$0xC40] =	vst v13;
	v13 =	vadd.s32 v2, v57  }
0x11d: {  	v61 =	vld [tilespmem:$0xCB0];
	[tilespmem:$0xC50] =	vst v13;
	v13 =	vadd.s32 v3, v58  }
0x11e: {  	[tilespmem:$0xC60] =	vst v13;
	v13 =	vadd.s32 v4, v14;
	v14 =	vld [tilespmem:$0xCC0]  }
0x11f: {  	[tilespmem:$0xC70] =	vst v13;
	v13 =	vadd.s32 v5, v15;
	v15 =	vld [tilespmem:$0xCD0]  }
0x120: {  	v62 =	vld [tilespmem:$0xCE0];
	[tilespmem:$0xC80] =	vst v13;
	v13 =	vadd.s32 v6, v59  }
0x121: {  	v63 =	vld [tilespmem:$0xCF0];
	[tilespmem:$0xC90] =	vst v13;
	v13 =	vadd.s32 v7, v60  }
0x122: {  	[tilespmem:$0xCA0] =	vst v13;
	v13 =	vadd.s32 v8, v61  }
0x123: {  	[tilespmem:$0xCB0] =	vst v13;
	v13 =	vadd.s32 v9, v14  }
0x124: {  	[tilespmem:$0xCC0] =	vst v13;
	v13 =	vadd.s32 v10, v15  }
0x125: {  	[tilespmem:$0xCD0] =	vst v13;
	v13 =	vadd.s32 v11, v62  }
0x126: {  	[tilespmem:$0xCE0] =	vst v13;
	v13 =	vadd.s32 v12, v63  }
0x127: {  	[tilespmem:$0xCF0] =	vst v13  }
0x128: {  	_ =	swait.ge [sflag:s13], $0x2000  }
0x129: {  	[sflag:s13] =	ssyncset.done $0x0  }
0x12a: {  	[sflag:s13] =	ssyncadd.s32 $0xFFFFE000  }
0x12b: {  	_ =	swait.ge [sflag:s14], $0x2000  }
0x12c: {  	[sflag:s14] =	ssyncset.done $0x0  }
0x12d: {  	s22 =	rddreg [dreg:$0x4];
	[sflag:s14] =	ssyncadd.s32 $0xFFFFE000  }
0x12e: {  	[hbm4b:s22+s2] =	stream.linear.scatter [tilespmem:s7], [sflag:$0x7], $0x4000, $0x38;
	[tilespmem:$0xCD00] =	vst v63  }
0x12f: {  	_ =	swait.ge [sflag:s15], $0x4000  }
0x130: {  	[sflag:s15] =	ssyncset.done $0x0  }
0x131: {  	s0 =	rddreg [dreg:$0x15];
	[sflag:s15] =	ssyncadd.s32 $0xFFFFC000  }
0x132: {  	[tilespmem:s7], [sflag:$0x1] =	stream.indirect.gather [hbm4b:s3+s6], $0x40, s0, s6, $0xb8;
	[tilespmem:$0xCD00] =	vst v63  }
0x133: {  	s22 =	rddreg [dreg:$0x16]  }
0x134: {  	[tilespmem:s8], [sflag:$0x2] =	stream.indirect.gather [hbm4b:s3+s6], $0x40, s22, s6, $0xb8;
	[tilespmem:$0xCD00] =	vst v63  }
0x135: {  	_ =	swait.ge [sflag:s16], $0x2000  }
0x136: {  	[sflag:s16] =	ssyncset.done $0x0  }
0x137: {  	[sflag:s16] =	ssyncadd.s32 $0xFFFFE000  }
0x138: {  	_ =	swait.ge [sflag:s17], $0x2000  }
0x139: {  	[sflag:s17] =	ssyncset.done $0x0  }
0x13a: {  	s22 =	rddreg [dreg:$0x5];
	[sflag:s17] =	ssyncadd.s32 $0xFFFFE000  }
0x13b: {  	[hbm4b:s22+s2] =	stream.linear.scatter [tilespmem:s9], [sflag:$0x8], $0x4000, $0x38;
	[tilespmem:$0xCD00] =	vst v63  }
0x13c: {  	_ =	swait.ge [sflag:s18], $0x4000  }
0x13d: {  	[sflag:s18] =	ssyncset.done $0x0  }
0x13e: {  	s0 =	rddreg [dreg:$0x17];
	[sflag:s18] =	ssyncadd.s32 $0xFFFFC000  }
0x13f: {  	[tilespmem:s9], [sflag:$0x3] =	stream.indirect.gather [hbm4b:s3+s6], $0x40, s0, s6, $0xb8;
	[tilespmem:$0xCD00] =	vst v63  }
0x140: {  	s22 =	rddreg [dreg:$0x18]  }
0x141: {  	[tilespmem:s10], [sflag:$0x4] =	stream.indirect.gather [hbm4b:s3+s6], $0x40, s22, s6, $0xb8;
	[tilespmem:$0xCD00] =	vst v63  }
0x142: {  	_ =	swait.ge [sflag:s19], $0x2000  }
0x143: {  	[sflag:s19] =	ssyncset.done $0x0  }
0x144: {  	[sflag:s19] =	ssyncadd.s32 $0xFFFFE000  }
0x145: {  	_ =	swait.ge [sflag:s20], $0x2000  }
0x146: {  	[sflag:s20] =	ssyncset.done $0x0  }
0x147: {  	s22 =	rddreg [dreg:$0x6];
	[sflag:s20] =	ssyncadd.s32 $0xFFFFE000  }
0x148: {  	[hbm4b:s22+s2] =	stream.linear.scatter [tilespmem:s11], [sflag:$0x9], $0x4000, $0x38;
	[tilespmem:$0xCD00] =	vst v63  }
0x149: {  	_ =	swait.ge [sflag:s21], $0x4000  }
0x14a: {  	[sflag:s21] =	ssyncset.done $0x0  }
0x14b: {  	s0 =	rddreg [dreg:$0x19];
	[sflag:s21] =	ssyncadd.s32 $0xFFFFC000  }
0x14c: {  	[tilespmem:s11], [sflag:$0x5] =	stream.indirect.gather [hbm4b:s3+s6], $0x40, s0, s6, $0xb8;
	[tilespmem:$0xCD00] =	vst v63  }
0x14d: {  	s22 =	rddreg [dreg:$0x1a]  }
0x14e: {  	[tilespmem:s12], [sflag:$0x6] =	stream.indirect.gather [hbm4b:s3+s6], $0x40, s22, s6, $0xb8;
	[tilespmem:$0xCD00] =	vst v63  }
0x14f: {  	_ =	swait.ge [sflag:s13], $0x2000  }
0x150: {  	[sflag:s13] =	ssyncset.done $0x0  }
0x151: {  	[sflag:s13] =	ssyncadd.s32 $0xFFFFE000  }
0x152: {  	_ =	swait.ge [sflag:s14], $0x2000  }
0x153: {  	[sflag:s14] =	ssyncset.done $0x0  }
0x154: {  	s22 =	rddreg [dreg:$0x7];
	[sflag:s14] =	ssyncadd.s32 $0xFFFFE000  }
0x155: {  	[hbm4b:s22+s2] =	stream.linear.scatter [tilespmem:s7], [sflag:$0x7], $0x4000, $0x38;
	[tilespmem:$0xCD00] =	vst v63  }
0x156: {  	_ =	swait.ge [sflag:s15], $0x4000  }
0x157: {  	[sflag:s15] =	ssyncset.done $0x0  }
0x158: {  	s0 =	rddreg [dreg:$0x1b];
	[sflag:s15] =	ssyncadd.s32 $0xFFFFC000  }
0x159: {  	[tilespmem:s7], [sflag:$0x1] =	stream.indirect.gather [hbm4b:s3+s6], $0x40, s0, s6, $0xb8;
	[tilespmem:$0xCD00] =	vst v63  }
0x15a: {  	s22 =	rddreg [dreg:$0x1c]  }
0x15b: {  	[tilespmem:s8], [sflag:$0x2] =	stream.indirect.gather [hbm4b:s3+s6], $0x40, s22, s6, $0xb8;
	[tilespmem:$0xCD00] =	vst v63  }
0x15c: {  	_ =	swait.ge [sflag:s16], $0x2000  }
0x15d: {  	[sflag:s16] =	ssyncset.done $0x0  }
0x15e: {  	[sflag:s16] =	ssyncadd.s32 $0xFFFFE000  }
0x15f: {  	_ =	swait.ge [sflag:s17], $0x2000  }
0x160: {  	[sflag:s17] =	ssyncset.done $0x0  }
0x161: {  	s22 =	rddreg [dreg:$0x8];
	[sflag:s17] =	ssyncadd.s32 $0xFFFFE000  }
0x162: {  	[hbm4b:s22+s2] =	stream.linear.scatter [tilespmem:s9], [sflag:$0x8], $0x4000, $0x38;
	[tilespmem:$0xCD00] =	vst v63  }
0x163: {  	_ =	swait.ge [sflag:s18], $0x4000  }
0x164: {  	[sflag:s18] =	ssyncset.done $0x0  }
0x165: {  	s0 =	rddreg [dreg:$0x1d];
	[sflag:s18] =	ssyncadd.s32 $0xFFFFC000  }
0x166: {  	[tilespmem:s9], [sflag:$0x3] =	stream.indirect.gather [hbm4b:s3+s6], $0x40, s0, s6, $0xb8;
	[tilespmem:$0xCD00] =	vst v63  }
0x167: {  	s22 =	rddreg [dreg:$0x1e]  }
0x168: {  	[tilespmem:s10], [sflag:$0x4] =	stream.indirect.gather [hbm4b:s3+s6], $0x40, s22, s6, $0xb8;
	[tilespmem:$0xCD00] =	vst v63  }
0x169: {  	_ =	swait.ge [sflag:s19], $0x2000  }
0x16a: {  	[sflag:s19] =	ssyncset.done $0x0  }
0x16b: {  	[sflag:s19] =	ssyncadd.s32 $0xFFFFE000  }
0x16c: {  	_ =	swait.ge [sflag:s20], $0x2000  }
0x16d: {  	[sflag:s20] =	ssyncset.done $0x0  }
0x16e: {  	s22 =	rddreg [dreg:$0x9];
	[sflag:s20] =	ssyncadd.s32 $0xFFFFE000  }
0x16f: {  	[hbm4b:s22+s2] =	stream.linear.scatter [tilespmem:s11], [sflag:$0x9], $0x4000, $0x38;
	[tilespmem:$0xCD00] =	vst v63  }
0x170: {  	_ =	swait.ge [sflag:s21], $0x4000  }
0x171: {  	[sflag:s21] =	ssyncset.done $0x0  }
0x172: {  	s22 =	simm.s32 $0x800;
	[sflag:s21] =	ssyncadd.s32 $0xFFFFC000  }
0x173: {  	[tilespmem:s11], [sflag:$0x5] =	stream.indirect.gather [hbm4b:s3+s6], $0x40, s22, s6, $0xb8;
	[tilespmem:$0xCD00] =	vst v63  }
0x174: {  	_ = 	snop  }
0x175: {  	[tilespmem:s12], [sflag:$0x6] =	stream.indirect.gather [hbm4b:s3+s6], $0x40, s23, s6, $0xb8;
	[tilespmem:$0xCD00] =	vst v63  }
0x176: {  	_ =	swait.ge [sflag:s13], $0x2000  }
0x177: {  	[sflag:s13] =	ssyncset.done $0x0  }
0x178: {  	[sflag:s13] =	ssyncadd.s32 $0xFFFFE000  }
0x179: {  	_ =	swait.ge [sflag:s14], $0x2000  }
0x17a: {  	[sflag:s14] =	ssyncset.done $0x0  }
0x17b: {  	s22 =	rddreg [dreg:$0xa];
	[sflag:s14] =	ssyncadd.s32 $0xFFFFE000  }
0x17c: {  	[hbm4b:s22+s2] =	stream.linear.scatter [tilespmem:s7], [sflag:$0x7], $0x4000, $0x38;
	[tilespmem:$0xCD00] =	vst v63  }
0x17d: {  	_ =	swait.ge [sflag:s15], $0x4000  }
0x17e: {  	[sflag:s15] =	ssyncset.done $0x0  }
0x17f: {  	[sflag:s15] =	ssyncadd.s32 $0xFFFFC000  }
0x180: {  	[tilespmem:s7], [sflag:$0x1] =	stream.indirect.gather [hbm4b:s3+s6], $0x40, s24, s6, $0xb8;
	[tilespmem:$0xCD00] =	vst v63  }
0x181: {  	_ = 	snop  }
0x182: {  	[tilespmem:s8], [sflag:$0x2] =	stream.indirect.gather [hbm4b:s3+s6], $0x40, s25, s6, $0xb8;
	[tilespmem:$0xCD00] =	vst v63  }
0x183: {  	_ =	swait.ge [sflag:s16], $0x2000  }
0x184: {  	[sflag:s16] =	ssyncset.done $0x0  }
0x185: {  	[sflag:s16] =	ssyncadd.s32 $0xFFFFE000  }
0x186: {  	_ =	swait.ge [sflag:s17], $0x2000  }
0x187: {  	[sflag:s17] =	ssyncset.done $0x0  }
0x188: {  	s22 =	rddreg [dreg:$0xb];
	[sflag:s17] =	ssyncadd.s32 $0xFFFFE000  }
0x189: {  	[hbm4b:s22+s2] =	stream.linear.scatter [tilespmem:s9], [sflag:$0x8], $0x4000, $0x38;
	[tilespmem:$0xCD00] =	vst v63  }
0x18a: {  	_ =	swait.ge [sflag:s18], $0x4000  }
0x18b: {  	[sflag:s18] =	ssyncset.done $0x0  }
0x18c: {  	[sflag:s18] =	ssyncadd.s32 $0xFFFFC000  }
0x18d: {  	[tilespmem:s9], [sflag:$0x3] =	stream.indirect.gather [hbm4b:s3+s6], $0x40, s26, s6, $0xb8;
	[tilespmem:$0xCD00] =	vst v63  }
0x18e: {  	_ = 	snop  }
0x18f: {  	[tilespmem:s10], [sflag:$0x4] =	stream.indirect.gather [hbm4b:s3+s6], $0x40, s28, s6, $0xb8;
	[tilespmem:$0xCD00] =	vst v63  }
0x190: {  	_ =	swait.ge [sflag:s19], $0x2000  }
0x191: {  	[sflag:s19] =	ssyncset.done $0x0  }
0x192: {  	[sflag:s19] =	ssyncadd.s32 $0xFFFFE000  }
0x193: {  	_ =	swait.ge [sflag:s20], $0x2000  }
0x194: {  	[sflag:s20] =	ssyncset.done $0x0  }
0x195: {  	s22 =	rddreg [dreg:$0xc];
	[sflag:s20] =	ssyncadd.s32 $0xFFFFE000  }
0x196: {  	[hbm4b:s22+s2] =	stream.linear.scatter [tilespmem:s11], [sflag:$0x9], $0x4000, $0x38;
	[tilespmem:$0xCD00] =	vst v63  }
0x197: {  	_ =	swait.ge [sflag:s21], $0x4000  }
0x198: {  	[sflag:s21] =	ssyncset.done $0x0  }
0x199: {  	[sflag:s21] =	ssyncadd.s32 $0xFFFFC000  }
0x19a: {  	[tilespmem:s11], [sflag:$0x5] =	stream.indirect.gather [hbm4b:s3+s6], $0x40, s29, s6, $0xb8;
	[tilespmem:$0xCD00] =	vst v63  }
0x19b: {  	_ = 	snop  }
0x19c: {  	[tilespmem:s12], [sflag:$0x6] =	stream.indirect.gather [hbm4b:s3+s6], $0x40, s30, s6, $0xb8;
	[tilespmem:$0xCD00] =	vst v63  }
0x19d: {  	_ =	swait.ge [sflag:s13], $0x2000  }
0x19e: {  	[sflag:s13] =	ssyncset.done $0x0  }
0x19f: {  	[sflag:s13] =	ssyncadd.s32 $0xFFFFE000  }
0x1a0: {  	_ =	swait.ge [sflag:s14], $0x2000  }
0x1a1: {  	[sflag:s14] =	ssyncset.done $0x0  }
0x1a2: {  	s22 =	rddreg [dreg:$0xd];
	[sflag:s14] =	ssyncadd.s32 $0xFFFFE000  }
0x1a3: {  	[hbm4b:s22+s2] =	stream.linear.scatter [tilespmem:s7], [sflag:$0x7], $0x4000, $0x38;
	[tilespmem:$0xCD00] =	vst v63  }
0x1a4: {  	_ =	swait.ge [sflag:s15], $0x4000  }
0x1a5: {  	[sflag:s15] =	ssyncset.done $0x0  }
0x1a6: {  	[sflag:s15] =	ssyncadd.s32 $0xFFFFC000  }
0x1a7: {  	[tilespmem:s7], [sflag:$0x1] =	stream.indirect.gather [hbm4b:s3+s6], $0x40, s31, s6, $0xb8;
	[tilespmem:$0xCD00] =	vst v63  }
0x1a8: {  	_ = 	snop  }
0x1a9: {  	[tilespmem:s8], [sflag:$0x2] =	stream.indirect.gather [hbm4b:s3+s6], $0x40, s1, s6, $0xb8;
	[tilespmem:$0xCD00] =	vst v63  }
0x1aa: {  	_ =	swait.ge [sflag:s16], $0x2000  }
0x1ab: {  	[sflag:s16] =	ssyncset.done $0x0  }
0x1ac: {  	[sflag:s16] =	ssyncadd.s32 $0xFFFFE000  }
0x1ad: {  	_ =	swait.ge [sflag:s17], $0x2000  }
0x1ae: {  	[sflag:s17] =	ssyncset.done $0x0  }
0x1af: {  	s22 =	rddreg [dreg:$0xe];
	[sflag:s17] =	ssyncadd.s32 $0xFFFFE000  }
0x1b0: {  	[hbm4b:s22+s2] =	stream.linear.scatter [tilespmem:s9], [sflag:$0x8], $0x4000, $0x38;
	[tilespmem:$0xCD00] =	vst v63  }
0x1b1: {  	_ =	swait.ge [sflag:s19], $0x2000  }
0x1b2: {  	[sflag:s19] =	ssyncset.done $0x0  }
0x1b3: {  	[sflag:s19] =	ssyncadd.s32 $0xFFFFE000  }
0x1b4: {  	_ =	swait.ge [sflag:s20], $0x2000  }
0x1b5: {  	[sflag:s20] =	ssyncset.done $0x0  }
0x1b6: {  	s22 =	rddreg [dreg:$0xf];
	[sflag:s20] =	ssyncadd.s32 $0xFFFFE000  }
0x1b7: {  	[hbm4b:s22+s2] =	stream.linear.scatter [tilespmem:s11], [sflag:$0x9], $0x4000, $0x38;
	[tilespmem:$0xCD00] =	vst v63  }
0x1b8: {  	_ =	swait.ge [sflag:s13], $0x2000  }
0x1b9: {  	[sflag:s13] =	ssyncset.done $0x0  }
0x1ba: {  	[sflag:s13] =	ssyncadd.s32 $0xFFFFE000  }
0x1bb: {  	_ =	swait.ge [sflag:s14], $0x2000  }
0x1bc: {  	[sflag:s14] =	ssyncset.done $0x0  }
0x1bd: {  	s22 =	rddreg [dreg:$0x10];
	[sflag:s14] =	ssyncadd.s32 $0xFFFFE000  }
0x1be: {  	[hbm4b:s22+s2] =	stream.linear.scatter [tilespmem:s7], [sflag:$0x7], $0x4000, $0x38;
	[tilespmem:$0xCD00] =	vst v63  }
0x1bf: {  	_ =	swait.ge [sflag:s18], $0x4000  }
0x1c0: {  	[sflag:s18] =	ssyncset.done $0x0  }
0x1c1: {  	[sflag:s18] =	ssyncadd.s32 $0xFFFFC000  }
0x1c2: {  	p0 =	sne.s32 s4, $0x1;
	_ =	swait.ge [sflag:s21], $0x4000  }
.Ltmp0:
0x1c3: {  	[sflag:s21] =	ssyncset.done $0x0;
	(pc) =	sbr.rel @p0 .LBB2_1-.Ltmp0, $4  }
0x1c4: {  	[sflag:s21] =	ssyncadd.s32 $0xFFFFC000  }
0x1c5: {  	_ =	swait.ge [sflag:s15], $0x4000  }
0x1c6: {  	[sflag:s15] =	ssyncset.done $0x0  }
0x1c7: {  	s4 =	sadd.s32 $0xFFFFFFFF, s4;
	[sflag:s15] =	ssyncadd.s32 $0xFFFFC000  }
0x1c8: {  	_ =	sfence.sel $0x180000  }
0x1c9: {  	[bflag:$0x0] =	sbarrier.arrive $0xFFFF  }
0x1ca: {  	_ =	strace $0x90000047  }
0x1cb: {  	s0 =	stileid.u32;
	[bflag:$0x2] =	sbarrier.arrive $0xFFFF  }
0x1cc: {  	p0 =	sne.s32 s0, $0x0;
	s0 =	rddreg [dreg:$0x2]  }
0x1cd: {  	s0 =	sadd.s32 @!p0 $0x100000, s0  }
0x1ce: {  	[sflag:s0] =	ssyncadd.tile.s32 @!p0 $0x1;
	_ =	shalt  }
.Lfunc_end2:
_tile_overlayer_lowered:
.L_overlay_start_2:
0x1cf: {  	(tag) =	ssettag $0x2  }
0x1d0: {  	s0 =	rddreg [dreg:$0x0];
	s2 =	stileid.u32  }
0x1d1: {  	s1 =	rddreg [dreg:$0x1];
	p0 =	sne.s32 s2, $0x0  }
0x1d2: {  	s3 =	rddreg [dreg:$0x2];
	[bflag:$0x3] =	sbarrier.arrive $0xFFFF;
	s2 =	simm.s32 @!p0 $0x1C0A  }
0x1d3: {  	[timem:s3], [sflag:s2] =	dma.local @!p0 [hbm:s0], s1  }
0x1d4: {  	s0 =	simm.s32 @!p0 $0xA  }
0x1d5: {  	_ =	swait.ge @!p0 [sflag:s0], s1  }
0x1d6: {  	s1 =	ssub.s32 @!p0 $0x0, s1;
	[sflag:s0] =	ssyncset.done @!p0 $0x0  }
0x1d7: {  	[sflag:s0] =	ssyncadd.s32 @!p0 s1  }
0x1d8: {  	[bflag:$0x3] =	sbarrier.arrive $0xFFFF  }
0x1d9: {  	_ =	shalt  }

</sc_bundles>
